<compile_context>
chip_gen: v7x
topology: tpu7x:2x2x1
jax: 0.10.2.dev20260603
libtpu: 0.0.44.dev20260713+nightly
codegen_flags: <defaults>
</compile_context>

<pallas_src>
import functools

import jax
import jax.numpy as jnp
from jax import lax
from jax.experimental import pallas as pl
from jax.experimental.pallas import tpu as pltpu
from jax.experimental.pallas import tpu_sc as plsc

_NC = 2
_NS = 16
_NW = _NC * _NS
_CHUNK = 80
_ZR = 48
_BLK = 1024


def _row_partition(n_nodes):
    rpt = (n_nodes // _NS) // _ZR * _ZR
    tail = n_nodes - rpt * _NS
    assert rpt % _ZR == 0 and tail % 8 == 0 and tail <= _ZR
    return rpt, tail


@functools.cache
def _make_agg(n_nodes, n_edges, d):
    epw = n_edges // _NW
    n_chunks = epw // _CHUNK
    rpt, tail = _row_partition(n_nodes)
    assert epw * _NW == n_edges and n_chunks * _CHUNK == epw

    assert n_chunks >= 3 and n_chunks % 2 == 1

    mesh = plsc.VectorSubcoreMesh(core_axis_name="c", subcore_axis_name="s")
    out_type = jax.ShapeDtypeStruct((_NC, n_nodes, d), jnp.float32)
    scratch = [
        pltpu.VMEM_SHARED((n_nodes, d), jnp.float32),
        pltpu.VMEM((_CHUNK,), jnp.int32),
        pltpu.VMEM((_CHUNK,), jnp.int32),
        pltpu.VMEM((_CHUNK, d), jnp.float32),
        pltpu.VMEM((_CHUNK,), jnp.int32),
        pltpu.VMEM((_CHUNK,), jnp.int32),
        pltpu.VMEM((_CHUNK, d), jnp.float32),
        pltpu.VMEM((_ZR, d), jnp.float32),
        pltpu.SemaphoreType.DMA,
        pltpu.SemaphoreType.DMA,
    ]

    def body(src, dst, z, out, acc, sidx, didx, rows,
             sidx_b, didx_b, rows_b, zbuf, sem, sem_b):
        cid = lax.axis_index("c")
        sid = lax.axis_index("s")
        wid = sid * _NC + cid
        zero16 = jnp.zeros((16,), jnp.float32)
        vregs_per_row = d // 16

        def zfill(i, carry):
            zbuf[i // vregs_per_row, pl.ds((i % vregs_per_row) * 16, 16)] = zero16
            return carry

        lax.fori_loop(0, _ZR * vregs_per_row, zfill, 0)

        row0 = sid * rpt
        is_last = sid == _NS - 1
        for r in range(rpt // _ZR):
            pltpu.sync_copy(zbuf, acc.at[pl.ds(row0 + r * _ZR, _ZR)])
        if tail:
            @pl.when(is_last)
            def _():
                pltpu.sync_copy(zbuf.at[pl.ds(0, tail)],
                                acc.at[pl.ds(rpt * _NS, tail)])

        plsc.subcore_barrier()

        base = wid * epw

        def load_idx(c, si, di):
            off = base + c * _CHUNK
            pltpu.sync_copy(src.at[pl.ds(off, _CHUNK)], si)
            pltpu.sync_copy(dst.at[pl.ds(off, _CHUNK)], di)

        load_idx(0, sidx, didx)
        pltpu.async_copy(z.at[sidx], rows, sem)

        def pipe(m, carry):
            c0 = 2 * m
            load_idx(c0 + 1, sidx_b, didx_b)
            gat_b = pltpu.async_copy(z.at[sidx_b], rows_b, sem_b)
            pltpu.make_async_copy(z.at[sidx], rows, sem).wait()
            pltpu.sync_copy(rows, acc.at[didx], add=True)
            load_idx(c0 + 2, sidx, didx)
            pltpu.async_copy(z.at[sidx], rows, sem)
            gat_b.wait()
            pltpu.sync_copy(rows_b, acc.at[didx_b], add=True)
            return carry

        lax.fori_loop(0, (n_chunks - 1) // 2, pipe, 0)
        pltpu.make_async_copy(z.at[sidx], rows, sem).wait()
        pltpu.sync_copy(rows, acc.at[didx], add=True)

        plsc.subcore_barrier()
        pltpu.sync_copy(acc.at[pl.ds(row0, rpt)], out.at[cid, pl.ds(row0, rpt)])
        if tail:
            @pl.when(is_last)
            def _():
                pltpu.sync_copy(acc.at[pl.ds(rpt * _NS, tail)],
                                out.at[cid, pl.ds(rpt * _NS, tail)])

    return pl.kernel(body, out_type=out_type, mesh=mesh,
                     scratch_types=scratch)


@functools.cache
def _make_cnt(n_nodes, n_edges, d):
    epw = n_edges // _NW
    n_chunks = epw // _CHUNK
    rpt, tail = _row_partition(n_nodes)
    assert epw * _NW == n_edges and n_chunks * _CHUNK == epw

    mesh = plsc.VectorSubcoreMesh(core_axis_name="c", subcore_axis_name="s")
    out_type = jax.ShapeDtypeStruct((_NC, n_nodes, d), jnp.float32)
    scratch = [
        pltpu.VMEM_SHARED((n_nodes, d), jnp.float32),
        pltpu.VMEM((_CHUNK,), jnp.int32),
        pltpu.VMEM((_CHUNK, d), jnp.float32),
        pltpu.VMEM((_ZR, d), jnp.float32),
    ]

    def body(dst, out, acc, didx, ones_rows, zbuf):
        cid = lax.axis_index("c")
        sid = lax.axis_index("s")
        wid = sid * _NC + cid
        zero16 = jnp.zeros((16,), jnp.float32)
        one16 = jnp.ones((16,), jnp.float32)
        vregs_per_row = d // 16

        def zfill(i, carry):
            zbuf[i // vregs_per_row, pl.ds((i % vregs_per_row) * 16, 16)] = zero16
            return carry

        lax.fori_loop(0, _ZR * vregs_per_row, zfill, 0)

        def ofill(i, carry):
            ones_rows[i // vregs_per_row,
                      pl.ds((i % vregs_per_row) * 16, 16)] = one16
            return carry

        lax.fori_loop(0, _CHUNK * vregs_per_row, ofill, 0)

        row0 = sid * rpt
        is_last = sid == _NS - 1
        for r in range(rpt // _ZR):
            pltpu.sync_copy(zbuf, acc.at[pl.ds(row0 + r * _ZR, _ZR)])
        if tail:
            @pl.when(is_last)
            def _():
                pltpu.sync_copy(zbuf.at[pl.ds(0, tail)],
                                acc.at[pl.ds(rpt * _NS, tail)])

        plsc.subcore_barrier()

        base = wid * epw

        def chunk(j, carry):
            off = base + j * _CHUNK
            pltpu.sync_copy(dst.at[pl.ds(off, _CHUNK)], didx)
            pltpu.sync_copy(ones_rows, acc.at[didx], add=True)
            return carry

        lax.fori_loop(0, n_chunks, chunk, 0)

        plsc.subcore_barrier()
        pltpu.sync_copy(acc.at[pl.ds(row0, rpt)], out.at[cid, pl.ds(row0, rpt)])
        if tail:
            @pl.when(is_last)
            def _():
                pltpu.sync_copy(acc.at[pl.ds(rpt * _NS, tail)],
                                out.at[cid, pl.ds(rpt * _NS, tail)])

    return pl.kernel(body, out_type=out_type, mesh=mesh,
                     scratch_types=scratch)


def _pre_body(x_ref, wl_ref, wr_ref, z_ref, s_ref):
    xb = x_ref[...]
    z_ref[...] = jnp.dot(xb, wl_ref[...], preferred_element_type=jnp.float32)
    s_ref[...] = jnp.dot(xb, wr_ref[...], preferred_element_type=jnp.float32)


@functools.cache
def _make_pre(n, d):
    grid = pl.cdiv(n, _BLK)
    return pl.pallas_call(
        _pre_body,
        grid=(grid,),
        in_specs=[pl.BlockSpec((_BLK, d), lambda i: (i, 0)),
                  pl.BlockSpec((d, d), lambda i: (0, 0)),
                  pl.BlockSpec((d, d), lambda i: (0, 0))],
        out_specs=[pl.BlockSpec((_BLK, d), lambda i: (i, 0)),
                   pl.BlockSpec((_BLK, d), lambda i: (i, 0))],
        out_shape=[jax.ShapeDtypeStruct((n, d), jnp.float32),
                   jax.ShapeDtypeStruct((n, d), jnp.float32)],
    )


def _mid_body(parts_ref, cnts_ref, sprev_ref, b_ref, wl_ref, wr_ref,
              h_ref, z_ref, s_ref):
    inv = 1.0 / jnp.maximum(cnts_ref[0] + cnts_ref[1], 1.0)
    mean = (parts_ref[0] + parts_ref[1]) * inv
    h = jnp.maximum(mean + b_ref[...] + sprev_ref[...], 0.0)
    h_ref[...] = h
    z_ref[...] = jnp.dot(h, wl_ref[...], preferred_element_type=jnp.float32)
    s_ref[...] = jnp.dot(h, wr_ref[...], preferred_element_type=jnp.float32)


@functools.cache
def _make_mid(n, d):
    grid = pl.cdiv(n, _BLK)
    return pl.pallas_call(
        _mid_body,
        grid=(grid,),
        in_specs=[pl.BlockSpec((_NC, _BLK, d), lambda i: (0, i, 0)),
                  pl.BlockSpec((_NC, _BLK, d), lambda i: (0, i, 0)),
                  pl.BlockSpec((_BLK, d), lambda i: (i, 0)),
                  pl.BlockSpec((1, d), lambda i: (0, 0)),
                  pl.BlockSpec((d, d), lambda i: (0, 0)),
                  pl.BlockSpec((d, d), lambda i: (0, 0))],
        out_specs=[pl.BlockSpec((_BLK, d), lambda i: (i, 0)),
                   pl.BlockSpec((_BLK, d), lambda i: (i, 0)),
                   pl.BlockSpec((_BLK, d), lambda i: (i, 0))],
        out_shape=[jax.ShapeDtypeStruct((n, d), jnp.float32),
                   jax.ShapeDtypeStruct((n, d), jnp.float32),
                   jax.ShapeDtypeStruct((n, d), jnp.float32)],
    )


def _fin_body(parts_ref, cnts_ref, s3_ref, b_ref, h2_ref, wc_ref, bc_ref,
              o_ref):
    inv = 1.0 / jnp.maximum(cnts_ref[0] + cnts_ref[1], 1.0)
    mean = (parts_ref[0] + parts_ref[1]) * inv
    h3 = jnp.maximum(mean + b_ref[...] + s3_ref[...], 0.0)
    v = h3 + h2_ref[...]
    o_ref[...] = (jnp.dot(v, wc_ref[...], preferred_element_type=jnp.float32)
                  + bc_ref[...])


@functools.cache
def _make_fin(n, d, ncls):
    grid = pl.cdiv(n, _BLK)
    return pl.pallas_call(
        _fin_body,
        grid=(grid,),
        in_specs=[pl.BlockSpec((_NC, _BLK, d), lambda i: (0, i, 0)),
                  pl.BlockSpec((_NC, _BLK, d), lambda i: (0, i, 0)),
                  pl.BlockSpec((_BLK, d), lambda i: (i, 0)),
                  pl.BlockSpec((1, d), lambda i: (0, 0)),
                  pl.BlockSpec((_BLK, d), lambda i: (i, 0)),
                  pl.BlockSpec((d, ncls), lambda i: (0, 0)),
                  pl.BlockSpec((1, ncls), lambda i: (0, 0))],
        out_specs=pl.BlockSpec((_BLK, ncls), lambda i: (i, 0)),
        out_shape=jax.ShapeDtypeStruct((n, ncls), jnp.float32),
    )


def kernel(x, edge_index, Wl1, bl1, Wr1, Wl2, bl2, Wr2, Wl3, bl3, Wr3,
           Wc, bc):
    n, d = x.shape
    e = edge_index.shape[1]
    ncls = Wc.shape[1]
    src = edge_index[0]
    dst = edge_index[1]

    pre = _make_pre(n, d)
    agg = _make_agg(n, e, d)
    cnt = _make_cnt(n, e, d)
    mid = _make_mid(n, d)
    fin = _make_fin(n, d, ncls)

    cnts = cnt(dst)
    z1, s1 = pre(x, Wl1, Wr1)
    p1 = agg(src, dst, z1)
    _h1, z2, s2 = mid(p1, cnts, s1, bl1.reshape(1, d), Wl2, Wr2)
    p2 = agg(src, dst, z2)
    h2, z3, s3 = mid(p2, cnts, s2, bl2.reshape(1, d), Wl3, Wr3)
    p3 = agg(src, dst, z3)
    return fin(p3, cnts, s3, bl3.reshape(1, d), h2, Wc, bc.reshape(1, ncls))

# --- scband reference (transcript-rebuilt; emitter-appended) ---
"""Pipeline reference for scband-ifesage-57921928954040 (READ-ONLY COPY).

The authoritative reference and input builder live on the scoring server;
editing this copy changes nothing except your own understanding.
"""

import jax, jax.numpy as jnp
import numpy as np

N_NODES = 10000
N_EDGES = 320000
D_IN = 128
D_FEAT = 128
N_CLS = 64


def setup_inputs(seed: int = 0) -> dict:
    key = jax.random.key(seed)
    ks = jax.random.split(key, 14)
    x = jax.random.normal(ks[0], (N_NODES, D_IN), dtype=jnp.float32)
    edge_index = jax.random.randint(ks[1], (2, N_EDGES), 0, N_NODES, dtype=jnp.int32)
    s_in = 1.0 / np.sqrt(D_IN)
    s_f = 1.0 / np.sqrt(D_FEAT)
    # x_encoder: SAGEConvwithRelu(input_dim -> feat_dim)
    Wl1 = jax.random.normal(ks[2], (D_IN, D_FEAT), dtype=jnp.float32) * s_in
    bl1 = jnp.zeros((D_FEAT,), dtype=jnp.float32)
    Wr1 = jax.random.normal(ks[3], (D_IN, D_FEAT), dtype=jnp.float32) * s_in
    # global_encoder: SAGEConvwithRelu(feat_dim -> feat_dim)
    Wl2 = jax.random.normal(ks[4], (D_FEAT, D_FEAT), dtype=jnp.float32) * s_f
    bl2 = jnp.zeros((D_FEAT,), dtype=jnp.float32)
    Wr2 = jax.random.normal(ks[5], (D_FEAT, D_FEAT), dtype=jnp.float32) * s_f
    # invariant_feature_extractor: SAGEExtractor -> single SAGEConvwithRelu(feat -> feat) + residual
    Wl3 = jax.random.normal(ks[6], (D_FEAT, D_FEAT), dtype=jnp.float32) * s_f
    bl3 = jnp.zeros((D_FEAT,), dtype=jnp.float32)
    Wr3 = jax.random.normal(ks[7], (D_FEAT, D_FEAT), dtype=jnp.float32) * s_f
    # classifier
    Wc = jax.random.normal(ks[8], (D_FEAT, N_CLS), dtype=jnp.float32) * s_f
    bc = jnp.zeros((N_CLS,), dtype=jnp.float32)
    return {"x": x, "edge_index": edge_index,
            "Wl1": Wl1, "bl1": bl1, "Wr1": Wr1,
            "Wl2": Wl2, "bl2": bl2, "Wr2": Wr2,
            "Wl3": Wl3, "bl3": bl3, "Wr3": Wr3,
            "Wc": Wc, "bc": bc}


def _sage_conv_relu(x, edge_index, Wl, bl, Wr):
    # SAGEConvwithRelu: mean-aggregate neighbor features, lin_l on aggregate,
    # root weight on self features, then ReLU (normalize=False).
    src = edge_index[0]
    dst = edge_index[1]
    msg = jnp.take(x, src, axis=0)                       # gather x_j
    sums = jax.ops.segment_sum(msg, dst, num_segments=N_NODES)  # scatter-add
    cnt = jax.ops.segment_sum(jnp.ones((msg.shape[0],), jnp.float32), dst,
                              num_segments=N_NODES)
    mean = sums / jnp.clip(cnt, 1.0)[:, None]
    out = mean @ Wl + bl + x @ Wr
    return jax.nn.relu(out)


def reference(x, edge_index, Wl1, bl1, Wr1, Wl2, bl2, Wr2, Wl3, bl3, Wr3, Wc, bc):
    # IFESAGE.forward_invariant(x, edge_index, only_vanilla_if=True)
    local_repr = _sage_conv_relu(x, edge_index, Wl1, bl1, Wr1)
    global_repr = _sage_conv_relu(local_repr, edge_index, Wl2, bl2, Wr2)
    # SAGEExtractor: h = input; x = conv(x); dropout is identity in eval; x = x + h
    h = _sage_conv_relu(global_repr, edge_index, Wl3, bl3, Wr3)
    vanilla_if = h + global_repr
    vanilla_pred = vanilla_if @ Wc + bc
    return vanilla_pred

if __name__ == "__main__":
    import jax
    _d = setup_inputs()
    print(jax.jit(kernel)(*tuple(_d.values())))

</pallas_src>

<mosaic_0001>
#map = affine_map<(d0, d1) -> (0)>
#map1 = affine_map<(d0, d1) -> (0, 0)>
#map2 = affine_map<(d0, d1) -> (0, 0, 0)>
module attributes {stable_mosaic.version = 14 : i64} {
  func.func @body(%arg0: i32, %arg1: i32, %arg2: memref<320000xi32, #tpu.memory_space<hbm>>, %arg3: memref<320000xi32, #tpu.memory_space<hbm>>, %arg4: memref<10000x128xf32, #tpu.memory_space<hbm>>, %arg5: memref<2x10000x128xf32, #tpu.memory_space<hbm>>, %arg6: memref<10000x128xf32, #tpu.memory_space<vmem_shared>>, %arg7: memref<80xi32, #tpu.memory_space<vmem>>, %arg8: memref<80xi32, #tpu.memory_space<vmem>>, %arg9: memref<80x128xf32, #tpu.memory_space<vmem>>, %arg10: memref<80xi32, #tpu.memory_space<vmem>>, %arg11: memref<80xi32, #tpu.memory_space<vmem>>, %arg12: memref<80x128xf32, #tpu.memory_space<vmem>>, %arg13: memref<48x128xf32, #tpu.memory_space<vmem>>, %arg14: memref<!tpu.dma_semaphore, #tpu.memory_space<semaphore_mem>>, %arg15: memref<!tpu.dma_semaphore, #tpu.memory_space<semaphore_mem>>) attributes {dimension_semantics = [#tpu.dimension_semantics<core_parallel>, #tpu.dimension_semantics<subcore_parallel>], iteration_bounds = array<i64: 2, 16>, scalar_prefetch = 0 : i64, scratch_operands = 10 : i64, tpu.core_type = #tpu.core_type<sc_vector_subcore>, window_params = [{transform_indices = #map}, {transform_indices = #map}, {transform_indices = #map1}, {transform_indices = #map2}]} {
    %mul3A = arith.constant 2 : i32
    %mul3A_0 = arith.muli %arg1, %mul3A : i32
    %add3A = arith.addi %mul3A_0, %arg0 : i32
    %broadcast_in_dim3A = arith.constant 0.000000e+00 : f32
    %broadcast_in_dim3A_1 = vector.broadcast %broadcast_in_dim3A : f32 to vector<16xf32>
    %scan3A = arith.constant 0 : i32
    %scan3A_2 = arith.constant 0 : i32
    %scan3A_3 = arith.constant 384 : i32
    %scan3A_4 = arith.addi %scan3A_2, %scan3A_3 : i32
    %scan3A_5 = arith.constant 1 : i32
    scf.for %scan3A_55 = %scan3A_2 to %scan3A_4 step %scan3A_5  : i32 {
      %jit3A = arith.constant 8 : i32
      %div3A = arith.divsi %scan3A_55, %jit3A : i32
      %sign3A = arith.constant 0 : i32
      %sign3A_56 = arith.cmpi sgt, %scan3A_55, %sign3A : i32
      %sign3A_57 = arith.extui %sign3A_56 : i1 to i32
      %sign3A_58 = arith.constant 0 : i32
      %sign3A_59 = arith.cmpi slt, %scan3A_55, %sign3A_58 : i32
      %sign3A_60 = arith.extui %sign3A_59 : i1 to i32
      %sign3A_61 = arith.subi %sign3A_57, %sign3A_60 : i32
      %sign3A_62 = arith.constant 0 : i32
      %sign3A_63 = arith.cmpi sgt, %jit3A, %sign3A_62 : i32
      %sign3A_64 = arith.extui %sign3A_63 : i1 to i32
      %sign3A_65 = arith.constant 0 : i32
      %sign3A_66 = arith.cmpi slt, %jit3A, %sign3A_65 : i32
      %sign3A_67 = arith.extui %sign3A_66 : i1 to i32
      %sign3A_68 = arith.subi %sign3A_64, %sign3A_67 : i32
      %ne3A = arith.cmpi ne, %sign3A_61, %sign3A_68 : i32
      %rem3A = arith.remsi %scan3A_55, %jit3A : i32
      %ne3A_69 = arith.constant 0 : i32
      %ne3A_70 = arith.cmpi ne, %rem3A, %ne3A_69 : i32
      %and3A = arith.andi %ne3A, %ne3A_70 : i1
      %sub3A = arith.constant 1 : i32
      %sub3A_71 = arith.subi %div3A, %sub3A : i32
      %select_n3A = arith.select %and3A, %sub3A_71, %div3A : i32
      %jit3A_72 = arith.constant 8 : i32
      %eq3A_73 = arith.constant 0 : i32
      %eq3A_74 = arith.cmpi eq, %jit3A_72, %eq3A_73 : i32
      %jit3A_75 = arith.constant 1 : i32
      %select_n3A_76 = arith.select %eq3A_74, %jit3A_75, %jit3A_72 : i32
      %rem3A_77 = arith.remsi %scan3A_55, %select_n3A_76 : i32
      %ne3A_78 = arith.constant 0 : i32
      %ne3A_79 = arith.cmpi ne, %rem3A_77, %ne3A_78 : i32
      %lt3A = arith.constant 0 : i32
      %lt3A_80 = arith.cmpi slt, %rem3A_77, %lt3A : i32
      %lt3A_81 = arith.constant 0 : i32
      %lt3A_82 = arith.cmpi slt, %select_n3A_76, %lt3A_81 : i32
      %ne3A_83 = arith.xori %lt3A_80, %lt3A_82 : i1
      %and3A_84 = arith.andi %ne3A_83, %ne3A_79 : i1
      %add3A_85 = arith.addi %rem3A_77, %select_n3A_76 : i32
      %select_n3A_86 = arith.select %and3A_84, %add3A_85, %rem3A_77 : i32
      %mul3A_87 = arith.constant 16 : i32
      %mul3A_88 = arith.muli %select_n3A_86, %mul3A_87 : i32
      %swap3A = arith.index_cast %select_n3A : i32 to index
      %swap3A_89 = arith.index_cast %mul3A_88 : i32 to index
      %swap3A_90 = tpu.vector_load %arg13[%swap3A, %swap3A_89] {strides = array<i32>} : memref<48x128xf32, #tpu.memory_space<vmem>>, vector<1x16xf32>,
      %swap3A_91 = vector.shape_cast %swap3A_90 : vector<1x16xf32> to vector<16xf32>
      %swap3A_92 = vector.shape_cast %broadcast_in_dim3A_1 : vector<16xf32> to vector<1x16xf32>
      tpu.vector_store %arg13[%swap3A, %swap3A_89], %swap3A_92 {strides = array<i32>} : memref<48x128xf32, #tpu.memory_space<vmem>>, vector<1x16xf32>,
    }
    %scan3A_6 = arith.constant 384 : i32
    %mul3A_7 = arith.constant 624 : i32
    %mul3A_8 = arith.muli %arg1, %mul3A_7 : i32
    %eq3A = arith.constant 15 : i32
    %eq3A_9 = arith.cmpi eq, %arg1, %eq3A : i32
    %add3A_10 = arith.constant 0 : i32
    %add3A_11 = arith.addi %mul3A_8, %add3A_10 : i32
    "tpu.region"() ({
      %run_scoped3A = tpu.sem_alloc : memref<!tpu.dma_semaphore, #tpu.memory_space<semaphore_mem>>
      %dma_start3A_55 = arith.constant 0 : i32
      %dma_start3A_56 = tpu.memref_slice %arg6[%add3A_11, %dma_start3A_55] : memref<10000x128xf32, #tpu.memory_space<vmem_shared>> -> memref<48x128xf32, #tpu.memory_space<vmem_shared>>
      %dma_start3A_57 = arith.constant 0 : i32
      %dma_start3A_58 = tpu.memref_slice %arg6[%add3A_11, %dma_start3A_57] : memref<10000x128xf32, #tpu.memory_space<vmem_shared>> -> memref<48x128xf32, #tpu.memory_space<vmem_shared>>
      tpu.enqueue_dma source(%arg13 : memref<48x128xf32, #tpu.memory_space<vmem>>) target(%dma_start3A_58 : memref<48x128xf32, #tpu.memory_space<vmem_shared>>) target_semaphore(%run_scoped3A : memref<!tpu.dma_semaphore, #tpu.memory_space<semaphore_mem>>)
      %dma_wait3A_59 = arith.constant 0 : i32
      %dma_wait3A_60 = tpu.memref_slice %arg6[%add3A_11, %dma_wait3A_59] : memref<10000x128xf32, #tpu.memory_space<vmem_shared>> -> memref<48x128xf32, #tpu.memory_space<vmem_shared>>
      %dma_wait3A_61 = arith.constant 0 : i32
      %dma_wait3A_62 = tpu.memref_slice %arg6[%add3A_11, %dma_wait3A_61] : memref<10000x128xf32, #tpu.memory_space<vmem_shared>> -> memref<48x128xf32, #tpu.memory_space<vmem_shared>>
      tpu.wait_dma2 semaphore(%run_scoped3A : memref<!tpu.dma_semaphore, #tpu.memory_space<semaphore_mem>>) src(%arg13 : memref<48x128xf32, #tpu.memory_space<vmem>>) dst(%dma_wait3A_62 : memref<48x128xf32, #tpu.memory_space<vmem_shared>>)
      tpu.yield
    }) : () -> ()
    %add3A_12 = arith.constant 48 : i32
    %add3A_13 = arith.addi %mul3A_8, %add3A_12 : i32
    "tpu.region"() ({
      %run_scoped3A = tpu.sem_alloc : memref<!tpu.dma_semaphore, #tpu.memory_space<semaphore_mem>>
      %dma_start3A_55 = arith.constant 0 : i32
      %dma_start3A_56 = tpu.memref_slice %arg6[%add3A_13, %dma_start3A_55] : memref<10000x128xf32, #tpu.memory_space<vmem_shared>> -> memref<48x128xf32, #tpu.memory_space<vmem_shared>>
      %dma_start3A_57 = arith.constant 0 : i32
      %dma_start3A_58 = tpu.memref_slice %arg6[%add3A_13, %dma_start3A_57] : memref<10000x128xf32, #tpu.memory_space<vmem_shared>> -> memref<48x128xf32, #tpu.memory_space<vmem_shared>>
      tpu.enqueue_dma source(%arg13 : memref<48x128xf32, #tpu.memory_space<vmem>>) target(%dma_start3A_58 : memref<48x128xf32, #tpu.memory_space<vmem_shared>>) target_semaphore(%run_scoped3A : memref<!tpu.dma_semaphore, #tpu.memory_space<semaphore_mem>>)
      %dma_wait3A_59 = arith.constant 0 : i32
      %dma_wait3A_60 = tpu.memref_slice %arg6[%add3A_13, %dma_wait3A_59] : memref<10000x128xf32, #tpu.memory_space<vmem_shared>> -> memref<48x128xf32, #tpu.memory_space<vmem_shared>>
      %dma_wait3A_61 = arith.constant 0 : i32
      %dma_wait3A_62 = tpu.memref_slice %arg6[%add3A_13, %dma_wait3A_61] : memref<10000x128xf32, #tpu.memory_space<vmem_shared>> -> memref<48x128xf32, #tpu.memory_space<vmem_shared>>
      tpu.wait_dma2 semaphore(%run_scoped3A : memref<!tpu.dma_semaphore, #tpu.memory_space<semaphore_mem>>) src(%arg13 : memref<48x128xf32, #tpu.memory_space<vmem>>) dst(%dma_wait3A_62 : memref<48x128xf32, #tpu.memory_space<vmem_shared>>)
      tpu.yield
    }) : () -> ()
    %add3A_14 = arith.constant 96 : i32
    %add3A_15 = arith.addi %mul3A_8, %add3A_14 : i32
    "tpu.region"() ({
      %run_scoped3A = tpu.sem_alloc : memref<!tpu.dma_semaphore, #tpu.memory_space<semaphore_mem>>
      %dma_start3A_55 = arith.constant 0 : i32
      %dma_start3A_56 = tpu.memref_slice %arg6[%add3A_15, %dma_start3A_55] : memref<10000x128xf32, #tpu.memory_space<vmem_shared>> -> memref<48x128xf32, #tpu.memory_space<vmem_shared>>
      %dma_start3A_57 = arith.constant 0 : i32
      %dma_start3A_58 = tpu.memref_slice %arg6[%add3A_15, %dma_start3A_57] : memref<10000x128xf32, #tpu.memory_space<vmem_shared>> -> memref<48x128xf32, #tpu.memory_space<vmem_shared>>
      tpu.enqueue_dma source(%arg13 : memref<48x128xf32, #tpu.memory_space<vmem>>) target(%dma_start3A_58 : memref<48x128xf32, #tpu.memory_space<vmem_shared>>) target_semaphore(%run_scoped3A : memref<!tpu.dma_semaphore, #tpu.memory_space<semaphore_mem>>)
      %dma_wait3A_59 = arith.constant 0 : i32
      %dma_wait3A_60 = tpu.memref_slice %arg6[%add3A_15, %dma_wait3A_59] : memref<10000x128xf32, #tpu.memory_space<vmem_shared>> -> memref<48x128xf32, #tpu.memory_space<vmem_shared>>
      %dma_wait3A_61 = arith.constant 0 : i32
      %dma_wait3A_62 = tpu.memref_slice %arg6[%add3A_15, %dma_wait3A_61] : memref<10000x128xf32, #tpu.memory_space<vmem_shared>> -> memref<48x128xf32, #tpu.memory_space<vmem_shared>>
      tpu.wait_dma2 semaphore(%run_scoped3A : memref<!tpu.dma_semaphore, #tpu.memory_space<semaphore_mem>>) src(%arg13 : memref<48x128xf32, #tpu.memory_space<vmem>>) dst(%dma_wait3A_62 : memref<48x128xf32, #tpu.memory_space<vmem_shared>>)
      tpu.yield
    }) : () -> ()
    %add3A_16 = arith.constant 144 : i32
    %add3A_17 = arith.addi %mul3A_8, %add3A_16 : i32
    "tpu.region"() ({
      %run_scoped3A = tpu.sem_alloc : memref<!tpu.dma_semaphore, #tpu.memory_space<semaphore_mem>>
      %dma_start3A_55 = arith.constant 0 : i32
      %dma_start3A_56 = tpu.memref_slice %arg6[%add3A_17, %dma_start3A_55] : memref<10000x128xf32, #tpu.memory_space<vmem_shared>> -> memref<48x128xf32, #tpu.memory_space<vmem_shared>>
      %dma_start3A_57 = arith.constant 0 : i32
      %dma_start3A_58 = tpu.memref_slice %arg6[%add3A_17, %dma_start3A_57] : memref<10000x128xf32, #tpu.memory_space<vmem_shared>> -> memref<48x128xf32, #tpu.memory_space<vmem_shared>>
      tpu.enqueue_dma source(%arg13 : memref<48x128xf32, #tpu.memory_space<vmem>>) target(%dma_start3A_58 : memref<48x128xf32, #tpu.memory_space<vmem_shared>>) target_semaphore(%run_scoped3A : memref<!tpu.dma_semaphore, #tpu.memory_space<semaphore_mem>>)
      %dma_wait3A_59 = arith.constant 0 : i32
      %dma_wait3A_60 = tpu.memref_slice %arg6[%add3A_17, %dma_wait3A_59] : memref<10000x128xf32, #tpu.memory_space<vmem_shared>> -> memref<48x128xf32, #tpu.memory_space<vmem_shared>>
      %dma_wait3A_61 = arith.constant 0 : i32
      %dma_wait3A_62 = tpu.memref_slice %arg6[%add3A_17, %dma_wait3A_61] : memref<10000x128xf32, #tpu.memory_space<vmem_shared>> -> memref<48x128xf32, #tpu.memory_space<vmem_shared>>
      tpu.wait_dma2 semaphore(%run_scoped3A : memref<!tpu.dma_semaphore, #tpu.memory_space<semaphore_mem>>) src(%arg13 : memref<48x128xf32, #tpu.memory_space<vmem>>) dst(%dma_wait3A_62 : memref<48x128xf32, #tpu.memory_space<vmem_shared>>)
      tpu.yield
    }) : () -> ()
    %add3A_18 = arith.constant 192 : i32
    %add3A_19 = arith.addi %mul3A_8, %add3A_18 : i32
    "tpu.region"() ({
      %run_scoped3A = tpu.sem_alloc : memref<!tpu.dma_semaphore, #tpu.memory_space<semaphore_mem>>
      %dma_start3A_55 = arith.constant 0 : i32
      %dma_start3A_56 = tpu.memref_slice %arg6[%add3A_19, %dma_start3A_55] : memref<10000x128xf32, #tpu.memory_space<vmem_shared>> -> memref<48x128xf32, #tpu.memory_space<vmem_shared>>
      %dma_start3A_57 = arith.constant 0 : i32
      %dma_start3A_58 = tpu.memref_slice %arg6[%add3A_19, %dma_start3A_57] : memref<10000x128xf32, #tpu.memory_space<vmem_shared>> -> memref<48x128xf32, #tpu.memory_space<vmem_shared>>
      tpu.enqueue_dma source(%arg13 : memref<48x128xf32, #tpu.memory_space<vmem>>) target(%dma_start3A_58 : memref<48x128xf32, #tpu.memory_space<vmem_shared>>) target_semaphore(%run_scoped3A : memref<!tpu.dma_semaphore, #tpu.memory_space<semaphore_mem>>)
      %dma_wait3A_59 = arith.constant 0 : i32
      %dma_wait3A_60 = tpu.memref_slice %arg6[%add3A_19, %dma_wait3A_59] : memref<10000x128xf32, #tpu.memory_space<vmem_shared>> -> memref<48x128xf32, #tpu.memory_space<vmem_shared>>
      %dma_wait3A_61 = arith.constant 0 : i32
      %dma_wait3A_62 = tpu.memref_slice %arg6[%add3A_19, %dma_wait3A_61] : memref<10000x128xf32, #tpu.memory_space<vmem_shared>> -> memref<48x128xf32, #tpu.memory_space<vmem_shared>>
      tpu.wait_dma2 semaphore(%run_scoped3A : memref<!tpu.dma_semaphore, #tpu.memory_space<semaphore_mem>>) src(%arg13 : memref<48x128xf32, #tpu.memory_space<vmem>>) dst(%dma_wait3A_62 : memref<48x128xf32, #tpu.memory_space<vmem_shared>>)
      tpu.yield
    }) : () -> ()
    %add3A_20 = arith.constant 240 : i32
    %add3A_21 = arith.addi %mul3A_8, %add3A_20 : i32
    "tpu.region"() ({
      %run_scoped3A = tpu.sem_alloc : memref<!tpu.dma_semaphore, #tpu.memory_space<semaphore_mem>>
      %dma_start3A_55 = arith.constant 0 : i32
      %dma_start3A_56 = tpu.memref_slice %arg6[%add3A_21, %dma_start3A_55] : memref<10000x128xf32, #tpu.memory_space<vmem_shared>> -> memref<48x128xf32, #tpu.memory_space<vmem_shared>>
      %dma_start3A_57 = arith.constant 0 : i32
      %dma_start3A_58 = tpu.memref_slice %arg6[%add3A_21, %dma_start3A_57] : memref<10000x128xf32, #tpu.memory_space<vmem_shared>> -> memref<48x128xf32, #tpu.memory_space<vmem_shared>>
      tpu.enqueue_dma source(%arg13 : memref<48x128xf32, #tpu.memory_space<vmem>>) target(%dma_start3A_58 : memref<48x128xf32, #tpu.memory_space<vmem_shared>>) target_semaphore(%run_scoped3A : memref<!tpu.dma_semaphore, #tpu.memory_space<semaphore_mem>>)
      %dma_wait3A_59 = arith.constant 0 : i32
      %dma_wait3A_60 = tpu.memref_slice %arg6[%add3A_21, %dma_wait3A_59] : memref<10000x128xf32, #tpu.memory_space<vmem_shared>> -> memref<48x128xf32, #tpu.memory_space<vmem_shared>>
      %dma_wait3A_61 = arith.constant 0 : i32
      %dma_wait3A_62 = tpu.memref_slice %arg6[%add3A_21, %dma_wait3A_61] : memref<10000x128xf32, #tpu.memory_space<vmem_shared>> -> memref<48x128xf32, #tpu.memory_space<vmem_shared>>
      tpu.wait_dma2 semaphore(%run_scoped3A : memref<!tpu.dma_semaphore, #tpu.memory_space<semaphore_mem>>) src(%arg13 : memref<48x128xf32, #tpu.memory_space<vmem>>) dst(%dma_wait3A_62 : memref<48x128xf32, #tpu.memory_space<vmem_shared>>)
      tpu.yield
    }) : () -> ()
    %add3A_22 = arith.constant 288 : i32
    %add3A_23 = arith.addi %mul3A_8, %add3A_22 : i32
    "tpu.region"() ({
      %run_scoped3A = tpu.sem_alloc : memref<!tpu.dma_semaphore, #tpu.memory_space<semaphore_mem>>
      %dma_start3A_55 = arith.constant 0 : i32
      %dma_start3A_56 = tpu.memref_slice %arg6[%add3A_23, %dma_start3A_55] : memref<10000x128xf32, #tpu.memory_space<vmem_shared>> -> memref<48x128xf32, #tpu.memory_space<vmem_shared>>
      %dma_start3A_57 = arith.constant 0 : i32
      %dma_start3A_58 = tpu.memref_slice %arg6[%add3A_23, %dma_start3A_57] : memref<10000x128xf32, #tpu.memory_space<vmem_shared>> -> memref<48x128xf32, #tpu.memory_space<vmem_shared>>
      tpu.enqueue_dma source(%arg13 : memref<48x128xf32, #tpu.memory_space<vmem>>) target(%dma_start3A_58 : memref<48x128xf32, #tpu.memory_space<vmem_shared>>) target_semaphore(%run_scoped3A : memref<!tpu.dma_semaphore, #tpu.memory_space<semaphore_mem>>)
      %dma_wait3A_59 = arith.constant 0 : i32
      %dma_wait3A_60 = tpu.memref_slice %arg6[%add3A_23, %dma_wait3A_59] : memref<10000x128xf32, #tpu.memory_space<vmem_shared>> -> memref<48x128xf32, #tpu.memory_space<vmem_shared>>
      %dma_wait3A_61 = arith.constant 0 : i32
      %dma_wait3A_62 = tpu.memref_slice %arg6[%add3A_23, %dma_wait3A_61] : memref<10000x128xf32, #tpu.memory_space<vmem_shared>> -> memref<48x128xf32, #tpu.memory_space<vmem_shared>>
      tpu.wait_dma2 semaphore(%run_scoped3A : memref<!tpu.dma_semaphore, #tpu.memory_space<semaphore_mem>>) src(%arg13 : memref<48x128xf32, #tpu.memory_space<vmem>>) dst(%dma_wait3A_62 : memref<48x128xf32, #tpu.memory_space<vmem_shared>>)
      tpu.yield
    }) : () -> ()
    %add3A_24 = arith.constant 336 : i32
    %add3A_25 = arith.addi %mul3A_8, %add3A_24 : i32
    "tpu.region"() ({
      %run_scoped3A = tpu.sem_alloc : memref<!tpu.dma_semaphore, #tpu.memory_space<semaphore_mem>>
      %dma_start3A_55 = arith.constant 0 : i32
      %dma_start3A_56 = tpu.memref_slice %arg6[%add3A_25, %dma_start3A_55] : memref<10000x128xf32, #tpu.memory_space<vmem_shared>> -> memref<48x128xf32, #tpu.memory_space<vmem_shared>>
      %dma_start3A_57 = arith.constant 0 : i32
      %dma_start3A_58 = tpu.memref_slice %arg6[%add3A_25, %dma_start3A_57] : memref<10000x128xf32, #tpu.memory_space<vmem_shared>> -> memref<48x128xf32, #tpu.memory_space<vmem_shared>>
      tpu.enqueue_dma source(%arg13 : memref<48x128xf32, #tpu.memory_space<vmem>>) target(%dma_start3A_58 : memref<48x128xf32, #tpu.memory_space<vmem_shared>>) target_semaphore(%run_scoped3A : memref<!tpu.dma_semaphore, #tpu.memory_space<semaphore_mem>>)
      %dma_wait3A_59 = arith.constant 0 : i32
      %dma_wait3A_60 = tpu.memref_slice %arg6[%add3A_25, %dma_wait3A_59] : memref<10000x128xf32, #tpu.memory_space<vmem_shared>> -> memref<48x128xf32, #tpu.memory_space<vmem_shared>>
      %dma_wait3A_61 = arith.constant 0 : i32
      %dma_wait3A_62 = tpu.memref_slice %arg6[%add3A_25, %dma_wait3A_61] : memref<10000x128xf32, #tpu.memory_space<vmem_shared>> -> memref<48x128xf32, #tpu.memory_space<vmem_shared>>
      tpu.wait_dma2 semaphore(%run_scoped3A : memref<!tpu.dma_semaphore, #tpu.memory_space<semaphore_mem>>) src(%arg13 : memref<48x128xf32, #tpu.memory_space<vmem>>) dst(%dma_wait3A_62 : memref<48x128xf32, #tpu.memory_space<vmem_shared>>)
      tpu.yield
    }) : () -> ()
    %add3A_26 = arith.constant 384 : i32
    %add3A_27 = arith.addi %mul3A_8, %add3A_26 : i32
    "tpu.region"() ({
      %run_scoped3A = tpu.sem_alloc : memref<!tpu.dma_semaphore, #tpu.memory_space<semaphore_mem>>
      %dma_start3A_55 = arith.constant 0 : i32
      %dma_start3A_56 = tpu.memref_slice %arg6[%add3A_27, %dma_start3A_55] : memref<10000x128xf32, #tpu.memory_space<vmem_shared>> -> memref<48x128xf32, #tpu.memory_space<vmem_shared>>
      %dma_start3A_57 = arith.constant 0 : i32
      %dma_start3A_58 = tpu.memref_slice %arg6[%add3A_27, %dma_start3A_57] : memref<10000x128xf32, #tpu.memory_space<vmem_shared>> -> memref<48x128xf32, #tpu.memory_space<vmem_shared>>
      tpu.enqueue_dma source(%arg13 : memref<48x128xf32, #tpu.memory_space<vmem>>) target(%dma_start3A_58 : memref<48x128xf32, #tpu.memory_space<vmem_shared>>) target_semaphore(%run_scoped3A : memref<!tpu.dma_semaphore, #tpu.memory_space<semaphore_mem>>)
      %dma_wait3A_59 = arith.constant 0 : i32
      %dma_wait3A_60 = tpu.memref_slice %arg6[%add3A_27, %dma_wait3A_59] : memref<10000x128xf32, #tpu.memory_space<vmem_shared>> -> memref<48x128xf32, #tpu.memory_space<vmem_shared>>
      %dma_wait3A_61 = arith.constant 0 : i32
      %dma_wait3A_62 = tpu.memref_slice %arg6[%add3A_27, %dma_wait3A_61] : memref<10000x128xf32, #tpu.memory_space<vmem_shared>> -> memref<48x128xf32, #tpu.memory_space<vmem_shared>>
      tpu.wait_dma2 semaphore(%run_scoped3A : memref<!tpu.dma_semaphore, #tpu.memory_space<semaphore_mem>>) src(%arg13 : memref<48x128xf32, #tpu.memory_space<vmem>>) dst(%dma_wait3A_62 : memref<48x128xf32, #tpu.memory_space<vmem_shared>>)
      tpu.yield
    }) : () -> ()
    %add3A_28 = arith.constant 432 : i32
    %add3A_29 = arith.addi %mul3A_8, %add3A_28 : i32
    "tpu.region"() ({
      %run_scoped3A = tpu.sem_alloc : memref<!tpu.dma_semaphore, #tpu.memory_space<semaphore_mem>>
      %dma_start3A_55 = arith.constant 0 : i32
      %dma_start3A_56 = tpu.memref_slice %arg6[%add3A_29, %dma_start3A_55] : memref<10000x128xf32, #tpu.memory_space<vmem_shared>> -> memref<48x128xf32, #tpu.memory_space<vmem_shared>>
      %dma_start3A_57 = arith.constant 0 : i32
      %dma_start3A_58 = tpu.memref_slice %arg6[%add3A_29, %dma_start3A_57] : memref<10000x128xf32, #tpu.memory_space<vmem_shared>> -> memref<48x128xf32, #tpu.memory_space<vmem_shared>>
      tpu.enqueue_dma source(%arg13 : memref<48x128xf32, #tpu.memory_space<vmem>>) target(%dma_start3A_58 : memref<48x128xf32, #tpu.memory_space<vmem_shared>>) target_semaphore(%run_scoped3A : memref<!tpu.dma_semaphore, #tpu.memory_space<semaphore_mem>>)
      %dma_wait3A_59 = arith.constant 0 : i32
      %dma_wait3A_60 = tpu.memref_slice %arg6[%add3A_29, %dma_wait3A_59] : memref<10000x128xf32, #tpu.memory_space<vmem_shared>> -> memref<48x128xf32, #tpu.memory_space<vmem_shared>>
      %dma_wait3A_61 = arith.constant 0 : i32
      %dma_wait3A_62 = tpu.memref_slice %arg6[%add3A_29, %dma_wait3A_61] : memref<10000x128xf32, #tpu.memory_space<vmem_shared>> -> memref<48x128xf32, #tpu.memory_space<vmem_shared>>
      tpu.wait_dma2 semaphore(%run_scoped3A : memref<!tpu.dma_semaphore, #tpu.memory_space<semaphore_mem>>) src(%arg13 : memref<48x128xf32, #tpu.memory_space<vmem>>) dst(%dma_wait3A_62 : memref<48x128xf32, #tpu.memory_space<vmem_shared>>)
      tpu.yield
    }) : () -> ()
    %add3A_30 = arith.constant 480 : i32
    %add3A_31 = arith.addi %mul3A_8, %add3A_30 : i32
    "tpu.region"() ({
      %run_scoped3A = tpu.sem_alloc : memref<!tpu.dma_semaphore, #tpu.memory_space<semaphore_mem>>
      %dma_start3A_55 = arith.constant 0 : i32
      %dma_start3A_56 = tpu.memref_slice %arg6[%add3A_31, %dma_start3A_55] : memref<10000x128xf32, #tpu.memory_space<vmem_shared>> -> memref<48x128xf32, #tpu.memory_space<vmem_shared>>
      %dma_start3A_57 = arith.constant 0 : i32
      %dma_start3A_58 = tpu.memref_slice %arg6[%add3A_31, %dma_start3A_57] : memref<10000x128xf32, #tpu.memory_space<vmem_shared>> -> memref<48x128xf32, #tpu.memory_space<vmem_shared>>
      tpu.enqueue_dma source(%arg13 : memref<48x128xf32, #tpu.memory_space<vmem>>) target(%dma_start3A_58 : memref<48x128xf32, #tpu.memory_space<vmem_shared>>) target_semaphore(%run_scoped3A : memref<!tpu.dma_semaphore, #tpu.memory_space<semaphore_mem>>)
      %dma_wait3A_59 = arith.constant 0 : i32
      %dma_wait3A_60 = tpu.memref_slice %arg6[%add3A_31, %dma_wait3A_59] : memref<10000x128xf32, #tpu.memory_space<vmem_shared>> -> memref<48x128xf32, #tpu.memory_space<vmem_shared>>
      %dma_wait3A_61 = arith.constant 0 : i32
      %dma_wait3A_62 = tpu.memref_slice %arg6[%add3A_31, %dma_wait3A_61] : memref<10000x128xf32, #tpu.memory_space<vmem_shared>> -> memref<48x128xf32, #tpu.memory_space<vmem_shared>>
      tpu.wait_dma2 semaphore(%run_scoped3A : memref<!tpu.dma_semaphore, #tpu.memory_space<semaphore_mem>>) src(%arg13 : memref<48x128xf32, #tpu.memory_space<vmem>>) dst(%dma_wait3A_62 : memref<48x128xf32, #tpu.memory_space<vmem_shared>>)
      tpu.yield
    }) : () -> ()
    %add3A_32 = arith.constant 528 : i32
    %add3A_33 = arith.addi %mul3A_8, %add3A_32 : i32
    "tpu.region"() ({
      %run_scoped3A = tpu.sem_alloc : memref<!tpu.dma_semaphore, #tpu.memory_space<semaphore_mem>>
      %dma_start3A_55 = arith.constant 0 : i32
      %dma_start3A_56 = tpu.memref_slice %arg6[%add3A_33, %dma_start3A_55] : memref<10000x128xf32, #tpu.memory_space<vmem_shared>> -> memref<48x128xf32, #tpu.memory_space<vmem_shared>>
      %dma_start3A_57 = arith.constant 0 : i32
      %dma_start3A_58 = tpu.memref_slice %arg6[%add3A_33, %dma_start3A_57] : memref<10000x128xf32, #tpu.memory_space<vmem_shared>> -> memref<48x128xf32, #tpu.memory_space<vmem_shared>>
      tpu.enqueue_dma source(%arg13 : memref<48x128xf32, #tpu.memory_space<vmem>>) target(%dma_start3A_58 : memref<48x128xf32, #tpu.memory_space<vmem_shared>>) target_semaphore(%run_scoped3A : memref<!tpu.dma_semaphore, #tpu.memory_space<semaphore_mem>>)
      %dma_wait3A_59 = arith.constant 0 : i32
      %dma_wait3A_60 = tpu.memref_slice %arg6[%add3A_33, %dma_wait3A_59] : memref<10000x128xf32, #tpu.memory_space<vmem_shared>> -> memref<48x128xf32, #tpu.memory_space<vmem_shared>>
      %dma_wait3A_61 = arith.constant 0 : i32
      %dma_wait3A_62 = tpu.memref_slice %arg6[%add3A_33, %dma_wait3A_61] : memref<10000x128xf32, #tpu.memory_space<vmem_shared>> -> memref<48x128xf32, #tpu.memory_space<vmem_shared>>
      tpu.wait_dma2 semaphore(%run_scoped3A : memref<!tpu.dma_semaphore, #tpu.memory_space<semaphore_mem>>) src(%arg13 : memref<48x128xf32, #tpu.memory_space<vmem>>) dst(%dma_wait3A_62 : memref<48x128xf32, #tpu.memory_space<vmem_shared>>)
      tpu.yield
    }) : () -> ()
    %add3A_34 = arith.constant 576 : i32
    %add3A_35 = arith.addi %mul3A_8, %add3A_34 : i32
    "tpu.region"() ({
      %run_scoped3A = tpu.sem_alloc : memref<!tpu.dma_semaphore, #tpu.memory_space<semaphore_mem>>
      %dma_start3A_55 = arith.constant 0 : i32
      %dma_start3A_56 = tpu.memref_slice %arg6[%add3A_35, %dma_start3A_55] : memref<10000x128xf32, #tpu.memory_space<vmem_shared>> -> memref<48x128xf32, #tpu.memory_space<vmem_shared>>
      %dma_start3A_57 = arith.constant 0 : i32
      %dma_start3A_58 = tpu.memref_slice %arg6[%add3A_35, %dma_start3A_57] : memref<10000x128xf32, #tpu.memory_space<vmem_shared>> -> memref<48x128xf32, #tpu.memory_space<vmem_shared>>
      tpu.enqueue_dma source(%arg13 : memref<48x128xf32, #tpu.memory_space<vmem>>) target(%dma_start3A_58 : memref<48x128xf32, #tpu.memory_space<vmem_shared>>) target_semaphore(%run_scoped3A : memref<!tpu.dma_semaphore, #tpu.memory_space<semaphore_mem>>)
      %dma_wait3A_59 = arith.constant 0 : i32
      %dma_wait3A_60 = tpu.memref_slice %arg6[%add3A_35, %dma_wait3A_59] : memref<10000x128xf32, #tpu.memory_space<vmem_shared>> -> memref<48x128xf32, #tpu.memory_space<vmem_shared>>
      %dma_wait3A_61 = arith.constant 0 : i32
      %dma_wait3A_62 = tpu.memref_slice %arg6[%add3A_35, %dma_wait3A_61] : memref<10000x128xf32, #tpu.memory_space<vmem_shared>> -> memref<48x128xf32, #tpu.memory_space<vmem_shared>>
      tpu.wait_dma2 semaphore(%run_scoped3A : memref<!tpu.dma_semaphore, #tpu.memory_space<semaphore_mem>>) src(%arg13 : memref<48x128xf32, #tpu.memory_space<vmem>>) dst(%dma_wait3A_62 : memref<48x128xf32, #tpu.memory_space<vmem_shared>>)
      tpu.yield
    }) : () -> ()
    %convert_element_type3A = arith.extui %eq3A_9 : i1 to i32
    %cond3A = arith.constant 0 : i32
    %cond3A_36 = arith.cmpi ne, %convert_element_type3A, %cond3A : i32
    scf.if %cond3A_36 {
      "tpu.region"() ({
        %run_scoped3A = tpu.sem_alloc : memref<!tpu.dma_semaphore, #tpu.memory_space<semaphore_mem>>
        %dma_start3A_55 = arith.constant 0 : i32
        %dma_start3A_56 = arith.constant 0 : i32
        %dma_start3A_57 = tpu.memref_slice %arg13[%dma_start3A_55, %dma_start3A_56] : memref<48x128xf32, #tpu.memory_space<vmem>> -> memref<16x128xf32, #tpu.memory_space<vmem>>
        %dma_start3A_58 = arith.constant 9984 : i32
        %dma_start3A_59 = arith.constant 0 : i32
        %dma_start3A_60 = tpu.memref_slice %arg6[%dma_start3A_58, %dma_start3A_59] : memref<10000x128xf32, #tpu.memory_space<vmem_shared>> -> memref<16x128xf32, #tpu.memory_space<vmem_shared>>
        %dma_start3A_61 = arith.constant 9984 : i32
        %dma_start3A_62 = arith.constant 0 : i32
        %dma_start3A_63 = tpu.memref_slice %arg6[%dma_start3A_61, %dma_start3A_62] : memref<10000x128xf32, #tpu.memory_space<vmem_shared>> -> memref<16x128xf32, #tpu.memory_space<vmem_shared>>
        %dma_start3A_64 = arith.constant 0 : i32
        %dma_start3A_65 = arith.constant 0 : i32
        %dma_start3A_66 = tpu.memref_slice %arg13[%dma_start3A_64, %dma_start3A_65] : memref<48x128xf32, #tpu.memory_space<vmem>> -> memref<16x128xf32, #tpu.memory_space<vmem>>
        tpu.enqueue_dma source(%dma_start3A_66 : memref<16x128xf32, #tpu.memory_space<vmem>>) target(%dma_start3A_63 : memref<16x128xf32, #tpu.memory_space<vmem_shared>>) target_semaphore(%run_scoped3A : memref<!tpu.dma_semaphore, #tpu.memory_space<semaphore_mem>>)
        %dma_wait3A_67 = arith.constant 0 : i32
        %dma_wait3A_68 = arith.constant 0 : i32
        %dma_wait3A_69 = tpu.memref_slice %arg13[%dma_wait3A_67, %dma_wait3A_68] : memref<48x128xf32, #tpu.memory_space<vmem>> -> memref<16x128xf32, #tpu.memory_space<vmem>>
        %dma_wait3A_70 = arith.constant 9984 : i32
        %dma_wait3A_71 = arith.constant 0 : i32
        %dma_wait3A_72 = tpu.memref_slice %arg6[%dma_wait3A_70, %dma_wait3A_71] : memref<10000x128xf32, #tpu.memory_space<vmem_shared>> -> memref<16x128xf32, #tpu.memory_space<vmem_shared>>
        %dma_wait3A_73 = arith.constant 9984 : i32
        %dma_wait3A_74 = arith.constant 0 : i32
        %dma_wait3A_75 = tpu.memref_slice %arg6[%dma_wait3A_73, %dma_wait3A_74] : memref<10000x128xf32, #tpu.memory_space<vmem_shared>> -> memref<16x128xf32, #tpu.memory_space<vmem_shared>>
        %dma_wait3A_76 = arith.constant 0 : i32
        %dma_wait3A_77 = arith.constant 0 : i32
        %dma_wait3A_78 = tpu.memref_slice %arg13[%dma_wait3A_76, %dma_wait3A_77] : memref<48x128xf32, #tpu.memory_space<vmem>> -> memref<16x128xf32, #tpu.memory_space<vmem>>
        tpu.wait_dma2 semaphore(%run_scoped3A : memref<!tpu.dma_semaphore, #tpu.memory_space<semaphore_mem>>) src(%dma_wait3A_78 : memref<16x128xf32, #tpu.memory_space<vmem>>) dst(%dma_wait3A_75 : memref<16x128xf32, #tpu.memory_space<vmem_shared>>)
        tpu.yield
      }) : () -> ()
    } else {
    }
    %barrier3A = arith.constant 0 : index
    tpu.barrier barrier_id(%barrier3A)
    %mul3A_37 = arith.constant 10000 : i32
    %mul3A_38 = arith.muli %add3A, %mul3A_37 : i32
    %add3A_39 = arith.constant 0 : i32
    %add3A_40 = arith.addi %mul3A_38, %add3A_39 : i32
    "tpu.region"() ({
      %run_scoped3A = tpu.sem_alloc : memref<!tpu.dma_semaphore, #tpu.memory_space<semaphore_mem>>
      %dma_start3A_55 = tpu.memref_slice %arg2[%add3A_40] : memref<320000xi32, #tpu.memory_space<hbm>> -> memref<80xi32, #tpu.memory_space<hbm>>
      %dma_start3A_56 = tpu.memref_slice %arg2[%add3A_40] : memref<320000xi32, #tpu.memory_space<hbm>> -> memref<80xi32, #tpu.memory_space<hbm>>
      tpu.enqueue_dma source(%dma_start3A_56 : memref<80xi32, #tpu.memory_space<hbm>>) target(%arg7 : memref<80xi32, #tpu.memory_space<vmem>>) target_semaphore(%run_scoped3A : memref<!tpu.dma_semaphore, #tpu.memory_space<semaphore_mem>>)
      %dma_wait3A_57 = tpu.memref_slice %arg2[%add3A_40] : memref<320000xi32, #tpu.memory_space<hbm>> -> memref<80xi32, #tpu.memory_space<hbm>>
      %dma_wait3A_58 = tpu.memref_slice %arg2[%add3A_40] : memref<320000xi32, #tpu.memory_space<hbm>> -> memref<80xi32, #tpu.memory_space<hbm>>
      tpu.wait_dma2 semaphore(%run_scoped3A : memref<!tpu.dma_semaphore, #tpu.memory_space<semaphore_mem>>) src(%dma_wait3A_58 : memref<80xi32, #tpu.memory_space<hbm>>) dst(%arg7 : memref<80xi32, #tpu.memory_space<vmem>>)
      tpu.yield
    }) : () -> ()
    "tpu.region"() ({
      %run_scoped3A = tpu.sem_alloc : memref<!tpu.dma_semaphore, #tpu.memory_space<semaphore_mem>>
      %dma_start3A_55 = tpu.memref_slice %arg3[%add3A_40] : memref<320000xi32, #tpu.memory_space<hbm>> -> memref<80xi32, #tpu.memory_space<hbm>>
      %dma_start3A_56 = tpu.memref_slice %arg3[%add3A_40] : memref<320000xi32, #tpu.memory_space<hbm>> -> memref<80xi32, #tpu.memory_space<hbm>>
      tpu.enqueue_dma source(%dma_start3A_56 : memref<80xi32, #tpu.memory_space<hbm>>) target(%arg8 : memref<80xi32, #tpu.memory_space<vmem>>) target_semaphore(%run_scoped3A : memref<!tpu.dma_semaphore, #tpu.memory_space<semaphore_mem>>)
      %dma_wait3A_57 = tpu.memref_slice %arg3[%add3A_40] : memref<320000xi32, #tpu.memory_space<hbm>> -> memref<80xi32, #tpu.memory_space<hbm>>
      %dma_wait3A_58 = tpu.memref_slice %arg3[%add3A_40] : memref<320000xi32, #tpu.memory_space<hbm>> -> memref<80xi32, #tpu.memory_space<hbm>>
      tpu.wait_dma2 semaphore(%run_scoped3A : memref<!tpu.dma_semaphore, #tpu.memory_space<semaphore_mem>>) src(%dma_wait3A_58 : memref<80xi32, #tpu.memory_space<hbm>>) dst(%arg8 : memref<80xi32, #tpu.memory_space<vmem>>)
      tpu.yield
    }) : () -> ()
    %dma_start3A = arith.constant 0 : i32
    %dma_start3A_41 = arith.constant 0 : i32
    %dma_start3A_42 = tpu.memref_slice %arg4[%dma_start3A, %dma_start3A_41] : memref<10000x128xf32, #tpu.memory_space<hbm>> -> memref<10000x128xf32, #tpu.memory_space<hbm>>
    tpu.enqueue_indirect_dma source(%dma_start3A_42 : memref<10000x128xf32, #tpu.memory_space<hbm>>) target(%arg9 : memref<80x128xf32, #tpu.memory_space<vmem>>) offsets(%arg7 : memref<80xi32, #tpu.memory_space<vmem>>) semaphore(%arg14 : memref<!tpu.dma_semaphore, #tpu.memory_space<semaphore_mem>>)
    %scan3A_43 = arith.constant 0 : i32
    %scan3A_44 = arith.constant 0 : i32
    %scan3A_45 = arith.constant 62 : i32
    %scan3A_46 = arith.addi %scan3A_44, %scan3A_45 : i32
    %scan3A_47 = arith.constant 1 : i32
    scf.for %scan3A_55 = %scan3A_44 to %scan3A_46 step %scan3A_47  : i32 {
      %mul3A_56 = arith.constant 2 : i32
      %mul3A_57 = arith.muli %mul3A_56, %scan3A_55 : i32
      %add3A_58 = arith.constant 1 : i32
      %add3A_59 = arith.addi %mul3A_57, %add3A_58 : i32
      %mul3A_60 = arith.constant 80 : i32
      %mul3A_61 = arith.muli %add3A_59, %mul3A_60 : i32
      %add3A_62 = arith.addi %mul3A_38, %mul3A_61 : i32
      "tpu.region"() ({
        %run_scoped3A = tpu.sem_alloc : memref<!tpu.dma_semaphore, #tpu.memory_space<semaphore_mem>>
        %dma_start3A_80 = tpu.memref_slice %arg2[%add3A_62] : memref<320000xi32, #tpu.memory_space<hbm>> -> memref<80xi32, #tpu.memory_space<hbm>>
        %dma_start3A_81 = tpu.memref_slice %arg2[%add3A_62] : memref<320000xi32, #tpu.memory_space<hbm>> -> memref<80xi32, #tpu.memory_space<hbm>>
        tpu.enqueue_dma source(%dma_start3A_81 : memref<80xi32, #tpu.memory_space<hbm>>) target(%arg10 : memref<80xi32, #tpu.memory_space<vmem>>) target_semaphore(%run_scoped3A : memref<!tpu.dma_semaphore, #tpu.memory_space<semaphore_mem>>)
        %dma_wait3A_82 = tpu.memref_slice %arg2[%add3A_62] : memref<320000xi32, #tpu.memory_space<hbm>> -> memref<80xi32, #tpu.memory_space<hbm>>
        %dma_wait3A_83 = tpu.memref_slice %arg2[%add3A_62] : memref<320000xi32, #tpu.memory_space<hbm>> -> memref<80xi32, #tpu.memory_space<hbm>>
        tpu.wait_dma2 semaphore(%run_scoped3A : memref<!tpu.dma_semaphore, #tpu.memory_space<semaphore_mem>>) src(%dma_wait3A_83 : memref<80xi32, #tpu.memory_space<hbm>>) dst(%arg10 : memref<80xi32, #tpu.memory_space<vmem>>)
        tpu.yield
      }) : () -> ()
      "tpu.region"() ({
        %run_scoped3A = tpu.sem_alloc : memref<!tpu.dma_semaphore, #tpu.memory_space<semaphore_mem>>
        %dma_start3A_80 = tpu.memref_slice %arg3[%add3A_62] : memref<320000xi32, #tpu.memory_space<hbm>> -> memref<80xi32, #tpu.memory_space<hbm>>
        %dma_start3A_81 = tpu.memref_slice %arg3[%add3A_62] : memref<320000xi32, #tpu.memory_space<hbm>> -> memref<80xi32, #tpu.memory_space<hbm>>
        tpu.enqueue_dma source(%dma_start3A_81 : memref<80xi32, #tpu.memory_space<hbm>>) target(%arg11 : memref<80xi32, #tpu.memory_space<vmem>>) target_semaphore(%run_scoped3A : memref<!tpu.dma_semaphore, #tpu.memory_space<semaphore_mem>>)
        %dma_wait3A_82 = tpu.memref_slice %arg3[%add3A_62] : memref<320000xi32, #tpu.memory_space<hbm>> -> memref<80xi32, #tpu.memory_space<hbm>>
        %dma_wait3A_83 = tpu.memref_slice %arg3[%add3A_62] : memref<320000xi32, #tpu.memory_space<hbm>> -> memref<80xi32, #tpu.memory_space<hbm>>
        tpu.wait_dma2 semaphore(%run_scoped3A : memref<!tpu.dma_semaphore, #tpu.memory_space<semaphore_mem>>) src(%dma_wait3A_83 : memref<80xi32, #tpu.memory_space<hbm>>) dst(%arg11 : memref<80xi32, #tpu.memory_space<vmem>>)
        tpu.yield
      }) : () -> ()
      %dma_start3A_63 = arith.constant 0 : i32
      %dma_start3A_64 = arith.constant 0 : i32
      %dma_start3A_65 = tpu.memref_slice %arg4[%dma_start3A_63, %dma_start3A_64] : memref<10000x128xf32, #tpu.memory_space<hbm>> -> memref<10000x128xf32, #tpu.memory_space<hbm>>
      tpu.enqueue_indirect_dma source(%dma_start3A_65 : memref<10000x128xf32, #tpu.memory_space<hbm>>) target(%arg12 : memref<80x128xf32, #tpu.memory_space<vmem>>) offsets(%arg10 : memref<80xi32, #tpu.memory_space<vmem>>) semaphore(%arg15 : memref<!tpu.dma_semaphore, #tpu.memory_space<semaphore_mem>>)
      %dma_wait3A_66 = arith.constant 0 : i32
      %dma_wait3A_67 = arith.constant 0 : i32
      %dma_wait3A_68 = tpu.memref_slice %arg4[%dma_wait3A_66, %dma_wait3A_67] : memref<10000x128xf32, #tpu.memory_space<hbm>> -> memref<10000x128xf32, #tpu.memory_space<hbm>>
      tpu.wait_indirect_dma semaphore(%arg14 : memref<!tpu.dma_semaphore, #tpu.memory_space<semaphore_mem>>) src(%dma_wait3A_68 : memref<10000x128xf32, #tpu.memory_space<hbm>>) dst(%arg9 : memref<80x128xf32, #tpu.memory_space<vmem>>)
      "tpu.region"() ({
        %run_scoped3A = tpu.sem_alloc : memref<!tpu.dma_semaphore, #tpu.memory_space<semaphore_mem>>
        %dma_start3A_80 = arith.constant 0 : i32
        %dma_start3A_81 = arith.constant 0 : i32
        %dma_start3A_82 = tpu.memref_slice %arg6[%dma_start3A_80, %dma_start3A_81] : memref<10000x128xf32, #tpu.memory_space<vmem_shared>> -> memref<10000x128xf32, #tpu.memory_space<vmem_shared>>
        tpu.enqueue_indirect_dma source(%arg9 : memref<80x128xf32, #tpu.memory_space<vmem>>) target(%dma_start3A_82 : memref<10000x128xf32, #tpu.memory_space<vmem_shared>>) offsets(%arg8 : memref<80xi32, #tpu.memory_space<vmem>>) semaphore(%run_scoped3A : memref<!tpu.dma_semaphore, #tpu.memory_space<semaphore_mem>>) {add = true}
        %dma_wait3A_83 = arith.constant 0 : i32
        %dma_wait3A_84 = arith.constant 0 : i32
        %dma_wait3A_85 = tpu.memref_slice %arg6[%dma_wait3A_83, %dma_wait3A_84] : memref<10000x128xf32, #tpu.memory_space<vmem_shared>> -> memref<10000x128xf32, #tpu.memory_space<vmem_shared>>
        tpu.wait_indirect_dma semaphore(%run_scoped3A : memref<!tpu.dma_semaphore, #tpu.memory_space<semaphore_mem>>) src(%arg9 : memref<80x128xf32, #tpu.memory_space<vmem>>) dst(%dma_wait3A_85 : memref<10000x128xf32, #tpu.memory_space<vmem_shared>>)
        tpu.yield
      }) : () -> ()
      %add3A_69 = arith.constant 2 : i32
      %add3A_70 = arith.addi %mul3A_57, %add3A_69 : i32
      %mul3A_71 = arith.constant 80 : i32
      %mul3A_72 = arith.muli %add3A_70, %mul3A_71 : i32
      %add3A_73 = arith.addi %mul3A_38, %mul3A_72 : i32
      "tpu.region"() ({
        %run_scoped3A = tpu.sem_alloc : memref<!tpu.dma_semaphore, #tpu.memory_space<semaphore_mem>>
        %dma_start3A_80 = tpu.memref_slice %arg2[%add3A_73] : memref<320000xi32, #tpu.memory_space<hbm>> -> memref<80xi32, #tpu.memory_space<hbm>>
        %dma_start3A_81 = tpu.memref_slice %arg2[%add3A_73] : memref<320000xi32, #tpu.memory_space<hbm>> -> memref<80xi32, #tpu.memory_space<hbm>>
        tpu.enqueue_dma source(%dma_start3A_81 : memref<80xi32, #tpu.memory_space<hbm>>) target(%arg7 : memref<80xi32, #tpu.memory_space<vmem>>) target_semaphore(%run_scoped3A : memref<!tpu.dma_semaphore, #tpu.memory_space<semaphore_mem>>)
        %dma_wait3A_82 = tpu.memref_slice %arg2[%add3A_73] : memref<320000xi32, #tpu.memory_space<hbm>> -> memref<80xi32, #tpu.memory_space<hbm>>
        %dma_wait3A_83 = tpu.memref_slice %arg2[%add3A_73] : memref<320000xi32, #tpu.memory_space<hbm>> -> memref<80xi32, #tpu.memory_space<hbm>>
        tpu.wait_dma2 semaphore(%run_scoped3A : memref<!tpu.dma_semaphore, #tpu.memory_space<semaphore_mem>>) src(%dma_wait3A_83 : memref<80xi32, #tpu.memory_space<hbm>>) dst(%arg7 : memref<80xi32, #tpu.memory_space<vmem>>)
        tpu.yield
      }) : () -> ()
      "tpu.region"() ({
        %run_scoped3A = tpu.sem_alloc : memref<!tpu.dma_semaphore, #tpu.memory_space<semaphore_mem>>
        %dma_start3A_80 = tpu.memref_slice %arg3[%add3A_73] : memref<320000xi32, #tpu.memory_space<hbm>> -> memref<80xi32, #tpu.memory_space<hbm>>
        %dma_start3A_81 = tpu.memref_slice %arg3[%add3A_73] : memref<320000xi32, #tpu.memory_space<hbm>> -> memref<80xi32, #tpu.memory_space<hbm>>
        tpu.enqueue_dma source(%dma_start3A_81 : memref<80xi32, #tpu.memory_space<hbm>>) target(%arg8 : memref<80xi32, #tpu.memory_space<vmem>>) target_semaphore(%run_scoped3A : memref<!tpu.dma_semaphore, #tpu.memory_space<semaphore_mem>>)
        %dma_wait3A_82 = tpu.memref_slice %arg3[%add3A_73] : memref<320000xi32, #tpu.memory_space<hbm>> -> memref<80xi32, #tpu.memory_space<hbm>>
        %dma_wait3A_83 = tpu.memref_slice %arg3[%add3A_73] : memref<320000xi32, #tpu.memory_space<hbm>> -> memref<80xi32, #tpu.memory_space<hbm>>
        tpu.wait_dma2 semaphore(%run_scoped3A : memref<!tpu.dma_semaphore, #tpu.memory_space<semaphore_mem>>) src(%dma_wait3A_83 : memref<80xi32, #tpu.memory_space<hbm>>) dst(%arg8 : memref<80xi32, #tpu.memory_space<vmem>>)
        tpu.yield
      }) : () -> ()
      %dma_start3A_74 = arith.constant 0 : i32
      %dma_start3A_75 = arith.constant 0 : i32
      %dma_start3A_76 = tpu.memref_slice %arg4[%dma_start3A_74, %dma_start3A_75] : memref<10000x128xf32, #tpu.memory_space<hbm>> -> memref<10000x128xf32, #tpu.memory_space<hbm>>
      tpu.enqueue_indirect_dma source(%dma_start3A_76 : memref<10000x128xf32, #tpu.memory_space<hbm>>) target(%arg9 : memref<80x128xf32, #tpu.memory_space<vmem>>) offsets(%arg7 : memref<80xi32, #tpu.memory_space<vmem>>) semaphore(%arg14 : memref<!tpu.dma_semaphore, #tpu.memory_space<semaphore_mem>>)
      %dma_wait3A_77 = arith.constant 0 : i32
      %dma_wait3A_78 = arith.constant 0 : i32
      %dma_wait3A_79 = tpu.memref_slice %arg4[%dma_wait3A_77, %dma_wait3A_78] : memref<10000x128xf32, #tpu.memory_space<hbm>> -> memref<10000x128xf32, #tpu.memory_space<hbm>>
      tpu.wait_indirect_dma semaphore(%arg15 : memref<!tpu.dma_semaphore, #tpu.memory_space<semaphore_mem>>) src(%dma_wait3A_79 : memref<10000x128xf32, #tpu.memory_space<hbm>>) dst(%arg12 : memref<80x128xf32, #tpu.memory_space<vmem>>)
      "tpu.region"() ({
        %run_scoped3A = tpu.sem_alloc : memref<!tpu.dma_semaphore, #tpu.memory_space<semaphore_mem>>
        %dma_start3A_80 = arith.constant 0 : i32
        %dma_start3A_81 = arith.constant 0 : i32
        %dma_start3A_82 = tpu.memref_slice %arg6[%dma_start3A_80, %dma_start3A_81] : memref<10000x128xf32, #tpu.memory_space<vmem_shared>> -> memref<10000x128xf32, #tpu.memory_space<vmem_shared>>
        tpu.enqueue_indirect_dma source(%arg12 : memref<80x128xf32, #tpu.memory_space<vmem>>) target(%dma_start3A_82 : memref<10000x128xf32, #tpu.memory_space<vmem_shared>>) offsets(%arg11 : memref<80xi32, #tpu.memory_space<vmem>>) semaphore(%run_scoped3A : memref<!tpu.dma_semaphore, #tpu.memory_space<semaphore_mem>>) {add = true}
        %dma_wait3A_83 = arith.constant 0 : i32
        %dma_wait3A_84 = arith.constant 0 : i32
        %dma_wait3A_85 = tpu.memref_slice %arg6[%dma_wait3A_83, %dma_wait3A_84] : memref<10000x128xf32, #tpu.memory_space<vmem_shared>> -> memref<10000x128xf32, #tpu.memory_space<vmem_shared>>
        tpu.wait_indirect_dma semaphore(%run_scoped3A : memref<!tpu.dma_semaphore, #tpu.memory_space<semaphore_mem>>) src(%arg12 : memref<80x128xf32, #tpu.memory_space<vmem>>) dst(%dma_wait3A_85 : memref<10000x128xf32, #tpu.memory_space<vmem_shared>>)
        tpu.yield
      }) : () -> ()
    }
    %scan3A_48 = arith.constant 62 : i32
    %dma_wait3A = arith.constant 0 : i32
    %dma_wait3A_49 = arith.constant 0 : i32
    %dma_wait3A_50 = tpu.memref_slice %arg4[%dma_wait3A, %dma_wait3A_49] : memref<10000x128xf32, #tpu.memory_space<hbm>> -> memref<10000x128xf32, #tpu.memory_space<hbm>>
    tpu.wait_indirect_dma semaphore(%arg14 : memref<!tpu.dma_semaphore, #tpu.memory_space<semaphore_mem>>) src(%dma_wait3A_50 : memref<10000x128xf32, #tpu.memory_space<hbm>>) dst(%arg9 : memref<80x128xf32, #tpu.memory_space<vmem>>)
    "tpu.region"() ({
      %run_scoped3A = tpu.sem_alloc : memref<!tpu.dma_semaphore, #tpu.memory_space<semaphore_mem>>
      %dma_start3A_55 = arith.constant 0 : i32
      %dma_start3A_56 = arith.constant 0 : i32
      %dma_start3A_57 = tpu.memref_slice %arg6[%dma_start3A_55, %dma_start3A_56] : memref<10000x128xf32, #tpu.memory_space<vmem_shared>> -> memref<10000x128xf32, #tpu.memory_space<vmem_shared>>
      tpu.enqueue_indirect_dma source(%arg9 : memref<80x128xf32, #tpu.memory_space<vmem>>) target(%dma_start3A_57 : memref<10000x128xf32, #tpu.memory_space<vmem_shared>>) offsets(%arg8 : memref<80xi32, #tpu.memory_space<vmem>>) semaphore(%run_scoped3A : memref<!tpu.dma_semaphore, #tpu.memory_space<semaphore_mem>>) {add = true}
      %dma_wait3A_58 = arith.constant 0 : i32
      %dma_wait3A_59 = arith.constant 0 : i32
      %dma_wait3A_60 = tpu.memref_slice %arg6[%dma_wait3A_58, %dma_wait3A_59] : memref<10000x128xf32, #tpu.memory_space<vmem_shared>> -> memref<10000x128xf32, #tpu.memory_space<vmem_shared>>
      tpu.wait_indirect_dma semaphore(%run_scoped3A : memref<!tpu.dma_semaphore, #tpu.memory_space<semaphore_mem>>) src(%arg9 : memref<80x128xf32, #tpu.memory_space<vmem>>) dst(%dma_wait3A_60 : memref<10000x128xf32, #tpu.memory_space<vmem_shared>>)
      tpu.yield
    }) : () -> ()
    %barrier3A_51 = arith.constant 0 : index
    tpu.barrier barrier_id(%barrier3A_51)
    "tpu.region"() ({
      %run_scoped3A = tpu.sem_alloc : memref<!tpu.dma_semaphore, #tpu.memory_space<semaphore_mem>>
      %dma_start3A_55 = arith.constant 0 : i32
      %dma_start3A_56 = tpu.memref_slice %arg5[%arg0, %mul3A_8, %dma_start3A_55] : memref<2x10000x128xf32, #tpu.memory_space<hbm>> -> memref<1x624x128xf32, #tpu.memory_space<hbm>>
      %dma_start3A_57 = tpu.memref_squeeze %dma_start3A_56 : memref<1x624x128xf32, #tpu.memory_space<hbm>> -> memref<624x128xf32, #tpu.memory_space<hbm>>
      %dma_start3A_58 = arith.constant 0 : i32
      %dma_start3A_59 = tpu.memref_slice %arg6[%mul3A_8, %dma_start3A_58] : memref<10000x128xf32, #tpu.memory_space<vmem_shared>> -> memref<624x128xf32, #tpu.memory_space<vmem_shared>>
      tpu.enqueue_dma source(%dma_start3A_59 : memref<624x128xf32, #tpu.memory_space<vmem_shared>>) target(%dma_start3A_57 : memref<624x128xf32, #tpu.memory_space<hbm>>) target_semaphore(%run_scoped3A : memref<!tpu.dma_semaphore, #tpu.memory_space<semaphore_mem>>)
      %dma_wait3A_60 = arith.constant 0 : i32
      %dma_wait3A_61 = tpu.memref_slice %arg5[%arg0, %mul3A_8, %dma_wait3A_60] : memref<2x10000x128xf32, #tpu.memory_space<hbm>> -> memref<1x624x128xf32, #tpu.memory_space<hbm>>
      %dma_wait3A_62 = tpu.memref_squeeze %dma_wait3A_61 : memref<1x624x128xf32, #tpu.memory_space<hbm>> -> memref<624x128xf32, #tpu.memory_space<hbm>>
      %dma_wait3A_63 = arith.constant 0 : i32
      %dma_wait3A_64 = tpu.memref_slice %arg6[%mul3A_8, %dma_wait3A_63] : memref<10000x128xf32, #tpu.memory_space<vmem_shared>> -> memref<624x128xf32, #tpu.memory_space<vmem_shared>>
      tpu.wait_dma2 semaphore(%run_scoped3A : memref<!tpu.dma_semaphore, #tpu.memory_space<semaphore_mem>>) src(%dma_wait3A_64 : memref<624x128xf32, #tpu.memory_space<vmem_shared>>) dst(%dma_wait3A_62 : memref<624x128xf32, #tpu.memory_space<hbm>>)
      tpu.yield
    }) : () -> ()
    %convert_element_type3A_52 = arith.extui %eq3A_9 : i1 to i32
    %cond3A_53 = arith.constant 0 : i32
    %cond3A_54 = arith.cmpi ne, %convert_element_type3A_52, %cond3A_53 : i32
    scf.if %cond3A_54 {
      "tpu.region"() ({
        %run_scoped3A = tpu.sem_alloc : memref<!tpu.dma_semaphore, #tpu.memory_space<semaphore_mem>>
        %dma_start3A_55 = arith.constant 9984 : i32
        %dma_start3A_56 = arith.constant 0 : i32
        %dma_start3A_57 = tpu.memref_slice %arg5[%arg0, %dma_start3A_55, %dma_start3A_56] : memref<2x10000x128xf32, #tpu.memory_space<hbm>> -> memref<1x16x128xf32, #tpu.memory_space<hbm>>
        %dma_start3A_58 = tpu.memref_squeeze %dma_start3A_57 : memref<1x16x128xf32, #tpu.memory_space<hbm>> -> memref<16x128xf32, #tpu.memory_space<hbm>>
        %dma_start3A_59 = arith.constant 9984 : i32
        %dma_start3A_60 = arith.constant 0 : i32
        %dma_start3A_61 = tpu.memref_slice %arg6[%dma_start3A_59, %dma_start3A_60] : memref<10000x128xf32, #tpu.memory_space<vmem_shared>> -> memref<16x128xf32, #tpu.memory_space<vmem_shared>>
        tpu.enqueue_dma source(%dma_start3A_61 : memref<16x128xf32, #tpu.memory_space<vmem_shared>>) target(%dma_start3A_58 : memref<16x128xf32, #tpu.memory_space<hbm>>) target_semaphore(%run_scoped3A : memref<!tpu.dma_semaphore, #tpu.memory_space<semaphore_mem>>)
        %dma_wait3A_62 = arith.constant 9984 : i32
        %dma_wait3A_63 = arith.constant 0 : i32
        %dma_wait3A_64 = tpu.memref_slice %arg5[%arg0, %dma_wait3A_62, %dma_wait3A_63] : memref<2x10000x128xf32, #tpu.memory_space<hbm>> -> memref<1x16x128xf32, #tpu.memory_space<hbm>>
        %dma_wait3A_65 = tpu.memref_squeeze %dma_wait3A_64 : memref<1x16x128xf32, #tpu.memory_space<hbm>> -> memref<16x128xf32, #tpu.memory_space<hbm>>
        %dma_wait3A_66 = arith.constant 9984 : i32
        %dma_wait3A_67 = arith.constant 0 : i32
        %dma_wait3A_68 = tpu.memref_slice %arg6[%dma_wait3A_66, %dma_wait3A_67] : memref<10000x128xf32, #tpu.memory_space<vmem_shared>> -> memref<16x128xf32, #tpu.memory_space<vmem_shared>>
        tpu.wait_dma2 semaphore(%run_scoped3A : memref<!tpu.dma_semaphore, #tpu.memory_space<semaphore_mem>>) src(%dma_wait3A_68 : memref<16x128xf32, #tpu.memory_space<vmem_shared>>) dst(%dma_wait3A_65 : memref<16x128xf32, #tpu.memory_space<hbm>>)
        tpu.yield
      }) : () -> ()
    } else {
    }
    return
  }
}

#map = affine_map<(d0, d1) -> (0)>
#map1 = affine_map<(d0, d1) -> (0, 0, 0)>
module attributes {stable_mosaic.version = 14 : i64} {
  func.func @body(%arg0: i32, %arg1: i32, %arg2: memref<320000xi32, #tpu.memory_space<hbm>>, %arg3: memref<2x10000x128xf32, #tpu.memory_space<hbm>>, %arg4: memref<10000x128xf32, #tpu.memory_space<vmem_shared>>, %arg5: memref<80xi32, #tpu.memory_space<vmem>>, %arg6: memref<80x128xf32, #tpu.memory_space<vmem>>, %arg7: memref<48x128xf32, #tpu.memory_space<vmem>>) attributes {dimension_semantics = [#tpu.dimension_semantics<core_parallel>, #tpu.dimension_semantics<subcore_parallel>], iteration_bounds = array<i64: 2, 16>, scalar_prefetch = 0 : i64, scratch_operands = 4 : i64, tpu.core_type = #tpu.core_type<sc_vector_subcore>, window_params = [{transform_indices = #map}, {transform_indices = #map1}]} {
    %mul3A = arith.constant 2 : i32
    %mul3A_0 = arith.muli %arg1, %mul3A : i32
    %add3A = arith.addi %mul3A_0, %arg0 : i32
    %broadcast_in_dim3A = arith.constant 0.000000e+00 : f32
    %broadcast_in_dim3A_1 = vector.broadcast %broadcast_in_dim3A : f32 to vector<16xf32>
    %broadcast_in_dim3A_2 = arith.constant 1.000000e+00 : f32
    %broadcast_in_dim3A_3 = vector.broadcast %broadcast_in_dim3A_2 : f32 to vector<16xf32>
    %scan3A = arith.constant 0 : i32
    %scan3A_4 = arith.constant 0 : i32
    %scan3A_5 = arith.constant 384 : i32
    %scan3A_6 = arith.addi %scan3A_4, %scan3A_5 : i32
    %scan3A_7 = arith.constant 1 : i32
    scf.for %scan3A_57 = %scan3A_4 to %scan3A_6 step %scan3A_7  : i32 {
      %jit3A = arith.constant 8 : i32
      %div3A = arith.divsi %scan3A_57, %jit3A : i32
      %sign3A = arith.constant 0 : i32
      %sign3A_58 = arith.cmpi sgt, %scan3A_57, %sign3A : i32
      %sign3A_59 = arith.extui %sign3A_58 : i1 to i32
      %sign3A_60 = arith.constant 0 : i32
      %sign3A_61 = arith.cmpi slt, %scan3A_57, %sign3A_60 : i32
      %sign3A_62 = arith.extui %sign3A_61 : i1 to i32
      %sign3A_63 = arith.subi %sign3A_59, %sign3A_62 : i32
      %sign3A_64 = arith.constant 0 : i32
      %sign3A_65 = arith.cmpi sgt, %jit3A, %sign3A_64 : i32
      %sign3A_66 = arith.extui %sign3A_65 : i1 to i32
      %sign3A_67 = arith.constant 0 : i32
      %sign3A_68 = arith.cmpi slt, %jit3A, %sign3A_67 : i32
      %sign3A_69 = arith.extui %sign3A_68 : i1 to i32
      %sign3A_70 = arith.subi %sign3A_66, %sign3A_69 : i32
      %ne3A = arith.cmpi ne, %sign3A_63, %sign3A_70 : i32
      %rem3A = arith.remsi %scan3A_57, %jit3A : i32
      %ne3A_71 = arith.constant 0 : i32
      %ne3A_72 = arith.cmpi ne, %rem3A, %ne3A_71 : i32
      %and3A = arith.andi %ne3A, %ne3A_72 : i1
      %sub3A = arith.constant 1 : i32
      %sub3A_73 = arith.subi %div3A, %sub3A : i32
      %select_n3A = arith.select %and3A, %sub3A_73, %div3A : i32
      %jit3A_74 = arith.constant 8 : i32
      %eq3A_75 = arith.constant 0 : i32
      %eq3A_76 = arith.cmpi eq, %jit3A_74, %eq3A_75 : i32
      %jit3A_77 = arith.constant 1 : i32
      %select_n3A_78 = arith.select %eq3A_76, %jit3A_77, %jit3A_74 : i32
      %rem3A_79 = arith.remsi %scan3A_57, %select_n3A_78 : i32
      %ne3A_80 = arith.constant 0 : i32
      %ne3A_81 = arith.cmpi ne, %rem3A_79, %ne3A_80 : i32
      %lt3A = arith.constant 0 : i32
      %lt3A_82 = arith.cmpi slt, %rem3A_79, %lt3A : i32
      %lt3A_83 = arith.constant 0 : i32
      %lt3A_84 = arith.cmpi slt, %select_n3A_78, %lt3A_83 : i32
      %ne3A_85 = arith.xori %lt3A_82, %lt3A_84 : i1
      %and3A_86 = arith.andi %ne3A_85, %ne3A_81 : i1
      %add3A_87 = arith.addi %rem3A_79, %select_n3A_78 : i32
      %select_n3A_88 = arith.select %and3A_86, %add3A_87, %rem3A_79 : i32
      %mul3A_89 = arith.constant 16 : i32
      %mul3A_90 = arith.muli %select_n3A_88, %mul3A_89 : i32
      %swap3A = arith.index_cast %select_n3A : i32 to index
      %swap3A_91 = arith.index_cast %mul3A_90 : i32 to index
      %swap3A_92 = tpu.vector_load %arg7[%swap3A, %swap3A_91] {strides = array<i32>} : memref<48x128xf32, #tpu.memory_space<vmem>>, vector<1x16xf32>,
      %swap3A_93 = vector.shape_cast %swap3A_92 : vector<1x16xf32> to vector<16xf32>
      %swap3A_94 = vector.shape_cast %broadcast_in_dim3A_1 : vector<16xf32> to vector<1x16xf32>
      tpu.vector_store %arg7[%swap3A, %swap3A_91], %swap3A_94 {strides = array<i32>} : memref<48x128xf32, #tpu.memory_space<vmem>>, vector<1x16xf32>,
    }
    %scan3A_8 = arith.constant 384 : i32
    %scan3A_9 = arith.constant 0 : i32
    %scan3A_10 = arith.constant 0 : i32
    %scan3A_11 = arith.constant 640 : i32
    %scan3A_12 = arith.addi %scan3A_10, %scan3A_11 : i32
    %scan3A_13 = arith.constant 1 : i32
    scf.for %scan3A_57 = %scan3A_10 to %scan3A_12 step %scan3A_13  : i32 {
      %jit3A = arith.constant 8 : i32
      %div3A = arith.divsi %scan3A_57, %jit3A : i32
      %sign3A = arith.constant 0 : i32
      %sign3A_58 = arith.cmpi sgt, %scan3A_57, %sign3A : i32
      %sign3A_59 = arith.extui %sign3A_58 : i1 to i32
      %sign3A_60 = arith.constant 0 : i32
      %sign3A_61 = arith.cmpi slt, %scan3A_57, %sign3A_60 : i32
      %sign3A_62 = arith.extui %sign3A_61 : i1 to i32
      %sign3A_63 = arith.subi %sign3A_59, %sign3A_62 : i32
      %sign3A_64 = arith.constant 0 : i32
      %sign3A_65 = arith.cmpi sgt, %jit3A, %sign3A_64 : i32
      %sign3A_66 = arith.extui %sign3A_65 : i1 to i32
      %sign3A_67 = arith.constant 0 : i32
      %sign3A_68 = arith.cmpi slt, %jit3A, %sign3A_67 : i32
      %sign3A_69 = arith.extui %sign3A_68 : i1 to i32
      %sign3A_70 = arith.subi %sign3A_66, %sign3A_69 : i32
      %ne3A = arith.cmpi ne, %sign3A_63, %sign3A_70 : i32
      %rem3A = arith.remsi %scan3A_57, %jit3A : i32
      %ne3A_71 = arith.constant 0 : i32
      %ne3A_72 = arith.cmpi ne, %rem3A, %ne3A_71 : i32
      %and3A = arith.andi %ne3A, %ne3A_72 : i1
      %sub3A = arith.constant 1 : i32
      %sub3A_73 = arith.subi %div3A, %sub3A : i32
      %select_n3A = arith.select %and3A, %sub3A_73, %div3A : i32
      %jit3A_74 = arith.constant 8 : i32
      %eq3A_75 = arith.constant 0 : i32
      %eq3A_76 = arith.cmpi eq, %jit3A_74, %eq3A_75 : i32
      %jit3A_77 = arith.constant 1 : i32
      %select_n3A_78 = arith.select %eq3A_76, %jit3A_77, %jit3A_74 : i32
      %rem3A_79 = arith.remsi %scan3A_57, %select_n3A_78 : i32
      %ne3A_80 = arith.constant 0 : i32
      %ne3A_81 = arith.cmpi ne, %rem3A_79, %ne3A_80 : i32
      %lt3A = arith.constant 0 : i32
      %lt3A_82 = arith.cmpi slt, %rem3A_79, %lt3A : i32
      %lt3A_83 = arith.constant 0 : i32
      %lt3A_84 = arith.cmpi slt, %select_n3A_78, %lt3A_83 : i32
      %ne3A_85 = arith.xori %lt3A_82, %lt3A_84 : i1
      %and3A_86 = arith.andi %ne3A_85, %ne3A_81 : i1
      %add3A_87 = arith.addi %rem3A_79, %select_n3A_78 : i32
      %select_n3A_88 = arith.select %and3A_86, %add3A_87, %rem3A_79 : i32
      %mul3A_89 = arith.constant 16 : i32
      %mul3A_90 = arith.muli %select_n3A_88, %mul3A_89 : i32
      %swap3A = arith.index_cast %select_n3A : i32 to index
      %swap3A_91 = arith.index_cast %mul3A_90 : i32 to index
      %swap3A_92 = tpu.vector_load %arg6[%swap3A, %swap3A_91] {strides = array<i32>} : memref<80x128xf32, #tpu.memory_space<vmem>>, vector<1x16xf32>,
      %swap3A_93 = vector.shape_cast %swap3A_92 : vector<1x16xf32> to vector<16xf32>
      %swap3A_94 = vector.shape_cast %broadcast_in_dim3A_3 : vector<16xf32> to vector<1x16xf32>
      tpu.vector_store %arg6[%swap3A, %swap3A_91], %swap3A_94 {strides = array<i32>} : memref<80x128xf32, #tpu.memory_space<vmem>>, vector<1x16xf32>,
    }
    %scan3A_14 = arith.constant 640 : i32
    %mul3A_15 = arith.constant 624 : i32
    %mul3A_16 = arith.muli %arg1, %mul3A_15 : i32
    %eq3A = arith.constant 15 : i32
    %eq3A_17 = arith.cmpi eq, %arg1, %eq3A : i32
    %add3A_18 = arith.constant 0 : i32
    %add3A_19 = arith.addi %mul3A_16, %add3A_18 : i32
    "tpu.region"() ({
      %run_scoped3A = tpu.sem_alloc : memref<!tpu.dma_semaphore, #tpu.memory_space<semaphore_mem>>
      %dma_start3A = arith.constant 0 : i32
      %dma_start3A_57 = tpu.memref_slice %arg4[%add3A_19, %dma_start3A] : memref<10000x128xf32, #tpu.memory_space<vmem_shared>> -> memref<48x128xf32, #tpu.memory_space<vmem_shared>>
      %dma_start3A_58 = arith.constant 0 : i32
      %dma_start3A_59 = tpu.memref_slice %arg4[%add3A_19, %dma_start3A_58] : memref<10000x128xf32, #tpu.memory_space<vmem_shared>> -> memref<48x128xf32, #tpu.memory_space<vmem_shared>>
      tpu.enqueue_dma source(%arg7 : memref<48x128xf32, #tpu.memory_space<vmem>>) target(%dma_start3A_59 : memref<48x128xf32, #tpu.memory_space<vmem_shared>>) target_semaphore(%run_scoped3A : memref<!tpu.dma_semaphore, #tpu.memory_space<semaphore_mem>>)
      %dma_wait3A = arith.constant 0 : i32
      %dma_wait3A_60 = tpu.memref_slice %arg4[%add3A_19, %dma_wait3A] : memref<10000x128xf32, #tpu.memory_space<vmem_shared>> -> memref<48x128xf32, #tpu.memory_space<vmem_shared>>
      %dma_wait3A_61 = arith.constant 0 : i32
      %dma_wait3A_62 = tpu.memref_slice %arg4[%add3A_19, %dma_wait3A_61] : memref<10000x128xf32, #tpu.memory_space<vmem_shared>> -> memref<48x128xf32, #tpu.memory_space<vmem_shared>>
      tpu.wait_dma2 semaphore(%run_scoped3A : memref<!tpu.dma_semaphore, #tpu.memory_space<semaphore_mem>>) src(%arg7 : memref<48x128xf32, #tpu.memory_space<vmem>>) dst(%dma_wait3A_62 : memref<48x128xf32, #tpu.memory_space<vmem_shared>>)
      tpu.yield
    }) : () -> ()
    %add3A_20 = arith.constant 48 : i32
    %add3A_21 = arith.addi %mul3A_16, %add3A_20 : i32
    "tpu.region"() ({
      %run_scoped3A = tpu.sem_alloc : memref<!tpu.dma_semaphore, #tpu.memory_space<semaphore_mem>>
      %dma_start3A = arith.constant 0 : i32
      %dma_start3A_57 = tpu.memref_slice %arg4[%add3A_21, %dma_start3A] : memref<10000x128xf32, #tpu.memory_space<vmem_shared>> -> memref<48x128xf32, #tpu.memory_space<vmem_shared>>
      %dma_start3A_58 = arith.constant 0 : i32
      %dma_start3A_59 = tpu.memref_slice %arg4[%add3A_21, %dma_start3A_58] : memref<10000x128xf32, #tpu.memory_space<vmem_shared>> -> memref<48x128xf32, #tpu.memory_space<vmem_shared>>
      tpu.enqueue_dma source(%arg7 : memref<48x128xf32, #tpu.memory_space<vmem>>) target(%dma_start3A_59 : memref<48x128xf32, #tpu.memory_space<vmem_shared>>) target_semaphore(%run_scoped3A : memref<!tpu.dma_semaphore, #tpu.memory_space<semaphore_mem>>)
      %dma_wait3A = arith.constant 0 : i32
      %dma_wait3A_60 = tpu.memref_slice %arg4[%add3A_21, %dma_wait3A] : memref<10000x128xf32, #tpu.memory_space<vmem_shared>> -> memref<48x128xf32, #tpu.memory_space<vmem_shared>>
      %dma_wait3A_61 = arith.constant 0 : i32
      %dma_wait3A_62 = tpu.memref_slice %arg4[%add3A_21, %dma_wait3A_61] : memref<10000x128xf32, #tpu.memory_space<vmem_shared>> -> memref<48x128xf32, #tpu.memory_space<vmem_shared>>
      tpu.wait_dma2 semaphore(%run_scoped3A : memref<!tpu.dma_semaphore, #tpu.memory_space<semaphore_mem>>) src(%arg7 : memref<48x128xf32, #tpu.memory_space<vmem>>) dst(%dma_wait3A_62 : memref<48x128xf32, #tpu.memory_space<vmem_shared>>)
      tpu.yield
    }) : () -> ()
    %add3A_22 = arith.constant 96 : i32
    %add3A_23 = arith.addi %mul3A_16, %add3A_22 : i32
    "tpu.region"() ({
      %run_scoped3A = tpu.sem_alloc : memref<!tpu.dma_semaphore, #tpu.memory_space<semaphore_mem>>
      %dma_start3A = arith.constant 0 : i32
      %dma_start3A_57 = tpu.memref_slice %arg4[%add3A_23, %dma_start3A] : memref<10000x128xf32, #tpu.memory_space<vmem_shared>> -> memref<48x128xf32, #tpu.memory_space<vmem_shared>>
      %dma_start3A_58 = arith.constant 0 : i32
      %dma_start3A_59 = tpu.memref_slice %arg4[%add3A_23, %dma_start3A_58] : memref<10000x128xf32, #tpu.memory_space<vmem_shared>> -> memref<48x128xf32, #tpu.memory_space<vmem_shared>>
      tpu.enqueue_dma source(%arg7 : memref<48x128xf32, #tpu.memory_space<vmem>>) target(%dma_start3A_59 : memref<48x128xf32, #tpu.memory_space<vmem_shared>>) target_semaphore(%run_scoped3A : memref<!tpu.dma_semaphore, #tpu.memory_space<semaphore_mem>>)
      %dma_wait3A = arith.constant 0 : i32
      %dma_wait3A_60 = tpu.memref_slice %arg4[%add3A_23, %dma_wait3A] : memref<10000x128xf32, #tpu.memory_space<vmem_shared>> -> memref<48x128xf32, #tpu.memory_space<vmem_shared>>
      %dma_wait3A_61 = arith.constant 0 : i32
      %dma_wait3A_62 = tpu.memref_slice %arg4[%add3A_23, %dma_wait3A_61] : memref<10000x128xf32, #tpu.memory_space<vmem_shared>> -> memref<48x128xf32, #tpu.memory_space<vmem_shared>>
      tpu.wait_dma2 semaphore(%run_scoped3A : memref<!tpu.dma_semaphore, #tpu.memory_space<semaphore_mem>>) src(%arg7 : memref<48x128xf32, #tpu.memory_space<vmem>>) dst(%dma_wait3A_62 : memref<48x128xf32, #tpu.memory_space<vmem_shared>>)
      tpu.yield
    }) : () -> ()
    %add3A_24 = arith.constant 144 : i32
    %add3A_25 = arith.addi %mul3A_16, %add3A_24 : i32
    "tpu.region"() ({
      %run_scoped3A = tpu.sem_alloc : memref<!tpu.dma_semaphore, #tpu.memory_space<semaphore_mem>>
      %dma_start3A = arith.constant 0 : i32
      %dma_start3A_57 = tpu.memref_slice %arg4[%add3A_25, %dma_start3A] : memref<10000x128xf32, #tpu.memory_space<vmem_shared>> -> memref<48x128xf32, #tpu.memory_space<vmem_shared>>
      %dma_start3A_58 = arith.constant 0 : i32
      %dma_start3A_59 = tpu.memref_slice %arg4[%add3A_25, %dma_start3A_58] : memref<10000x128xf32, #tpu.memory_space<vmem_shared>> -> memref<48x128xf32, #tpu.memory_space<vmem_shared>>
      tpu.enqueue_dma source(%arg7 : memref<48x128xf32, #tpu.memory_space<vmem>>) target(%dma_start3A_59 : memref<48x128xf32, #tpu.memory_space<vmem_shared>>) target_semaphore(%run_scoped3A : memref<!tpu.dma_semaphore, #tpu.memory_space<semaphore_mem>>)
      %dma_wait3A = arith.constant 0 : i32
      %dma_wait3A_60 = tpu.memref_slice %arg4[%add3A_25, %dma_wait3A] : memref<10000x128xf32, #tpu.memory_space<vmem_shared>> -> memref<48x128xf32, #tpu.memory_space<vmem_shared>>
      %dma_wait3A_61 = arith.constant 0 : i32
      %dma_wait3A_62 = tpu.memref_slice %arg4[%add3A_25, %dma_wait3A_61] : memref<10000x128xf32, #tpu.memory_space<vmem_shared>> -> memref<48x128xf32, #tpu.memory_space<vmem_shared>>
      tpu.wait_dma2 semaphore(%run_scoped3A : memref<!tpu.dma_semaphore, #tpu.memory_space<semaphore_mem>>) src(%arg7 : memref<48x128xf32, #tpu.memory_space<vmem>>) dst(%dma_wait3A_62 : memref<48x128xf32, #tpu.memory_space<vmem_shared>>)
      tpu.yield
    }) : () -> ()
    %add3A_26 = arith.constant 192 : i32
    %add3A_27 = arith.addi %mul3A_16, %add3A_26 : i32
    "tpu.region"() ({
      %run_scoped3A = tpu.sem_alloc : memref<!tpu.dma_semaphore, #tpu.memory_space<semaphore_mem>>
      %dma_start3A = arith.constant 0 : i32
      %dma_start3A_57 = tpu.memref_slice %arg4[%add3A_27, %dma_start3A] : memref<10000x128xf32, #tpu.memory_space<vmem_shared>> -> memref<48x128xf32, #tpu.memory_space<vmem_shared>>
      %dma_start3A_58 = arith.constant 0 : i32
      %dma_start3A_59 = tpu.memref_slice %arg4[%add3A_27, %dma_start3A_58] : memref<10000x128xf32, #tpu.memory_space<vmem_shared>> -> memref<48x128xf32, #tpu.memory_space<vmem_shared>>
      tpu.enqueue_dma source(%arg7 : memref<48x128xf32, #tpu.memory_space<vmem>>) target(%dma_start3A_59 : memref<48x128xf32, #tpu.memory_space<vmem_shared>>) target_semaphore(%run_scoped3A : memref<!tpu.dma_semaphore, #tpu.memory_space<semaphore_mem>>)
      %dma_wait3A = arith.constant 0 : i32
      %dma_wait3A_60 = tpu.memref_slice %arg4[%add3A_27, %dma_wait3A] : memref<10000x128xf32, #tpu.memory_space<vmem_shared>> -> memref<48x128xf32, #tpu.memory_space<vmem_shared>>
      %dma_wait3A_61 = arith.constant 0 : i32
      %dma_wait3A_62 = tpu.memref_slice %arg4[%add3A_27, %dma_wait3A_61] : memref<10000x128xf32, #tpu.memory_space<vmem_shared>> -> memref<48x128xf32, #tpu.memory_space<vmem_shared>>
      tpu.wait_dma2 semaphore(%run_scoped3A : memref<!tpu.dma_semaphore, #tpu.memory_space<semaphore_mem>>) src(%arg7 : memref<48x128xf32, #tpu.memory_space<vmem>>) dst(%dma_wait3A_62 : memref<48x128xf32, #tpu.memory_space<vmem_shared>>)
      tpu.yield
    }) : () -> ()
    %add3A_28 = arith.constant 240 : i32
    %add3A_29 = arith.addi %mul3A_16, %add3A_28 : i32
    "tpu.region"() ({
      %run_scoped3A = tpu.sem_alloc : memref<!tpu.dma_semaphore, #tpu.memory_space<semaphore_mem>>
      %dma_start3A = arith.constant 0 : i32
      %dma_start3A_57 = tpu.memref_slice %arg4[%add3A_29, %dma_start3A] : memref<10000x128xf32, #tpu.memory_space<vmem_shared>> -> memref<48x128xf32, #tpu.memory_space<vmem_shared>>
      %dma_start3A_58 = arith.constant 0 : i32
      %dma_start3A_59 = tpu.memref_slice %arg4[%add3A_29, %dma_start3A_58] : memref<10000x128xf32, #tpu.memory_space<vmem_shared>> -> memref<48x128xf32, #tpu.memory_space<vmem_shared>>
      tpu.enqueue_dma source(%arg7 : memref<48x128xf32, #tpu.memory_space<vmem>>) target(%dma_start3A_59 : memref<48x128xf32, #tpu.memory_space<vmem_shared>>) target_semaphore(%run_scoped3A : memref<!tpu.dma_semaphore, #tpu.memory_space<semaphore_mem>>)
      %dma_wait3A = arith.constant 0 : i32
      %dma_wait3A_60 = tpu.memref_slice %arg4[%add3A_29, %dma_wait3A] : memref<10000x128xf32, #tpu.memory_space<vmem_shared>> -> memref<48x128xf32, #tpu.memory_space<vmem_shared>>
      %dma_wait3A_61 = arith.constant 0 : i32
      %dma_wait3A_62 = tpu.memref_slice %arg4[%add3A_29, %dma_wait3A_61] : memref<10000x128xf32, #tpu.memory_space<vmem_shared>> -> memref<48x128xf32, #tpu.memory_space<vmem_shared>>
      tpu.wait_dma2 semaphore(%run_scoped3A : memref<!tpu.dma_semaphore, #tpu.memory_space<semaphore_mem>>) src(%arg7 : memref<48x128xf32, #tpu.memory_space<vmem>>) dst(%dma_wait3A_62 : memref<48x128xf32, #tpu.memory_space<vmem_shared>>)
      tpu.yield
    }) : () -> ()
    %add3A_30 = arith.constant 288 : i32
    %add3A_31 = arith.addi %mul3A_16, %add3A_30 : i32
    "tpu.region"() ({
      %run_scoped3A = tpu.sem_alloc : memref<!tpu.dma_semaphore, #tpu.memory_space<semaphore_mem>>
      %dma_start3A = arith.constant 0 : i32
      %dma_start3A_57 = tpu.memref_slice %arg4[%add3A_31, %dma_start3A] : memref<10000x128xf32, #tpu.memory_space<vmem_shared>> -> memref<48x128xf32, #tpu.memory_space<vmem_shared>>
      %dma_start3A_58 = arith.constant 0 : i32
      %dma_start3A_59 = tpu.memref_slice %arg4[%add3A_31, %dma_start3A_58] : memref<10000x128xf32, #tpu.memory_space<vmem_shared>> -> memref<48x128xf32, #tpu.memory_space<vmem_shared>>
      tpu.enqueue_dma source(%arg7 : memref<48x128xf32, #tpu.memory_space<vmem>>) target(%dma_start3A_59 : memref<48x128xf32, #tpu.memory_space<vmem_shared>>) target_semaphore(%run_scoped3A : memref<!tpu.dma_semaphore, #tpu.memory_space<semaphore_mem>>)
      %dma_wait3A = arith.constant 0 : i32
      %dma_wait3A_60 = tpu.memref_slice %arg4[%add3A_31, %dma_wait3A] : memref<10000x128xf32, #tpu.memory_space<vmem_shared>> -> memref<48x128xf32, #tpu.memory_space<vmem_shared>>
      %dma_wait3A_61 = arith.constant 0 : i32
      %dma_wait3A_62 = tpu.memref_slice %arg4[%add3A_31, %dma_wait3A_61] : memref<10000x128xf32, #tpu.memory_space<vmem_shared>> -> memref<48x128xf32, #tpu.memory_space<vmem_shared>>
      tpu.wait_dma2 semaphore(%run_scoped3A : memref<!tpu.dma_semaphore, #tpu.memory_space<semaphore_mem>>) src(%arg7 : memref<48x128xf32, #tpu.memory_space<vmem>>) dst(%dma_wait3A_62 : memref<48x128xf32, #tpu.memory_space<vmem_shared>>)
      tpu.yield
    }) : () -> ()
    %add3A_32 = arith.constant 336 : i32
    %add3A_33 = arith.addi %mul3A_16, %add3A_32 : i32
    "tpu.region"() ({
      %run_scoped3A = tpu.sem_alloc : memref<!tpu.dma_semaphore, #tpu.memory_space<semaphore_mem>>
      %dma_start3A = arith.constant 0 : i32
      %dma_start3A_57 = tpu.memref_slice %arg4[%add3A_33, %dma_start3A] : memref<10000x128xf32, #tpu.memory_space<vmem_shared>> -> memref<48x128xf32, #tpu.memory_space<vmem_shared>>
      %dma_start3A_58 = arith.constant 0 : i32
      %dma_start3A_59 = tpu.memref_slice %arg4[%add3A_33, %dma_start3A_58] : memref<10000x128xf32, #tpu.memory_space<vmem_shared>> -> memref<48x128xf32, #tpu.memory_space<vmem_shared>>
      tpu.enqueue_dma source(%arg7 : memref<48x128xf32, #tpu.memory_space<vmem>>) target(%dma_start3A_59 : memref<48x128xf32, #tpu.memory_space<vmem_shared>>) target_semaphore(%run_scoped3A : memref<!tpu.dma_semaphore, #tpu.memory_space<semaphore_mem>>)
      %dma_wait3A = arith.constant 0 : i32
      %dma_wait3A_60 = tpu.memref_slice %arg4[%add3A_33, %dma_wait3A] : memref<10000x128xf32, #tpu.memory_space<vmem_shared>> -> memref<48x128xf32, #tpu.memory_space<vmem_shared>>
      %dma_wait3A_61 = arith.constant 0 : i32
      %dma_wait3A_62 = tpu.memref_slice %arg4[%add3A_33, %dma_wait3A_61] : memref<10000x128xf32, #tpu.memory_space<vmem_shared>> -> memref<48x128xf32, #tpu.memory_space<vmem_shared>>
      tpu.wait_dma2 semaphore(%run_scoped3A : memref<!tpu.dma_semaphore, #tpu.memory_space<semaphore_mem>>) src(%arg7 : memref<48x128xf32, #tpu.memory_space<vmem>>) dst(%dma_wait3A_62 : memref<48x128xf32, #tpu.memory_space<vmem_shared>>)
      tpu.yield
    }) : () -> ()
    %add3A_34 = arith.constant 384 : i32
    %add3A_35 = arith.addi %mul3A_16, %add3A_34 : i32
    "tpu.region"() ({
      %run_scoped3A = tpu.sem_alloc : memref<!tpu.dma_semaphore, #tpu.memory_space<semaphore_mem>>
      %dma_start3A = arith.constant 0 : i32
      %dma_start3A_57 = tpu.memref_slice %arg4[%add3A_35, %dma_start3A] : memref<10000x128xf32, #tpu.memory_space<vmem_shared>> -> memref<48x128xf32, #tpu.memory_space<vmem_shared>>
      %dma_start3A_58 = arith.constant 0 : i32
      %dma_start3A_59 = tpu.memref_slice %arg4[%add3A_35, %dma_start3A_58] : memref<10000x128xf32, #tpu.memory_space<vmem_shared>> -> memref<48x128xf32, #tpu.memory_space<vmem_shared>>
      tpu.enqueue_dma source(%arg7 : memref<48x128xf32, #tpu.memory_space<vmem>>) target(%dma_start3A_59 : memref<48x128xf32, #tpu.memory_space<vmem_shared>>) target_semaphore(%run_scoped3A : memref<!tpu.dma_semaphore, #tpu.memory_space<semaphore_mem>>)
      %dma_wait3A = arith.constant 0 : i32
      %dma_wait3A_60 = tpu.memref_slice %arg4[%add3A_35, %dma_wait3A] : memref<10000x128xf32, #tpu.memory_space<vmem_shared>> -> memref<48x128xf32, #tpu.memory_space<vmem_shared>>
      %dma_wait3A_61 = arith.constant 0 : i32
      %dma_wait3A_62 = tpu.memref_slice %arg4[%add3A_35, %dma_wait3A_61] : memref<10000x128xf32, #tpu.memory_space<vmem_shared>> -> memref<48x128xf32, #tpu.memory_space<vmem_shared>>
      tpu.wait_dma2 semaphore(%run_scoped3A : memref<!tpu.dma_semaphore, #tpu.memory_space<semaphore_mem>>) src(%arg7 : memref<48x128xf32, #tpu.memory_space<vmem>>) dst(%dma_wait3A_62 : memref<48x128xf32, #tpu.memory_space<vmem_shared>>)
      tpu.yield
    }) : () -> ()
    %add3A_36 = arith.constant 432 : i32
    %add3A_37 = arith.addi %mul3A_16, %add3A_36 : i32
    "tpu.region"() ({
      %run_scoped3A = tpu.sem_alloc : memref<!tpu.dma_semaphore, #tpu.memory_space<semaphore_mem>>
      %dma_start3A = arith.constant 0 : i32
      %dma_start3A_57 = tpu.memref_slice %arg4[%add3A_37, %dma_start3A] : memref<10000x128xf32, #tpu.memory_space<vmem_shared>> -> memref<48x128xf32, #tpu.memory_space<vmem_shared>>
      %dma_start3A_58 = arith.constant 0 : i32
      %dma_start3A_59 = tpu.memref_slice %arg4[%add3A_37, %dma_start3A_58] : memref<10000x128xf32, #tpu.memory_space<vmem_shared>> -> memref<48x128xf32, #tpu.memory_space<vmem_shared>>
      tpu.enqueue_dma source(%arg7 : memref<48x128xf32, #tpu.memory_space<vmem>>) target(%dma_start3A_59 : memref<48x128xf32, #tpu.memory_space<vmem_shared>>) target_semaphore(%run_scoped3A : memref<!tpu.dma_semaphore, #tpu.memory_space<semaphore_mem>>)
      %dma_wait3A = arith.constant 0 : i32
      %dma_wait3A_60 = tpu.memref_slice %arg4[%add3A_37, %dma_wait3A] : memref<10000x128xf32, #tpu.memory_space<vmem_shared>> -> memref<48x128xf32, #tpu.memory_space<vmem_shared>>
      %dma_wait3A_61 = arith.constant 0 : i32
      %dma_wait3A_62 = tpu.memref_slice %arg4[%add3A_37, %dma_wait3A_61] : memref<10000x128xf32, #tpu.memory_space<vmem_shared>> -> memref<48x128xf32, #tpu.memory_space<vmem_shared>>
      tpu.wait_dma2 semaphore(%run_scoped3A : memref<!tpu.dma_semaphore, #tpu.memory_space<semaphore_mem>>) src(%arg7 : memref<48x128xf32, #tpu.memory_space<vmem>>) dst(%dma_wait3A_62 : memref<48x128xf32, #tpu.memory_space<vmem_shared>>)
      tpu.yield
    }) : () -> ()
    %add3A_38 = arith.constant 480 : i32
    %add3A_39 = arith.addi %mul3A_16, %add3A_38 : i32
    "tpu.region"() ({
      %run_scoped3A = tpu.sem_alloc : memref<!tpu.dma_semaphore, #tpu.memory_space<semaphore_mem>>
      %dma_start3A = arith.constant 0 : i32
      %dma_start3A_57 = tpu.memref_slice %arg4[%add3A_39, %dma_start3A] : memref<10000x128xf32, #tpu.memory_space<vmem_shared>> -> memref<48x128xf32, #tpu.memory_space<vmem_shared>>
      %dma_start3A_58 = arith.constant 0 : i32
      %dma_start3A_59 = tpu.memref_slice %arg4[%add3A_39, %dma_start3A_58] : memref<10000x128xf32, #tpu.memory_space<vmem_shared>> -> memref<48x128xf32, #tpu.memory_space<vmem_shared>>
      tpu.enqueue_dma source(%arg7 : memref<48x128xf32, #tpu.memory_space<vmem>>) target(%dma_start3A_59 : memref<48x128xf32, #tpu.memory_space<vmem_shared>>) target_semaphore(%run_scoped3A : memref<!tpu.dma_semaphore, #tpu.memory_space<semaphore_mem>>)
      %dma_wait3A = arith.constant 0 : i32
      %dma_wait3A_60 = tpu.memref_slice %arg4[%add3A_39, %dma_wait3A] : memref<10000x128xf32, #tpu.memory_space<vmem_shared>> -> memref<48x128xf32, #tpu.memory_space<vmem_shared>>
      %dma_wait3A_61 = arith.constant 0 : i32
      %dma_wait3A_62 = tpu.memref_slice %arg4[%add3A_39, %dma_wait3A_61] : memref<10000x128xf32, #tpu.memory_space<vmem_shared>> -> memref<48x128xf32, #tpu.memory_space<vmem_shared>>
      tpu.wait_dma2 semaphore(%run_scoped3A : memref<!tpu.dma_semaphore, #tpu.memory_space<semaphore_mem>>) src(%arg7 : memref<48x128xf32, #tpu.memory_space<vmem>>) dst(%dma_wait3A_62 : memref<48x128xf32, #tpu.memory_space<vmem_shared>>)
      tpu.yield
    }) : () -> ()
    %add3A_40 = arith.constant 528 : i32
    %add3A_41 = arith.addi %mul3A_16, %add3A_40 : i32
    "tpu.region"() ({
      %run_scoped3A = tpu.sem_alloc : memref<!tpu.dma_semaphore, #tpu.memory_space<semaphore_mem>>
      %dma_start3A = arith.constant 0 : i32
      %dma_start3A_57 = tpu.memref_slice %arg4[%add3A_41, %dma_start3A] : memref<10000x128xf32, #tpu.memory_space<vmem_shared>> -> memref<48x128xf32, #tpu.memory_space<vmem_shared>>
      %dma_start3A_58 = arith.constant 0 : i32
      %dma_start3A_59 = tpu.memref_slice %arg4[%add3A_41, %dma_start3A_58] : memref<10000x128xf32, #tpu.memory_space<vmem_shared>> -> memref<48x128xf32, #tpu.memory_space<vmem_shared>>
      tpu.enqueue_dma source(%arg7 : memref<48x128xf32, #tpu.memory_space<vmem>>) target(%dma_start3A_59 : memref<48x128xf32, #tpu.memory_space<vmem_shared>>) target_semaphore(%run_scoped3A : memref<!tpu.dma_semaphore, #tpu.memory_space<semaphore_mem>>)
      %dma_wait3A = arith.constant 0 : i32
      %dma_wait3A_60 = tpu.memref_slice %arg4[%add3A_41, %dma_wait3A] : memref<10000x128xf32, #tpu.memory_space<vmem_shared>> -> memref<48x128xf32, #tpu.memory_space<vmem_shared>>
      %dma_wait3A_61 = arith.constant 0 : i32
      %dma_wait3A_62 = tpu.memref_slice %arg4[%add3A_41, %dma_wait3A_61] : memref<10000x128xf32, #tpu.memory_space<vmem_shared>> -> memref<48x128xf32, #tpu.memory_space<vmem_shared>>
      tpu.wait_dma2 semaphore(%run_scoped3A : memref<!tpu.dma_semaphore, #tpu.memory_space<semaphore_mem>>) src(%arg7 : memref<48x128xf32, #tpu.memory_space<vmem>>) dst(%dma_wait3A_62 : memref<48x128xf32, #tpu.memory_space<vmem_shared>>)
      tpu.yield
    }) : () -> ()
    %add3A_42 = arith.constant 576 : i32
    %add3A_43 = arith.addi %mul3A_16, %add3A_42 : i32
    "tpu.region"() ({
      %run_scoped3A = tpu.sem_alloc : memref<!tpu.dma_semaphore, #tpu.memory_space<semaphore_mem>>
      %dma_start3A = arith.constant 0 : i32
      %dma_start3A_57 = tpu.memref_slice %arg4[%add3A_43, %dma_start3A] : memref<10000x128xf32, #tpu.memory_space<vmem_shared>> -> memref<48x128xf32, #tpu.memory_space<vmem_shared>>
      %dma_start3A_58 = arith.constant 0 : i32
      %dma_start3A_59 = tpu.memref_slice %arg4[%add3A_43, %dma_start3A_58] : memref<10000x128xf32, #tpu.memory_space<vmem_shared>> -> memref<48x128xf32, #tpu.memory_space<vmem_shared>>
      tpu.enqueue_dma source(%arg7 : memref<48x128xf32, #tpu.memory_space<vmem>>) target(%dma_start3A_59 : memref<48x128xf32, #tpu.memory_space<vmem_shared>>) target_semaphore(%run_scoped3A : memref<!tpu.dma_semaphore, #tpu.memory_space<semaphore_mem>>)
      %dma_wait3A = arith.constant 0 : i32
      %dma_wait3A_60 = tpu.memref_slice %arg4[%add3A_43, %dma_wait3A] : memref<10000x128xf32, #tpu.memory_space<vmem_shared>> -> memref<48x128xf32, #tpu.memory_space<vmem_shared>>
      %dma_wait3A_61 = arith.constant 0 : i32
      %dma_wait3A_62 = tpu.memref_slice %arg4[%add3A_43, %dma_wait3A_61] : memref<10000x128xf32, #tpu.memory_space<vmem_shared>> -> memref<48x128xf32, #tpu.memory_space<vmem_shared>>
      tpu.wait_dma2 semaphore(%run_scoped3A : memref<!tpu.dma_semaphore, #tpu.memory_space<semaphore_mem>>) src(%arg7 : memref<48x128xf32, #tpu.memory_space<vmem>>) dst(%dma_wait3A_62 : memref<48x128xf32, #tpu.memory_space<vmem_shared>>)
      tpu.yield
    }) : () -> ()
    %convert_element_type3A = arith.extui %eq3A_17 : i1 to i32
    %cond3A = arith.constant 0 : i32
    %cond3A_44 = arith.cmpi ne, %convert_element_type3A, %cond3A : i32
    scf.if %cond3A_44 {
      "tpu.region"() ({
        %run_scoped3A = tpu.sem_alloc : memref<!tpu.dma_semaphore, #tpu.memory_space<semaphore_mem>>
        %dma_start3A = arith.constant 0 : i32
        %dma_start3A_57 = arith.constant 0 : i32
        %dma_start3A_58 = tpu.memref_slice %arg7[%dma_start3A, %dma_start3A_57] : memref<48x128xf32, #tpu.memory_space<vmem>> -> memref<16x128xf32, #tpu.memory_space<vmem>>
        %dma_start3A_59 = arith.constant 9984 : i32
        %dma_start3A_60 = arith.constant 0 : i32
        %dma_start3A_61 = tpu.memref_slice %arg4[%dma_start3A_59, %dma_start3A_60] : memref<10000x128xf32, #tpu.memory_space<vmem_shared>> -> memref<16x128xf32, #tpu.memory_space<vmem_shared>>
        %dma_start3A_62 = arith.constant 9984 : i32
        %dma_start3A_63 = arith.constant 0 : i32
        %dma_start3A_64 = tpu.memref_slice %arg4[%dma_start3A_62, %dma_start3A_63] : memref<10000x128xf32, #tpu.memory_space<vmem_shared>> -> memref<16x128xf32, #tpu.memory_space<vmem_shared>>
        %dma_start3A_65 = arith.constant 0 : i32
        %dma_start3A_66 = arith.constant 0 : i32
        %dma_start3A_67 = tpu.memref_slice %arg7[%dma_start3A_65, %dma_start3A_66] : memref<48x128xf32, #tpu.memory_space<vmem>> -> memref<16x128xf32, #tpu.memory_space<vmem>>
        tpu.enqueue_dma source(%dma_start3A_67 : memref<16x128xf32, #tpu.memory_space<vmem>>) target(%dma_start3A_64 : memref<16x128xf32, #tpu.memory_space<vmem_shared>>) target_semaphore(%run_scoped3A : memref<!tpu.dma_semaphore, #tpu.memory_space<semaphore_mem>>)
        %dma_wait3A = arith.constant 0 : i32
        %dma_wait3A_68 = arith.constant 0 : i32
        %dma_wait3A_69 = tpu.memref_slice %arg7[%dma_wait3A, %dma_wait3A_68] : memref<48x128xf32, #tpu.memory_space<vmem>> -> memref<16x128xf32, #tpu.memory_space<vmem>>
        %dma_wait3A_70 = arith.constant 9984 : i32
        %dma_wait3A_71 = arith.constant 0 : i32
        %dma_wait3A_72 = tpu.memref_slice %arg4[%dma_wait3A_70, %dma_wait3A_71] : memref<10000x128xf32, #tpu.memory_space<vmem_shared>> -> memref<16x128xf32, #tpu.memory_space<vmem_shared>>
        %dma_wait3A_73 = arith.constant 9984 : i32
        %dma_wait3A_74 = arith.constant 0 : i32
        %dma_wait3A_75 = tpu.memref_slice %arg4[%dma_wait3A_73, %dma_wait3A_74] : memref<10000x128xf32, #tpu.memory_space<vmem_shared>> -> memref<16x128xf32, #tpu.memory_space<vmem_shared>>
        %dma_wait3A_76 = arith.constant 0 : i32
        %dma_wait3A_77 = arith.constant 0 : i32
        %dma_wait3A_78 = tpu.memref_slice %arg7[%dma_wait3A_76, %dma_wait3A_77] : memref<48x128xf32, #tpu.memory_space<vmem>> -> memref<16x128xf32, #tpu.memory_space<vmem>>
        tpu.wait_dma2 semaphore(%run_scoped3A : memref<!tpu.dma_semaphore, #tpu.memory_space<semaphore_mem>>) src(%dma_wait3A_78 : memref<16x128xf32, #tpu.memory_space<vmem>>) dst(%dma_wait3A_75 : memref<16x128xf32, #tpu.memory_space<vmem_shared>>)
        tpu.yield
      }) : () -> ()
    } else {
    }
    %barrier3A = arith.constant 0 : index
    tpu.barrier barrier_id(%barrier3A)
    %mul3A_45 = arith.constant 10000 : i32
    %mul3A_46 = arith.muli %add3A, %mul3A_45 : i32
    %scan3A_47 = arith.constant 0 : i32
    %scan3A_48 = arith.constant 0 : i32
    %scan3A_49 = arith.constant 125 : i32
    %scan3A_50 = arith.addi %scan3A_48, %scan3A_49 : i32
    %scan3A_51 = arith.constant 1 : i32
    scf.for %scan3A_57 = %scan3A_48 to %scan3A_50 step %scan3A_51  : i32 {
      %mul3A_58 = arith.constant 80 : i32
      %mul3A_59 = arith.muli %scan3A_57, %mul3A_58 : i32
      %add3A_60 = arith.addi %mul3A_46, %mul3A_59 : i32
      "tpu.region"() ({
        %run_scoped3A = tpu.sem_alloc : memref<!tpu.dma_semaphore, #tpu.memory_space<semaphore_mem>>
        %dma_start3A = tpu.memref_slice %arg2[%add3A_60] : memref<320000xi32, #tpu.memory_space<hbm>> -> memref<80xi32, #tpu.memory_space<hbm>>
        %dma_start3A_61 = tpu.memref_slice %arg2[%add3A_60] : memref<320000xi32, #tpu.memory_space<hbm>> -> memref<80xi32, #tpu.memory_space<hbm>>
        tpu.enqueue_dma source(%dma_start3A_61 : memref<80xi32, #tpu.memory_space<hbm>>) target(%arg5 : memref<80xi32, #tpu.memory_space<vmem>>) target_semaphore(%run_scoped3A : memref<!tpu.dma_semaphore, #tpu.memory_space<semaphore_mem>>)
        %dma_wait3A = tpu.memref_slice %arg2[%add3A_60] : memref<320000xi32, #tpu.memory_space<hbm>> -> memref<80xi32, #tpu.memory_space<hbm>>
        %dma_wait3A_62 = tpu.memref_slice %arg2[%add3A_60] : memref<320000xi32, #tpu.memory_space<hbm>> -> memref<80xi32, #tpu.memory_space<hbm>>
        tpu.wait_dma2 semaphore(%run_scoped3A : memref<!tpu.dma_semaphore, #tpu.memory_space<semaphore_mem>>) src(%dma_wait3A_62 : memref<80xi32, #tpu.memory_space<hbm>>) dst(%arg5 : memref<80xi32, #tpu.memory_space<vmem>>)
        tpu.yield
      }) : () -> ()
      "tpu.region"() ({
        %run_scoped3A = tpu.sem_alloc : memref<!tpu.dma_semaphore, #tpu.memory_space<semaphore_mem>>
        %dma_start3A = arith.constant 0 : i32
        %dma_start3A_61 = arith.constant 0 : i32
        %dma_start3A_62 = tpu.memref_slice %arg4[%dma_start3A, %dma_start3A_61] : memref<10000x128xf32, #tpu.memory_space<vmem_shared>> -> memref<10000x128xf32, #tpu.memory_space<vmem_shared>>
        tpu.enqueue_indirect_dma source(%arg6 : memref<80x128xf32, #tpu.memory_space<vmem>>) target(%dma_start3A_62 : memref<10000x128xf32, #tpu.memory_space<vmem_shared>>) offsets(%arg5 : memref<80xi32, #tpu.memory_space<vmem>>) semaphore(%run_scoped3A : memref<!tpu.dma_semaphore, #tpu.memory_space<semaphore_mem>>) {add = true}
        %dma_wait3A = arith.constant 0 : i32
        %dma_wait3A_63 = arith.constant 0 : i32
        %dma_wait3A_64 = tpu.memref_slice %arg4[%dma_wait3A, %dma_wait3A_63] : memref<10000x128xf32, #tpu.memory_space<vmem_shared>> -> memref<10000x128xf32, #tpu.memory_space<vmem_shared>>
        tpu.wait_indirect_dma semaphore(%run_scoped3A : memref<!tpu.dma_semaphore, #tpu.memory_space<semaphore_mem>>) src(%arg6 : memref<80x128xf32, #tpu.memory_space<vmem>>) dst(%dma_wait3A_64 : memref<10000x128xf32, #tpu.memory_space<vmem_shared>>)
        tpu.yield
      }) : () -> ()
    }
    %scan3A_52 = arith.constant 125 : i32
    %barrier3A_53 = arith.constant 0 : index
    tpu.barrier barrier_id(%barrier3A_53)
    "tpu.region"() ({
      %run_scoped3A = tpu.sem_alloc : memref<!tpu.dma_semaphore, #tpu.memory_space<semaphore_mem>>
      %dma_start3A = arith.constant 0 : i32
      %dma_start3A_57 = tpu.memref_slice %arg3[%arg0, %mul3A_16, %dma_start3A] : memref<2x10000x128xf32, #tpu.memory_space<hbm>> -> memref<1x624x128xf32, #tpu.memory_space<hbm>>
      %dma_start3A_58 = tpu.memref_squeeze %dma_start3A_57 : memref<1x624x128xf32, #tpu.memory_space<hbm>> -> memref<624x128xf32, #tpu.memory_space<hbm>>
      %dma_start3A_59 = arith.constant 0 : i32
      %dma_start3A_60 = tpu.memref_slice %arg4[%mul3A_16, %dma_start3A_59] : memref<10000x128xf32, #tpu.memory_space<vmem_shared>> -> memref<624x128xf32, #tpu.memory_space<vmem_shared>>
      tpu.enqueue_dma source(%dma_start3A_60 : memref<624x128xf32, #tpu.memory_space<vmem_shared>>) target(%dma_start3A_58 : memref<624x128xf32, #tpu.memory_space<hbm>>) target_semaphore(%run_scoped3A : memref<!tpu.dma_semaphore, #tpu.memory_space<semaphore_mem>>)
      %dma_wait3A = arith.constant 0 : i32
      %dma_wait3A_61 = tpu.memref_slice %arg3[%arg0, %mul3A_16, %dma_wait3A] : memref<2x10000x128xf32, #tpu.memory_space<hbm>> -> memref<1x624x128xf32, #tpu.memory_space<hbm>>
      %dma_wait3A_62 = tpu.memref_squeeze %dma_wait3A_61 : memref<1x624x128xf32, #tpu.memory_space<hbm>> -> memref<624x128xf32, #tpu.memory_space<hbm>>
      %dma_wait3A_63 = arith.constant 0 : i32
      %dma_wait3A_64 = tpu.memref_slice %arg4[%mul3A_16, %dma_wait3A_63] : memref<10000x128xf32, #tpu.memory_space<vmem_shared>> -> memref<624x128xf32, #tpu.memory_space<vmem_shared>>
      tpu.wait_dma2 semaphore(%run_scoped3A : memref<!tpu.dma_semaphore, #tpu.memory_space<semaphore_mem>>) src(%dma_wait3A_64 : memref<624x128xf32, #tpu.memory_space<vmem_shared>>) dst(%dma_wait3A_62 : memref<624x128xf32, #tpu.memory_space<hbm>>)
      tpu.yield
    }) : () -> ()
    %convert_element_type3A_54 = arith.extui %eq3A_17 : i1 to i32
    %cond3A_55 = arith.constant 0 : i32
    %cond3A_56 = arith.cmpi ne, %convert_element_type3A_54, %cond3A_55 : i32
    scf.if %cond3A_56 {
      "tpu.region"() ({
        %run_scoped3A = tpu.sem_alloc : memref<!tpu.dma_semaphore, #tpu.memory_space<semaphore_mem>>
        %dma_start3A = arith.constant 9984 : i32
        %dma_start3A_57 = arith.constant 0 : i32
        %dma_start3A_58 = tpu.memref_slice %arg3[%arg0, %dma_start3A, %dma_start3A_57] : memref<2x10000x128xf32, #tpu.memory_space<hbm>> -> memref<1x16x128xf32, #tpu.memory_space<hbm>>
        %dma_start3A_59 = tpu.memref_squeeze %dma_start3A_58 : memref<1x16x128xf32, #tpu.memory_space<hbm>> -> memref<16x128xf32, #tpu.memory_space<hbm>>
        %dma_start3A_60 = arith.constant 9984 : i32
        %dma_start3A_61 = arith.constant 0 : i32
        %dma_start3A_62 = tpu.memref_slice %arg4[%dma_start3A_60, %dma_start3A_61] : memref<10000x128xf32, #tpu.memory_space<vmem_shared>> -> memref<16x128xf32, #tpu.memory_space<vmem_shared>>
        tpu.enqueue_dma source(%dma_start3A_62 : memref<16x128xf32, #tpu.memory_space<vmem_shared>>) target(%dma_start3A_59 : memref<16x128xf32, #tpu.memory_space<hbm>>) target_semaphore(%run_scoped3A : memref<!tpu.dma_semaphore, #tpu.memory_space<semaphore_mem>>)
        %dma_wait3A = arith.constant 9984 : i32
        %dma_wait3A_63 = arith.constant 0 : i32
        %dma_wait3A_64 = tpu.memref_slice %arg3[%arg0, %dma_wait3A, %dma_wait3A_63] : memref<2x10000x128xf32, #tpu.memory_space<hbm>> -> memref<1x16x128xf32, #tpu.memory_space<hbm>>
        %dma_wait3A_65 = tpu.memref_squeeze %dma_wait3A_64 : memref<1x16x128xf32, #tpu.memory_space<hbm>> -> memref<16x128xf32, #tpu.memory_space<hbm>>
        %dma_wait3A_66 = arith.constant 9984 : i32
        %dma_wait3A_67 = arith.constant 0 : i32
        %dma_wait3A_68 = tpu.memref_slice %arg4[%dma_wait3A_66, %dma_wait3A_67] : memref<10000x128xf32, #tpu.memory_space<vmem_shared>> -> memref<16x128xf32, #tpu.memory_space<vmem_shared>>
        tpu.wait_dma2 semaphore(%run_scoped3A : memref<!tpu.dma_semaphore, #tpu.memory_space<semaphore_mem>>) src(%dma_wait3A_68 : memref<16x128xf32, #tpu.memory_space<vmem_shared>>) dst(%dma_wait3A_65 : memref<16x128xf32, #tpu.memory_space<hbm>>)
        tpu.yield
      }) : () -> ()
    } else {
    }
    return
  }
}

#map = affine_map<(d0, d1) -> (0)>
#map1 = affine_map<(d0, d1) -> (0, 0)>
#map2 = affine_map<(d0, d1) -> (0, 0, 0)>
module attributes {stable_mosaic.version = 14 : i64} {
  func.func @body(%arg0: i32, %arg1: i32, %arg2: memref<320000xi32, #tpu.memory_space<hbm>>, %arg3: memref<320000xi32, #tpu.memory_space<hbm>>, %arg4: memref<10000x128xf32, #tpu.memory_space<hbm>>, %arg5: memref<2x10000x128xf32, #tpu.memory_space<hbm>>, %arg6: memref<10000x128xf32, #tpu.memory_space<vmem_shared>>, %arg7: memref<80xi32, #tpu.memory_space<vmem>>, %arg8: memref<80xi32, #tpu.memory_space<vmem>>, %arg9: memref<80x128xf32, #tpu.memory_space<vmem>>, %arg10: memref<80xi32, #tpu.memory_space<vmem>>, %arg11: memref<80xi32, #tpu.memory_space<vmem>>, %arg12: memref<80x128xf32, #tpu.memory_space<vmem>>, %arg13: memref<48x128xf32, #tpu.memory_space<vmem>>, %arg14: memref<!tpu.dma_semaphore, #tpu.memory_space<semaphore_mem>>, %arg15: memref<!tpu.dma_semaphore, #tpu.memory_space<semaphore_mem>>) attributes {dimension_semantics = [#tpu.dimension_semantics<core_parallel>, #tpu.dimension_semantics<subcore_parallel>], iteration_bounds = array<i64: 2, 16>, scalar_prefetch = 0 : i64, scratch_operands = 10 : i64, tpu.core_type = #tpu.core_type<sc_vector_subcore>, window_params = [{transform_indices = #map}, {transform_indices = #map}, {transform_indices = #map1}, {transform_indices = #map2}]} {
    %mul3A = arith.constant 2 : i32
    %mul3A_0 = arith.muli %arg1, %mul3A : i32
    %add3A = arith.addi %mul3A_0, %arg0 : i32
    %broadcast_in_dim3A = arith.constant 0.000000e+00 : f32
    %broadcast_in_dim3A_1 = vector.broadcast %broadcast_in_dim3A : f32 to vector<16xf32>
    %scan3A = arith.constant 0 : i32
    %scan3A_2 = arith.constant 0 : i32
    %scan3A_3 = arith.constant 384 : i32
    %scan3A_4 = arith.addi %scan3A_2, %scan3A_3 : i32
    %scan3A_5 = arith.constant 1 : i32
    scf.for %scan3A_55 = %scan3A_2 to %scan3A_4 step %scan3A_5  : i32 {
      %jit3A = arith.constant 8 : i32
      %div3A = arith.divsi %scan3A_55, %jit3A : i32
      %sign3A = arith.constant 0 : i32
      %sign3A_56 = arith.cmpi sgt, %scan3A_55, %sign3A : i32
      %sign3A_57 = arith.extui %sign3A_56 : i1 to i32
      %sign3A_58 = arith.constant 0 : i32
      %sign3A_59 = arith.cmpi slt, %scan3A_55, %sign3A_58 : i32
      %sign3A_60 = arith.extui %sign3A_59 : i1 to i32
      %sign3A_61 = arith.subi %sign3A_57, %sign3A_60 : i32
      %sign3A_62 = arith.constant 0 : i32
      %sign3A_63 = arith.cmpi sgt, %jit3A, %sign3A_62 : i32
      %sign3A_64 = arith.extui %sign3A_63 : i1 to i32
      %sign3A_65 = arith.constant 0 : i32
      %sign3A_66 = arith.cmpi slt, %jit3A, %sign3A_65 : i32
      %sign3A_67 = arith.extui %sign3A_66 : i1 to i32
      %sign3A_68 = arith.subi %sign3A_64, %sign3A_67 : i32
      %ne3A = arith.cmpi ne, %sign3A_61, %sign3A_68 : i32
      %rem3A = arith.remsi %scan3A_55, %jit3A : i32
      %ne3A_69 = arith.constant 0 : i32
      %ne3A_70 = arith.cmpi ne, %rem3A, %ne3A_69 : i32
      %and3A = arith.andi %ne3A, %ne3A_70 : i1
      %sub3A = arith.constant 1 : i32
      %sub3A_71 = arith.subi %div3A, %sub3A : i32
      %select_n3A = arith.select %and3A, %sub3A_71, %div3A : i32
      %jit3A_72 = arith.constant 8 : i32
      %eq3A_73 = arith.constant 0 : i32
      %eq3A_74 = arith.cmpi eq, %jit3A_72, %eq3A_73 : i32
      %jit3A_75 = arith.constant 1 : i32
      %select_n3A_76 = arith.select %eq3A_74, %jit3A_75, %jit3A_72 : i32
      %rem3A_77 = arith.remsi %scan3A_55, %select_n3A_76 : i32
      %ne3A_78 = arith.constant 0 : i32
      %ne3A_79 = arith.cmpi ne, %rem3A_77, %ne3A_78 : i32
      %lt3A = arith.constant 0 : i32
      %lt3A_80 = arith.cmpi slt, %rem3A_77, %lt3A : i32
      %lt3A_81 = arith.constant 0 : i32
      %lt3A_82 = arith.cmpi slt, %select_n3A_76, %lt3A_81 : i32
      %ne3A_83 = arith.xori %lt3A_80, %lt3A_82 : i1
      %and3A_84 = arith.andi %ne3A_83, %ne3A_79 : i1
      %add3A_85 = arith.addi %rem3A_77, %select_n3A_76 : i32
      %select_n3A_86 = arith.select %and3A_84, %add3A_85, %rem3A_77 : i32
      %mul3A_87 = arith.constant 16 : i32
      %mul3A_88 = arith.muli %select_n3A_86, %mul3A_87 : i32
      %swap3A = arith.index_cast %select_n3A : i32 to index
      %swap3A_89 = arith.index_cast %mul3A_88 : i32 to index
      %swap3A_90 = tpu.vector_load %arg13[%swap3A, %swap3A_89] {strides = array<i32>} : memref<48x128xf32, #tpu.memory_space<vmem>>, vector<1x16xf32>,
      %swap3A_91 = vector.shape_cast %swap3A_90 : vector<1x16xf32> to vector<16xf32>
      %swap3A_92 = vector.shape_cast %broadcast_in_dim3A_1 : vector<16xf32> to vector<1x16xf32>
      tpu.vector_store %arg13[%swap3A, %swap3A_89], %swap3A_92 {strides = array<i32>} : memref<48x128xf32, #tpu.memory_space<vmem>>, vector<1x16xf32>,
    }
    %scan3A_6 = arith.constant 384 : i32
    %mul3A_7 = arith.constant 624 : i32
    %mul3A_8 = arith.muli %arg1, %mul3A_7 : i32
    %eq3A = arith.constant 15 : i32
    %eq3A_9 = arith.cmpi eq, %arg1, %eq3A : i32
    %add3A_10 = arith.constant 0 : i32
    %add3A_11 = arith.addi %mul3A_8, %add3A_10 : i32
    "tpu.region"() ({
      %run_scoped3A = tpu.sem_alloc : memref<!tpu.dma_semaphore, #tpu.memory_space<semaphore_mem>>
      %dma_start3A_55 = arith.constant 0 : i32
      %dma_start3A_56 = tpu.memref_slice %arg6[%add3A_11, %dma_start3A_55] : memref<10000x128xf32, #tpu.memory_space<vmem_shared>> -> memref<48x128xf32, #tpu.memory_space<vmem_shared>>
      %dma_start3A_57 = arith.constant 0 : i32
      %dma_start3A_58 = tpu.memref_slice %arg6[%add3A_11, %dma_start3A_57] : memref<10000x128xf32, #tpu.memory_space<vmem_shared>> -> memref<48x128xf32, #tpu.memory_space<vmem_shared>>
      tpu.enqueue_dma source(%arg13 : memref<48x128xf32, #tpu.memory_space<vmem>>) target(%dma_start3A_58 : memref<48x128xf32, #tpu.memory_space<vmem_shared>>) target_semaphore(%run_scoped3A : memref<!tpu.dma_semaphore, #tpu.memory_space<semaphore_mem>>)
      %dma_wait3A_59 = arith.constant 0 : i32
      %dma_wait3A_60 = tpu.memref_slice %arg6[%add3A_11, %dma_wait3A_59] : memref<10000x128xf32, #tpu.memory_space<vmem_shared>> -> memref<48x128xf32, #tpu.memory_space<vmem_shared>>
      %dma_wait3A_61 = arith.constant 0 : i32
      %dma_wait3A_62 = tpu.memref_slice %arg6[%add3A_11, %dma_wait3A_61] : memref<10000x128xf32, #tpu.memory_space<vmem_shared>> -> memref<48x128xf32, #tpu.memory_space<vmem_shared>>
      tpu.wait_dma2 semaphore(%run_scoped3A : memref<!tpu.dma_semaphore, #tpu.memory_space<semaphore_mem>>) src(%arg13 : memref<48x128xf32, #tpu.memory_space<vmem>>) dst(%dma_wait3A_62 : memref<48x128xf32, #tpu.memory_space<vmem_shared>>)
      tpu.yield
    }) : () -> ()
    %add3A_12 = arith.constant 48 : i32
    %add3A_13 = arith.addi %mul3A_8, %add3A_12 : i32
    "tpu.region"() ({
      %run_scoped3A = tpu.sem_alloc : memref<!tpu.dma_semaphore, #tpu.memory_space<semaphore_mem>>
      %dma_start3A_55 = arith.constant 0 : i32
      %dma_start3A_56 = tpu.memref_slice %arg6[%add3A_13, %dma_start3A_55] : memref<10000x128xf32, #tpu.memory_space<vmem_shared>> -> memref<48x128xf32, #tpu.memory_space<vmem_shared>>
      %dma_start3A_57 = arith.constant 0 : i32
      %dma_start3A_58 = tpu.memref_slice %arg6[%add3A_13, %dma_start3A_57] : memref<10000x128xf32, #tpu.memory_space<vmem_shared>> -> memref<48x128xf32, #tpu.memory_space<vmem_shared>>
      tpu.enqueue_dma source(%arg13 : memref<48x128xf32, #tpu.memory_space<vmem>>) target(%dma_start3A_58 : memref<48x128xf32, #tpu.memory_space<vmem_shared>>) target_semaphore(%run_scoped3A : memref<!tpu.dma_semaphore, #tpu.memory_space<semaphore_mem>>)
      %dma_wait3A_59 = arith.constant 0 : i32
      %dma_wait3A_60 = tpu.memref_slice %arg6[%add3A_13, %dma_wait3A_59] : memref<10000x128xf32, #tpu.memory_space<vmem_shared>> -> memref<48x128xf32, #tpu.memory_space<vmem_shared>>
      %dma_wait3A_61 = arith.constant 0 : i32
      %dma_wait3A_62 = tpu.memref_slice %arg6[%add3A_13, %dma_wait3A_61] : memref<10000x128xf32, #tpu.memory_space<vmem_shared>> -> memref<48x128xf32, #tpu.memory_space<vmem_shared>>
      tpu.wait_dma2 semaphore(%run_scoped3A : memref<!tpu.dma_semaphore, #tpu.memory_space<semaphore_mem>>) src(%arg13 : memref<48x128xf32, #tpu.memory_space<vmem>>) dst(%dma_wait3A_62 : memref<48x128xf32, #tpu.memory_space<vmem_shared>>)
      tpu.yield
    }) : () -> ()
    %add3A_14 = arith.constant 96 : i32
    %add3A_15 = arith.addi %mul3A_8, %add3A_14 : i32
    "tpu.region"() ({
      %run_scoped3A = tpu.sem_alloc : memref<!tpu.dma_semaphore, #tpu.memory_space<semaphore_mem>>
      %dma_start3A_55 = arith.constant 0 : i32
      %dma_start3A_56 = tpu.memref_slice %arg6[%add3A_15, %dma_start3A_55] : memref<10000x128xf32, #tpu.memory_space<vmem_shared>> -> memref<48x128xf32, #tpu.memory_space<vmem_shared>>
      %dma_start3A_57 = arith.constant 0 : i32
      %dma_start3A_58 = tpu.memref_slice %arg6[%add3A_15, %dma_start3A_57] : memref<10000x128xf32, #tpu.memory_space<vmem_shared>> -> memref<48x128xf32, #tpu.memory_space<vmem_shared>>
      tpu.enqueue_dma source(%arg13 : memref<48x128xf32, #tpu.memory_space<vmem>>) target(%dma_start3A_58 : memref<48x128xf32, #tpu.memory_space<vmem_shared>>) target_semaphore(%run_scoped3A : memref<!tpu.dma_semaphore, #tpu.memory_space<semaphore_mem>>)
      %dma_wait3A_59 = arith.constant 0 : i32
      %dma_wait3A_60 = tpu.memref_slice %arg6[%add3A_15, %dma_wait3A_59] : memref<10000x128xf32, #tpu.memory_space<vmem_shared>> -> memref<48x128xf32, #tpu.memory_space<vmem_shared>>
      %dma_wait3A_61 = arith.constant 0 : i32
      %dma_wait3A_62 = tpu.memref_slice %arg6[%add3A_15, %dma_wait3A_61] : memref<10000x128xf32, #tpu.memory_space<vmem_shared>> -> memref<48x128xf32, #tpu.memory_space<vmem_shared>>
      tpu.wait_dma2 semaphore(%run_scoped3A : memref<!tpu.dma_semaphore, #tpu.memory_space<semaphore_mem>>) src(%arg13 : memref<48x128xf32, #tpu.memory_space<vmem>>) dst(%dma_wait3A_62 : memref<48x128xf32, #tpu.memory_space<vmem_shared>>)
      tpu.yield
    }) : () -> ()
    %add3A_16 = arith.constant 144 : i32
    %add3A_17 = arith.addi %mul3A_8, %add3A_16 : i32
    "tpu.region"() ({
      %run_scoped3A = tpu.sem_alloc : memref<!tpu.dma_semaphore, #tpu.memory_space<semaphore_mem>>
      %dma_start3A_55 = arith.constant 0 : i32
      %dma_start3A_56 = tpu.memref_slice %arg6[%add3A_17, %dma_start3A_55] : memref<10000x128xf32, #tpu.memory_space<vmem_shared>> -> memref<48x128xf32, #tpu.memory_space<vmem_shared>>
      %dma_start3A_57 = arith.constant 0 : i32
      %dma_start3A_58 = tpu.memref_slice %arg6[%add3A_17, %dma_start3A_57] : memref<10000x128xf32, #tpu.memory_space<vmem_shared>> -> memref<48x128xf32, #tpu.memory_space<vmem_shared>>
      tpu.enqueue_dma source(%arg13 : memref<48x128xf32, #tpu.memory_space<vmem>>) target(%dma_start3A_58 : memref<48x128xf32, #tpu.memory_space<vmem_shared>>) target_semaphore(%run_scoped3A : memref<!tpu.dma_semaphore, #tpu.memory_space<semaphore_mem>>)
      %dma_wait3A_59 = arith.constant 0 : i32
      %dma_wait3A_60 = tpu.memref_slice %arg6[%add3A_17, %dma_wait3A_59] : memref<10000x128xf32, #tpu.memory_space<vmem_shared>> -> memref<48x128xf32, #tpu.memory_space<vmem_shared>>
      %dma_wait3A_61 = arith.constant 0 : i32
      %dma_wait3A_62 = tpu.memref_slice %arg6[%add3A_17, %dma_wait3A_61] : memref<10000x128xf32, #tpu.memory_space<vmem_shared>> -> memref<48x128xf32, #tpu.memory_space<vmem_shared>>
      tpu.wait_dma2 semaphore(%run_scoped3A : memref<!tpu.dma_semaphore, #tpu.memory_space<semaphore_mem>>) src(%arg13 : memref<48x128xf32, #tpu.memory_space<vmem>>) dst(%dma_wait3A_62 : memref<48x128xf32, #tpu.memory_space<vmem_shared>>)
      tpu.yield
    }) : () -> ()
    %add3A_18 = arith.constant 192 : i32
    %add3A_19 = arith.addi %mul3A_8, %add3A_18 : i32
    "tpu.region"() ({
      %run_scoped3A = tpu.sem_alloc : memref<!tpu.dma_semaphore, #tpu.memory_space<semaphore_mem>>
      %dma_start3A_55 = arith.constant 0 : i32
      %dma_start3A_56 = tpu.memref_slice %arg6[%add3A_19, %dma_start3A_55] : memref<10000x128xf32, #tpu.memory_space<vmem_shared>> -> memref<48x128xf32, #tpu.memory_space<vmem_shared>>
      %dma_start3A_57 = arith.constant 0 : i32
      %dma_start3A_58 = tpu.memref_slice %arg6[%add3A_19, %dma_start3A_57] : memref<10000x128xf32, #tpu.memory_space<vmem_shared>> -> memref<48x128xf32, #tpu.memory_space<vmem_shared>>
      tpu.enqueue_dma source(%arg13 : memref<48x128xf32, #tpu.memory_space<vmem>>) target(%dma_start3A_58 : memref<48x128xf32, #tpu.memory_space<vmem_shared>>) target_semaphore(%run_scoped3A : memref<!tpu.dma_semaphore, #tpu.memory_space<semaphore_mem>>)
      %dma_wait3A_59 = arith.constant 0 : i32
      %dma_wait3A_60 = tpu.memref_slice %arg6[%add3A_19, %dma_wait3A_59] : memref<10000x128xf32, #tpu.memory_space<vmem_shared>> -> memref<48x128xf32, #tpu.memory_space<vmem_shared>>
      %dma_wait3A_61 = arith.constant 0 : i32
      %dma_wait3A_62 = tpu.memref_slice %arg6[%add3A_19, %dma_wait3A_61] : memref<10000x128xf32, #tpu.memory_space<vmem_shared>> -> memref<48x128xf32, #tpu.memory_space<vmem_shared>>
      tpu.wait_dma2 semaphore(%run_scoped3A : memref<!tpu.dma_semaphore, #tpu.memory_space<semaphore_mem>>) src(%arg13 : memref<48x128xf32, #tpu.memory_space<vmem>>) dst(%dma_wait3A_62 : memref<48x128xf32, #tpu.memory_space<vmem_shared>>)
      tpu.yield
    }) : () -> ()
    %add3A_20 = arith.constant 240 : i32
    %add3A_21 = arith.addi %mul3A_8, %add3A_20 : i32
    "tpu.region"() ({
      %run_scoped3A = tpu.sem_alloc : memref<!tpu.dma_semaphore, #tpu.memory_space<semaphore_mem>>
      %dma_start3A_55 = arith.constant 0 : i32
      %dma_start3A_56 = tpu.memref_slice %arg6[%add3A_21, %dma_start3A_55] : memref<10000x128xf32, #tpu.memory_space<vmem_shared>> -> memref<48x128xf32, #tpu.memory_space<vmem_shared>>
      %dma_start3A_57 = arith.constant 0 : i32
      %dma_start3A_58 = tpu.memref_slice %arg6[%add3A_21, %dma_start3A_57] : memref<10000x128xf32, #tpu.memory_space<vmem_shared>> -> memref<48x128xf32, #tpu.memory_space<vmem_shared>>
      tpu.enqueue_dma source(%arg13 : memref<48x128xf32, #tpu.memory_space<vmem>>) target(%dma_start3A_58 : memref<48x128xf32, #tpu.memory_space<vmem_shared>>) target_semaphore(%run_scoped3A : memref<!tpu.dma_semaphore, #tpu.memory_space<semaphore_mem>>)
      %dma_wait3A_59 = arith.constant 0 : i32
      %dma_wait3A_60 = tpu.memref_slice %arg6[%add3A_21, %dma_wait3A_59] : memref<10000x128xf32, #tpu.memory_space<vmem_shared>> -> memref<48x128xf32, #tpu.memory_space<vmem_shared>>
      %dma_wait3A_61 = arith.constant 0 : i32
      %dma_wait3A_62 = tpu.memref_slice %arg6[%add3A_21, %dma_wait3A_61] : memref<10000x128xf32, #tpu.memory_space<vmem_shared>> -> memref<48x128xf32, #tpu.memory_space<vmem_shared>>
      tpu.wait_dma2 semaphore(%run_scoped3A : memref<!tpu.dma_semaphore, #tpu.memory_space<semaphore_mem>>) src(%arg13 : memref<48x128xf32, #tpu.memory_space<vmem>>) dst(%dma_wait3A_62 : memref<48x128xf32, #tpu.memory_space<vmem_shared>>)
      tpu.yield
    }) : () -> ()
    %add3A_22 = arith.constant 288 : i32
    %add3A_23 = arith.addi %mul3A_8, %add3A_22 : i32
    "tpu.region"() ({
      %run_scoped3A = tpu.sem_alloc : memref<!tpu.dma_semaphore, #tpu.memory_space<semaphore_mem>>
      %dma_start3A_55 = arith.constant 0 : i32
      %dma_start3A_56 = tpu.memref_slice %arg6[%add3A_23, %dma_start3A_55] : memref<10000x128xf32, #tpu.memory_space<vmem_shared>> -> memref<48x128xf32, #tpu.memory_space<vmem_shared>>
      %dma_start3A_57 = arith.constant 0 : i32
      %dma_start3A_58 = tpu.memref_slice %arg6[%add3A_23, %dma_start3A_57] : memref<10000x128xf32, #tpu.memory_space<vmem_shared>> -> memref<48x128xf32, #tpu.memory_space<vmem_shared>>
      tpu.enqueue_dma source(%arg13 : memref<48x128xf32, #tpu.memory_space<vmem>>) target(%dma_start3A_58 : memref<48x128xf32, #tpu.memory_space<vmem_shared>>) target_semaphore(%run_scoped3A : memref<!tpu.dma_semaphore, #tpu.memory_space<semaphore_mem>>)
      %dma_wait3A_59 = arith.constant 0 : i32
      %dma_wait3A_60 = tpu.memref_slice %arg6[%add3A_23, %dma_wait3A_59] : memref<10000x128xf32, #tpu.memory_space<vmem_shared>> -> memref<48x128xf32, #tpu.memory_space<vmem_shared>>
      %dma_wait3A_61 = arith.constant 0 : i32
      %dma_wait3A_62 = tpu.memref_slice %arg6[%add3A_23, %dma_wait3A_61] : memref<10000x128xf32, #tpu.memory_space<vmem_shared>> -> memref<48x128xf32, #tpu.memory_space<vmem_shared>>
      tpu.wait_dma2 semaphore(%run_scoped3A : memref<!tpu.dma_semaphore, #tpu.memory_space<semaphore_mem>>) src(%arg13 : memref<48x128xf32, #tpu.memory_space<vmem>>) dst(%dma_wait3A_62 : memref<48x128xf32, #tpu.memory_space<vmem_shared>>)
      tpu.yield
    }) : () -> ()
    %add3A_24 = arith.constant 336 : i32
    %add3A_25 = arith.addi %mul3A_8, %add3A_24 : i32
    "tpu.region"() ({
      %run_scoped3A = tpu.sem_alloc : memref<!tpu.dma_semaphore, #tpu.memory_space<semaphore_mem>>
      %dma_start3A_55 = arith.constant 0 : i32
      %dma_start3A_56 = tpu.memref_slice %arg6[%add3A_25, %dma_start3A_55] : memref<10000x128xf32, #tpu.memory_space<vmem_shared>> -> memref<48x128xf32, #tpu.memory_space<vmem_shared>>
      %dma_start3A_57 = arith.constant 0 : i32
      %dma_start3A_58 = tpu.memref_slice %arg6[%add3A_25, %dma_start3A_57] : memref<10000x128xf32, #tpu.memory_space<vmem_shared>> -> memref<48x128xf32, #tpu.memory_space<vmem_shared>>
      tpu.enqueue_dma source(%arg13 : memref<48x128xf32, #tpu.memory_space<vmem>>) target(%dma_start3A_58 : memref<48x128xf32, #tpu.memory_space<vmem_shared>>) target_semaphore(%run_scoped3A : memref<!tpu.dma_semaphore, #tpu.memory_space<semaphore_mem>>)
      %dma_wait3A_59 = arith.constant 0 : i32
      %dma_wait3A_60 = tpu.memref_slice %arg6[%add3A_25, %dma_wait3A_59] : memref<10000x128xf32, #tpu.memory_space<vmem_shared>> -> memref<48x128xf32, #tpu.memory_space<vmem_shared>>
      %dma_wait3A_61 = arith.constant 0 : i32
      %dma_wait3A_62 = tpu.memref_slice %arg6[%add3A_25, %dma_wait3A_61] : memref<10000x128xf32, #tpu.memory_space<vmem_shared>> -> memref<48x128xf32, #tpu.memory_space<vmem_shared>>
      tpu.wait_dma2 semaphore(%run_scoped3A : memref<!tpu.dma_semaphore, #tpu.memory_space<semaphore_mem>>) src(%arg13 : memref<48x128xf32, #tpu.memory_space<vmem>>) dst(%dma_wait3A_62 : memref<48x128xf32, #tpu.memory_space<vmem_shared>>)
      tpu.yield
    }) : () -> ()
    %add3A_26 = arith.constant 384 : i32
    %add3A_27 = arith.addi %mul3A_8, %add3A_26 : i32
    "tpu.region"() ({
      %run_scoped3A = tpu.sem_alloc : memref<!tpu.dma_semaphore, #tpu.memory_space<semaphore_mem>>
      %dma_start3A_55 = arith.constant 0 : i32
      %dma_start3A_56 = tpu.memref_slice %arg6[%add3A_27, %dma_start3A_55] : memref<10000x128xf32, #tpu.memory_space<vmem_shared>> -> memref<48x128xf32, #tpu.memory_space<vmem_shared>>
      %dma_start3A_57 = arith.constant 0 : i32
      %dma_start3A_58 = tpu.memref_slice %arg6[%add3A_27, %dma_start3A_57] : memref<10000x128xf32, #tpu.memory_space<vmem_shared>> -> memref<48x128xf32, #tpu.memory_space<vmem_shared>>
      tpu.enqueue_dma source(%arg13 : memref<48x128xf32, #tpu.memory_space<vmem>>) target(%dma_start3A_58 : memref<48x128xf32, #tpu.memory_space<vmem_shared>>) target_semaphore(%run_scoped3A : memref<!tpu.dma_semaphore, #tpu.memory_space<semaphore_mem>>)
      %dma_wait3A_59 = arith.constant 0 : i32
      %dma_wait3A_60 = tpu.memref_slice %arg6[%add3A_27, %dma_wait3A_59] : memref<10000x128xf32, #tpu.memory_space<vmem_shared>> -> memref<48x128xf32, #tpu.memory_space<vmem_shared>>
      %dma_wait3A_61 = arith.constant 0 : i32
      %dma_wait3A_62 = tpu.memref_slice %arg6[%add3A_27, %dma_wait3A_61] : memref<10000x128xf32, #tpu.memory_space<vmem_shared>> -> memref<48x128xf32, #tpu.memory_space<vmem_shared>>
      tpu.wait_dma2 semaphore(%run_scoped3A : memref<!tpu.dma_semaphore, #tpu.memory_space<semaphore_mem>>) src(%arg13 : memref<48x128xf32, #tpu.memory_space<vmem>>) dst(%dma_wait3A_62 : memref<48x128xf32, #tpu.memory_space<vmem_shared>>)
      tpu.yield
    }) : () -> ()
    %add3A_28 = arith.constant 432 : i32
    %add3A_29 = arith.addi %mul3A_8, %add3A_28 : i32
    "tpu.region"() ({
      %run_scoped3A = tpu.sem_alloc : memref<!tpu.dma_semaphore, #tpu.memory_space<semaphore_mem>>
      %dma_start3A_55 = arith.constant 0 : i32
      %dma_start3A_56 = tpu.memref_slice %arg6[%add3A_29, %dma_start3A_55] : memref<10000x128xf32, #tpu.memory_space<vmem_shared>> -> memref<48x128xf32, #tpu.memory_space<vmem_shared>>
      %dma_start3A_57 = arith.constant 0 : i32
      %dma_start3A_58 = tpu.memref_slice %arg6[%add3A_29, %dma_start3A_57] : memref<10000x128xf32, #tpu.memory_space<vmem_shared>> -> memref<48x128xf32, #tpu.memory_space<vmem_shared>>
      tpu.enqueue_dma source(%arg13 : memref<48x128xf32, #tpu.memory_space<vmem>>) target(%dma_start3A_58 : memref<48x128xf32, #tpu.memory_space<vmem_shared>>) target_semaphore(%run_scoped3A : memref<!tpu.dma_semaphore, #tpu.memory_space<semaphore_mem>>)
      %dma_wait3A_59 = arith.constant 0 : i32
      %dma_wait3A_60 = tpu.memref_slice %arg6[%add3A_29, %dma_wait3A_59] : memref<10000x128xf32, #tpu.memory_space<vmem_shared>> -> memref<48x128xf32, #tpu.memory_space<vmem_shared>>
      %dma_wait3A_61 = arith.constant 0 : i32
      %dma_wait3A_62 = tpu.memref_slice %arg6[%add3A_29, %dma_wait3A_61] : memref<10000x128xf32, #tpu.memory_space<vmem_shared>> -> memref<48x128xf32, #tpu.memory_space<vmem_shared>>
      tpu.wait_dma2 semaphore(%run_scoped3A : memref<!tpu.dma_semaphore, #tpu.memory_space<semaphore_mem>>) src(%arg13 : memref<48x128xf32, #tpu.memory_space<vmem>>) dst(%dma_wait3A_62 : memref<48x128xf32, #tpu.memory_space<vmem_shared>>)
      tpu.yield
    }) : () -> ()
    %add3A_30 = arith.constant 480 : i32
    %add3A_31 = arith.addi %mul3A_8, %add3A_30 : i32
    "tpu.region"() ({
      %run_scoped3A = tpu.sem_alloc : memref<!tpu.dma_semaphore, #tpu.memory_space<semaphore_mem>>
      %dma_start3A_55 = arith.constant 0 : i32
      %dma_start3A_56 = tpu.memref_slice %arg6[%add3A_31, %dma_start3A_55] : memref<10000x128xf32, #tpu.memory_space<vmem_shared>> -> memref<48x128xf32, #tpu.memory_space<vmem_shared>>
      %dma_start3A_57 = arith.constant 0 : i32
      %dma_start3A_58 = tpu.memref_slice %arg6[%add3A_31, %dma_start3A_57] : memref<10000x128xf32, #tpu.memory_space<vmem_shared>> -> memref<48x128xf32, #tpu.memory_space<vmem_shared>>
      tpu.enqueue_dma source(%arg13 : memref<48x128xf32, #tpu.memory_space<vmem>>) target(%dma_start3A_58 : memref<48x128xf32, #tpu.memory_space<vmem_shared>>) target_semaphore(%run_scoped3A : memref<!tpu.dma_semaphore, #tpu.memory_space<semaphore_mem>>)
      %dma_wait3A_59 = arith.constant 0 : i32
      %dma_wait3A_60 = tpu.memref_slice %arg6[%add3A_31, %dma_wait3A_59] : memref<10000x128xf32, #tpu.memory_space<vmem_shared>> -> memref<48x128xf32, #tpu.memory_space<vmem_shared>>
      %dma_wait3A_61 = arith.constant 0 : i32
      %dma_wait3A_62 = tpu.memref_slice %arg6[%add3A_31, %dma_wait3A_61] : memref<10000x128xf32, #tpu.memory_space<vmem_shared>> -> memref<48x128xf32, #tpu.memory_space<vmem_shared>>
      tpu.wait_dma2 semaphore(%run_scoped3A : memref<!tpu.dma_semaphore, #tpu.memory_space<semaphore_mem>>) src(%arg13 : memref<48x128xf32, #tpu.memory_space<vmem>>) dst(%dma_wait3A_62 : memref<48x128xf32, #tpu.memory_space<vmem_shared>>)
      tpu.yield
    }) : () -> ()
    %add3A_32 = arith.constant 528 : i32
    %add3A_33 = arith.addi %mul3A_8, %add3A_32 : i32
    "tpu.region"() ({
      %run_scoped3A = tpu.sem_alloc : memref<!tpu.dma_semaphore, #tpu.memory_space<semaphore_mem>>
      %dma_start3A_55 = arith.constant 0 : i32
      %dma_start3A_56 = tpu.memref_slice %arg6[%add3A_33, %dma_start3A_55] : memref<10000x128xf32, #tpu.memory_space<vmem_shared>> -> memref<48x128xf32, #tpu.memory_space<vmem_shared>>
      %dma_start3A_57 = arith.constant 0 : i32
      %dma_start3A_58 = tpu.memref_slice %arg6[%add3A_33, %dma_start3A_57] : memref<10000x128xf32, #tpu.memory_space<vmem_shared>> -> memref<48x128xf32, #tpu.memory_space<vmem_shared>>
      tpu.enqueue_dma source(%arg13 : memref<48x128xf32, #tpu.memory_space<vmem>>) target(%dma_start3A_58 : memref<48x128xf32, #tpu.memory_space<vmem_shared>>) target_semaphore(%run_scoped3A : memref<!tpu.dma_semaphore, #tpu.memory_space<semaphore_mem>>)
      %dma_wait3A_59 = arith.constant 0 : i32
      %dma_wait3A_60 = tpu.memref_slice %arg6[%add3A_33, %dma_wait3A_59] : memref<10000x128xf32, #tpu.memory_space<vmem_shared>> -> memref<48x128xf32, #tpu.memory_space<vmem_shared>>
      %dma_wait3A_61 = arith.constant 0 : i32
      %dma_wait3A_62 = tpu.memref_slice %arg6[%add3A_33, %dma_wait3A_61] : memref<10000x128xf32, #tpu.memory_space<vmem_shared>> -> memref<48x128xf32, #tpu.memory_space<vmem_shared>>
      tpu.wait_dma2 semaphore(%run_scoped3A : memref<!tpu.dma_semaphore, #tpu.memory_space<semaphore_mem>>) src(%arg13 : memref<48x128xf32, #tpu.memory_space<vmem>>) dst(%dma_wait3A_62 : memref<48x128xf32, #tpu.memory_space<vmem_shared>>)
      tpu.yield
    }) : () -> ()
    %add3A_34 = arith.constant 576 : i32
    %add3A_35 = arith.addi %mul3A_8, %add3A_34 : i32
    "tpu.region"() ({
      %run_scoped3A = tpu.sem_alloc : memref<!tpu.dma_semaphore, #tpu.memory_space<semaphore_mem>>
      %dma_start3A_55 = arith.constant 0 : i32
      %dma_start3A_56 = tpu.memref_slice %arg6[%add3A_35, %dma_start3A_55] : memref<10000x128xf32, #tpu.memory_space<vmem_shared>> -> memref<48x128xf32, #tpu.memory_space<vmem_shared>>
      %dma_start3A_57 = arith.constant 0 : i32
      %dma_start3A_58 = tpu.memref_slice %arg6[%add3A_35, %dma_start3A_57] : memref<10000x128xf32, #tpu.memory_space<vmem_shared>> -> memref<48x128xf32, #tpu.memory_space<vmem_shared>>
      tpu.enqueue_dma source(%arg13 : memref<48x128xf32, #tpu.memory_space<vmem>>) target(%dma_start3A_58 : memref<48x128xf32, #tpu.memory_space<vmem_shared>>) target_semaphore(%run_scoped3A : memref<!tpu.dma_semaphore, #tpu.memory_space<semaphore_mem>>)
      %dma_wait3A_59 = arith.constant 0 : i32
      %dma_wait3A_60 = tpu.memref_slice %arg6[%add3A_35, %dma_wait3A_59] : memref<10000x128xf32, #tpu.memory_space<vmem_shared>> -> memref<48x128xf32, #tpu.memory_space<vmem_shared>>
      %dma_wait3A_61 = arith.constant 0 : i32
      %dma_wait3A_62 = tpu.memref_slice %arg6[%add3A_35, %dma_wait3A_61] : memref<10000x128xf32, #tpu.memory_space<vmem_shared>> -> memref<48x128xf32, #tpu.memory_space<vmem_shared>>
      tpu.wait_dma2 semaphore(%run_scoped3A : memref<!tpu.dma_semaphore, #tpu.memory_space<semaphore_mem>>) src(%arg13 : memref<48x128xf32, #tpu.memory_space<vmem>>) dst(%dma_wait3A_62 : memref<48x128xf32, #tpu.memory_space<vmem_shared>>)
      tpu.yield
    }) : () -> ()
    %convert_element_type3A = arith.extui %eq3A_9 : i1 to i32
    %cond3A = arith.constant 0 : i32
    %cond3A_36 = arith.cmpi ne, %convert_element_type3A, %cond3A : i32
    scf.if %cond3A_36 {
      "tpu.region"() ({
        %run_scoped3A = tpu.sem_alloc : memref<!tpu.dma_semaphore, #tpu.memory_space<semaphore_mem>>
        %dma_start3A_55 = arith.constant 0 : i32
        %dma_start3A_56 = arith.constant 0 : i32
        %dma_start3A_57 = tpu.memref_slice %arg13[%dma_start3A_55, %dma_start3A_56] : memref<48x128xf32, #tpu.memory_space<vmem>> -> memref<16x128xf32, #tpu.memory_space<vmem>>
        %dma_start3A_58 = arith.constant 9984 : i32
        %dma_start3A_59 = arith.constant 0 : i32
        %dma_start3A_60 = tpu.memref_slice %arg6[%dma_start3A_58, %dma_start3A_59] : memref<10000x128xf32, #tpu.memory_space<vmem_shared>> -> memref<16x128xf32, #tpu.memory_space<vmem_shared>>
        %dma_start3A_61 = arith.constant 9984 : i32
        %dma_start3A_62 = arith.constant 0 : i32
        %dma_start3A_63 = tpu.memref_slice %arg6[%dma_start3A_61, %dma_start3A_62] : memref<10000x128xf32, #tpu.memory_space<vmem_shared>> -> memref<16x128xf32, #tpu.memory_space<vmem_shared>>
        %dma_start3A_64 = arith.constant 0 : i32
        %dma_start3A_65 = arith.constant 0 : i32
        %dma_start3A_66 = tpu.memref_slice %arg13[%dma_start3A_64, %dma_start3A_65] : memref<48x128xf32, #tpu.memory_space<vmem>> -> memref<16x128xf32, #tpu.memory_space<vmem>>
        tpu.enqueue_dma source(%dma_start3A_66 : memref<16x128xf32, #tpu.memory_space<vmem>>) target(%dma_start3A_63 : memref<16x128xf32, #tpu.memory_space<vmem_shared>>) target_semaphore(%run_scoped3A : memref<!tpu.dma_semaphore, #tpu.memory_space<semaphore_mem>>)
        %dma_wait3A_67 = arith.constant 0 : i32
        %dma_wait3A_68 = arith.constant 0 : i32
        %dma_wait3A_69 = tpu.memref_slice %arg13[%dma_wait3A_67, %dma_wait3A_68] : memref<48x128xf32, #tpu.memory_space<vmem>> -> memref<16x128xf32, #tpu.memory_space<vmem>>
        %dma_wait3A_70 = arith.constant 9984 : i32
        %dma_wait3A_71 = arith.constant 0 : i32
        %dma_wait3A_72 = tpu.memref_slice %arg6[%dma_wait3A_70, %dma_wait3A_71] : memref<10000x128xf32, #tpu.memory_space<vmem_shared>> -> memref<16x128xf32, #tpu.memory_space<vmem_shared>>
        %dma_wait3A_73 = arith.constant 9984 : i32
        %dma_wait3A_74 = arith.constant 0 : i32
        %dma_wait3A_75 = tpu.memref_slice %arg6[%dma_wait3A_73, %dma_wait3A_74] : memref<10000x128xf32, #tpu.memory_space<vmem_shared>> -> memref<16x128xf32, #tpu.memory_space<vmem_shared>>
        %dma_wait3A_76 = arith.constant 0 : i32
        %dma_wait3A_77 = arith.constant 0 : i32
        %dma_wait3A_78 = tpu.memref_slice %arg13[%dma_wait3A_76, %dma_wait3A_77] : memref<48x128xf32, #tpu.memory_space<vmem>> -> memref<16x128xf32, #tpu.memory_space<vmem>>
        tpu.wait_dma2 semaphore(%run_scoped3A : memref<!tpu.dma_semaphore, #tpu.memory_space<semaphore_mem>>) src(%dma_wait3A_78 : memref<16x128xf32, #tpu.memory_space<vmem>>) dst(%dma_wait3A_75 : memref<16x128xf32, #tpu.memory_space<vmem_shared>>)
        tpu.yield
      }) : () -> ()
    } else {
    }
    %barrier3A = arith.constant 0 : index
    tpu.barrier barrier_id(%barrier3A)
    %mul3A_37 = arith.constant 10000 : i32
    %mul3A_38 = arith.muli %add3A, %mul3A_37 : i32
    %add3A_39 = arith.constant 0 : i32
    %add3A_40 = arith.addi %mul3A_38, %add3A_39 : i32
    "tpu.region"() ({
      %run_scoped3A = tpu.sem_alloc : memref<!tpu.dma_semaphore, #tpu.memory_space<semaphore_mem>>
      %dma_start3A_55 = tpu.memref_slice %arg2[%add3A_40] : memref<320000xi32, #tpu.memory_space<hbm>> -> memref<80xi32, #tpu.memory_space<hbm>>
      %dma_start3A_56 = tpu.memref_slice %arg2[%add3A_40] : memref<320000xi32, #tpu.memory_space<hbm>> -> memref<80xi32, #tpu.memory_space<hbm>>
      tpu.enqueue_dma source(%dma_start3A_56 : memref<80xi32, #tpu.memory_space<hbm>>) target(%arg7 : memref<80xi32, #tpu.memory_space<vmem>>) target_semaphore(%run_scoped3A : memref<!tpu.dma_semaphore, #tpu.memory_space<semaphore_mem>>)
      %dma_wait3A_57 = tpu.memref_slice %arg2[%add3A_40] : memref<320000xi32, #tpu.memory_space<hbm>> -> memref<80xi32, #tpu.memory_space<hbm>>
      %dma_wait3A_58 = tpu.memref_slice %arg2[%add3A_40] : memref<320000xi32, #tpu.memory_space<hbm>> -> memref<80xi32, #tpu.memory_space<hbm>>
      tpu.wait_dma2 semaphore(%run_scoped3A : memref<!tpu.dma_semaphore, #tpu.memory_space<semaphore_mem>>) src(%dma_wait3A_58 : memref<80xi32, #tpu.memory_space<hbm>>) dst(%arg7 : memref<80xi32, #tpu.memory_space<vmem>>)
      tpu.yield
    }) : () -> ()
    "tpu.region"() ({
      %run_scoped3A = tpu.sem_alloc : memref<!tpu.dma_semaphore, #tpu.memory_space<semaphore_mem>>
      %dma_start3A_55 = tpu.memref_slice %arg3[%add3A_40] : memref<320000xi32, #tpu.memory_space<hbm>> -> memref<80xi32, #tpu.memory_space<hbm>>
      %dma_start3A_56 = tpu.memref_slice %arg3[%add3A_40] : memref<320000xi32, #tpu.memory_space<hbm>> -> memref<80xi32, #tpu.memory_space<hbm>>
      tpu.enqueue_dma source(%dma_start3A_56 : memref<80xi32, #tpu.memory_space<hbm>>) target(%arg8 : memref<80xi32, #tpu.memory_space<vmem>>) target_semaphore(%run_scoped3A : memref<!tpu.dma_semaphore, #tpu.memory_space<semaphore_mem>>)
      %dma_wait3A_57 = tpu.memref_slice %arg3[%add3A_40] : memref<320000xi32, #tpu.memory_space<hbm>> -> memref<80xi32, #tpu.memory_space<hbm>>
      %dma_wait3A_58 = tpu.memref_slice %arg3[%add3A_40] : memref<320000xi32, #tpu.memory_space<hbm>> -> memref<80xi32, #tpu.memory_space<hbm>>
      tpu.wait_dma2 semaphore(%run_scoped3A : memref<!tpu.dma_semaphore, #tpu.memory_space<semaphore_mem>>) src(%dma_wait3A_58 : memref<80xi32, #tpu.memory_space<hbm>>) dst(%arg8 : memref<80xi32, #tpu.memory_space<vmem>>)
      tpu.yield
    }) : () -> ()
    %dma_start3A = arith.constant 0 : i32
    %dma_start3A_41 = arith.constant 0 : i32
    %dma_start3A_42 = tpu.memref_slice %arg4[%dma_start3A, %dma_start3A_41] : memref<10000x128xf32, #tpu.memory_space<hbm>> -> memref<10000x128xf32, #tpu.memory_space<hbm>>
    tpu.enqueue_indirect_dma source(%dma_start3A_42 : memref<10000x128xf32, #tpu.memory_space<hbm>>) target(%arg9 : memref<80x128xf32, #tpu.memory_space<vmem>>) offsets(%arg7 : memref<80xi32, #tpu.memory_space<vmem>>) semaphore(%arg14 : memref<!tpu.dma_semaphore, #tpu.memory_space<semaphore_mem>>)
    %scan3A_43 = arith.constant 0 : i32
    %scan3A_44 = arith.constant 0 : i32
    %scan3A_45 = arith.constant 62 : i32
    %scan3A_46 = arith.addi %scan3A_44, %scan3A_45 : i32
    %scan3A_47 = arith.constant 1 : i32
    scf.for %scan3A_55 = %scan3A_44 to %scan3A_46 step %scan3A_47  : i32 {
      %mul3A_56 = arith.constant 2 : i32
      %mul3A_57 = arith.muli %mul3A_56, %scan3A_55 : i32
      %add3A_58 = arith.constant 1 : i32
      %add3A_59 = arith.addi %mul3A_57, %add3A_58 : i32
      %mul3A_60 = arith.constant 80 : i32
      %mul3A_61 = arith.muli %add3A_59, %mul3A_60 : i32
      %add3A_62 = arith.addi %mul3A_38, %mul3A_61 : i32
      "tpu.region"() ({
        %run_scoped3A = tpu.sem_alloc : memref<!tpu.dma_semaphore, #tpu.memory_space<semaphore_mem>>
        %dma_start3A_80 = tpu.memref_slice %arg2[%add3A_62] : memref<320000xi32, #tpu.memory_space<hbm>> -> memref<80xi32, #tpu.memory_space<hbm>>
        %dma_start3A_81 = tpu.memref_slice %arg2[%add3A_62] : memref<320000xi32, #tpu.memory_space<hbm>> -> memref<80xi32, #tpu.memory_space<hbm>>
        tpu.enqueue_dma source(%dma_start3A_81 : memref<80xi32, #tpu.memory_space<hbm>>) target(%arg10 : memref<80xi32, #tpu.memory_space<vmem>>) target_semaphore(%run_scoped3A : memref<!tpu.dma_semaphore, #tpu.memory_space<semaphore_mem>>)
        %dma_wait3A_82 = tpu.memref_slice %arg2[%add3A_62] : memref<320000xi32, #tpu.memory_space<hbm>> -> memref<80xi32, #tpu.memory_space<hbm>>
        %dma_wait3A_83 = tpu.memref_slice %arg2[%add3A_62] : memref<320000xi32, #tpu.memory_space<hbm>> -> memref<80xi32, #tpu.memory_space<hbm>>
        tpu.wait_dma2 semaphore(%run_scoped3A : memref<!tpu.dma_semaphore, #tpu.memory_space<semaphore_mem>>) src(%dma_wait3A_83 : memref<80xi32, #tpu.memory_space<hbm>>) dst(%arg10 : memref<80xi32, #tpu.memory_space<vmem>>)
        tpu.yield
      }) : () -> ()
      "tpu.region"() ({
        %run_scoped3A = tpu.sem_alloc : memref<!tpu.dma_semaphore, #tpu.memory_space<semaphore_mem>>
        %dma_start3A_80 = tpu.memref_slice %arg3[%add3A_62] : memref<320000xi32, #tpu.memory_space<hbm>> -> memref<80xi32, #tpu.memory_space<hbm>>
        %dma_start3A_81 = tpu.memref_slice %arg3[%add3A_62] : memref<320000xi32, #tpu.memory_space<hbm>> -> memref<80xi32, #tpu.memory_space<hbm>>
        tpu.enqueue_dma source(%dma_start3A_81 : memref<80xi32, #tpu.memory_space<hbm>>) target(%arg11 : memref<80xi32, #tpu.memory_space<vmem>>) target_semaphore(%run_scoped3A : memref<!tpu.dma_semaphore, #tpu.memory_space<semaphore_mem>>)
        %dma_wait3A_82 = tpu.memref_slice %arg3[%add3A_62] : memref<320000xi32, #tpu.memory_space<hbm>> -> memref<80xi32, #tpu.memory_space<hbm>>
        %dma_wait3A_83 = tpu.memref_slice %arg3[%add3A_62] : memref<320000xi32, #tpu.memory_space<hbm>> -> memref<80xi32, #tpu.memory_space<hbm>>
        tpu.wait_dma2 semaphore(%run_scoped3A : memref<!tpu.dma_semaphore, #tpu.memory_space<semaphore_mem>>) src(%dma_wait3A_83 : memref<80xi32, #tpu.memory_space<hbm>>) dst(%arg11 : memref<80xi32, #tpu.memory_space<vmem>>)
        tpu.yield
      }) : () -> ()
      %dma_start3A_63 = arith.constant 0 : i32
      %dma_start3A_64 = arith.constant 0 : i32
      %dma_start3A_65 = tpu.memref_slice %arg4[%dma_start3A_63, %dma_start3A_64] : memref<10000x128xf32, #tpu.memory_space<hbm>> -> memref<10000x128xf32, #tpu.memory_space<hbm>>
      tpu.enqueue_indirect_dma source(%dma_start3A_65 : memref<10000x128xf32, #tpu.memory_space<hbm>>) target(%arg12 : memref<80x128xf32, #tpu.memory_space<vmem>>) offsets(%arg10 : memref<80xi32, #tpu.memory_space<vmem>>) semaphore(%arg15 : memref<!tpu.dma_semaphore, #tpu.memory_space<semaphore_mem>>)
      %dma_wait3A_66 = arith.constant 0 : i32
      %dma_wait3A_67 = arith.constant 0 : i32
      %dma_wait3A_68 = tpu.memref_slice %arg4[%dma_wait3A_66, %dma_wait3A_67] : memref<10000x128xf32, #tpu.memory_space<hbm>> -> memref<10000x128xf32, #tpu.memory_space<hbm>>
      tpu.wait_indirect_dma semaphore(%arg14 : memref<!tpu.dma_semaphore, #tpu.memory_space<semaphore_mem>>) src(%dma_wait3A_68 : memref<10000x128xf32, #tpu.memory_space<hbm>>) dst(%arg9 : memref<80x128xf32, #tpu.memory_space<vmem>>)
      "tpu.region"() ({
        %run_scoped3A = tpu.sem_alloc : memref<!tpu.dma_semaphore, #tpu.memory_space<semaphore_mem>>
        %dma_start3A_80 = arith.constant 0 : i32
        %dma_start3A_81 = arith.constant 0 : i32
        %dma_start3A_82 = tpu.memref_slice %arg6[%dma_start3A_80, %dma_start3A_81] : memref<10000x128xf32, #tpu.memory_space<vmem_shared>> -> memref<10000x128xf32, #tpu.memory_space<vmem_shared>>
        tpu.enqueue_indirect_dma source(%arg9 : memref<80x128xf32, #tpu.memory_space<vmem>>) target(%dma_start3A_82 : memref<10000x128xf32, #tpu.memory_space<vmem_shared>>) offsets(%arg8 : memref<80xi32, #tpu.memory_space<vmem>>) semaphore(%run_scoped3A : memref<!tpu.dma_semaphore, #tpu.memory_space<semaphore_mem>>) {add = true}
        %dma_wait3A_83 = arith.constant 0 : i32
        %dma_wait3A_84 = arith.constant 0 : i32
        %dma_wait3A_85 = tpu.memref_slice %arg6[%dma_wait3A_83, %dma_wait3A_84] : memref<10000x128xf32, #tpu.memory_space<vmem_shared>> -> memref<10000x128xf32, #tpu.memory_space<vmem_shared>>
        tpu.wait_indirect_dma semaphore(%run_scoped3A : memref<!tpu.dma_semaphore, #tpu.memory_space<semaphore_mem>>) src(%arg9 : memref<80x128xf32, #tpu.memory_space<vmem>>) dst(%dma_wait3A_85 : memref<10000x128xf32, #tpu.memory_space<vmem_shared>>)
        tpu.yield
      }) : () -> ()
      %add3A_69 = arith.constant 2 : i32
      %add3A_70 = arith.addi %mul3A_57, %add3A_69 : i32
      %mul3A_71 = arith.constant 80 : i32
      %mul3A_72 = arith.muli %add3A_70, %mul3A_71 : i32
      %add3A_73 = arith.addi %mul3A_38, %mul3A_72 : i32
      "tpu.region"() ({
        %run_scoped3A = tpu.sem_alloc : memref<!tpu.dma_semaphore, #tpu.memory_space<semaphore_mem>>
        %dma_start3A_80 = tpu.memref_slice %arg2[%add3A_73] : memref<320000xi32, #tpu.memory_space<hbm>> -> memref<80xi32, #tpu.memory_space<hbm>>
        %dma_start3A_81 = tpu.memref_slice %arg2[%add3A_73] : memref<320000xi32, #tpu.memory_space<hbm>> -> memref<80xi32, #tpu.memory_space<hbm>>
        tpu.enqueue_dma source(%dma_start3A_81 : memref<80xi32, #tpu.memory_space<hbm>>) target(%arg7 : memref<80xi32, #tpu.memory_space<vmem>>) target_semaphore(%run_scoped3A : memref<!tpu.dma_semaphore, #tpu.memory_space<semaphore_mem>>)
        %dma_wait3A_82 = tpu.memref_slice %arg2[%add3A_73] : memref<320000xi32, #tpu.memory_space<hbm>> -> memref<80xi32, #tpu.memory_space<hbm>>
        %dma_wait3A_83 = tpu.memref_slice %arg2[%add3A_73] : memref<320000xi32, #tpu.memory_space<hbm>> -> memref<80xi32, #tpu.memory_space<hbm>>
        tpu.wait_dma2 semaphore(%run_scoped3A : memref<!tpu.dma_semaphore, #tpu.memory_space<semaphore_mem>>) src(%dma_wait3A_83 : memref<80xi32, #tpu.memory_space<hbm>>) dst(%arg7 : memref<80xi32, #tpu.memory_space<vmem>>)
        tpu.yield
      }) : () -> ()
      "tpu.region"() ({
        %run_scoped3A = tpu.sem_alloc : memref<!tpu.dma_semaphore, #tpu.memory_space<semaphore_mem>>
        %dma_start3A_80 = tpu.memref_slice %arg3[%add3A_73] : memref<320000xi32, #tpu.memory_space<hbm>> -> memref<80xi32, #tpu.memory_space<hbm>>
        %dma_start3A_81 = tpu.memref_slice %arg3[%add3A_73] : memref<320000xi32, #tpu.memory_space<hbm>> -> memref<80xi32, #tpu.memory_space<hbm>>
        tpu.enqueue_dma source(%dma_start3A_81 : memref<80xi32, #tpu.memory_space<hbm>>) target(%arg8 : memref<80xi32, #tpu.memory_space<vmem>>) target_semaphore(%run_scoped3A : memref<!tpu.dma_semaphore, #tpu.memory_space<semaphore_mem>>)
        %dma_wait3A_82 = tpu.memref_slice %arg3[%add3A_73] : memref<320000xi32, #tpu.memory_space<hbm>> -> memref<80xi32, #tpu.memory_space<hbm>>
        %dma_wait3A_83 = tpu.memref_slice %arg3[%add3A_73] : memref<320000xi32, #tpu.memory_space<hbm>> -> memref<80xi32, #tpu.memory_space<hbm>>
        tpu.wait_dma2 semaphore(%run_scoped3A : memref<!tpu.dma_semaphore, #tpu.memory_space<semaphore_mem>>) src(%dma_wait3A_83 : memref<80xi32, #tpu.memory_space<hbm>>) dst(%arg8 : memref<80xi32, #tpu.memory_space<vmem>>)
        tpu.yield
      }) : () -> ()
      %dma_start3A_74 = arith.constant 0 : i32
      %dma_start3A_75 = arith.constant 0 : i32
      %dma_start3A_76 = tpu.memref_slice %arg4[%dma_start3A_74, %dma_start3A_75] : memref<10000x128xf32, #tpu.memory_space<hbm>> -> memref<10000x128xf32, #tpu.memory_space<hbm>>
      tpu.enqueue_indirect_dma source(%dma_start3A_76 : memref<10000x128xf32, #tpu.memory_space<hbm>>) target(%arg9 : memref<80x128xf32, #tpu.memory_space<vmem>>) offsets(%arg7 : memref<80xi32, #tpu.memory_space<vmem>>) semaphore(%arg14 : memref<!tpu.dma_semaphore, #tpu.memory_space<semaphore_mem>>)
      %dma_wait3A_77 = arith.constant 0 : i32
      %dma_wait3A_78 = arith.constant 0 : i32
      %dma_wait3A_79 = tpu.memref_slice %arg4[%dma_wait3A_77, %dma_wait3A_78] : memref<10000x128xf32, #tpu.memory_space<hbm>> -> memref<10000x128xf32, #tpu.memory_space<hbm>>
      tpu.wait_indirect_dma semaphore(%arg15 : memref<!tpu.dma_semaphore, #tpu.memory_space<semaphore_mem>>) src(%dma_wait3A_79 : memref<10000x128xf32, #tpu.memory_space<hbm>>) dst(%arg12 : memref<80x128xf32, #tpu.memory_space<vmem>>)
      "tpu.region"() ({
        %run_scoped3A = tpu.sem_alloc : memref<!tpu.dma_semaphore, #tpu.memory_space<semaphore_mem>>
        %dma_start3A_80 = arith.constant 0 : i32
        %dma_start3A_81 = arith.constant 0 : i32
        %dma_start3A_82 = tpu.memref_slice %arg6[%dma_start3A_80, %dma_start3A_81] : memref<10000x128xf32, #tpu.memory_space<vmem_shared>> -> memref<10000x128xf32, #tpu.memory_space<vmem_shared>>
        tpu.enqueue_indirect_dma source(%arg12 : memref<80x128xf32, #tpu.memory_space<vmem>>) target(%dma_start3A_82 : memref<10000x128xf32, #tpu.memory_space<vmem_shared>>) offsets(%arg11 : memref<80xi32, #tpu.memory_space<vmem>>) semaphore(%run_scoped3A : memref<!tpu.dma_semaphore, #tpu.memory_space<semaphore_mem>>) {add = true}
        %dma_wait3A_83 = arith.constant 0 : i32
        %dma_wait3A_84 = arith.constant 0 : i32
        %dma_wait3A_85 = tpu.memref_slice %arg6[%dma_wait3A_83, %dma_wait3A_84] : memref<10000x128xf32, #tpu.memory_space<vmem_shared>> -> memref<10000x128xf32, #tpu.memory_space<vmem_shared>>
        tpu.wait_indirect_dma semaphore(%run_scoped3A : memref<!tpu.dma_semaphore, #tpu.memory_space<semaphore_mem>>) src(%arg12 : memref<80x128xf32, #tpu.memory_space<vmem>>) dst(%dma_wait3A_85 : memref<10000x128xf32, #tpu.memory_space<vmem_shared>>)
        tpu.yield
      }) : () -> ()
    }
    %scan3A_48 = arith.constant 62 : i32
    %dma_wait3A = arith.constant 0 : i32
    %dma_wait3A_49 = arith.constant 0 : i32
    %dma_wait3A_50 = tpu.memref_slice %arg4[%dma_wait3A, %dma_wait3A_49] : memref<10000x128xf32, #tpu.memory_space<hbm>> -> memref<10000x128xf32, #tpu.memory_space<hbm>>
    tpu.wait_indirect_dma semaphore(%arg14 : memref<!tpu.dma_semaphore, #tpu.memory_space<semaphore_mem>>) src(%dma_wait3A_50 : memref<10000x128xf32, #tpu.memory_space<hbm>>) dst(%arg9 : memref<80x128xf32, #tpu.memory_space<vmem>>)
    "tpu.region"() ({
      %run_scoped3A = tpu.sem_alloc : memref<!tpu.dma_semaphore, #tpu.memory_space<semaphore_mem>>
      %dma_start3A_55 = arith.constant 0 : i32
      %dma_start3A_56 = arith.constant 0 : i32
      %dma_start3A_57 = tpu.memref_slice %arg6[%dma_start3A_55, %dma_start3A_56] : memref<10000x128xf32, #tpu.memory_space<vmem_shared>> -> memref<10000x128xf32, #tpu.memory_space<vmem_shared>>
      tpu.enqueue_indirect_dma source(%arg9 : memref<80x128xf32, #tpu.memory_space<vmem>>) target(%dma_start3A_57 : memref<10000x128xf32, #tpu.memory_space<vmem_shared>>) offsets(%arg8 : memref<80xi32, #tpu.memory_space<vmem>>) semaphore(%run_scoped3A : memref<!tpu.dma_semaphore, #tpu.memory_space<semaphore_mem>>) {add = true}
      %dma_wait3A_58 = arith.constant 0 : i32
      %dma_wait3A_59 = arith.constant 0 : i32
      %dma_wait3A_60 = tpu.memref_slice %arg6[%dma_wait3A_58, %dma_wait3A_59] : memref<10000x128xf32, #tpu.memory_space<vmem_shared>> -> memref<10000x128xf32, #tpu.memory_space<vmem_shared>>
      tpu.wait_indirect_dma semaphore(%run_scoped3A : memref<!tpu.dma_semaphore, #tpu.memory_space<semaphore_mem>>) src(%arg9 : memref<80x128xf32, #tpu.memory_space<vmem>>) dst(%dma_wait3A_60 : memref<10000x128xf32, #tpu.memory_space<vmem_shared>>)
      tpu.yield
    }) : () -> ()
    %barrier3A_51 = arith.constant 0 : index
    tpu.barrier barrier_id(%barrier3A_51)
    "tpu.region"() ({
      %run_scoped3A = tpu.sem_alloc : memref<!tpu.dma_semaphore, #tpu.memory_space<semaphore_mem>>
      %dma_start3A_55 = arith.constant 0 : i32
      %dma_start3A_56 = tpu.memref_slice %arg5[%arg0, %mul3A_8, %dma_start3A_55] : memref<2x10000x128xf32, #tpu.memory_space<hbm>> -> memref<1x624x128xf32, #tpu.memory_space<hbm>>
      %dma_start3A_57 = tpu.memref_squeeze %dma_start3A_56 : memref<1x624x128xf32, #tpu.memory_space<hbm>> -> memref<624x128xf32, #tpu.memory_space<hbm>>
      %dma_start3A_58 = arith.constant 0 : i32
      %dma_start3A_59 = tpu.memref_slice %arg6[%mul3A_8, %dma_start3A_58] : memref<10000x128xf32, #tpu.memory_space<vmem_shared>> -> memref<624x128xf32, #tpu.memory_space<vmem_shared>>
      tpu.enqueue_dma source(%dma_start3A_59 : memref<624x128xf32, #tpu.memory_space<vmem_shared>>) target(%dma_start3A_57 : memref<624x128xf32, #tpu.memory_space<hbm>>) target_semaphore(%run_scoped3A : memref<!tpu.dma_semaphore, #tpu.memory_space<semaphore_mem>>)
      %dma_wait3A_60 = arith.constant 0 : i32
      %dma_wait3A_61 = tpu.memref_slice %arg5[%arg0, %mul3A_8, %dma_wait3A_60] : memref<2x10000x128xf32, #tpu.memory_space<hbm>> -> memref<1x624x128xf32, #tpu.memory_space<hbm>>
      %dma_wait3A_62 = tpu.memref_squeeze %dma_wait3A_61 : memref<1x624x128xf32, #tpu.memory_space<hbm>> -> memref<624x128xf32, #tpu.memory_space<hbm>>
      %dma_wait3A_63 = arith.constant 0 : i32
      %dma_wait3A_64 = tpu.memref_slice %arg6[%mul3A_8, %dma_wait3A_63] : memref<10000x128xf32, #tpu.memory_space<vmem_shared>> -> memref<624x128xf32, #tpu.memory_space<vmem_shared>>
      tpu.wait_dma2 semaphore(%run_scoped3A : memref<!tpu.dma_semaphore, #tpu.memory_space<semaphore_mem>>) src(%dma_wait3A_64 : memref<624x128xf32, #tpu.memory_space<vmem_shared>>) dst(%dma_wait3A_62 : memref<624x128xf32, #tpu.memory_space<hbm>>)
      tpu.yield
    }) : () -> ()
    %convert_element_type3A_52 = arith.extui %eq3A_9 : i1 to i32
    %cond3A_53 = arith.constant 0 : i32
    %cond3A_54 = arith.cmpi ne, %convert_element_type3A_52, %cond3A_53 : i32
    scf.if %cond3A_54 {
      "tpu.region"() ({
        %run_scoped3A = tpu.sem_alloc : memref<!tpu.dma_semaphore, #tpu.memory_space<semaphore_mem>>
        %dma_start3A_55 = arith.constant 9984 : i32
        %dma_start3A_56 = arith.constant 0 : i32
        %dma_start3A_57 = tpu.memref_slice %arg5[%arg0, %dma_start3A_55, %dma_start3A_56] : memref<2x10000x128xf32, #tpu.memory_space<hbm>> -> memref<1x16x128xf32, #tpu.memory_space<hbm>>
        %dma_start3A_58 = tpu.memref_squeeze %dma_start3A_57 : memref<1x16x128xf32, #tpu.memory_space<hbm>> -> memref<16x128xf32, #tpu.memory_space<hbm>>
        %dma_start3A_59 = arith.constant 9984 : i32
        %dma_start3A_60 = arith.constant 0 : i32
        %dma_start3A_61 = tpu.memref_slice %arg6[%dma_start3A_59, %dma_start3A_60] : memref<10000x128xf32, #tpu.memory_space<vmem_shared>> -> memref<16x128xf32, #tpu.memory_space<vmem_shared>>
        tpu.enqueue_dma source(%dma_start3A_61 : memref<16x128xf32, #tpu.memory_space<vmem_shared>>) target(%dma_start3A_58 : memref<16x128xf32, #tpu.memory_space<hbm>>) target_semaphore(%run_scoped3A : memref<!tpu.dma_semaphore, #tpu.memory_space<semaphore_mem>>)
        %dma_wait3A_62 = arith.constant 9984 : i32
        %dma_wait3A_63 = arith.constant 0 : i32
        %dma_wait3A_64 = tpu.memref_slice %arg5[%arg0, %dma_wait3A_62, %dma_wait3A_63] : memref<2x10000x128xf32, #tpu.memory_space<hbm>> -> memref<1x16x128xf32, #tpu.memory_space<hbm>>
        %dma_wait3A_65 = tpu.memref_squeeze %dma_wait3A_64 : memref<1x16x128xf32, #tpu.memory_space<hbm>> -> memref<16x128xf32, #tpu.memory_space<hbm>>
        %dma_wait3A_66 = arith.constant 9984 : i32
        %dma_wait3A_67 = arith.constant 0 : i32
        %dma_wait3A_68 = tpu.memref_slice %arg6[%dma_wait3A_66, %dma_wait3A_67] : memref<10000x128xf32, #tpu.memory_space<vmem_shared>> -> memref<16x128xf32, #tpu.memory_space<vmem_shared>>
        tpu.wait_dma2 semaphore(%run_scoped3A : memref<!tpu.dma_semaphore, #tpu.memory_space<semaphore_mem>>) src(%dma_wait3A_68 : memref<16x128xf32, #tpu.memory_space<vmem_shared>>) dst(%dma_wait3A_65 : memref<16x128xf32, #tpu.memory_space<hbm>>)
        tpu.yield
      }) : () -> ()
    } else {
    }
    return
  }
}

#map = affine_map<(d0, d1) -> (0)>
#map1 = affine_map<(d0, d1) -> (0, 0)>
#map2 = affine_map<(d0, d1) -> (0, 0, 0)>
module attributes {stable_mosaic.version = 14 : i64} {
  func.func @body(%arg0: i32, %arg1: i32, %arg2: memref<320000xi32, #tpu.memory_space<hbm>>, %arg3: memref<320000xi32, #tpu.memory_space<hbm>>, %arg4: memref<10000x128xf32, #tpu.memory_space<hbm>>, %arg5: memref<2x10000x128xf32, #tpu.memory_space<hbm>>, %arg6: memref<10000x128xf32, #tpu.memory_space<vmem_shared>>, %arg7: memref<80xi32, #tpu.memory_space<vmem>>, %arg8: memref<80xi32, #tpu.memory_space<vmem>>, %arg9: memref<80x128xf32, #tpu.memory_space<vmem>>, %arg10: memref<80xi32, #tpu.memory_space<vmem>>, %arg11: memref<80xi32, #tpu.memory_space<vmem>>, %arg12: memref<80x128xf32, #tpu.memory_space<vmem>>, %arg13: memref<48x128xf32, #tpu.memory_space<vmem>>, %arg14: memref<!tpu.dma_semaphore, #tpu.memory_space<semaphore_mem>>, %arg15: memref<!tpu.dma_semaphore, #tpu.memory_space<semaphore_mem>>) attributes {dimension_semantics = [#tpu.dimension_semantics<core_parallel>, #tpu.dimension_semantics<subcore_parallel>], iteration_bounds = array<i64: 2, 16>, scalar_prefetch = 0 : i64, scratch_operands = 10 : i64, tpu.core_type = #tpu.core_type<sc_vector_subcore>, window_params = [{transform_indices = #map}, {transform_indices = #map}, {transform_indices = #map1}, {transform_indices = #map2}]} {
    %mul3A = arith.constant 2 : i32
    %mul3A_0 = arith.muli %arg1, %mul3A : i32
    %add3A = arith.addi %mul3A_0, %arg0 : i32
    %broadcast_in_dim3A = arith.constant 0.000000e+00 : f32
    %broadcast_in_dim3A_1 = vector.broadcast %broadcast_in_dim3A : f32 to vector<16xf32>
    %scan3A = arith.constant 0 : i32
    %scan3A_2 = arith.constant 0 : i32
    %scan3A_3 = arith.constant 384 : i32
    %scan3A_4 = arith.addi %scan3A_2, %scan3A_3 : i32
    %scan3A_5 = arith.constant 1 : i32
    scf.for %scan3A_55 = %scan3A_2 to %scan3A_4 step %scan3A_5  : i32 {
      %jit3A = arith.constant 8 : i32
      %div3A = arith.divsi %scan3A_55, %jit3A : i32
      %sign3A = arith.constant 0 : i32
      %sign3A_56 = arith.cmpi sgt, %scan3A_55, %sign3A : i32
      %sign3A_57 = arith.extui %sign3A_56 : i1 to i32
      %sign3A_58 = arith.constant 0 : i32
      %sign3A_59 = arith.cmpi slt, %scan3A_55, %sign3A_58 : i32
      %sign3A_60 = arith.extui %sign3A_59 : i1 to i32
      %sign3A_61 = arith.subi %sign3A_57, %sign3A_60 : i32
      %sign3A_62 = arith.constant 0 : i32
      %sign3A_63 = arith.cmpi sgt, %jit3A, %sign3A_62 : i32
      %sign3A_64 = arith.extui %sign3A_63 : i1 to i32
      %sign3A_65 = arith.constant 0 : i32
      %sign3A_66 = arith.cmpi slt, %jit3A, %sign3A_65 : i32
      %sign3A_67 = arith.extui %sign3A_66 : i1 to i32
      %sign3A_68 = arith.subi %sign3A_64, %sign3A_67 : i32
      %ne3A = arith.cmpi ne, %sign3A_61, %sign3A_68 : i32
      %rem3A = arith.remsi %scan3A_55, %jit3A : i32
      %ne3A_69 = arith.constant 0 : i32
      %ne3A_70 = arith.cmpi ne, %rem3A, %ne3A_69 : i32
      %and3A = arith.andi %ne3A, %ne3A_70 : i1
      %sub3A = arith.constant 1 : i32
      %sub3A_71 = arith.subi %div3A, %sub3A : i32
      %select_n3A = arith.select %and3A, %sub3A_71, %div3A : i32
      %jit3A_72 = arith.constant 8 : i32
      %eq3A_73 = arith.constant 0 : i32
      %eq3A_74 = arith.cmpi eq, %jit3A_72, %eq3A_73 : i32
      %jit3A_75 = arith.constant 1 : i32
      %select_n3A_76 = arith.select %eq3A_74, %jit3A_75, %jit3A_72 : i32
      %rem3A_77 = arith.remsi %scan3A_55, %select_n3A_76 : i32
      %ne3A_78 = arith.constant 0 : i32
      %ne3A_79 = arith.cmpi ne, %rem3A_77, %ne3A_78 : i32
      %lt3A = arith.constant 0 : i32
      %lt3A_80 = arith.cmpi slt, %rem3A_77, %lt3A : i32
      %lt3A_81 = arith.constant 0 : i32
      %lt3A_82 = arith.cmpi slt, %select_n3A_76, %lt3A_81 : i32
      %ne3A_83 = arith.xori %lt3A_80, %lt3A_82 : i1
      %and3A_84 = arith.andi %ne3A_83, %ne3A_79 : i1
      %add3A_85 = arith.addi %rem3A_77, %select_n3A_76 : i32
      %select_n3A_86 = arith.select %and3A_84, %add3A_85, %rem3A_77 : i32
      %mul3A_87 = arith.constant 16 : i32
      %mul3A_88 = arith.muli %select_n3A_86, %mul3A_87 : i32
      %swap3A = arith.index_cast %select_n3A : i32 to index
      %swap3A_89 = arith.index_cast %mul3A_88 : i32 to index
      %swap3A_90 = tpu.vector_load %arg13[%swap3A, %swap3A_89] {strides = array<i32>} : memref<48x128xf32, #tpu.memory_space<vmem>>, vector<1x16xf32>,
      %swap3A_91 = vector.shape_cast %swap3A_90 : vector<1x16xf32> to vector<16xf32>
      %swap3A_92 = vector.shape_cast %broadcast_in_dim3A_1 : vector<16xf32> to vector<1x16xf32>
      tpu.vector_store %arg13[%swap3A, %swap3A_89], %swap3A_92 {strides = array<i32>} : memref<48x128xf32, #tpu.memory_space<vmem>>, vector<1x16xf32>,
    }
    %scan3A_6 = arith.constant 384 : i32
    %mul3A_7 = arith.constant 624 : i32
    %mul3A_8 = arith.muli %arg1, %mul3A_7 : i32
    %eq3A = arith.constant 15 : i32
    %eq3A_9 = arith.cmpi eq, %arg1, %eq3A : i32
    %add3A_10 = arith.constant 0 : i32
    %add3A_11 = arith.addi %mul3A_8, %add3A_10 : i32
    "tpu.region"() ({
      %run_scoped3A = tpu.sem_alloc : memref<!tpu.dma_semaphore, #tpu.memory_space<semaphore_mem>>
      %dma_start3A_55 = arith.constant 0 : i32
      %dma_start3A_56 = tpu.memref_slice %arg6[%add3A_11, %dma_start3A_55] : memref<10000x128xf32, #tpu.memory_space<vmem_shared>> -> memref<48x128xf32, #tpu.memory_space<vmem_shared>>
      %dma_start3A_57 = arith.constant 0 : i32
      %dma_start3A_58 = tpu.memref_slice %arg6[%add3A_11, %dma_start3A_57] : memref<10000x128xf32, #tpu.memory_space<vmem_shared>> -> memref<48x128xf32, #tpu.memory_space<vmem_shared>>
      tpu.enqueue_dma source(%arg13 : memref<48x128xf32, #tpu.memory_space<vmem>>) target(%dma_start3A_58 : memref<48x128xf32, #tpu.memory_space<vmem_shared>>) target_semaphore(%run_scoped3A : memref<!tpu.dma_semaphore, #tpu.memory_space<semaphore_mem>>)
      %dma_wait3A_59 = arith.constant 0 : i32
      %dma_wait3A_60 = tpu.memref_slice %arg6[%add3A_11, %dma_wait3A_59] : memref<10000x128xf32, #tpu.memory_space<vmem_shared>> -> memref<48x128xf32, #tpu.memory_space<vmem_shared>>
      %dma_wait3A_61 = arith.constant 0 : i32
      %dma_wait3A_62 = tpu.memref_slice %arg6[%add3A_11, %dma_wait3A_61] : memref<10000x128xf32, #tpu.memory_space<vmem_shared>> -> memref<48x128xf32, #tpu.memory_space<vmem_shared>>
      tpu.wait_dma2 semaphore(%run_scoped3A : memref<!tpu.dma_semaphore, #tpu.memory_space<semaphore_mem>>) src(%arg13 : memref<48x128xf32, #tpu.memory_space<vmem>>) dst(%dma_wait3A_62 : memref<48x128xf32, #tpu.memory_space<vmem_shared>>)
      tpu.yield
    }) : () -> ()
    %add3A_12 = arith.constant 48 : i32
    %add3A_13 = arith.addi %mul3A_8, %add3A_12 : i32
    "tpu.region"() ({
      %run_scoped3A = tpu.sem_alloc : memref<!tpu.dma_semaphore, #tpu.memory_space<semaphore_mem>>
      %dma_start3A_55 = arith.constant 0 : i32
      %dma_start3A_56 = tpu.memref_slice %arg6[%add3A_13, %dma_start3A_55] : memref<10000x128xf32, #tpu.memory_space<vmem_shared>> -> memref<48x128xf32, #tpu.memory_space<vmem_shared>>
      %dma_start3A_57 = arith.constant 0 : i32
      %dma_start3A_58 = tpu.memref_slice %arg6[%add3A_13, %dma_start3A_57] : memref<10000x128xf32, #tpu.memory_space<vmem_shared>> -> memref<48x128xf32, #tpu.memory_space<vmem_shared>>
      tpu.enqueue_dma source(%arg13 : memref<48x128xf32, #tpu.memory_space<vmem>>) target(%dma_start3A_58 : memref<48x128xf32, #tpu.memory_space<vmem_shared>>) target_semaphore(%run_scoped3A : memref<!tpu.dma_semaphore, #tpu.memory_space<semaphore_mem>>)
      %dma_wait3A_59 = arith.constant 0 : i32
      %dma_wait3A_60 = tpu.memref_slice %arg6[%add3A_13, %dma_wait3A_59] : memref<10000x128xf32, #tpu.memory_space<vmem_shared>> -> memref<48x128xf32, #tpu.memory_space<vmem_shared>>
      %dma_wait3A_61 = arith.constant 0 : i32
      %dma_wait3A_62 = tpu.memref_slice %arg6[%add3A_13, %dma_wait3A_61] : memref<10000x128xf32, #tpu.memory_space<vmem_shared>> -> memref<48x128xf32, #tpu.memory_space<vmem_shared>>
      tpu.wait_dma2 semaphore(%run_scoped3A : memref<!tpu.dma_semaphore, #tpu.memory_space<semaphore_mem>>) src(%arg13 : memref<48x128xf32, #tpu.memory_space<vmem>>) dst(%dma_wait3A_62 : memref<48x128xf32, #tpu.memory_space<vmem_shared>>)
      tpu.yield
    }) : () -> ()
    %add3A_14 = arith.constant 96 : i32
    %add3A_15 = arith.addi %mul3A_8, %add3A_14 : i32
    "tpu.region"() ({
      %run_scoped3A = tpu.sem_alloc : memref<!tpu.dma_semaphore, #tpu.memory_space<semaphore_mem>>
      %dma_start3A_55 = arith.constant 0 : i32
      %dma_start3A_56 = tpu.memref_slice %arg6[%add3A_15, %dma_start3A_55] : memref<10000x128xf32, #tpu.memory_space<vmem_shared>> -> memref<48x128xf32, #tpu.memory_space<vmem_shared>>
      %dma_start3A_57 = arith.constant 0 : i32
      %dma_start3A_58 = tpu.memref_slice %arg6[%add3A_15, %dma_start3A_57] : memref<10000x128xf32, #tpu.memory_space<vmem_shared>> -> memref<48x128xf32, #tpu.memory_space<vmem_shared>>
      tpu.enqueue_dma source(%arg13 : memref<48x128xf32, #tpu.memory_space<vmem>>) target(%dma_start3A_58 : memref<48x128xf32, #tpu.memory_space<vmem_shared>>) target_semaphore(%run_scoped3A : memref<!tpu.dma_semaphore, #tpu.memory_space<semaphore_mem>>)
      %dma_wait3A_59 = arith.constant 0 : i32
      %dma_wait3A_60 = tpu.memref_slice %arg6[%add3A_15, %dma_wait3A_59] : memref<10000x128xf32, #tpu.memory_space<vmem_shared>> -> memref<48x128xf32, #tpu.memory_space<vmem_shared>>
      %dma_wait3A_61 = arith.constant 0 : i32
      %dma_wait3A_62 = tpu.memref_slice %arg6[%add3A_15, %dma_wait3A_61] : memref<10000x128xf32, #tpu.memory_space<vmem_shared>> -> memref<48x128xf32, #tpu.memory_space<vmem_shared>>
      tpu.wait_dma2 semaphore(%run_scoped3A : memref<!tpu.dma_semaphore, #tpu.memory_space<semaphore_mem>>) src(%arg13 : memref<48x128xf32, #tpu.memory_space<vmem>>) dst(%dma_wait3A_62 : memref<48x128xf32, #tpu.memory_space<vmem_shared>>)
      tpu.yield
    }) : () -> ()
    %add3A_16 = arith.constant 144 : i32
    %add3A_17 = arith.addi %mul3A_8, %add3A_16 : i32
    "tpu.region"() ({
      %run_scoped3A = tpu.sem_alloc : memref<!tpu.dma_semaphore, #tpu.memory_space<semaphore_mem>>
      %dma_start3A_55 = arith.constant 0 : i32
      %dma_start3A_56 = tpu.memref_slice %arg6[%add3A_17, %dma_start3A_55] : memref<10000x128xf32, #tpu.memory_space<vmem_shared>> -> memref<48x128xf32, #tpu.memory_space<vmem_shared>>
      %dma_start3A_57 = arith.constant 0 : i32
      %dma_start3A_58 = tpu.memref_slice %arg6[%add3A_17, %dma_start3A_57] : memref<10000x128xf32, #tpu.memory_space<vmem_shared>> -> memref<48x128xf32, #tpu.memory_space<vmem_shared>>
      tpu.enqueue_dma source(%arg13 : memref<48x128xf32, #tpu.memory_space<vmem>>) target(%dma_start3A_58 : memref<48x128xf32, #tpu.memory_space<vmem_shared>>) target_semaphore(%run_scoped3A : memref<!tpu.dma_semaphore, #tpu.memory_space<semaphore_mem>>)
      %dma_wait3A_59 = arith.constant 0 : i32
      %dma_wait3A_60 = tpu.memref_slice %arg6[%add3A_17, %dma_wait3A_59] : memref<10000x128xf32, #tpu.memory_space<vmem_shared>> -> memref<48x128xf32, #tpu.memory_space<vmem_shared>>
      %dma_wait3A_61 = arith.constant 0 : i32
      %dma_wait3A_62 = tpu.memref_slice %arg6[%add3A_17, %dma_wait3A_61] : memref<10000x128xf32, #tpu.memory_space<vmem_shared>> -> memref<48x128xf32, #tpu.memory_space<vmem_shared>>
      tpu.wait_dma2 semaphore(%run_scoped3A : memref<!tpu.dma_semaphore, #tpu.memory_space<semaphore_mem>>) src(%arg13 : memref<48x128xf32, #tpu.memory_space<vmem>>) dst(%dma_wait3A_62 : memref<48x128xf32, #tpu.memory_space<vmem_shared>>)
      tpu.yield
    }) : () -> ()
    %add3A_18 = arith.constant 192 : i32
    %add3A_19 = arith.addi %mul3A_8, %add3A_18 : i32
    "tpu.region"() ({
      %run_scoped3A = tpu.sem_alloc : memref<!tpu.dma_semaphore, #tpu.memory_space<semaphore_mem>>
      %dma_start3A_55 = arith.constant 0 : i32
      %dma_start3A_56 = tpu.memref_slice %arg6[%add3A_19, %dma_start3A_55] : memref<10000x128xf32, #tpu.memory_space<vmem_shared>> -> memref<48x128xf32, #tpu.memory_space<vmem_shared>>
      %dma_start3A_57 = arith.constant 0 : i32
      %dma_start3A_58 = tpu.memref_slice %arg6[%add3A_19, %dma_start3A_57] : memref<10000x128xf32, #tpu.memory_space<vmem_shared>> -> memref<48x128xf32, #tpu.memory_space<vmem_shared>>
      tpu.enqueue_dma source(%arg13 : memref<48x128xf32, #tpu.memory_space<vmem>>) target(%dma_start3A_58 : memref<48x128xf32, #tpu.memory_space<vmem_shared>>) target_semaphore(%run_scoped3A : memref<!tpu.dma_semaphore, #tpu.memory_space<semaphore_mem>>)
      %dma_wait3A_59 = arith.constant 0 : i32
      %dma_wait3A_60 = tpu.memref_slice %arg6[%add3A_19, %dma_wait3A_59] : memref<10000x128xf32, #tpu.memory_space<vmem_shared>> -> memref<48x128xf32, #tpu.memory_space<vmem_shared>>
      %dma_wait3A_61 = arith.constant 0 : i32
      %dma_wait3A_62 = tpu.memref_slice %arg6[%add3A_19, %dma_wait3A_61] : memref<10000x128xf32, #tpu.memory_space<vmem_shared>> -> memref<48x128xf32, #tpu.memory_space<vmem_shared>>
      tpu.wait_dma2 semaphore(%run_scoped3A : memref<!tpu.dma_semaphore, #tpu.memory_space<semaphore_mem>>) src(%arg13 : memref<48x128xf32, #tpu.memory_space<vmem>>) dst(%dma_wait3A_62 : memref<48x128xf32, #tpu.memory_space<vmem_shared>>)
      tpu.yield
    }) : () -> ()
    %add3A_20 = arith.constant 240 : i32
    %add3A_21 = arith.addi %mul3A_8, %add3A_20 : i32
    "tpu.region"() ({
      %run_scoped3A = tpu.sem_alloc : memref<!tpu.dma_semaphore, #tpu.memory_space<semaphore_mem>>
      %dma_start3A_55 = arith.constant 0 : i32
      %dma_start3A_56 = tpu.memref_slice %arg6[%add3A_21, %dma_start3A_55] : memref<10000x128xf32, #tpu.memory_space<vmem_shared>> -> memref<48x128xf32, #tpu.memory_space<vmem_shared>>
      %dma_start3A_57 = arith.constant 0 : i32
      %dma_start3A_58 = tpu.memref_slice %arg6[%add3A_21, %dma_start3A_57] : memref<10000x128xf32, #tpu.memory_space<vmem_shared>> -> memref<48x128xf32, #tpu.memory_space<vmem_shared>>
      tpu.enqueue_dma source(%arg13 : memref<48x128xf32, #tpu.memory_space<vmem>>) target(%dma_start3A_58 : memref<48x128xf32, #tpu.memory_space<vmem_shared>>) target_semaphore(%run_scoped3A : memref<!tpu.dma_semaphore, #tpu.memory_space<semaphore_mem>>)
      %dma_wait3A_59 = arith.constant 0 : i32
      %dma_wait3A_60 = tpu.memref_slice %arg6[%add3A_21, %dma_wait3A_59] : memref<10000x128xf32, #tpu.memory_space<vmem_shared>> -> memref<48x128xf32, #tpu.memory_space<vmem_shared>>
      %dma_wait3A_61 = arith.constant 0 : i32
      %dma_wait3A_62 = tpu.memref_slice %arg6[%add3A_21, %dma_wait3A_61] : memref<10000x128xf32, #tpu.memory_space<vmem_shared>> -> memref<48x128xf32, #tpu.memory_space<vmem_shared>>
      tpu.wait_dma2 semaphore(%run_scoped3A : memref<!tpu.dma_semaphore, #tpu.memory_space<semaphore_mem>>) src(%arg13 : memref<48x128xf32, #tpu.memory_space<vmem>>) dst(%dma_wait3A_62 : memref<48x128xf32, #tpu.memory_space<vmem_shared>>)
      tpu.yield
    }) : () -> ()
    %add3A_22 = arith.constant 288 : i32
    %add3A_23 = arith.addi %mul3A_8, %add3A_22 : i32
    "tpu.region"() ({
      %run_scoped3A = tpu.sem_alloc : memref<!tpu.dma_semaphore, #tpu.memory_space<semaphore_mem>>
      %dma_start3A_55 = arith.constant 0 : i32
      %dma_start3A_56 = tpu.memref_slice %arg6[%add3A_23, %dma_start3A_55] : memref<10000x128xf32, #tpu.memory_space<vmem_shared>> -> memref<48x128xf32, #tpu.memory_space<vmem_shared>>
      %dma_start3A_57 = arith.constant 0 : i32
      %dma_start3A_58 = tpu.memref_slice %arg6[%add3A_23, %dma_start3A_57] : memref<10000x128xf32, #tpu.memory_space<vmem_shared>> -> memref<48x128xf32, #tpu.memory_space<vmem_shared>>
      tpu.enqueue_dma source(%arg13 : memref<48x128xf32, #tpu.memory_space<vmem>>) target(%dma_start3A_58 : memref<48x128xf32, #tpu.memory_space<vmem_shared>>) target_semaphore(%run_scoped3A : memref<!tpu.dma_semaphore, #tpu.memory_space<semaphore_mem>>)
      %dma_wait3A_59 = arith.constant 0 : i32
      %dma_wait3A_60 = tpu.memref_slice %arg6[%add3A_23, %dma_wait3A_59] : memref<10000x128xf32, #tpu.memory_space<vmem_shared>> -> memref<48x128xf32, #tpu.memory_space<vmem_shared>>
      %dma_wait3A_61 = arith.constant 0 : i32
      %dma_wait3A_62 = tpu.memref_slice %arg6[%add3A_23, %dma_wait3A_61] : memref<10000x128xf32, #tpu.memory_space<vmem_shared>> -> memref<48x128xf32, #tpu.memory_space<vmem_shared>>
      tpu.wait_dma2 semaphore(%run_scoped3A : memref<!tpu.dma_semaphore, #tpu.memory_space<semaphore_mem>>) src(%arg13 : memref<48x128xf32, #tpu.memory_space<vmem>>) dst(%dma_wait3A_62 : memref<48x128xf32, #tpu.memory_space<vmem_shared>>)
      tpu.yield
    }) : () -> ()
    %add3A_24 = arith.constant 336 : i32
    %add3A_25 = arith.addi %mul3A_8, %add3A_24 : i32
    "tpu.region"() ({
      %run_scoped3A = tpu.sem_alloc : memref<!tpu.dma_semaphore, #tpu.memory_space<semaphore_mem>>
      %dma_start3A_55 = arith.constant 0 : i32
      %dma_start3A_56 = tpu.memref_slice %arg6[%add3A_25, %dma_start3A_55] : memref<10000x128xf32, #tpu.memory_space<vmem_shared>> -> memref<48x128xf32, #tpu.memory_space<vmem_shared>>
      %dma_start3A_57 = arith.constant 0 : i32
      %dma_start3A_58 = tpu.memref_slice %arg6[%add3A_25, %dma_start3A_57] : memref<10000x128xf32, #tpu.memory_space<vmem_shared>> -> memref<48x128xf32, #tpu.memory_space<vmem_shared>>
      tpu.enqueue_dma source(%arg13 : memref<48x128xf32, #tpu.memory_space<vmem>>) target(%dma_start3A_58 : memref<48x128xf32, #tpu.memory_space<vmem_shared>>) target_semaphore(%run_scoped3A : memref<!tpu.dma_semaphore, #tpu.memory_space<semaphore_mem>>)
      %dma_wait3A_59 = arith.constant 0 : i32
      %dma_wait3A_60 = tpu.memref_slice %arg6[%add3A_25, %dma_wait3A_59] : memref<10000x128xf32, #tpu.memory_space<vmem_shared>> -> memref<48x128xf32, #tpu.memory_space<vmem_shared>>
      %dma_wait3A_61 = arith.constant 0 : i32
      %dma_wait3A_62 = tpu.memref_slice %arg6[%add3A_25, %dma_wait3A_61] : memref<10000x128xf32, #tpu.memory_space<vmem_shared>> -> memref<48x128xf32, #tpu.memory_space<vmem_shared>>
      tpu.wait_dma2 semaphore(%run_scoped3A : memref<!tpu.dma_semaphore, #tpu.memory_space<semaphore_mem>>) src(%arg13 : memref<48x128xf32, #tpu.memory_space<vmem>>) dst(%dma_wait3A_62 : memref<48x128xf32, #tpu.memory_space<vmem_shared>>)
      tpu.yield
    }) : () -> ()
    %add3A_26 = arith.constant 384 : i32
    %add3A_27 = arith.addi %mul3A_8, %add3A_26 : i32
    "tpu.region"() ({
      %run_scoped3A = tpu.sem_alloc : memref<!tpu.dma_semaphore, #tpu.memory_space<semaphore_mem>>
      %dma_start3A_55 = arith.constant 0 : i32
      %dma_start3A_56 = tpu.memref_slice %arg6[%add3A_27, %dma_start3A_55] : memref<10000x128xf32, #tpu.memory_space<vmem_shared>> -> memref<48x128xf32, #tpu.memory_space<vmem_shared>>
      %dma_start3A_57 = arith.constant 0 : i32
      %dma_start3A_58 = tpu.memref_slice %arg6[%add3A_27, %dma_start3A_57] : memref<10000x128xf32, #tpu.memory_space<vmem_shared>> -> memref<48x128xf32, #tpu.memory_space<vmem_shared>>
      tpu.enqueue_dma source(%arg13 : memref<48x128xf32, #tpu.memory_space<vmem>>) target(%dma_start3A_58 : memref<48x128xf32, #tpu.memory_space<vmem_shared>>) target_semaphore(%run_scoped3A : memref<!tpu.dma_semaphore, #tpu.memory_space<semaphore_mem>>)
      %dma_wait3A_59 = arith.constant 0 : i32
      %dma_wait3A_60 = tpu.memref_slice %arg6[%add3A_27, %dma_wait3A_59] : memref<10000x128xf32, #tpu.memory_space<vmem_shared>> -> memref<48x128xf32, #tpu.memory_space<vmem_shared>>
      %dma_wait3A_61 = arith.constant 0 : i32
      %dma_wait3A_62 = tpu.memref_slice %arg6[%add3A_27, %dma_wait3A_61] : memref<10000x128xf32, #tpu.memory_space<vmem_shared>> -> memref<48x128xf32, #tpu.memory_space<vmem_shared>>
      tpu.wait_dma2 semaphore(%run_scoped3A : memref<!tpu.dma_semaphore, #tpu.memory_space<semaphore_mem>>) src(%arg13 : memref<48x128xf32, #tpu.memory_space<vmem>>) dst(%dma_wait3A_62 : memref<48x128xf32, #tpu.memory_space<vmem_shared>>)
      tpu.yield
    }) : () -> ()
    %add3A_28 = arith.constant 432 : i32
    %add3A_29 = arith.addi %mul3A_8, %add3A_28 : i32
    "tpu.region"() ({
      %run_scoped3A = tpu.sem_alloc : memref<!tpu.dma_semaphore, #tpu.memory_space<semaphore_mem>>
      %dma_start3A_55 = arith.constant 0 : i32
      %dma_start3A_56 = tpu.memref_slice %arg6[%add3A_29, %dma_start3A_55] : memref<10000x128xf32, #tpu.memory_space<vmem_shared>> -> memref<48x128xf32, #tpu.memory_space<vmem_shared>>
      %dma_start3A_57 = arith.constant 0 : i32
      %dma_start3A_58 = tpu.memref_slice %arg6[%add3A_29, %dma_start3A_57] : memref<10000x128xf32, #tpu.memory_space<vmem_shared>> -> memref<48x128xf32, #tpu.memory_space<vmem_shared>>
      tpu.enqueue_dma source(%arg13 : memref<48x128xf32, #tpu.memory_space<vmem>>) target(%dma_start3A_58 : memref<48x128xf32, #tpu.memory_space<vmem_shared>>) target_semaphore(%run_scoped3A : memref<!tpu.dma_semaphore, #tpu.memory_space<semaphore_mem>>)
      %dma_wait3A_59 = arith.constant 0 : i32
      %dma_wait3A_60 = tpu.memref_slice %arg6[%add3A_29, %dma_wait3A_59] : memref<10000x128xf32, #tpu.memory_space<vmem_shared>> -> memref<48x128xf32, #tpu.memory_space<vmem_shared>>
      %dma_wait3A_61 = arith.constant 0 : i32
      %dma_wait3A_62 = tpu.memref_slice %arg6[%add3A_29, %dma_wait3A_61] : memref<10000x128xf32, #tpu.memory_space<vmem_shared>> -> memref<48x128xf32, #tpu.memory_space<vmem_shared>>
      tpu.wait_dma2 semaphore(%run_scoped3A : memref<!tpu.dma_semaphore, #tpu.memory_space<semaphore_mem>>) src(%arg13 : memref<48x128xf32, #tpu.memory_space<vmem>>) dst(%dma_wait3A_62 : memref<48x128xf32, #tpu.memory_space<vmem_shared>>)
      tpu.yield
    }) : () -> ()
    %add3A_30 = arith.constant 480 : i32
    %add3A_31 = arith.addi %mul3A_8, %add3A_30 : i32
    "tpu.region"() ({
      %run_scoped3A = tpu.sem_alloc : memref<!tpu.dma_semaphore, #tpu.memory_space<semaphore_mem>>
      %dma_start3A_55 = arith.constant 0 : i32
      %dma_start3A_56 = tpu.memref_slice %arg6[%add3A_31, %dma_start3A_55] : memref<10000x128xf32, #tpu.memory_space<vmem_shared>> -> memref<48x128xf32, #tpu.memory_space<vmem_shared>>
      %dma_start3A_57 = arith.constant 0 : i32
      %dma_start3A_58 = tpu.memref_slice %arg6[%add3A_31, %dma_start3A_57] : memref<10000x128xf32, #tpu.memory_space<vmem_shared>> -> memref<48x128xf32, #tpu.memory_space<vmem_shared>>
      tpu.enqueue_dma source(%arg13 : memref<48x128xf32, #tpu.memory_space<vmem>>) target(%dma_start3A_58 : memref<48x128xf32, #tpu.memory_space<vmem_shared>>) target_semaphore(%run_scoped3A : memref<!tpu.dma_semaphore, #tpu.memory_space<semaphore_mem>>)
      %dma_wait3A_59 = arith.constant 0 : i32
      %dma_wait3A_60 = tpu.memref_slice %arg6[%add3A_31, %dma_wait3A_59] : memref<10000x128xf32, #tpu.memory_space<vmem_shared>> -> memref<48x128xf32, #tpu.memory_space<vmem_shared>>
      %dma_wait3A_61 = arith.constant 0 : i32
      %dma_wait3A_62 = tpu.memref_slice %arg6[%add3A_31, %dma_wait3A_61] : memref<10000x128xf32, #tpu.memory_space<vmem_shared>> -> memref<48x128xf32, #tpu.memory_space<vmem_shared>>
      tpu.wait_dma2 semaphore(%run_scoped3A : memref<!tpu.dma_semaphore, #tpu.memory_space<semaphore_mem>>) src(%arg13 : memref<48x128xf32, #tpu.memory_space<vmem>>) dst(%dma_wait3A_62 : memref<48x128xf32, #tpu.memory_space<vmem_shared>>)
      tpu.yield
    }) : () -> ()
    %add3A_32 = arith.constant 528 : i32
    %add3A_33 = arith.addi %mul3A_8, %add3A_32 : i32
    "tpu.region"() ({
      %run_scoped3A = tpu.sem_alloc : memref<!tpu.dma_semaphore, #tpu.memory_space<semaphore_mem>>
      %dma_start3A_55 = arith.constant 0 : i32
      %dma_start3A_56 = tpu.memref_slice %arg6[%add3A_33, %dma_start3A_55] : memref<10000x128xf32, #tpu.memory_space<vmem_shared>> -> memref<48x128xf32, #tpu.memory_space<vmem_shared>>
      %dma_start3A_57 = arith.constant 0 : i32
      %dma_start3A_58 = tpu.memref_slice %arg6[%add3A_33, %dma_start3A_57] : memref<10000x128xf32, #tpu.memory_space<vmem_shared>> -> memref<48x128xf32, #tpu.memory_space<vmem_shared>>
      tpu.enqueue_dma source(%arg13 : memref<48x128xf32, #tpu.memory_space<vmem>>) target(%dma_start3A_58 : memref<48x128xf32, #tpu.memory_space<vmem_shared>>) target_semaphore(%run_scoped3A : memref<!tpu.dma_semaphore, #tpu.memory_space<semaphore_mem>>)
      %dma_wait3A_59 = arith.constant 0 : i32
      %dma_wait3A_60 = tpu.memref_slice %arg6[%add3A_33, %dma_wait3A_59] : memref<10000x128xf32, #tpu.memory_space<vmem_shared>> -> memref<48x128xf32, #tpu.memory_space<vmem_shared>>
      %dma_wait3A_61 = arith.constant 0 : i32
      %dma_wait3A_62 = tpu.memref_slice %arg6[%add3A_33, %dma_wait3A_61] : memref<10000x128xf32, #tpu.memory_space<vmem_shared>> -> memref<48x128xf32, #tpu.memory_space<vmem_shared>>
      tpu.wait_dma2 semaphore(%run_scoped3A : memref<!tpu.dma_semaphore, #tpu.memory_space<semaphore_mem>>) src(%arg13 : memref<48x128xf32, #tpu.memory_space<vmem>>) dst(%dma_wait3A_62 : memref<48x128xf32, #tpu.memory_space<vmem_shared>>)
      tpu.yield
    }) : () -> ()
    %add3A_34 = arith.constant 576 : i32
    %add3A_35 = arith.addi %mul3A_8, %add3A_34 : i32
    "tpu.region"() ({
      %run_scoped3A = tpu.sem_alloc : memref<!tpu.dma_semaphore, #tpu.memory_space<semaphore_mem>>
      %dma_start3A_55 = arith.constant 0 : i32
      %dma_start3A_56 = tpu.memref_slice %arg6[%add3A_35, %dma_start3A_55] : memref<10000x128xf32, #tpu.memory_space<vmem_shared>> -> memref<48x128xf32, #tpu.memory_space<vmem_shared>>
      %dma_start3A_57 = arith.constant 0 : i32
      %dma_start3A_58 = tpu.memref_slice %arg6[%add3A_35, %dma_start3A_57] : memref<10000x128xf32, #tpu.memory_space<vmem_shared>> -> memref<48x128xf32, #tpu.memory_space<vmem_shared>>
      tpu.enqueue_dma source(%arg13 : memref<48x128xf32, #tpu.memory_space<vmem>>) target(%dma_start3A_58 : memref<48x128xf32, #tpu.memory_space<vmem_shared>>) target_semaphore(%run_scoped3A : memref<!tpu.dma_semaphore, #tpu.memory_space<semaphore_mem>>)
      %dma_wait3A_59 = arith.constant 0 : i32
      %dma_wait3A_60 = tpu.memref_slice %arg6[%add3A_35, %dma_wait3A_59] : memref<10000x128xf32, #tpu.memory_space<vmem_shared>> -> memref<48x128xf32, #tpu.memory_space<vmem_shared>>
      %dma_wait3A_61 = arith.constant 0 : i32
      %dma_wait3A_62 = tpu.memref_slice %arg6[%add3A_35, %dma_wait3A_61] : memref<10000x128xf32, #tpu.memory_space<vmem_shared>> -> memref<48x128xf32, #tpu.memory_space<vmem_shared>>
      tpu.wait_dma2 semaphore(%run_scoped3A : memref<!tpu.dma_semaphore, #tpu.memory_space<semaphore_mem>>) src(%arg13 : memref<48x128xf32, #tpu.memory_space<vmem>>) dst(%dma_wait3A_62 : memref<48x128xf32, #tpu.memory_space<vmem_shared>>)
      tpu.yield
    }) : () -> ()
    %convert_element_type3A = arith.extui %eq3A_9 : i1 to i32
    %cond3A = arith.constant 0 : i32
    %cond3A_36 = arith.cmpi ne, %convert_element_type3A, %cond3A : i32
    scf.if %cond3A_36 {
      "tpu.region"() ({
        %run_scoped3A = tpu.sem_alloc : memref<!tpu.dma_semaphore, #tpu.memory_space<semaphore_mem>>
        %dma_start3A_55 = arith.constant 0 : i32
        %dma_start3A_56 = arith.constant 0 : i32
        %dma_start3A_57 = tpu.memref_slice %arg13[%dma_start3A_55, %dma_start3A_56] : memref<48x128xf32, #tpu.memory_space<vmem>> -> memref<16x128xf32, #tpu.memory_space<vmem>>
        %dma_start3A_58 = arith.constant 9984 : i32
        %dma_start3A_59 = arith.constant 0 : i32
        %dma_start3A_60 = tpu.memref_slice %arg6[%dma_start3A_58, %dma_start3A_59] : memref<10000x128xf32, #tpu.memory_space<vmem_shared>> -> memref<16x128xf32, #tpu.memory_space<vmem_shared>>
        %dma_start3A_61 = arith.constant 9984 : i32
        %dma_start3A_62 = arith.constant 0 : i32
        %dma_start3A_63 = tpu.memref_slice %arg6[%dma_start3A_61, %dma_start3A_62] : memref<10000x128xf32, #tpu.memory_space<vmem_shared>> -> memref<16x128xf32, #tpu.memory_space<vmem_shared>>
        %dma_start3A_64 = arith.constant 0 : i32
        %dma_start3A_65 = arith.constant 0 : i32
        %dma_start3A_66 = tpu.memref_slice %arg13[%dma_start3A_64, %dma_start3A_65] : memref<48x128xf32, #tpu.memory_space<vmem>> -> memref<16x128xf32, #tpu.memory_space<vmem>>
        tpu.enqueue_dma source(%dma_start3A_66 : memref<16x128xf32, #tpu.memory_space<vmem>>) target(%dma_start3A_63 : memref<16x128xf32, #tpu.memory_space<vmem_shared>>) target_semaphore(%run_scoped3A : memref<!tpu.dma_semaphore, #tpu.memory_space<semaphore_mem>>)
        %dma_wait3A_67 = arith.constant 0 : i32
        %dma_wait3A_68 = arith.constant 0 : i32
        %dma_wait3A_69 = tpu.memref_slice %arg13[%dma_wait3A_67, %dma_wait3A_68] : memref<48x128xf32, #tpu.memory_space<vmem>> -> memref<16x128xf32, #tpu.memory_space<vmem>>
        %dma_wait3A_70 = arith.constant 9984 : i32
        %dma_wait3A_71 = arith.constant 0 : i32
        %dma_wait3A_72 = tpu.memref_slice %arg6[%dma_wait3A_70, %dma_wait3A_71] : memref<10000x128xf32, #tpu.memory_space<vmem_shared>> -> memref<16x128xf32, #tpu.memory_space<vmem_shared>>
        %dma_wait3A_73 = arith.constant 9984 : i32
        %dma_wait3A_74 = arith.constant 0 : i32
        %dma_wait3A_75 = tpu.memref_slice %arg6[%dma_wait3A_73, %dma_wait3A_74] : memref<10000x128xf32, #tpu.memory_space<vmem_shared>> -> memref<16x128xf32, #tpu.memory_space<vmem_shared>>
        %dma_wait3A_76 = arith.constant 0 : i32
        %dma_wait3A_77 = arith.constant 0 : i32
        %dma_wait3A_78 = tpu.memref_slice %arg13[%dma_wait3A_76, %dma_wait3A_77] : memref<48x128xf32, #tpu.memory_space<vmem>> -> memref<16x128xf32, #tpu.memory_space<vmem>>
        tpu.wait_dma2 semaphore(%run_scoped3A : memref<!tpu.dma_semaphore, #tpu.memory_space<semaphore_mem>>) src(%dma_wait3A_78 : memref<16x128xf32, #tpu.memory_space<vmem>>) dst(%dma_wait3A_75 : memref<16x128xf32, #tpu.memory_space<vmem_shared>>)
        tpu.yield
      }) : () -> ()
    } else {
    }
    %barrier3A = arith.constant 0 : index
    tpu.barrier barrier_id(%barrier3A)
    %mul3A_37 = arith.constant 10000 : i32
    %mul3A_38 = arith.muli %add3A, %mul3A_37 : i32
    %add3A_39 = arith.constant 0 : i32
    %add3A_40 = arith.addi %mul3A_38, %add3A_39 : i32
    "tpu.region"() ({
      %run_scoped3A = tpu.sem_alloc : memref<!tpu.dma_semaphore, #tpu.memory_space<semaphore_mem>>
      %dma_start3A_55 = tpu.memref_slice %arg2[%add3A_40] : memref<320000xi32, #tpu.memory_space<hbm>> -> memref<80xi32, #tpu.memory_space<hbm>>
      %dma_start3A_56 = tpu.memref_slice %arg2[%add3A_40] : memref<320000xi32, #tpu.memory_space<hbm>> -> memref<80xi32, #tpu.memory_space<hbm>>
      tpu.enqueue_dma source(%dma_start3A_56 : memref<80xi32, #tpu.memory_space<hbm>>) target(%arg7 : memref<80xi32, #tpu.memory_space<vmem>>) target_semaphore(%run_scoped3A : memref<!tpu.dma_semaphore, #tpu.memory_space<semaphore_mem>>)
      %dma_wait3A_57 = tpu.memref_slice %arg2[%add3A_40] : memref<320000xi32, #tpu.memory_space<hbm>> -> memref<80xi32, #tpu.memory_space<hbm>>
      %dma_wait3A_58 = tpu.memref_slice %arg2[%add3A_40] : memref<320000xi32, #tpu.memory_space<hbm>> -> memref<80xi32, #tpu.memory_space<hbm>>
      tpu.wait_dma2 semaphore(%run_scoped3A : memref<!tpu.dma_semaphore, #tpu.memory_space<semaphore_mem>>) src(%dma_wait3A_58 : memref<80xi32, #tpu.memory_space<hbm>>) dst(%arg7 : memref<80xi32, #tpu.memory_space<vmem>>)
      tpu.yield
    }) : () -> ()
    "tpu.region"() ({
      %run_scoped3A = tpu.sem_alloc : memref<!tpu.dma_semaphore, #tpu.memory_space<semaphore_mem>>
      %dma_start3A_55 = tpu.memref_slice %arg3[%add3A_40] : memref<320000xi32, #tpu.memory_space<hbm>> -> memref<80xi32, #tpu.memory_space<hbm>>
      %dma_start3A_56 = tpu.memref_slice %arg3[%add3A_40] : memref<320000xi32, #tpu.memory_space<hbm>> -> memref<80xi32, #tpu.memory_space<hbm>>
      tpu.enqueue_dma source(%dma_start3A_56 : memref<80xi32, #tpu.memory_space<hbm>>) target(%arg8 : memref<80xi32, #tpu.memory_space<vmem>>) target_semaphore(%run_scoped3A : memref<!tpu.dma_semaphore, #tpu.memory_space<semaphore_mem>>)
      %dma_wait3A_57 = tpu.memref_slice %arg3[%add3A_40] : memref<320000xi32, #tpu.memory_space<hbm>> -> memref<80xi32, #tpu.memory_space<hbm>>
      %dma_wait3A_58 = tpu.memref_slice %arg3[%add3A_40] : memref<320000xi32, #tpu.memory_space<hbm>> -> memref<80xi32, #tpu.memory_space<hbm>>
      tpu.wait_dma2 semaphore(%run_scoped3A : memref<!tpu.dma_semaphore, #tpu.memory_space<semaphore_mem>>) src(%dma_wait3A_58 : memref<80xi32, #tpu.memory_space<hbm>>) dst(%arg8 : memref<80xi32, #tpu.memory_space<vmem>>)
      tpu.yield
    }) : () -> ()
    %dma_start3A = arith.constant 0 : i32
    %dma_start3A_41 = arith.constant 0 : i32
    %dma_start3A_42 = tpu.memref_slice %arg4[%dma_start3A, %dma_start3A_41] : memref<10000x128xf32, #tpu.memory_space<hbm>> -> memref<10000x128xf32, #tpu.memory_space<hbm>>
    tpu.enqueue_indirect_dma source(%dma_start3A_42 : memref<10000x128xf32, #tpu.memory_space<hbm>>) target(%arg9 : memref<80x128xf32, #tpu.memory_space<vmem>>) offsets(%arg7 : memref<80xi32, #tpu.memory_space<vmem>>) semaphore(%arg14 : memref<!tpu.dma_semaphore, #tpu.memory_space<semaphore_mem>>)
    %scan3A_43 = arith.constant 0 : i32
    %scan3A_44 = arith.constant 0 : i32
    %scan3A_45 = arith.constant 62 : i32
    %scan3A_46 = arith.addi %scan3A_44, %scan3A_45 : i32
    %scan3A_47 = arith.constant 1 : i32
    scf.for %scan3A_55 = %scan3A_44 to %scan3A_46 step %scan3A_47  : i32 {
      %mul3A_56 = arith.constant 2 : i32
      %mul3A_57 = arith.muli %mul3A_56, %scan3A_55 : i32
      %add3A_58 = arith.constant 1 : i32
      %add3A_59 = arith.addi %mul3A_57, %add3A_58 : i32
      %mul3A_60 = arith.constant 80 : i32
      %mul3A_61 = arith.muli %add3A_59, %mul3A_60 : i32
      %add3A_62 = arith.addi %mul3A_38, %mul3A_61 : i32
      "tpu.region"() ({
        %run_scoped3A = tpu.sem_alloc : memref<!tpu.dma_semaphore, #tpu.memory_space<semaphore_mem>>
        %dma_start3A_80 = tpu.memref_slice %arg2[%add3A_62] : memref<320000xi32, #tpu.memory_space<hbm>> -> memref<80xi32, #tpu.memory_space<hbm>>
        %dma_start3A_81 = tpu.memref_slice %arg2[%add3A_62] : memref<320000xi32, #tpu.memory_space<hbm>> -> memref<80xi32, #tpu.memory_space<hbm>>
        tpu.enqueue_dma source(%dma_start3A_81 : memref<80xi32, #tpu.memory_space<hbm>>) target(%arg10 : memref<80xi32, #tpu.memory_space<vmem>>) target_semaphore(%run_scoped3A : memref<!tpu.dma_semaphore, #tpu.memory_space<semaphore_mem>>)
        %dma_wait3A_82 = tpu.memref_slice %arg2[%add3A_62] : memref<320000xi32, #tpu.memory_space<hbm>> -> memref<80xi32, #tpu.memory_space<hbm>>
        %dma_wait3A_83 = tpu.memref_slice %arg2[%add3A_62] : memref<320000xi32, #tpu.memory_space<hbm>> -> memref<80xi32, #tpu.memory_space<hbm>>
        tpu.wait_dma2 semaphore(%run_scoped3A : memref<!tpu.dma_semaphore, #tpu.memory_space<semaphore_mem>>) src(%dma_wait3A_83 : memref<80xi32, #tpu.memory_space<hbm>>) dst(%arg10 : memref<80xi32, #tpu.memory_space<vmem>>)
        tpu.yield
      }) : () -> ()
      "tpu.region"() ({
        %run_scoped3A = tpu.sem_alloc : memref<!tpu.dma_semaphore, #tpu.memory_space<semaphore_mem>>
        %dma_start3A_80 = tpu.memref_slice %arg3[%add3A_62] : memref<320000xi32, #tpu.memory_space<hbm>> -> memref<80xi32, #tpu.memory_space<hbm>>
        %dma_start3A_81 = tpu.memref_slice %arg3[%add3A_62] : memref<320000xi32, #tpu.memory_space<hbm>> -> memref<80xi32, #tpu.memory_space<hbm>>
        tpu.enqueue_dma source(%dma_start3A_81 : memref<80xi32, #tpu.memory_space<hbm>>) target(%arg11 : memref<80xi32, #tpu.memory_space<vmem>>) target_semaphore(%run_scoped3A : memref<!tpu.dma_semaphore, #tpu.memory_space<semaphore_mem>>)
        %dma_wait3A_82 = tpu.memref_slice %arg3[%add3A_62] : memref<320000xi32, #tpu.memory_space<hbm>> -> memref<80xi32, #tpu.memory_space<hbm>>
        %dma_wait3A_83 = tpu.memref_slice %arg3[%add3A_62] : memref<320000xi32, #tpu.memory_space<hbm>> -> memref<80xi32, #tpu.memory_space<hbm>>
        tpu.wait_dma2 semaphore(%run_scoped3A : memref<!tpu.dma_semaphore, #tpu.memory_space<semaphore_mem>>) src(%dma_wait3A_83 : memref<80xi32, #tpu.memory_space<hbm>>) dst(%arg11 : memref<80xi32, #tpu.memory_space<vmem>>)
        tpu.yield
      }) : () -> ()
      %dma_start3A_63 = arith.constant 0 : i32
      %dma_start3A_64 = arith.constant 0 : i32
      %dma_start3A_65 = tpu.memref_slice %arg4[%dma_start3A_63, %dma_start3A_64] : memref<10000x128xf32, #tpu.memory_space<hbm>> -> memref<10000x128xf32, #tpu.memory_space<hbm>>
      tpu.enqueue_indirect_dma source(%dma_start3A_65 : memref<10000x128xf32, #tpu.memory_space<hbm>>) target(%arg12 : memref<80x128xf32, #tpu.memory_space<vmem>>) offsets(%arg10 : memref<80xi32, #tpu.memory_space<vmem>>) semaphore(%arg15 : memref<!tpu.dma_semaphore, #tpu.memory_space<semaphore_mem>>)
      %dma_wait3A_66 = arith.constant 0 : i32
      %dma_wait3A_67 = arith.constant 0 : i32
      %dma_wait3A_68 = tpu.memref_slice %arg4[%dma_wait3A_66, %dma_wait3A_67] : memref<10000x128xf32, #tpu.memory_space<hbm>> -> memref<10000x128xf32, #tpu.memory_space<hbm>>
      tpu.wait_indirect_dma semaphore(%arg14 : memref<!tpu.dma_semaphore, #tpu.memory_space<semaphore_mem>>) src(%dma_wait3A_68 : memref<10000x128xf32, #tpu.memory_space<hbm>>) dst(%arg9 : memref<80x128xf32, #tpu.memory_space<vmem>>)
      "tpu.region"() ({
        %run_scoped3A = tpu.sem_alloc : memref<!tpu.dma_semaphore, #tpu.memory_space<semaphore_mem>>
        %dma_start3A_80 = arith.constant 0 : i32
        %dma_start3A_81 = arith.constant 0 : i32
        %dma_start3A_82 = tpu.memref_slice %arg6[%dma_start3A_80, %dma_start3A_81] : memref<10000x128xf32, #tpu.memory_space<vmem_shared>> -> memref<10000x128xf32, #tpu.memory_space<vmem_shared>>
        tpu.enqueue_indirect_dma source(%arg9 : memref<80x128xf32, #tpu.memory_space<vmem>>) target(%dma_start3A_82 : memref<10000x128xf32, #tpu.memory_space<vmem_shared>>) offsets(%arg8 : memref<80xi32, #tpu.memory_space<vmem>>) semaphore(%run_scoped3A : memref<!tpu.dma_semaphore, #tpu.memory_space<semaphore_mem>>) {add = true}
        %dma_wait3A_83 = arith.constant 0 : i32
        %dma_wait3A_84 = arith.constant 0 : i32
        %dma_wait3A_85 = tpu.memref_slice %arg6[%dma_wait3A_83, %dma_wait3A_84] : memref<10000x128xf32, #tpu.memory_space<vmem_shared>> -> memref<10000x128xf32, #tpu.memory_space<vmem_shared>>
        tpu.wait_indirect_dma semaphore(%run_scoped3A : memref<!tpu.dma_semaphore, #tpu.memory_space<semaphore_mem>>) src(%arg9 : memref<80x128xf32, #tpu.memory_space<vmem>>) dst(%dma_wait3A_85 : memref<10000x128xf32, #tpu.memory_space<vmem_shared>>)
        tpu.yield
      }) : () -> ()
      %add3A_69 = arith.constant 2 : i32
      %add3A_70 = arith.addi %mul3A_57, %add3A_69 : i32
      %mul3A_71 = arith.constant 80 : i32
      %mul3A_72 = arith.muli %add3A_70, %mul3A_71 : i32
      %add3A_73 = arith.addi %mul3A_38, %mul3A_72 : i32
      "tpu.region"() ({
        %run_scoped3A = tpu.sem_alloc : memref<!tpu.dma_semaphore, #tpu.memory_space<semaphore_mem>>
        %dma_start3A_80 = tpu.memref_slice %arg2[%add3A_73] : memref<320000xi32, #tpu.memory_space<hbm>> -> memref<80xi32, #tpu.memory_space<hbm>>
        %dma_start3A_81 = tpu.memref_slice %arg2[%add3A_73] : memref<320000xi32, #tpu.memory_space<hbm>> -> memref<80xi32, #tpu.memory_space<hbm>>
        tpu.enqueue_dma source(%dma_start3A_81 : memref<80xi32, #tpu.memory_space<hbm>>) target(%arg7 : memref<80xi32, #tpu.memory_space<vmem>>) target_semaphore(%run_scoped3A : memref<!tpu.dma_semaphore, #tpu.memory_space<semaphore_mem>>)
        %dma_wait3A_82 = tpu.memref_slice %arg2[%add3A_73] : memref<320000xi32, #tpu.memory_space<hbm>> -> memref<80xi32, #tpu.memory_space<hbm>>
        %dma_wait3A_83 = tpu.memref_slice %arg2[%add3A_73] : memref<320000xi32, #tpu.memory_space<hbm>> -> memref<80xi32, #tpu.memory_space<hbm>>
        tpu.wait_dma2 semaphore(%run_scoped3A : memref<!tpu.dma_semaphore, #tpu.memory_space<semaphore_mem>>) src(%dma_wait3A_83 : memref<80xi32, #tpu.memory_space<hbm>>) dst(%arg7 : memref<80xi32, #tpu.memory_space<vmem>>)
        tpu.yield
      }) : () -> ()
      "tpu.region"() ({
        %run_scoped3A = tpu.sem_alloc : memref<!tpu.dma_semaphore, #tpu.memory_space<semaphore_mem>>
        %dma_start3A_80 = tpu.memref_slice %arg3[%add3A_73] : memref<320000xi32, #tpu.memory_space<hbm>> -> memref<80xi32, #tpu.memory_space<hbm>>
        %dma_start3A_81 = tpu.memref_slice %arg3[%add3A_73] : memref<320000xi32, #tpu.memory_space<hbm>> -> memref<80xi32, #tpu.memory_space<hbm>>
        tpu.enqueue_dma source(%dma_start3A_81 : memref<80xi32, #tpu.memory_space<hbm>>) target(%arg8 : memref<80xi32, #tpu.memory_space<vmem>>) target_semaphore(%run_scoped3A : memref<!tpu.dma_semaphore, #tpu.memory_space<semaphore_mem>>)
        %dma_wait3A_82 = tpu.memref_slice %arg3[%add3A_73] : memref<320000xi32, #tpu.memory_space<hbm>> -> memref<80xi32, #tpu.memory_space<hbm>>
        %dma_wait3A_83 = tpu.memref_slice %arg3[%add3A_73] : memref<320000xi32, #tpu.memory_space<hbm>> -> memref<80xi32, #tpu.memory_space<hbm>>
        tpu.wait_dma2 semaphore(%run_scoped3A : memref<!tpu.dma_semaphore, #tpu.memory_space<semaphore_mem>>) src(%dma_wait3A_83 : memref<80xi32, #tpu.memory_space<hbm>>) dst(%arg8 : memref<80xi32, #tpu.memory_space<vmem>>)
        tpu.yield
      }) : () -> ()
      %dma_start3A_74 = arith.constant 0 : i32
      %dma_start3A_75 = arith.constant 0 : i32
      %dma_start3A_76 = tpu.memref_slice %arg4[%dma_start3A_74, %dma_start3A_75] : memref<10000x128xf32, #tpu.memory_space<hbm>> -> memref<10000x128xf32, #tpu.memory_space<hbm>>
      tpu.enqueue_indirect_dma source(%dma_start3A_76 : memref<10000x128xf32, #tpu.memory_space<hbm>>) target(%arg9 : memref<80x128xf32, #tpu.memory_space<vmem>>) offsets(%arg7 : memref<80xi32, #tpu.memory_space<vmem>>) semaphore(%arg14 : memref<!tpu.dma_semaphore, #tpu.memory_space<semaphore_mem>>)
      %dma_wait3A_77 = arith.constant 0 : i32
      %dma_wait3A_78 = arith.constant 0 : i32
      %dma_wait3A_79 = tpu.memref_slice %arg4[%dma_wait3A_77, %dma_wait3A_78] : memref<10000x128xf32, #tpu.memory_space<hbm>> -> memref<10000x128xf32, #tpu.memory_space<hbm>>
      tpu.wait_indirect_dma semaphore(%arg15 : memref<!tpu.dma_semaphore, #tpu.memory_space<semaphore_mem>>) src(%dma_wait3A_79 : memref<10000x128xf32, #tpu.memory_space<hbm>>) dst(%arg12 : memref<80x128xf32, #tpu.memory_space<vmem>>)
      "tpu.region"() ({
        %run_scoped3A = tpu.sem_alloc : memref<!tpu.dma_semaphore, #tpu.memory_space<semaphore_mem>>
        %dma_start3A_80 = arith.constant 0 : i32
        %dma_start3A_81 = arith.constant 0 : i32
        %dma_start3A_82 = tpu.memref_slice %arg6[%dma_start3A_80, %dma_start3A_81] : memref<10000x128xf32, #tpu.memory_space<vmem_shared>> -> memref<10000x128xf32, #tpu.memory_space<vmem_shared>>
        tpu.enqueue_indirect_dma source(%arg12 : memref<80x128xf32, #tpu.memory_space<vmem>>) target(%dma_start3A_82 : memref<10000x128xf32, #tpu.memory_space<vmem_shared>>) offsets(%arg11 : memref<80xi32, #tpu.memory_space<vmem>>) semaphore(%run_scoped3A : memref<!tpu.dma_semaphore, #tpu.memory_space<semaphore_mem>>) {add = true}
        %dma_wait3A_83 = arith.constant 0 : i32
        %dma_wait3A_84 = arith.constant 0 : i32
        %dma_wait3A_85 = tpu.memref_slice %arg6[%dma_wait3A_83, %dma_wait3A_84] : memref<10000x128xf32, #tpu.memory_space<vmem_shared>> -> memref<10000x128xf32, #tpu.memory_space<vmem_shared>>
        tpu.wait_indirect_dma semaphore(%run_scoped3A : memref<!tpu.dma_semaphore, #tpu.memory_space<semaphore_mem>>) src(%arg12 : memref<80x128xf32, #tpu.memory_space<vmem>>) dst(%dma_wait3A_85 : memref<10000x128xf32, #tpu.memory_space<vmem_shared>>)
        tpu.yield
      }) : () -> ()
    }
    %scan3A_48 = arith.constant 62 : i32
    %dma_wait3A = arith.constant 0 : i32
    %dma_wait3A_49 = arith.constant 0 : i32
    %dma_wait3A_50 = tpu.memref_slice %arg4[%dma_wait3A, %dma_wait3A_49] : memref<10000x128xf32, #tpu.memory_space<hbm>> -> memref<10000x128xf32, #tpu.memory_space<hbm>>
    tpu.wait_indirect_dma semaphore(%arg14 : memref<!tpu.dma_semaphore, #tpu.memory_space<semaphore_mem>>) src(%dma_wait3A_50 : memref<10000x128xf32, #tpu.memory_space<hbm>>) dst(%arg9 : memref<80x128xf32, #tpu.memory_space<vmem>>)
    "tpu.region"() ({
      %run_scoped3A = tpu.sem_alloc : memref<!tpu.dma_semaphore, #tpu.memory_space<semaphore_mem>>
      %dma_start3A_55 = arith.constant 0 : i32
      %dma_start3A_56 = arith.constant 0 : i32
      %dma_start3A_57 = tpu.memref_slice %arg6[%dma_start3A_55, %dma_start3A_56] : memref<10000x128xf32, #tpu.memory_space<vmem_shared>> -> memref<10000x128xf32, #tpu.memory_space<vmem_shared>>
      tpu.enqueue_indirect_dma source(%arg9 : memref<80x128xf32, #tpu.memory_space<vmem>>) target(%dma_start3A_57 : memref<10000x128xf32, #tpu.memory_space<vmem_shared>>) offsets(%arg8 : memref<80xi32, #tpu.memory_space<vmem>>) semaphore(%run_scoped3A : memref<!tpu.dma_semaphore, #tpu.memory_space<semaphore_mem>>) {add = true}
      %dma_wait3A_58 = arith.constant 0 : i32
      %dma_wait3A_59 = arith.constant 0 : i32
      %dma_wait3A_60 = tpu.memref_slice %arg6[%dma_wait3A_58, %dma_wait3A_59] : memref<10000x128xf32, #tpu.memory_space<vmem_shared>> -> memref<10000x128xf32, #tpu.memory_space<vmem_shared>>
      tpu.wait_indirect_dma semaphore(%run_scoped3A : memref<!tpu.dma_semaphore, #tpu.memory_space<semaphore_mem>>) src(%arg9 : memref<80x128xf32, #tpu.memory_space<vmem>>) dst(%dma_wait3A_60 : memref<10000x128xf32, #tpu.memory_space<vmem_shared>>)
      tpu.yield
    }) : () -> ()
    %barrier3A_51 = arith.constant 0 : index
    tpu.barrier barrier_id(%barrier3A_51)
    "tpu.region"() ({
      %run_scoped3A = tpu.sem_alloc : memref<!tpu.dma_semaphore, #tpu.memory_space<semaphore_mem>>
      %dma_start3A_55 = arith.constant 0 : i32
      %dma_start3A_56 = tpu.memref_slice %arg5[%arg0, %mul3A_8, %dma_start3A_55] : memref<2x10000x128xf32, #tpu.memory_space<hbm>> -> memref<1x624x128xf32, #tpu.memory_space<hbm>>
      %dma_start3A_57 = tpu.memref_squeeze %dma_start3A_56 : memref<1x624x128xf32, #tpu.memory_space<hbm>> -> memref<624x128xf32, #tpu.memory_space<hbm>>
      %dma_start3A_58 = arith.constant 0 : i32
      %dma_start3A_59 = tpu.memref_slice %arg6[%mul3A_8, %dma_start3A_58] : memref<10000x128xf32, #tpu.memory_space<vmem_shared>> -> memref<624x128xf32, #tpu.memory_space<vmem_shared>>
      tpu.enqueue_dma source(%dma_start3A_59 : memref<624x128xf32, #tpu.memory_space<vmem_shared>>) target(%dma_start3A_57 : memref<624x128xf32, #tpu.memory_space<hbm>>) target_semaphore(%run_scoped3A : memref<!tpu.dma_semaphore, #tpu.memory_space<semaphore_mem>>)
      %dma_wait3A_60 = arith.constant 0 : i32
      %dma_wait3A_61 = tpu.memref_slice %arg5[%arg0, %mul3A_8, %dma_wait3A_60] : memref<2x10000x128xf32, #tpu.memory_space<hbm>> -> memref<1x624x128xf32, #tpu.memory_space<hbm>>
      %dma_wait3A_62 = tpu.memref_squeeze %dma_wait3A_61 : memref<1x624x128xf32, #tpu.memory_space<hbm>> -> memref<624x128xf32, #tpu.memory_space<hbm>>
      %dma_wait3A_63 = arith.constant 0 : i32
      %dma_wait3A_64 = tpu.memref_slice %arg6[%mul3A_8, %dma_wait3A_63] : memref<10000x128xf32, #tpu.memory_space<vmem_shared>> -> memref<624x128xf32, #tpu.memory_space<vmem_shared>>
      tpu.wait_dma2 semaphore(%run_scoped3A : memref<!tpu.dma_semaphore, #tpu.memory_space<semaphore_mem>>) src(%dma_wait3A_64 : memref<624x128xf32, #tpu.memory_space<vmem_shared>>) dst(%dma_wait3A_62 : memref<624x128xf32, #tpu.memory_space<hbm>>)
      tpu.yield
    }) : () -> ()
    %convert_element_type3A_52 = arith.extui %eq3A_9 : i1 to i32
    %cond3A_53 = arith.constant 0 : i32
    %cond3A_54 = arith.cmpi ne, %convert_element_type3A_52, %cond3A_53 : i32
    scf.if %cond3A_54 {
      "tpu.region"() ({
        %run_scoped3A = tpu.sem_alloc : memref<!tpu.dma_semaphore, #tpu.memory_space<semaphore_mem>>
        %dma_start3A_55 = arith.constant 9984 : i32
        %dma_start3A_56 = arith.constant 0 : i32
        %dma_start3A_57 = tpu.memref_slice %arg5[%arg0, %dma_start3A_55, %dma_start3A_56] : memref<2x10000x128xf32, #tpu.memory_space<hbm>> -> memref<1x16x128xf32, #tpu.memory_space<hbm>>
        %dma_start3A_58 = tpu.memref_squeeze %dma_start3A_57 : memref<1x16x128xf32, #tpu.memory_space<hbm>> -> memref<16x128xf32, #tpu.memory_space<hbm>>
        %dma_start3A_59 = arith.constant 9984 : i32
        %dma_start3A_60 = arith.constant 0 : i32
        %dma_start3A_61 = tpu.memref_slice %arg6[%dma_start3A_59, %dma_start3A_60] : memref<10000x128xf32, #tpu.memory_space<vmem_shared>> -> memref<16x128xf32, #tpu.memory_space<vmem_shared>>
        tpu.enqueue_dma source(%dma_start3A_61 : memref<16x128xf32, #tpu.memory_space<vmem_shared>>) target(%dma_start3A_58 : memref<16x128xf32, #tpu.memory_space<hbm>>) target_semaphore(%run_scoped3A : memref<!tpu.dma_semaphore, #tpu.memory_space<semaphore_mem>>)
        %dma_wait3A_62 = arith.constant 9984 : i32
        %dma_wait3A_63 = arith.constant 0 : i32
        %dma_wait3A_64 = tpu.memref_slice %arg5[%arg0, %dma_wait3A_62, %dma_wait3A_63] : memref<2x10000x128xf32, #tpu.memory_space<hbm>> -> memref<1x16x128xf32, #tpu.memory_space<hbm>>
        %dma_wait3A_65 = tpu.memref_squeeze %dma_wait3A_64 : memref<1x16x128xf32, #tpu.memory_space<hbm>> -> memref<16x128xf32, #tpu.memory_space<hbm>>
        %dma_wait3A_66 = arith.constant 9984 : i32
        %dma_wait3A_67 = arith.constant 0 : i32
        %dma_wait3A_68 = tpu.memref_slice %arg6[%dma_wait3A_66, %dma_wait3A_67] : memref<10000x128xf32, #tpu.memory_space<vmem_shared>> -> memref<16x128xf32, #tpu.memory_space<vmem_shared>>
        tpu.wait_dma2 semaphore(%run_scoped3A : memref<!tpu.dma_semaphore, #tpu.memory_space<semaphore_mem>>) src(%dma_wait3A_68 : memref<16x128xf32, #tpu.memory_space<vmem_shared>>) dst(%dma_wait3A_65 : memref<16x128xf32, #tpu.memory_space<hbm>>)
        tpu.yield
      }) : () -> ()
    } else {
    }
    return
  }
}

module attributes {stable_mosaic.version = 14 : i64} {
  func.func @_mid_body(%arg0: i32, %arg1: memref<2x1024x128xf32, #tpu.memory_space<vmem>>, %arg2: memref<2x1024x128xf32, #tpu.memory_space<vmem>>, %arg3: memref<1024x128xf32, #tpu.memory_space<vmem>>, %arg4: memref<1x128xf32, #tpu.memory_space<vmem>>, %arg5: memref<128x128xf32, #tpu.memory_space<vmem>>, %arg6: memref<128x128xf32, #tpu.memory_space<vmem>>, %arg7: memref<1024x128xf32, #tpu.memory_space<vmem>>, %arg8: memref<1024x128xf32, #tpu.memory_space<vmem>>, %arg9: memref<1024x128xf32, #tpu.memory_space<vmem>>) attributes {dimension_semantics = [#tpu.dimension_semantics<arbitrary>], iteration_bounds = array<i64: 10>, scalar_prefetch = 0 : i64, scratch_operands = 0 : i64, tpu.core_type = #tpu.core_type<tc>, window_params = [{transform_indices = @transform_0, window_bounds = array<i64: 2, 1024, 128>}, {transform_indices = @transform_1, window_bounds = array<i64: 2, 1024, 128>}, {transform_indices = @transform_2, window_bounds = array<i64: 1024, 128>}, {pipeline_mode = #tpu.pipeline_mode<synchronous>, transform_indices = @transform_3, window_bounds = array<i64: 1, 128>}, {pipeline_mode = #tpu.pipeline_mode<synchronous>, transform_indices = @transform_4, window_bounds = array<i64: 128, 128>}, {pipeline_mode = #tpu.pipeline_mode<synchronous>, transform_indices = @transform_5, window_bounds = array<i64: 128, 128>}, {transform_indices = @transform_6, window_bounds = array<i64: 1024, 128>}, {transform_indices = @transform_7, window_bounds = array<i64: 1024, 128>}, {transform_indices = @transform_8, window_bounds = array<i64: 1024, 128>}]} {
    %get3A = arith.constant 0 : index
    %get3A_0 = arith.constant 0 : index
    %get3A_1 = arith.constant 0 : index
    %get3A_2 = vector.load %arg2[%get3A, %get3A_0, %get3A_1] : memref<2x1024x128xf32, #tpu.memory_space<vmem>>, vector<1x1024x128xf32>
    %get3A_3 = vector.shape_cast %get3A_2 : vector<1x1024x128xf32> to vector<1024x128xf32>
    %get3A_4 = arith.constant 1 : index
    %get3A_5 = arith.constant 0 : index
    %get3A_6 = arith.constant 0 : index
    %get3A_7 = vector.load %arg2[%get3A_4, %get3A_5, %get3A_6] : memref<2x1024x128xf32, #tpu.memory_space<vmem>>, vector<1x1024x128xf32>
    %get3A_8 = vector.shape_cast %get3A_7 : vector<1x1024x128xf32> to vector<1024x128xf32>
    %add3A = arith.addf %get3A_3, %get3A_8 : vector<1024x128xf32>
    %max3A = arith.constant 1.000000e+00 : f32
    %max3A_9 = vector.broadcast %max3A : f32 to vector<1024x128xf32>
    %max3A_10 = arith.maximumf %add3A, %max3A_9 : vector<1024x128xf32>
    %div3A = arith.constant 1.000000e+00 : f32
    %div3A_11 = vector.broadcast %div3A : f32 to vector<1024x128xf32>
    %div3A_12 = arith.divf %div3A_11, %max3A_10 : vector<1024x128xf32>
    %get3A_13 = arith.constant 0 : index
    %get3A_14 = arith.constant 0 : index
    %get3A_15 = arith.constant 0 : index
    %get3A_16 = vector.load %arg1[%get3A_13, %get3A_14, %get3A_15] : memref<2x1024x128xf32, #tpu.memory_space<vmem>>, vector<1x1024x128xf32>
    %get3A_17 = vector.shape_cast %get3A_16 : vector<1x1024x128xf32> to vector<1024x128xf32>
    %get3A_18 = arith.constant 1 : index
    %get3A_19 = arith.constant 0 : index
    %get3A_20 = arith.constant 0 : index
    %get3A_21 = vector.load %arg1[%get3A_18, %get3A_19, %get3A_20] : memref<2x1024x128xf32, #tpu.memory_space<vmem>>, vector<1x1024x128xf32>
    %get3A_22 = vector.shape_cast %get3A_21 : vector<1x1024x128xf32> to vector<1024x128xf32>
    %add3A_23 = arith.addf %get3A_17, %get3A_22 : vector<1024x128xf32>
    %mul3A = arith.mulf %add3A_23, %div3A_12 : vector<1024x128xf32>
    %get3A_24 = arith.constant 0 : index
    %get3A_25 = arith.constant 0 : index
    %get3A_26 = vector.load %arg4[%get3A_24, %get3A_25] : memref<1x128xf32, #tpu.memory_space<vmem>>, vector<1x128xf32>
    %add3A_27 = vector.broadcast %get3A_26 : vector<1x128xf32> to vector<1024x128xf32>
    %add3A_28 = arith.addf %mul3A, %add3A_27 : vector<1024x128xf32>
    %get3A_29 = arith.constant 0 : index
    %get3A_30 = arith.constant 0 : index
    %get3A_31 = vector.load %arg3[%get3A_29, %get3A_30] : memref<1024x128xf32, #tpu.memory_space<vmem>>, vector<1024x128xf32>
    %add3A_32 = arith.addf %add3A_28, %get3A_31 : vector<1024x128xf32>
    %max3A_33 = arith.constant 0.000000e+00 : f32
    %max3A_34 = vector.broadcast %max3A_33 : f32 to vector<1024x128xf32>
    %max3A_35 = arith.maximumf %add3A_32, %max3A_34 : vector<1024x128xf32>
    %swap3A = arith.constant 0 : index
    %swap3A_36 = arith.constant 0 : index
    %swap3A_37 = vector.load %arg7[%swap3A, %swap3A_36] : memref<1024x128xf32, #tpu.memory_space<vmem>>, vector<1024x128xf32>
    tpu.vector_store %arg7[%swap3A, %swap3A_36], %max3A_35 {strides = array<i32>} : memref<1024x128xf32, #tpu.memory_space<vmem>>, vector<1024x128xf32>,
    %get3A_38 = arith.constant 0 : index
    %get3A_39 = arith.constant 0 : index
    %get3A_40 = vector.load %arg5[%get3A_38, %get3A_39] : memref<128x128xf32, #tpu.memory_space<vmem>>, vector<128x128xf32>
    %dot_general3A = arith.constant dense<0.000000e+00> : vector<1024x128xf32>
    %dot_general3A_41 = tpu.matmul %max3A_35, %get3A_40, %dot_general3A {dimension_numbers = #tpu.dot_dimension_numbers<[1], [0], [0], [1], [0, 0, 1, 1], [], []>, transpose_lhs_hint = false} : vector<1024x128xf32>, vector<128x128xf32>, vector<1024x128xf32> -> vector<1024x128xf32>
    %swap3A_42 = arith.constant 0 : index
    %swap3A_43 = arith.constant 0 : index
    %swap3A_44 = vector.load %arg8[%swap3A_42, %swap3A_43] : memref<1024x128xf32, #tpu.memory_space<vmem>>, vector<1024x128xf32>
    tpu.vector_store %arg8[%swap3A_42, %swap3A_43], %dot_general3A_41 {strides = array<i32>} : memref<1024x128xf32, #tpu.memory_space<vmem>>, vector<1024x128xf32>,
    %get3A_45 = arith.constant 0 : index
    %get3A_46 = arith.constant 0 : index
    %get3A_47 = vector.load %arg6[%get3A_45, %get3A_46] : memref<128x128xf32, #tpu.memory_space<vmem>>, vector<128x128xf32>
    %dot_general3A_48 = arith.constant dense<0.000000e+00> : vector<1024x128xf32>
    %dot_general3A_49 = tpu.matmul %max3A_35, %get3A_47, %dot_general3A_48 {dimension_numbers = #tpu.dot_dimension_numbers<[1], [0], [0], [1], [0, 0, 1, 1], [], []>, transpose_lhs_hint = false} : vector<1024x128xf32>, vector<128x128xf32>, vector<1024x128xf32> -> vector<1024x128xf32>
    %swap3A_50 = arith.constant 0 : index
    %swap3A_51 = arith.constant 0 : index
    %swap3A_52 = vector.load %arg9[%swap3A_50, %swap3A_51] : memref<1024x128xf32, #tpu.memory_space<vmem>>, vector<1024x128xf32>
    tpu.vector_store %arg9[%swap3A_50, %swap3A_51], %dot_general3A_49 {strides = array<i32>} : memref<1024x128xf32, #tpu.memory_space<vmem>>, vector<1024x128xf32>,
    return
  }
  func.func @transform_0(%arg0: i32) -> (i32, i32, i32) {
    %c0_i32 = arith.constant 0 : i32
    %c0_i32_0 = arith.constant 0 : i32
    %c0_i32_1 = arith.constant 0 : i32
    return %c0_i32, %arg0, %c0_i32_0 : i32, i32, i32
  }
  func.func @transform_1(%arg0: i32) -> (i32, i32, i32) {
    %c0_i32 = arith.constant 0 : i32
    %c0_i32_0 = arith.constant 0 : i32
    %c0_i32_1 = arith.constant 0 : i32
    return %c0_i32, %arg0, %c0_i32_0 : i32, i32, i32
  }
  func.func @transform_2(%arg0: i32) -> (i32, i32) {
    %c0_i32 = arith.constant 0 : i32
    %c0_i32_0 = arith.constant 0 : i32
    return %arg0, %c0_i32 : i32, i32
  }
  func.func @transform_3(%arg0: i32) -> (i32, i32) {
    %c0_i32 = arith.constant 0 : i32
    %c0_i32_0 = arith.constant 0 : i32
    %c0_i32_1 = arith.constant 0 : i32
    return %c0_i32, %c0_i32_0 : i32, i32
  }
  func.func @transform_4(%arg0: i32) -> (i32, i32) {
    %c0_i32 = arith.constant 0 : i32
    %c0_i32_0 = arith.constant 0 : i32
    %c0_i32_1 = arith.constant 0 : i32
    return %c0_i32, %c0_i32_0 : i32, i32
  }
  func.func @transform_5(%arg0: i32) -> (i32, i32) {
    %c0_i32 = arith.constant 0 : i32
    %c0_i32_0 = arith.constant 0 : i32
    %c0_i32_1 = arith.constant 0 : i32
    return %c0_i32, %c0_i32_0 : i32, i32
  }
  func.func @transform_6(%arg0: i32) -> (i32, i32) {
    %c0_i32 = arith.constant 0 : i32
    %c0_i32_0 = arith.constant 0 : i32
    return %arg0, %c0_i32 : i32, i32
  }
  func.func @transform_7(%arg0: i32) -> (i32, i32) {
    %c0_i32 = arith.constant 0 : i32
    %c0_i32_0 = arith.constant 0 : i32
    return %arg0, %c0_i32 : i32, i32
  }
  func.func @transform_8(%arg0: i32) -> (i32, i32) {
    %c0_i32 = arith.constant 0 : i32
    %c0_i32_0 = arith.constant 0 : i32
    return %arg0, %c0_i32 : i32, i32
  }
}

module attributes {stable_mosaic.version = 14 : i64} {
  func.func @_mid_body(%arg0: i32, %arg1: memref<2x1024x128xf32, #tpu.memory_space<vmem>>, %arg2: memref<2x1024x128xf32, #tpu.memory_space<vmem>>, %arg3: memref<1024x128xf32, #tpu.memory_space<vmem>>, %arg4: memref<1x128xf32, #tpu.memory_space<vmem>>, %arg5: memref<128x128xf32, #tpu.memory_space<vmem>>, %arg6: memref<128x128xf32, #tpu.memory_space<vmem>>, %arg7: memref<1024x128xf32, #tpu.memory_space<vmem>>, %arg8: memref<1024x128xf32, #tpu.memory_space<vmem>>, %arg9: memref<1024x128xf32, #tpu.memory_space<vmem>>) attributes {dimension_semantics = [#tpu.dimension_semantics<arbitrary>], iteration_bounds = array<i64: 10>, scalar_prefetch = 0 : i64, scratch_operands = 0 : i64, tpu.core_type = #tpu.core_type<tc>, window_params = [{transform_indices = @transform_0, window_bounds = array<i64: 2, 1024, 128>}, {transform_indices = @transform_1, window_bounds = array<i64: 2, 1024, 128>}, {transform_indices = @transform_2, window_bounds = array<i64: 1024, 128>}, {pipeline_mode = #tpu.pipeline_mode<synchronous>, transform_indices = @transform_3, window_bounds = array<i64: 1, 128>}, {pipeline_mode = #tpu.pipeline_mode<synchronous>, transform_indices = @transform_4, window_bounds = array<i64: 128, 128>}, {pipeline_mode = #tpu.pipeline_mode<synchronous>, transform_indices = @transform_5, window_bounds = array<i64: 128, 128>}, {transform_indices = @transform_6, window_bounds = array<i64: 1024, 128>}, {transform_indices = @transform_7, window_bounds = array<i64: 1024, 128>}, {transform_indices = @transform_8, window_bounds = array<i64: 1024, 128>}]} {
    %get3A = arith.constant 0 : index
    %get3A_0 = arith.constant 0 : index
    %get3A_1 = arith.constant 0 : index
    %get3A_2 = vector.load %arg2[%get3A, %get3A_0, %get3A_1] : memref<2x1024x128xf32, #tpu.memory_space<vmem>>, vector<1x1024x128xf32>
    %get3A_3 = vector.shape_cast %get3A_2 : vector<1x1024x128xf32> to vector<1024x128xf32>
    %get3A_4 = arith.constant 1 : index
    %get3A_5 = arith.constant 0 : index
    %get3A_6 = arith.constant 0 : index
    %get3A_7 = vector.load %arg2[%get3A_4, %get3A_5, %get3A_6] : memref<2x1024x128xf32, #tpu.memory_space<vmem>>, vector<1x1024x128xf32>
    %get3A_8 = vector.shape_cast %get3A_7 : vector<1x1024x128xf32> to vector<1024x128xf32>
    %add3A = arith.addf %get3A_3, %get3A_8 : vector<1024x128xf32>
    %max3A = arith.constant 1.000000e+00 : f32
    %max3A_9 = vector.broadcast %max3A : f32 to vector<1024x128xf32>
    %max3A_10 = arith.maximumf %add3A, %max3A_9 : vector<1024x128xf32>
    %div3A = arith.constant 1.000000e+00 : f32
    %div3A_11 = vector.broadcast %div3A : f32 to vector<1024x128xf32>
    %div3A_12 = arith.divf %div3A_11, %max3A_10 : vector<1024x128xf32>
    %get3A_13 = arith.constant 0 : index
    %get3A_14 = arith.constant 0 : index
    %get3A_15 = arith.constant 0 : index
    %get3A_16 = vector.load %arg1[%get3A_13, %get3A_14, %get3A_15] : memref<2x1024x128xf32, #tpu.memory_space<vmem>>, vector<1x1024x128xf32>
    %get3A_17 = vector.shape_cast %get3A_16 : vector<1x1024x128xf32> to vector<1024x128xf32>
    %get3A_18 = arith.constant 1 : index
    %get3A_19 = arith.constant 0 : index
    %get3A_20 = arith.constant 0 : index
    %get3A_21 = vector.load %arg1[%get3A_18, %get3A_19, %get3A_20] : memref<2x1024x128xf32, #tpu.memory_space<vmem>>, vector<1x1024x128xf32>
    %get3A_22 = vector.shape_cast %get3A_21 : vector<1x1024x128xf32> to vector<1024x128xf32>
    %add3A_23 = arith.addf %get3A_17, %get3A_22 : vector<1024x128xf32>
    %mul3A = arith.mulf %add3A_23, %div3A_12 : vector<1024x128xf32>
    %get3A_24 = arith.constant 0 : index
    %get3A_25 = arith.constant 0 : index
    %get3A_26 = vector.load %arg4[%get3A_24, %get3A_25] : memref<1x128xf32, #tpu.memory_space<vmem>>, vector<1x128xf32>
    %add3A_27 = vector.broadcast %get3A_26 : vector<1x128xf32> to vector<1024x128xf32>
    %add3A_28 = arith.addf %mul3A, %add3A_27 : vector<1024x128xf32>
    %get3A_29 = arith.constant 0 : index
    %get3A_30 = arith.constant 0 : index
    %get3A_31 = vector.load %arg3[%get3A_29, %get3A_30] : memref<1024x128xf32, #tpu.memory_space<vmem>>, vector<1024x128xf32>
    %add3A_32 = arith.addf %add3A_28, %get3A_31 : vector<1024x128xf32>
    %max3A_33 = arith.constant 0.000000e+00 : f32
    %max3A_34 = vector.broadcast %max3A_33 : f32 to vector<1024x128xf32>
    %max3A_35 = arith.maximumf %add3A_32, %max3A_34 : vector<1024x128xf32>
    %swap3A = arith.constant 0 : index
    %swap3A_36 = arith.constant 0 : index
    %swap3A_37 = vector.load %arg7[%swap3A, %swap3A_36] : memref<1024x128xf32, #tpu.memory_space<vmem>>, vector<1024x128xf32>
    tpu.vector_store %arg7[%swap3A, %swap3A_36], %max3A_35 {strides = array<i32>} : memref<1024x128xf32, #tpu.memory_space<vmem>>, vector<1024x128xf32>,
    %get3A_38 = arith.constant 0 : index
    %get3A_39 = arith.constant 0 : index
    %get3A_40 = vector.load %arg5[%get3A_38, %get3A_39] : memref<128x128xf32, #tpu.memory_space<vmem>>, vector<128x128xf32>
    %dot_general3A = arith.constant dense<0.000000e+00> : vector<1024x128xf32>
    %dot_general3A_41 = tpu.matmul %max3A_35, %get3A_40, %dot_general3A {dimension_numbers = #tpu.dot_dimension_numbers<[1], [0], [0], [1], [0, 0, 1, 1], [], []>, transpose_lhs_hint = false} : vector<1024x128xf32>, vector<128x128xf32>, vector<1024x128xf32> -> vector<1024x128xf32>
    %swap3A_42 = arith.constant 0 : index
    %swap3A_43 = arith.constant 0 : index
    %swap3A_44 = vector.load %arg8[%swap3A_42, %swap3A_43] : memref<1024x128xf32, #tpu.memory_space<vmem>>, vector<1024x128xf32>
    tpu.vector_store %arg8[%swap3A_42, %swap3A_43], %dot_general3A_41 {strides = array<i32>} : memref<1024x128xf32, #tpu.memory_space<vmem>>, vector<1024x128xf32>,
    %get3A_45 = arith.constant 0 : index
    %get3A_46 = arith.constant 0 : index
    %get3A_47 = vector.load %arg6[%get3A_45, %get3A_46] : memref<128x128xf32, #tpu.memory_space<vmem>>, vector<128x128xf32>
    %dot_general3A_48 = arith.constant dense<0.000000e+00> : vector<1024x128xf32>
    %dot_general3A_49 = tpu.matmul %max3A_35, %get3A_47, %dot_general3A_48 {dimension_numbers = #tpu.dot_dimension_numbers<[1], [0], [0], [1], [0, 0, 1, 1], [], []>, transpose_lhs_hint = false} : vector<1024x128xf32>, vector<128x128xf32>, vector<1024x128xf32> -> vector<1024x128xf32>
    %swap3A_50 = arith.constant 0 : index
    %swap3A_51 = arith.constant 0 : index
    %swap3A_52 = vector.load %arg9[%swap3A_50, %swap3A_51] : memref<1024x128xf32, #tpu.memory_space<vmem>>, vector<1024x128xf32>
    tpu.vector_store %arg9[%swap3A_50, %swap3A_51], %dot_general3A_49 {strides = array<i32>} : memref<1024x128xf32, #tpu.memory_space<vmem>>, vector<1024x128xf32>,
    return
  }
  func.func @transform_0(%arg0: i32) -> (i32, i32, i32) {
    %c0_i32 = arith.constant 0 : i32
    %c0_i32_0 = arith.constant 0 : i32
    %c0_i32_1 = arith.constant 0 : i32
    return %c0_i32, %arg0, %c0_i32_0 : i32, i32, i32
  }
  func.func @transform_1(%arg0: i32) -> (i32, i32, i32) {
    %c0_i32 = arith.constant 0 : i32
    %c0_i32_0 = arith.constant 0 : i32
    %c0_i32_1 = arith.constant 0 : i32
    return %c0_i32, %arg0, %c0_i32_0 : i32, i32, i32
  }
  func.func @transform_2(%arg0: i32) -> (i32, i32) {
    %c0_i32 = arith.constant 0 : i32
    %c0_i32_0 = arith.constant 0 : i32
    return %arg0, %c0_i32 : i32, i32
  }
  func.func @transform_3(%arg0: i32) -> (i32, i32) {
    %c0_i32 = arith.constant 0 : i32
    %c0_i32_0 = arith.constant 0 : i32
    %c0_i32_1 = arith.constant 0 : i32
    return %c0_i32, %c0_i32_0 : i32, i32
  }
  func.func @transform_4(%arg0: i32) -> (i32, i32) {
    %c0_i32 = arith.constant 0 : i32
    %c0_i32_0 = arith.constant 0 : i32
    %c0_i32_1 = arith.constant 0 : i32
    return %c0_i32, %c0_i32_0 : i32, i32
  }
  func.func @transform_5(%arg0: i32) -> (i32, i32) {
    %c0_i32 = arith.constant 0 : i32
    %c0_i32_0 = arith.constant 0 : i32
    %c0_i32_1 = arith.constant 0 : i32
    return %c0_i32, %c0_i32_0 : i32, i32
  }
  func.func @transform_6(%arg0: i32) -> (i32, i32) {
    %c0_i32 = arith.constant 0 : i32
    %c0_i32_0 = arith.constant 0 : i32
    return %arg0, %c0_i32 : i32, i32
  }
  func.func @transform_7(%arg0: i32) -> (i32, i32) {
    %c0_i32 = arith.constant 0 : i32
    %c0_i32_0 = arith.constant 0 : i32
    return %arg0, %c0_i32 : i32, i32
  }
  func.func @transform_8(%arg0: i32) -> (i32, i32) {
    %c0_i32 = arith.constant 0 : i32
    %c0_i32_0 = arith.constant 0 : i32
    return %arg0, %c0_i32 : i32, i32
  }
}

module attributes {stable_mosaic.version = 14 : i64} {
  func.func @_pre_body(%arg0: i32, %arg1: memref<1024x128xf32, #tpu.memory_space<vmem>>, %arg2: memref<128x128xf32, #tpu.memory_space<vmem>>, %arg3: memref<128x128xf32, #tpu.memory_space<vmem>>, %arg4: memref<1024x128xf32, #tpu.memory_space<vmem>>, %arg5: memref<1024x128xf32, #tpu.memory_space<vmem>>) attributes {dimension_semantics = [#tpu.dimension_semantics<arbitrary>], iteration_bounds = array<i64: 10>, scalar_prefetch = 0 : i64, scratch_operands = 0 : i64, tpu.core_type = #tpu.core_type<tc>, window_params = [{transform_indices = @transform_0, window_bounds = array<i64: 1024, 128>}, {pipeline_mode = #tpu.pipeline_mode<synchronous>, transform_indices = @transform_1, window_bounds = array<i64: 128, 128>}, {pipeline_mode = #tpu.pipeline_mode<synchronous>, transform_indices = @transform_2, window_bounds = array<i64: 128, 128>}, {transform_indices = @transform_3, window_bounds = array<i64: 1024, 128>}, {transform_indices = @transform_4, window_bounds = array<i64: 1024, 128>}]} {
    %get3A = arith.constant 0 : index
    %get3A_0 = arith.constant 0 : index
    %get3A_1 = vector.load %arg1[%get3A, %get3A_0] : memref<1024x128xf32, #tpu.memory_space<vmem>>, vector<1024x128xf32>
    %get3A_2 = arith.constant 0 : index
    %get3A_3 = arith.constant 0 : index
    %get3A_4 = vector.load %arg2[%get3A_2, %get3A_3] : memref<128x128xf32, #tpu.memory_space<vmem>>, vector<128x128xf32>
    %dot_general3A = arith.constant dense<0.000000e+00> : vector<1024x128xf32>
    %dot_general3A_5 = tpu.matmul %get3A_1, %get3A_4, %dot_general3A {dimension_numbers = #tpu.dot_dimension_numbers<[1], [0], [0], [1], [0, 0, 1, 1], [], []>, transpose_lhs_hint = false} : vector<1024x128xf32>, vector<128x128xf32>, vector<1024x128xf32> -> vector<1024x128xf32>
    %swap3A = arith.constant 0 : index
    %swap3A_6 = arith.constant 0 : index
    %swap3A_7 = vector.load %arg4[%swap3A, %swap3A_6] : memref<1024x128xf32, #tpu.memory_space<vmem>>, vector<1024x128xf32>
    tpu.vector_store %arg4[%swap3A, %swap3A_6], %dot_general3A_5 {strides = array<i32>} : memref<1024x128xf32, #tpu.memory_space<vmem>>, vector<1024x128xf32>,
    %get3A_8 = arith.constant 0 : index
    %get3A_9 = arith.constant 0 : index
    %get3A_10 = vector.load %arg3[%get3A_8, %get3A_9] : memref<128x128xf32, #tpu.memory_space<vmem>>, vector<128x128xf32>
    %dot_general3A_11 = arith.constant dense<0.000000e+00> : vector<1024x128xf32>
    %dot_general3A_12 = tpu.matmul %get3A_1, %get3A_10, %dot_general3A_11 {dimension_numbers = #tpu.dot_dimension_numbers<[1], [0], [0], [1], [0, 0, 1, 1], [], []>, transpose_lhs_hint = false} : vector<1024x128xf32>, vector<128x128xf32>, vector<1024x128xf32> -> vector<1024x128xf32>
    %swap3A_13 = arith.constant 0 : index
    %swap3A_14 = arith.constant 0 : index
    %swap3A_15 = vector.load %arg5[%swap3A_13, %swap3A_14] : memref<1024x128xf32, #tpu.memory_space<vmem>>, vector<1024x128xf32>
    tpu.vector_store %arg5[%swap3A_13, %swap3A_14], %dot_general3A_12 {strides = array<i32>} : memref<1024x128xf32, #tpu.memory_space<vmem>>, vector<1024x128xf32>,
    return
  }
  func.func @transform_0(%arg0: i32) -> (i32, i32) {
    %c0_i32 = arith.constant 0 : i32
    %c0_i32_0 = arith.constant 0 : i32
    return %arg0, %c0_i32 : i32, i32
  }
  func.func @transform_1(%arg0: i32) -> (i32, i32) {
    %c0_i32 = arith.constant 0 : i32
    %c0_i32_0 = arith.constant 0 : i32
    %c0_i32_1 = arith.constant 0 : i32
    return %c0_i32, %c0_i32_0 : i32, i32
  }
  func.func @transform_2(%arg0: i32) -> (i32, i32) {
    %c0_i32 = arith.constant 0 : i32
    %c0_i32_0 = arith.constant 0 : i32
    %c0_i32_1 = arith.constant 0 : i32
    return %c0_i32, %c0_i32_0 : i32, i32
  }
  func.func @transform_3(%arg0: i32) -> (i32, i32) {
    %c0_i32 = arith.constant 0 : i32
    %c0_i32_0 = arith.constant 0 : i32
    return %arg0, %c0_i32 : i32, i32
  }
  func.func @transform_4(%arg0: i32) -> (i32, i32) {
    %c0_i32 = arith.constant 0 : i32
    %c0_i32_0 = arith.constant 0 : i32
    return %arg0, %c0_i32 : i32, i32
  }
}

module attributes {stable_mosaic.version = 14 : i64} {
  func.func @_fin_body(%arg0: i32, %arg1: memref<2x1024x128xf32, #tpu.memory_space<vmem>>, %arg2: memref<2x1024x128xf32, #tpu.memory_space<vmem>>, %arg3: memref<1024x128xf32, #tpu.memory_space<vmem>>, %arg4: memref<1x128xf32, #tpu.memory_space<vmem>>, %arg5: memref<1024x128xf32, #tpu.memory_space<vmem>>, %arg6: memref<128x64xf32, #tpu.memory_space<vmem>>, %arg7: memref<1x64xf32, #tpu.memory_space<vmem>>, %arg8: memref<1024x64xf32, #tpu.memory_space<vmem>>) attributes {dimension_semantics = [#tpu.dimension_semantics<arbitrary>], iteration_bounds = array<i64: 10>, scalar_prefetch = 0 : i64, scratch_operands = 0 : i64, tpu.core_type = #tpu.core_type<tc>, window_params = [{transform_indices = @transform_0, window_bounds = array<i64: 2, 1024, 128>}, {transform_indices = @transform_1, window_bounds = array<i64: 2, 1024, 128>}, {transform_indices = @transform_2, window_bounds = array<i64: 1024, 128>}, {pipeline_mode = #tpu.pipeline_mode<synchronous>, transform_indices = @transform_3, window_bounds = array<i64: 1, 128>}, {transform_indices = @transform_4, window_bounds = array<i64: 1024, 128>}, {pipeline_mode = #tpu.pipeline_mode<synchronous>, transform_indices = @transform_5, window_bounds = array<i64: 128, 64>}, {pipeline_mode = #tpu.pipeline_mode<synchronous>, transform_indices = @transform_6, window_bounds = array<i64: 1, 64>}, {transform_indices = @transform_7, window_bounds = array<i64: 1024, 64>}]} {
    %get3A = arith.constant 0 : index
    %get3A_0 = arith.constant 0 : index
    %get3A_1 = arith.constant 0 : index
    %get3A_2 = vector.load %arg2[%get3A, %get3A_0, %get3A_1] : memref<2x1024x128xf32, #tpu.memory_space<vmem>>, vector<1x1024x128xf32>
    %get3A_3 = vector.shape_cast %get3A_2 : vector<1x1024x128xf32> to vector<1024x128xf32>
    %get3A_4 = arith.constant 1 : index
    %get3A_5 = arith.constant 0 : index
    %get3A_6 = arith.constant 0 : index
    %get3A_7 = vector.load %arg2[%get3A_4, %get3A_5, %get3A_6] : memref<2x1024x128xf32, #tpu.memory_space<vmem>>, vector<1x1024x128xf32>
    %get3A_8 = vector.shape_cast %get3A_7 : vector<1x1024x128xf32> to vector<1024x128xf32>
    %add3A = arith.addf %get3A_3, %get3A_8 : vector<1024x128xf32>
    %max3A = arith.constant 1.000000e+00 : f32
    %max3A_9 = vector.broadcast %max3A : f32 to vector<1024x128xf32>
    %max3A_10 = arith.maximumf %add3A, %max3A_9 : vector<1024x128xf32>
    %div3A = arith.constant 1.000000e+00 : f32
    %div3A_11 = vector.broadcast %div3A : f32 to vector<1024x128xf32>
    %div3A_12 = arith.divf %div3A_11, %max3A_10 : vector<1024x128xf32>
    %get3A_13 = arith.constant 0 : index
    %get3A_14 = arith.constant 0 : index
    %get3A_15 = arith.constant 0 : index
    %get3A_16 = vector.load %arg1[%get3A_13, %get3A_14, %get3A_15] : memref<2x1024x128xf32, #tpu.memory_space<vmem>>, vector<1x1024x128xf32>
    %get3A_17 = vector.shape_cast %get3A_16 : vector<1x1024x128xf32> to vector<1024x128xf32>
    %get3A_18 = arith.constant 1 : index
    %get3A_19 = arith.constant 0 : index
    %get3A_20 = arith.constant 0 : index
    %get3A_21 = vector.load %arg1[%get3A_18, %get3A_19, %get3A_20] : memref<2x1024x128xf32, #tpu.memory_space<vmem>>, vector<1x1024x128xf32>
    %get3A_22 = vector.shape_cast %get3A_21 : vector<1x1024x128xf32> to vector<1024x128xf32>
    %add3A_23 = arith.addf %get3A_17, %get3A_22 : vector<1024x128xf32>
    %mul3A = arith.mulf %add3A_23, %div3A_12 : vector<1024x128xf32>
    %get3A_24 = arith.constant 0 : index
    %get3A_25 = arith.constant 0 : index
    %get3A_26 = vector.load %arg4[%get3A_24, %get3A_25] : memref<1x128xf32, #tpu.memory_space<vmem>>, vector<1x128xf32>
    %add3A_27 = vector.broadcast %get3A_26 : vector<1x128xf32> to vector<1024x128xf32>
    %add3A_28 = arith.addf %mul3A, %add3A_27 : vector<1024x128xf32>
    %get3A_29 = arith.constant 0 : index
    %get3A_30 = arith.constant 0 : index
    %get3A_31 = vector.load %arg3[%get3A_29, %get3A_30] : memref<1024x128xf32, #tpu.memory_space<vmem>>, vector<1024x128xf32>
    %add3A_32 = arith.addf %add3A_28, %get3A_31 : vector<1024x128xf32>
    %max3A_33 = arith.constant 0.000000e+00 : f32
    %max3A_34 = vector.broadcast %max3A_33 : f32 to vector<1024x128xf32>
    %max3A_35 = arith.maximumf %add3A_32, %max3A_34 : vector<1024x128xf32>
    %get3A_36 = arith.constant 0 : index
    %get3A_37 = arith.constant 0 : index
    %get3A_38 = vector.load %arg5[%get3A_36, %get3A_37] : memref<1024x128xf32, #tpu.memory_space<vmem>>, vector<1024x128xf32>
    %add3A_39 = arith.addf %max3A_35, %get3A_38 : vector<1024x128xf32>
    %get3A_40 = arith.constant 0 : index
    %get3A_41 = arith.constant 0 : index
    %get3A_42 = vector.load %arg6[%get3A_40, %get3A_41] : memref<128x64xf32, #tpu.memory_space<vmem>>, vector<128x64xf32>
    %dot_general3A = arith.constant dense<0.000000e+00> : vector<1024x64xf32>
    %dot_general3A_43 = tpu.matmul %add3A_39, %get3A_42, %dot_general3A {dimension_numbers = #tpu.dot_dimension_numbers<[1], [0], [0], [1], [0, 0, 1, 1], [], []>, transpose_lhs_hint = false} : vector<1024x128xf32>, vector<128x64xf32>, vector<1024x64xf32> -> vector<1024x64xf32>
    %get3A_44 = arith.constant 0 : index
    %get3A_45 = arith.constant 0 : index
    %get3A_46 = vector.load %arg7[%get3A_44, %get3A_45] : memref<1x64xf32, #tpu.memory_space<vmem>>, vector<1x64xf32>
    %add3A_47 = vector.broadcast %get3A_46 : vector<1x64xf32> to vector<1024x64xf32>
    %add3A_48 = arith.addf %dot_general3A_43, %add3A_47 : vector<1024x64xf32>
    %swap3A = arith.constant 0 : index
    %swap3A_49 = arith.constant 0 : index
    %swap3A_50 = vector.load %arg8[%swap3A, %swap3A_49] : memref<1024x64xf32, #tpu.memory_space<vmem>>, vector<1024x64xf32>
    tpu.vector_store %arg8[%swap3A, %swap3A_49], %add3A_48 {strides = array<i32>} : memref<1024x64xf32, #tpu.memory_space<vmem>>, vector<1024x64xf32>,
    return
  }
  func.func @transform_0(%arg0: i32) -> (i32, i32, i32) {
    %c0_i32 = arith.constant 0 : i32
    %c0_i32_0 = arith.constant 0 : i32
    %c0_i32_1 = arith.constant 0 : i32
    return %c0_i32, %arg0, %c0_i32_0 : i32, i32, i32
  }
  func.func @transform_1(%arg0: i32) -> (i32, i32, i32) {
    %c0_i32 = arith.constant 0 : i32
    %c0_i32_0 = arith.constant 0 : i32
    %c0_i32_1 = arith.constant 0 : i32
    return %c0_i32, %arg0, %c0_i32_0 : i32, i32, i32
  }
  func.func @transform_2(%arg0: i32) -> (i32, i32) {
    %c0_i32 = arith.constant 0 : i32
    %c0_i32_0 = arith.constant 0 : i32
    return %arg0, %c0_i32 : i32, i32
  }
  func.func @transform_3(%arg0: i32) -> (i32, i32) {
    %c0_i32 = arith.constant 0 : i32
    %c0_i32_0 = arith.constant 0 : i32
    %c0_i32_1 = arith.constant 0 : i32
    return %c0_i32, %c0_i32_0 : i32, i32
  }
  func.func @transform_4(%arg0: i32) -> (i32, i32) {
    %c0_i32 = arith.constant 0 : i32
    %c0_i32_0 = arith.constant 0 : i32
    return %arg0, %c0_i32 : i32, i32
  }
  func.func @transform_5(%arg0: i32) -> (i32, i32) {
    %c0_i32 = arith.constant 0 : i32
    %c0_i32_0 = arith.constant 0 : i32
    %c0_i32_1 = arith.constant 0 : i32
    return %c0_i32, %c0_i32_0 : i32, i32
  }
  func.func @transform_6(%arg0: i32) -> (i32, i32) {
    %c0_i32 = arith.constant 0 : i32
    %c0_i32_0 = arith.constant 0 : i32
    %c0_i32_1 = arith.constant 0 : i32
    return %c0_i32, %c0_i32_0 : i32, i32
  }
  func.func @transform_7(%arg0: i32) -> (i32, i32) {
    %c0_i32 = arith.constant 0 : i32
    %c0_i32_0 = arith.constant 0 : i32
    return %arg0, %c0_i32 : i32, i32
  }
}

</mosaic_0001>

<sc_bundles>
// kernel: kernel.10.cloned.1.call-start
scs
__scs_entry_jumppad:
0x0: {  	(pc) =	sbr.rel $0x88, $3  }
0x1: {  	(tag) =	ssettag $0x0;
	lr =	simm.s32 $0x1  }
0x2: {  	[smem:$0x3F94] =	sst lr;
	_ =	strace $0xD0000000  }
0x3: {  	_ = 	snop  }
0x4: {  	_ = 	snop  }
0x5: {  	_ = 	snop  }
0x6: {  	_ = 	snop  }
0x7: {  	_ = 	snop  }
__scs_overlays_trampoline_lowered:
0x8: {  	[smem:$0x3FA3] =	sst s0  }
0x9: {  	[smem:$0x3FA4] =	sst s1  }
0xa: {  	[smem:$0x3FA5] =	sst s2  }
0xb: {  	[smem:$0x3FA6] =	sst s3  }
0xc: {  	[smem:$0x3FA7] =	sst s4  }
0xd: {  	[smem:$0x3FA8] =	sst s5  }
0xe: {  	[smem:$0x3FA9] =	sst s6  }
0xf: {  	[smem:$0x3FAA] =	sst s7  }
0x10: {  	[smem:$0x3FAB] =	sst s8  }
0x11: {  	[smem:$0x3FAC] =	sst s9;
	s0 =	simm.s32 @!p0 $0x0  }
0x12: {  	s1 =	sld [smem:$0x3F92];
	s0 =	simm.s32 @p0 $0x1  }
0x13: {  	[smem:$0x3FAD] =	sst s0;
	s0 =	simm.s32 @!p1 $0x0  }
0x14: {  	s2 =	sld [smem:$0x3F91];
	s0 =	simm.s32 @p1 $0x1  }
0x15: {  	[smem:$0x3FAE] =	sst s0;
	s0 =	simm.s32 @!p2 $0x0  }
0x16: {  	s3 =	sld [smem:$0x3FDB];
	s0 =	simm.s32 @p2 $0x1  }
0x17: {  	s4 =	simm.s32 $0x1BF5;
	[smem:$0x3FB0] =	sst s0  }
0x18: {  	s0 =	sld [smem:$0x3F93];
	_ =	swait.ge [sflag:s4], $0x0  }
0x19: {  	s7 =	sld [smem:$0x3F94]  }
0x1a: {  	s8 =	sadd.s32 $0xFFFFE003, lr  }
0x1b: {  	s9 =	sadd.s32 $0xFFFFFEF7, lr;
	s5 =	simm.s32 $0xFFFFFFFF;
	p2 =	slt.u32 s8, $0xFFFFF086  }
0x1c: {  	p1 =	slt.u32 s9, $0xF7A;
	s5 =	simm.s32 @!p2 $0x0  }
0x1d: {  	s5 =	simm.s32 @p1 $0x1;
	p0 =	seq.s32 s7, s2  }
0x1e: {  	s7 =	smul.u32 @!p0 $0xF7A, s2;
	p2 =	seq.s32 @!p0 s5, $0x0  }
0x1f: {  	s9 =	smul.u32 $0xF7A, s1;
	s8 =	simm.s32 @!p0 $0x1BF5;
	p2 =	por !p2, p0  }
0x20: {  	[sflag:s8] =	ssyncset.s32 @!p0 $0xFFFFF086;
	s6 =	sadd.s32 @!p0 s3, s7;
	s7 =	simm.s32 @!p0 $0x108  }
0x21: {  	s3 =	sadd.s32 s3, s9;
	s6 =	sadd.s32 @!p0 $0x88, s6;
	s7 =	simm.s32 @p2 $0x1082  }
0x22: {  	[simem:s7], [sflag:s8] =	dma.local @!p0 [hbm:s6], $0xF7A  }
0x23: {  	s9 =	sor.u32 $0xD0000000, s2;
	s6 =	simm.s32 $0x108;
	_ =	swait.ge @!p0 [sflag:s8], $0x0  }
0x24: {  	s3 =	sadd.s32 $0x88, s3;
	s6 =	simm.s32 @!p1 $0x1082;
	[sflag:s4] =	ssyncset.s32 $0xFFFFF086  }
0x25: {  	[simem:s6], [sflag:s4] =	dma.local [hbm:s3], $0xF7A  }
0x26: {  	[smem:$0x3F94] =	sst s1;
	(tag) =	ssettag s2;
	_ =	strace s9  }
0x27: {  	s1 =	sld [smem:$0x3FA4]  }
0x28: {  	s2 =	sld [smem:$0x3FA5]  }
0x29: {  	s4 =	sld [smem:$0x3FA7]  }
0x2a: {  	p0 =	seq.s32 s5, $0x0;
	s5 =	sld [smem:$0x3FA8]  }
0x2b: {  	s6 =	sld [smem:$0x3FA9]  }
0x2c: {  	s7 =	sld [smem:$0x3FAA]  }
0x2d: {  	s3 =	simm.s32 $0x108;
	s8 =	sld [smem:$0x3FAB]  }
0x2e: {  	s3 =	simm.s32 @!p0 $0x1082;
	s9 =	sld [smem:$0x3FAC]  }
0x2f: {  	lr =	sadd.s32 s0, s3;
	s0 =	sld [smem:$0x3FA3]  }
0x30: {  	s3 =	sld [smem:$0x3FA6]  }
0x31: {  	[smem:$0x3FAF] =	sst s10  }
0x32: {  	s10 =	sld [smem:$0x3FAD];
	_ =	sdelay $0x3  }
0x33: {  	p0 =	seq.s32 s10, $0x1;
	s10 =	sld [smem:$0x3FAF];
	_ =	sdelay $0x3  }
0x34: {  	[smem:$0x3FAF] =	sst s10  }
0x35: {  	s10 =	sld [smem:$0x3FAE];
	_ =	sdelay $0x3  }
0x36: {  	p1 =	seq.s32 s10, $0x1;
	s10 =	sld [smem:$0x3FAF];
	_ =	sdelay $0x3  }
0x37: {  	[smem:$0x3FAF] =	sst s10  }
0x38: {  	s10 =	sld [smem:$0x3FB0]  }
0x39: {  	_ = 	snop;
	(pc) =	sbr.ind lr, $3  }
0x3a: {  	_ = 	snop  }
0x3b: {  	_ = 	snop  }
0x3c: {  	p2 =	seq.s32 s10, $0x1;
	s10 =	sld [smem:$0x3FAF]  }
0x3d: {  	_ =	shalt  }
0x3e: {  	_ =	shalt  }
0x3f: {  	_ =	shalt  }
0x40: {  	_ =	shalt  }
0x41: {  	_ =	shalt  }
0x42: {  	_ =	shalt  }
0x43: {  	_ =	shalt  }
0x44: {  	_ =	shalt  }
0x45: {  	_ =	shalt  }
0x46: {  	_ =	shalt  }
0x47: {  	_ =	shalt  }
0x48: {  	_ =	shalt  }
0x49: {  	_ =	shalt  }
0x4a: {  	_ =	shalt  }
0x4b: {  	_ =	shalt  }
0x4c: {  	_ =	shalt  }
0x4d: {  	_ =	shalt  }
0x4e: {  	_ =	shalt  }
0x4f: {  	_ =	shalt  }
0x50: {  	_ =	shalt  }
0x51: {  	_ =	shalt  }
0x52: {  	_ =	shalt  }
0x53: {  	_ =	shalt  }
0x54: {  	_ =	shalt  }
0x55: {  	_ =	shalt  }
0x56: {  	_ =	shalt  }
0x57: {  	_ =	shalt  }
0x58: {  	_ =	shalt  }
0x59: {  	_ =	shalt  }
0x5a: {  	_ =	shalt  }
0x5b: {  	_ =	shalt  }
0x5c: {  	_ =	shalt  }
0x5d: {  	_ =	shalt  }
0x5e: {  	_ =	shalt  }
0x5f: {  	_ =	shalt  }
0x60: {  	_ =	shalt  }
0x61: {  	_ =	shalt  }
0x62: {  	_ =	shalt  }
0x63: {  	_ =	shalt  }
0x64: {  	_ =	shalt  }
0x65: {  	_ =	shalt  }
0x66: {  	_ =	shalt  }
0x67: {  	_ =	shalt  }
0x68: {  	_ =	shalt  }
0x69: {  	_ =	shalt  }
0x6a: {  	_ =	shalt  }
0x6b: {  	_ =	shalt  }
0x6c: {  	_ =	shalt  }
0x6d: {  	_ =	shalt  }
0x6e: {  	_ =	shalt  }
0x6f: {  	_ =	shalt  }
0x70: {  	_ =	shalt  }
0x71: {  	_ =	shalt  }
0x72: {  	_ =	shalt  }
0x73: {  	_ =	shalt  }
0x74: {  	_ =	shalt  }
0x75: {  	_ =	shalt  }
0x76: {  	_ =	shalt  }
0x77: {  	_ =	shalt  }
0x78: {  	_ =	shalt  }
0x79: {  	_ =	shalt  }
0x7a: {  	_ =	shalt  }
0x7b: {  	_ =	shalt  }
0x7c: {  	_ =	shalt  }
0x7d: {  	_ =	shalt  }
0x7e: {  	_ =	shalt  }
0x7f: {  	_ =	shalt  }
0x80: {  	_ =	shalt  }
0x81: {  	_ =	shalt  }
0x82: {  	_ =	shalt  }
0x83: {  	_ =	shalt  }
0x84: {  	_ =	shalt  }
0x85: {  	_ =	shalt  }
0x86: {  	_ =	shalt  }
0x87: {  	_ =	shalt  }
.Lfunc_end0:
.L_simem_size_0:
called_computation_lowered:
.L_overlay_start_0:
0x88: {  	s2 =	sld [smem:$0x3FD9]  }
0x89: {  	s3 =	sld [smem:$0x3FFE];
	_ =	sdelay $0x1  }
0x8a: {  	s1 =	srdreg.scid  }
0x8b: {  	s0 =	sand.u32 $0x1, s1  }
0x8c: {  	s17 =	sshll.u32 s0, $0xA;
	s2 =	sadd.s32 s3, s2  }
0x8d: {  	s2 =	sadd.s32 s2, s17  }
0x8e: {  	[smem:$0x3FBB] =	sst s2  }
0x8f: {  	_ = 	snop  }
0x90: {  	s18 =	sld [smem:$0x3FD0];
	(tm) =	ssettm $0x1  }
0x91: {  	s19 =	sld [smem:$0x3FFB];
	_ =	sdelay $0x3  }
0x92: {  	_ =	strace s19  }
0x93: {  	s2 =	sld [smem:$0x3FFC];
	_ =	sdelay $0x3  }
0x94: {  	_ =	strace s2  }
0x95: {  	s2 =	sld [smem:$0x3FFD];
	_ =	sdelay $0x3  }
0x96: {  	_ =	strace s2  }
0x97: {  	_ =	strace $0x8FFFFFFF  }
0x98: {  	s20 =	sld [smem:$0x3FDB];
	_ =	sdelay $0x1  }
0x99: {  	s4 =	simm.s32 $_scs_section_size  }
0x9a: {  	s5 =	simm.s32 $_size__tile_overlayer_lowered;
	s6 =	simm.s32 $_tile_overlayer_lowered  }
0x9b: {  	s7 =	simm.s32 $0x1BFF;
	s21 =	sshll.u32 s6, $0x1;
	s4 =	sadd.s32 s4, s20  }
0x9c: {  	s22 =	simm.s32 $0x0;
	s5 =	sshll.u32 s5, $0x1;
	s6 =	sadd.s32 s21, s4  }
0x9d: {  	[timem:s22], [sflag:s7] =	dma.local [hbm:s6], s5  }
0x9e: {  	_ =	swait.ge [sflag:s7], s5  }
0x9f: {  	s5 =	ssub.s32 $0x0, s5;
	[sflag:s7] =	ssyncset.done $0x0  }
0xa0: {  	[sflag:s7] =	ssyncadd.s32 s5;
	_ =	sdelay $0x1  }
0xa1: {  	s23 =	simm.s32 $0x1B8B  }
0xa2: {  	_ =	swait.ge [sflag:s23], $0x1  }
0xa3: {  	[sflag:s23] =	ssyncset.done $0x0  }
0xa4: {  	[sflag:s23] =	ssyncadd.s32 $0xFFFFFFFF  }
0xa5: {  	s5 =	sld [smem:$0x0]  }
0xa6: {  	s6 =	sand.u32 $0xFFFFFFFE, s1  }
0xa7: {  	p0 =	sne.s32 s1, s6  }
0xa8: {  	s6 =	sshll.u32 @p0 s6, $0xE  }
0xa9: {  	s6 =	sadd.s32 @p0 $0x11B8D, s6;
	s7 =	sshll.u32 @p0 s5, $0x11  }
0xaa: {  	s6 =	sor.u32 @p0 s7, s6  }
0xab: {  	[sflag:s6] =	ssyncadd.remote.s32 @p0 $0x1;
	_ =	sdelay $0x1  }
0xac: {  	s6 =	simm.s32 @p0 $0x1B8D  }
0xad: {  	_ =	swait.eq @p0 [sflag:s6], $0x1  }
0xae: {  	[sflag:s6] =	ssyncadd.s32 @p0 $0xFFFFFFFF  }
0xaf: {  	s7 =	sshll.u32 @!p0 s1, $0xE  }
0xb0: {  	s7 =	sor.u32 @!p0 $0x4000, s7;
	s6 =	simm.s32 @!p0 $0x1B8D  }
0xb1: {  	s5 =	sshll.u32 @!p0 s5, $0x11;
	s7 =	sadd.s32 @!p0 $0x11B8D, s7;
	_ =	swait.eq @!p0 [sflag:s6], $0x1  }
0xb2: {  	s5 =	sor.u32 @!p0 s5, s7;
	[sflag:s6] =	ssyncadd.s32 @!p0 $0xFFFFFFFF  }
0xb3: {  	s25 =	simm.s32 $0x1B8E;
	s24 =	sld [smem:$0x3FFE];
	[sflag:s5] =	ssyncadd.remote.s32 @!p0 $0x1  }
0xb4: {  	s26 =	simm.s32 $execute0_lowered;
	[smem:$0x3FD2] =	sst s25  }
0xb5: {  	s6 =	sshll.u32 s26, $0x1;
	_ =	strace $0x80000049;
	[dreg:$0x1] =	wrdreg $0xFFFFFFFF  }
0xb6: {  	s28 =	simm.s32 $_size_execute0_lowered;
	s4 =	sadd.s32 s4, s6;
	[dreg:$0x0] =	wrdreg $0x0  }
0xb7: {  	s6 =	sshll.u32 s28, $0x1;
	[dreg:$0x2] =	wrdreg s4  }
0xb8: {  	[dreg:$0x3] =	wrdreg s6  }
0xb9: {  	[dreg:$0x4] =	wrdreg $0xC0  }
0xba: {  	_ =	task [dreg:s22], $0x5FFFF  }
0xbb: {  	[dreg:$0x1] =	wrdreg $0xFFFFFFFF  }
0xbc: {  	[dreg:$0x0] =	wrdreg $0x60  }
0xbd: {  	[dreg:$0x2] =	wrdreg s18  }
0xbe: {  	[dreg:$0x3] =	wrdreg s24  }
0xbf: {  	[dreg:$0x4] =	wrdreg $0x0  }
0xc0: {  	[dreg:$0x5] =	wrdreg $0x9  }
0xc1: {  	_ =	task.clear_ibuf [dreg:s22], $0x6FFFF;
	_ =	strace $0x90000049  }
0xc2: {  	s29 =	simm.s32 $0x9;
	_ =	strace $0x8000004B  }
0xc3: {  	_ =	swait.ge [sflag:s29], $0x1  }
0xc4: {  	[sflag:s29] =	ssyncadd.s32 $0xFFFFFFFF  }
0xc5: {  	_ =	strace $0x9000004B  }
0xc6: {  	_ =	sfence  }
0xc7: {  	s30 =	sld [smem:$0x0];
	_ =	sdelay $0x2  }
0xc8: {  	s31 =	sshll.u32 s1, $0xD;
	s1 =	sshrl.u32 s1, $0x2  }
0xc9: {  	s4 =	sand.u32 $0x4000, s31;
	s1 =	sadd.s32 s1, s30  }
0xca: {  	s0 =	sor.u32 s4, s0;
	s1 =	sshll.u32 s1, $0x11  }
0xcb: {  	s0 =	sor.u32 s1, s0  }
0xcc: {  	s0 =	sadd.s32 $0x8F2B, s0  }
0xcd: {  	[sflag:s0] =	ssyncadd.remote.s32 $0x1  }
0xce: {  	_ =	sfence.sel $0xFFFF  }
0xcf: {  	[dreg:$0x0] =	wrdreg $0xFFFFFFFF;
	(pc) =	sbr.abs _section_cstart, $3  }
0xd0: {  	[dreg:$0x1] =	wrdreg $0xFFFFFFFF  }
0xd1: {  	_ =	task.clear_ibuf [dreg:s22], $0x2FFFF;
	_ =	strace $0x9FFFFFFF  }
0xd2: {  	(tm) =	ssettm $0x7FFFFFFF  }
0xd3: {  	_ =	shalt  }
tec
execute0_lowered:
.L_overlay_start_1:
0x0: {  	(tag) =	ssettag $0x1  }
0x1: {  	s21 =	rddreg [dreg:$0x0]  }
0x2: {  	s5 =	rddreg [dreg:$0x1]  }
0x3: {  	s2 =	rddreg [dreg:$0x2]  }
0x4: {  	s0 =	stileid.u32;
	s4 =	srdreg.scid  }
0x5: {  	s3 =	simm.s32 $0x0;
	s25 =	simm.s32 $0x50;
	s6 =	smul.u32 $0x4E000, s0  }
0x6: {  	s26 =	simm.s32 $0x13900;
	s28 =	simm.s32 $0x0;
	s22 =	smul.u32 $0x13800, s0  }
0x7: {  	s17 =	sand.u32 $0x1, s4;
	[smem:$0x7FF] =	sst s3;
	s23 =	smul.u32 $0x4E20, s0  }
0x8: {  	s18 =	sadd.s32 $0x81E00, s5;
	p0 =	sne.s32 s0, $0xF;
	s19 =	smul.u32 $0x138800, s17  }
0x9: {  	s7 =	ssub.s32 $0x2, s17;
	_ =	strace $0x8000004A;
	s24 =	smul.u32 $0x2710, s17  }
0xa: {  	s17 =	sadd.s32 $0x138000, s2;
	s29 =	sshrl.u32 s6, $0x2;
	s30 =	sshrl.u32 s7, $0x1  }
0xb: {  	s4 =	sadd.s32 s29, s2;
	s20 =	ssub.s32 s7, s30;
	s22 =	sadd.s32 s22, s19  }
0xc: {  	s19 =	sshrl.u32 s19, $0x3;
	s23 =	sadd.s32 s24, s23;
	s24 =	simm.s32 $0x13880  }
0xd: {  	s5 =	sadd.s32 $0x1800, s4;
	s6 =	sadd.s32 $0x3000, s4;
	s7 =	sadd.s32 $0x4800, s4  }
0xe: {  	s8 =	sadd.s32 $0x6000, s4;
	s9 =	sadd.s32 $0x7800, s4;
	s10 =	sadd.s32 $0x9000, s4  }
0xf: {  	s11 =	sadd.s32 $0xA800, s4;
	s12 =	sadd.s32 $0xC000, s4;
	s13 =	sadd.s32 $0xD800, s4  }
0x10: {  	s14 =	sadd.s32 $0xF000, s4;
	s15 =	sadd.s32 $0x10800, s4;
	s16 =	sadd.s32 $0x12000, s4  }
0x11: {  	s22 =	sshrl.u32 s22, $0x3;
	s19 =	sadd.s32 s18, s19;
	s31 =	sshrl.u32 s23, $0x3  }
0x12: {  	s20 =	smax.u32 s20, $0x1;
	s23 =	simm.s32 $0x1;
	s18 =	sadd.s32 s18, s22  }
0x13: {  	v0 =	vimm.f32 $0.0e+00;
	v1 =	vimm.f32 $1.000000000e+00;
	s19 =	sadd.s32 $0x27000, s19;
	s21 =	sadd.s32 s31, s21;
	s22 =	simm.s32 $0x16100  }
.LBB2_1:
0x14: {  	s29 =	simm.s32 $0x0;
	s30 =	simm.s32 $0x0  }
.LBB2_2:
0x15: {  	p1 =	sne.s32 s30, $0x5FC0  }
.Ltmp0:
0x16: {  	_ = 	snop;
	(pc) =	sbr.rel @p1 .LBB2_2-.Ltmp0, $4  }
0x17: {  	s31 =	sand.u32 $0x7E00, s30  }
0x18: {  	s1 =	sand.u32 $0x70, s29;
	s31 =	sshrl.u32 s31, $0x2  }
0x19: {  	s1 =	sor.u32 s1, s31  }
0x1a: {  	s29 =	sadd.s32 $0x10, s29;
	s30 =	sadd.s32 $0x40, s30;
	[tilespmem:s1+$0x16100] =	vst v0  }
0x1b: {  	s29 =	simm.s32 $0x0  }
0x1c: {  	s1 =	sand.u32 $0xFE00, s29  }
0x1d: {  	s31 =	sand.u32 $0x70, s29;
	s1 =	sshrl.u32 s1, $0x2  }
0x1e: {  	s30 =	simm.s32 $0x40;
	s31 =	sor.u32 s31, s1  }
.LBB2_4:
0x1f: {  	p1 =	sne.s32 s30, $0x9FC0  }
0x20: {  	[tilespmem:s31+$0x13900] =	vst v1;
	s29 =	sadd.s32 $0x10, s29;
	s1 =	smov.u32 s30;
	s30 =	sadd.s32 $0x40, s30  }
.Ltmp1:
0x21: {  	(pc) =	sbr.rel @p1 .LBB2_4-.Ltmp1, $4  }
0x22: {  	_ = 	snop  }
0x23: {  	s1 =	sand.u32 $0xFE00, s1  }
0x24: {  	s31 =	sand.u32 $0x70, s29;
	s1 =	sshrl.u32 s1, $0x2  }
0x25: {  	s31 =	sor.u32 s31, s1  }
0x26: {  	[tilespmem:s31+$0x13900] =	vst v1  }
0x27: {  	[spmem:s4] =	stream.linear.scatter [tilespmem:s22], [sflag:$0x1], $0x1800, $0x38;
	[tilespmem:$0x17900] =	vst v63  }
0x28: {  	_ =	swait.ge [sflag:s23], $0x1800  }
0x29: {  	[sflag:s23] =	ssyncset.done $0x0  }
0x2a: {  	[sflag:s23] =	ssyncadd.s32 $0xFFFFE800  }
0x2b: {  	[spmem:s5] =	stream.linear.scatter [tilespmem:s22], [sflag:$0x1], $0x1800, $0x38;
	[tilespmem:$0x17900] =	vst v63  }
0x2c: {  	_ =	swait.ge [sflag:s23], $0x1800  }
0x2d: {  	[sflag:s23] =	ssyncset.done $0x0  }
0x2e: {  	[sflag:s23] =	ssyncadd.s32 $0xFFFFE800  }
0x2f: {  	[spmem:s6] =	stream.linear.scatter [tilespmem:s22], [sflag:$0x1], $0x1800, $0x38;
	[tilespmem:$0x17900] =	vst v63  }
0x30: {  	_ =	swait.ge [sflag:s23], $0x1800  }
0x31: {  	[sflag:s23] =	ssyncset.done $0x0  }
0x32: {  	[sflag:s23] =	ssyncadd.s32 $0xFFFFE800  }
0x33: {  	[spmem:s7] =	stream.linear.scatter [tilespmem:s22], [sflag:$0x1], $0x1800, $0x38;
	[tilespmem:$0x17900] =	vst v63  }
0x34: {  	_ =	swait.ge [sflag:s23], $0x1800  }
0x35: {  	[sflag:s23] =	ssyncset.done $0x0  }
0x36: {  	[sflag:s23] =	ssyncadd.s32 $0xFFFFE800  }
0x37: {  	[spmem:s8] =	stream.linear.scatter [tilespmem:s22], [sflag:$0x1], $0x1800, $0x38;
	[tilespmem:$0x17900] =	vst v63  }
0x38: {  	_ =	swait.ge [sflag:s23], $0x1800  }
0x39: {  	[sflag:s23] =	ssyncset.done $0x0  }
0x3a: {  	[sflag:s23] =	ssyncadd.s32 $0xFFFFE800  }
0x3b: {  	[spmem:s9] =	stream.linear.scatter [tilespmem:s22], [sflag:$0x1], $0x1800, $0x38;
	[tilespmem:$0x17900] =	vst v63  }
0x3c: {  	_ =	swait.ge [sflag:s23], $0x1800  }
0x3d: {  	[sflag:s23] =	ssyncset.done $0x0  }
0x3e: {  	[sflag:s23] =	ssyncadd.s32 $0xFFFFE800  }
0x3f: {  	[spmem:s10] =	stream.linear.scatter [tilespmem:s22], [sflag:$0x1], $0x1800, $0x38;
	[tilespmem:$0x17900] =	vst v63  }
0x40: {  	_ =	swait.ge [sflag:s23], $0x1800  }
0x41: {  	[sflag:s23] =	ssyncset.done $0x0  }
0x42: {  	[sflag:s23] =	ssyncadd.s32 $0xFFFFE800  }
0x43: {  	[spmem:s11] =	stream.linear.scatter [tilespmem:s22], [sflag:$0x1], $0x1800, $0x38;
	[tilespmem:$0x17900] =	vst v63  }
0x44: {  	_ =	swait.ge [sflag:s23], $0x1800  }
0x45: {  	[sflag:s23] =	ssyncset.done $0x0  }
0x46: {  	[sflag:s23] =	ssyncadd.s32 $0xFFFFE800  }
0x47: {  	[spmem:s12] =	stream.linear.scatter [tilespmem:s22], [sflag:$0x1], $0x1800, $0x38;
	[tilespmem:$0x17900] =	vst v63  }
0x48: {  	_ =	swait.ge [sflag:s23], $0x1800  }
0x49: {  	[sflag:s23] =	ssyncset.done $0x0  }
0x4a: {  	[sflag:s23] =	ssyncadd.s32 $0xFFFFE800  }
0x4b: {  	[spmem:s13] =	stream.linear.scatter [tilespmem:s22], [sflag:$0x1], $0x1800, $0x38;
	[tilespmem:$0x17900] =	vst v63  }
0x4c: {  	_ =	swait.ge [sflag:s23], $0x1800  }
0x4d: {  	[sflag:s23] =	ssyncset.done $0x0  }
0x4e: {  	[sflag:s23] =	ssyncadd.s32 $0xFFFFE800  }
0x4f: {  	[spmem:s14] =	stream.linear.scatter [tilespmem:s22], [sflag:$0x1], $0x1800, $0x38;
	[tilespmem:$0x17900] =	vst v63  }
0x50: {  	_ =	swait.ge [sflag:s23], $0x1800  }
0x51: {  	[sflag:s23] =	ssyncset.done $0x0  }
0x52: {  	[sflag:s23] =	ssyncadd.s32 $0xFFFFE800  }
0x53: {  	[spmem:s15] =	stream.linear.scatter [tilespmem:s22], [sflag:$0x1], $0x1800, $0x38;
	[tilespmem:$0x17900] =	vst v63  }
0x54: {  	_ =	swait.ge [sflag:s23], $0x1800  }
0x55: {  	[sflag:s23] =	ssyncset.done $0x0  }
0x56: {  	[sflag:s23] =	ssyncadd.s32 $0xFFFFE800  }
0x57: {  	[spmem:s16] =	stream.linear.scatter [tilespmem:s22], [sflag:$0x1], $0x1800, $0x38;
	[tilespmem:$0x17900] =	vst v63  }
0x58: {  	_ =	swait.ge [sflag:s23], $0x1800  }
0x59: {  	[sflag:s23] =	ssyncset.done $0x0  }
0x5a: {  	s1 =	simm.s32 @!p0 $0x16100;
	[sflag:s23] =	ssyncadd.s32 $0xFFFFE800  }
0x5b: {  	[spmem:s17] =	stream.linear.scatter @!p0 [tilespmem:s1], [sflag:$0x1], $0x800, $0x38;
	[tilespmem:$0x17900] =	vst v63  }
0x5c: {  	s1 =	simm.s32 @!p0 $0x1  }
0x5d: {  	_ =	swait.ge @!p0 [sflag:s1], $0x800  }
0x5e: {  	[sflag:s1] =	ssyncset.done @!p0 $0x0  }
0x5f: {  	[sflag:s1] =	ssyncadd.s32 @!p0 $0xFFFFF800  }
0x60: {  	s31 =	sadd.s32 $0x0, s21;
	[bflag:$0x0] =	sbarrier.arrive $0xFFFF  }
0x61: {  	[tilespmem:s24], [sflag:$0x1] =	stream.linear.gather [hbm4b:s31+s3], $0x50, $0x38;
	[tilespmem:$0x17900] =	vst v63  }
0x62: {  	_ =	swait.ge [sflag:s23], $0x50  }
0x63: {  	[sflag:s23] =	ssyncset.done $0x0  }
0x64: {  	[sflag:s23] =	ssyncadd.s32 $0xFFFFFFB0  }
0x65: {  	[spmem:s2] =	stream.indirect.scatter.add.f32 [tilespmem:s26], [sflag:$0x1], $0x80, s24, s25, $0xb8;
	[tilespmem:$0x17900] =	vst v63  }
0x66: {  	_ =	swait.ge [sflag:s23], $0x2800  }
0x67: {  	s29 =	simm.s32 $0xA;
	s30 =	simm.s32 $0x14;
	[sflag:s23] =	ssyncset.done $0x0  }
.LBB2_6:
0x68: {  	s1 =	sadd.s32 s29, s21  }
0x69: {  	[sflag:s23] =	ssyncadd.s32 $0xFFFFD800;
	s29 =	smov.u32 s30;
	s31 =	sadd.s32 $0xA, s30  }
0x6a: {  	[tilespmem:s24], [sflag:$0x1] =	stream.linear.gather [hbm4b:s1+s3], $0x50, $0x38;
	[tilespmem:$0x17900] =	vst v63  }
0x6b: {  	p1 =	sne.s32 s30, $0x4D8;
	_ =	swait.ge [sflag:s23], $0x50  }
.Ltmp2:
0x6c: {  	[sflag:s23] =	ssyncset.done $0x0;
	(pc) =	sbr.rel @p1 .LBB2_6-.Ltmp2, $4  }
0x6d: {  	[sflag:s23] =	ssyncadd.s32 $0xFFFFFFB0  }
0x6e: {  	[spmem:s2] =	stream.indirect.scatter.add.f32 [tilespmem:s26], [sflag:$0x1], $0x80, s24, s25, $0xb8;
	[tilespmem:$0x17900] =	vst v63  }
0x6f: {  	_ =	swait.ge [sflag:s23], $0x2800  }
0x70: {  	s30 =	smov.u32 s31;
	[sflag:s23] =	ssyncset.done $0x0  }
0x71: {  	s1 =	sadd.s32 s29, s21;
	[sflag:s23] =	ssyncadd.s32 $0xFFFFD800  }
0x72: {  	[tilespmem:s24], [sflag:$0x1] =	stream.linear.gather [hbm4b:s1+s3], $0x50, $0x38;
	[tilespmem:$0x17900] =	vst v63  }
0x73: {  	_ =	swait.ge [sflag:s23], $0x50  }
0x74: {  	[sflag:s23] =	ssyncset.done $0x0  }
0x75: {  	[sflag:s23] =	ssyncadd.s32 $0xFFFFFFB0  }
0x76: {  	[spmem:s2] =	stream.indirect.scatter.add.f32 [tilespmem:s26], [sflag:$0x1], $0x80, s24, s25, $0xb8;
	[tilespmem:$0x17900] =	vst v63  }
0x77: {  	_ =	swait.ge [sflag:s23], $0x2800  }
0x78: {  	[sflag:s23] =	ssyncset.done $0x0  }
0x79: {  	s30 =	sshll.u32 s0, $0x6;
	[sflag:s23] =	ssyncadd.s32 $0xFFFFD800  }
0x7a: {  	s31 =	sshrl.u32 s4, $0x3;
	s1 =	sor.u32 $0x1C01, s30;
	[bflag:$0x0] =	sbarrier.arrive $0xFFFF  }
0x7b: {  	[hbm:s18], [sflag:s1] =	dma.local [spmem:s31], $0x2700  }
0x7c: {  	_ =	swait.ge [sflag:s23], $0x2700  }
0x7d: {  	s28 =	sadd.s32 $0x1, s28;
	[sflag:s23] =	ssyncset.done $0x0  }
0x7e: {  	s29 =	sshrl.u32 @!p0 s17, $0x3;
	p1 =	sne.s32 s28, s20;
	[sflag:s23] =	ssyncadd.s32 $0xFFFFD900  }
0x7f: {  	[hbm:s19], [sflag:s1] =	dma.local @!p0 [spmem:s29], $0x100  }
.Ltmp3:
0x80: {  	_ = 	snop;
	(pc) =	sbr.rel @p1 .LBB2_1-.Ltmp3, $4  }
0x81: {  	s1 =	simm.s32 @!p0 $0x1  }
0x82: {  	_ =	swait.ge @!p0 [sflag:s1], $0x100  }
0x83: {  	[sflag:s1] =	ssyncset.done @!p0 $0x0  }
0x84: {  	[sflag:s1] =	ssyncadd.s32 @!p0 $0xFFFFFF00  }
0x85: {  	_ =	sfence.sel $0x180000  }
0x86: {  	[bflag:$0x0] =	sbarrier.arrive $0xFFFF  }
0x87: {  	_ =	strace $0x9000004A  }
0x88: {  	[bflag:$0x2] =	sbarrier.arrive $0xFFFF  }
0x89: {  	p0 =	sne.s32 s0, $0x0;
	s0 =	rddreg [dreg:$0x3]  }
0x8a: {  	s0 =	sadd.s32 @!p0 $0x100000, s0  }
0x8b: {  	[sflag:s0] =	ssyncadd.tile.s32 @!p0 $0x1;
	_ =	shalt  }
.Lfunc_end2:
_tile_overlayer_lowered:
.L_overlay_start_2:
0x8c: {  	(tag) =	ssettag $0x2  }
0x8d: {  	s0 =	rddreg [dreg:$0x0];
	s2 =	stileid.u32  }
0x8e: {  	s1 =	rddreg [dreg:$0x1];
	p0 =	sne.s32 s2, $0x0  }
0x8f: {  	s3 =	rddreg [dreg:$0x2];
	[bflag:$0x3] =	sbarrier.arrive $0xFFFF;
	s2 =	simm.s32 @!p0 $0x1C01  }
0x90: {  	[timem:s3], [sflag:s2] =	dma.local @!p0 [hbm:s0], s1  }
0x91: {  	s0 =	simm.s32 @!p0 $0x1  }
0x92: {  	_ =	swait.ge @!p0 [sflag:s0], s1  }
0x93: {  	s1 =	ssub.s32 @!p0 $0x0, s1;
	[sflag:s0] =	ssyncset.done @!p0 $0x0  }
0x94: {  	[sflag:s0] =	ssyncadd.s32 @!p0 s1  }
0x95: {  	[bflag:$0x3] =	sbarrier.arrive $0xFFFF  }
0x96: {  	_ =	shalt  }

// kernel: kernel.13.cloned.1.call-start
scs
__scs_entry_jumppad:
0x0: {  	(pc) =	sbr.rel $0x88, $3  }
0x1: {  	(tag) =	ssettag $0x0;
	lr =	simm.s32 $0x1  }
0x2: {  	[smem:$0x3F94] =	sst lr;
	_ =	strace $0xD0000000  }
0x3: {  	_ = 	snop  }
0x4: {  	_ = 	snop  }
0x5: {  	_ = 	snop  }
0x6: {  	_ = 	snop  }
0x7: {  	_ = 	snop  }
__scs_overlays_trampoline_lowered:
0x8: {  	[smem:$0x3FA3] =	sst s0  }
0x9: {  	[smem:$0x3FA4] =	sst s1  }
0xa: {  	[smem:$0x3FA5] =	sst s2  }
0xb: {  	[smem:$0x3FA6] =	sst s3  }
0xc: {  	[smem:$0x3FA7] =	sst s4  }
0xd: {  	[smem:$0x3FA8] =	sst s5  }
0xe: {  	[smem:$0x3FA9] =	sst s6  }
0xf: {  	[smem:$0x3FAA] =	sst s7  }
0x10: {  	[smem:$0x3FAB] =	sst s8  }
0x11: {  	[smem:$0x3FAC] =	sst s9;
	s0 =	simm.s32 @!p0 $0x0  }
0x12: {  	s1 =	sld [smem:$0x3F92];
	s0 =	simm.s32 @p0 $0x1  }
0x13: {  	[smem:$0x3FAD] =	sst s0;
	s0 =	simm.s32 @!p1 $0x0  }
0x14: {  	s2 =	sld [smem:$0x3F91];
	s0 =	simm.s32 @p1 $0x1  }
0x15: {  	[smem:$0x3FAE] =	sst s0;
	s0 =	simm.s32 @!p2 $0x0  }
0x16: {  	s3 =	sld [smem:$0x3FDB];
	s0 =	simm.s32 @p2 $0x1  }
0x17: {  	s4 =	simm.s32 $0x1BF5;
	[smem:$0x3FB0] =	sst s0  }
0x18: {  	s0 =	sld [smem:$0x3F93];
	_ =	swait.ge [sflag:s4], $0x0  }
0x19: {  	s7 =	sld [smem:$0x3F94]  }
0x1a: {  	s8 =	sadd.s32 $0xFFFFE003, lr  }
0x1b: {  	s9 =	sadd.s32 $0xFFFFFEF7, lr;
	s5 =	simm.s32 $0xFFFFFFFF;
	p2 =	slt.u32 s8, $0xFFFFF086  }
0x1c: {  	p1 =	slt.u32 s9, $0xF7A;
	s5 =	simm.s32 @!p2 $0x0  }
0x1d: {  	s5 =	simm.s32 @p1 $0x1;
	p0 =	seq.s32 s7, s2  }
0x1e: {  	s7 =	smul.u32 @!p0 $0xF7A, s2;
	p2 =	seq.s32 @!p0 s5, $0x0  }
0x1f: {  	s9 =	smul.u32 $0xF7A, s1;
	s8 =	simm.s32 @!p0 $0x1BF5;
	p2 =	por !p2, p0  }
0x20: {  	[sflag:s8] =	ssyncset.s32 @!p0 $0xFFFFF086;
	s6 =	sadd.s32 @!p0 s3, s7;
	s7 =	simm.s32 @!p0 $0x108  }
0x21: {  	s3 =	sadd.s32 s3, s9;
	s6 =	sadd.s32 @!p0 $0x88, s6;
	s7 =	simm.s32 @p2 $0x1082  }
0x22: {  	[simem:s7], [sflag:s8] =	dma.local @!p0 [hbm:s6], $0xF7A  }
0x23: {  	s9 =	sor.u32 $0xD0000000, s2;
	s6 =	simm.s32 $0x108;
	_ =	swait.ge @!p0 [sflag:s8], $0x0  }
0x24: {  	s3 =	sadd.s32 $0x88, s3;
	s6 =	simm.s32 @!p1 $0x1082;
	[sflag:s4] =	ssyncset.s32 $0xFFFFF086  }
0x25: {  	[simem:s6], [sflag:s4] =	dma.local [hbm:s3], $0xF7A  }
0x26: {  	[smem:$0x3F94] =	sst s1;
	(tag) =	ssettag s2;
	_ =	strace s9  }
0x27: {  	s1 =	sld [smem:$0x3FA4]  }
0x28: {  	s2 =	sld [smem:$0x3FA5]  }
0x29: {  	s4 =	sld [smem:$0x3FA7]  }
0x2a: {  	p0 =	seq.s32 s5, $0x0;
	s5 =	sld [smem:$0x3FA8]  }
0x2b: {  	s6 =	sld [smem:$0x3FA9]  }
0x2c: {  	s7 =	sld [smem:$0x3FAA]  }
0x2d: {  	s3 =	simm.s32 $0x108;
	s8 =	sld [smem:$0x3FAB]  }
0x2e: {  	s3 =	simm.s32 @!p0 $0x1082;
	s9 =	sld [smem:$0x3FAC]  }
0x2f: {  	lr =	sadd.s32 s0, s3;
	s0 =	sld [smem:$0x3FA3]  }
0x30: {  	s3 =	sld [smem:$0x3FA6]  }
0x31: {  	[smem:$0x3FAF] =	sst s10  }
0x32: {  	s10 =	sld [smem:$0x3FAD];
	_ =	sdelay $0x3  }
0x33: {  	p0 =	seq.s32 s10, $0x1;
	s10 =	sld [smem:$0x3FAF];
	_ =	sdelay $0x3  }
0x34: {  	[smem:$0x3FAF] =	sst s10  }
0x35: {  	s10 =	sld [smem:$0x3FAE];
	_ =	sdelay $0x3  }
0x36: {  	p1 =	seq.s32 s10, $0x1;
	s10 =	sld [smem:$0x3FAF];
	_ =	sdelay $0x3  }
0x37: {  	[smem:$0x3FAF] =	sst s10  }
0x38: {  	s10 =	sld [smem:$0x3FB0]  }
0x39: {  	_ = 	snop;
	(pc) =	sbr.ind lr, $3  }
0x3a: {  	_ = 	snop  }
0x3b: {  	_ = 	snop  }
0x3c: {  	p2 =	seq.s32 s10, $0x1;
	s10 =	sld [smem:$0x3FAF]  }
0x3d: {  	_ =	shalt  }
0x3e: {  	_ =	shalt  }
0x3f: {  	_ =	shalt  }
0x40: {  	_ =	shalt  }
0x41: {  	_ =	shalt  }
0x42: {  	_ =	shalt  }
0x43: {  	_ =	shalt  }
0x44: {  	_ =	shalt  }
0x45: {  	_ =	shalt  }
0x46: {  	_ =	shalt  }
0x47: {  	_ =	shalt  }
0x48: {  	_ =	shalt  }
0x49: {  	_ =	shalt  }
0x4a: {  	_ =	shalt  }
0x4b: {  	_ =	shalt  }
0x4c: {  	_ =	shalt  }
0x4d: {  	_ =	shalt  }
0x4e: {  	_ =	shalt  }
0x4f: {  	_ =	shalt  }
0x50: {  	_ =	shalt  }
0x51: {  	_ =	shalt  }
0x52: {  	_ =	shalt  }
0x53: {  	_ =	shalt  }
0x54: {  	_ =	shalt  }
0x55: {  	_ =	shalt  }
0x56: {  	_ =	shalt  }
0x57: {  	_ =	shalt  }
0x58: {  	_ =	shalt  }
0x59: {  	_ =	shalt  }
0x5a: {  	_ =	shalt  }
0x5b: {  	_ =	shalt  }
0x5c: {  	_ =	shalt  }
0x5d: {  	_ =	shalt  }
0x5e: {  	_ =	shalt  }
0x5f: {  	_ =	shalt  }
0x60: {  	_ =	shalt  }
0x61: {  	_ =	shalt  }
0x62: {  	_ =	shalt  }
0x63: {  	_ =	shalt  }
0x64: {  	_ =	shalt  }
0x65: {  	_ =	shalt  }
0x66: {  	_ =	shalt  }
0x67: {  	_ =	shalt  }
0x68: {  	_ =	shalt  }
0x69: {  	_ =	shalt  }
0x6a: {  	_ =	shalt  }
0x6b: {  	_ =	shalt  }
0x6c: {  	_ =	shalt  }
0x6d: {  	_ =	shalt  }
0x6e: {  	_ =	shalt  }
0x6f: {  	_ =	shalt  }
0x70: {  	_ =	shalt  }
0x71: {  	_ =	shalt  }
0x72: {  	_ =	shalt  }
0x73: {  	_ =	shalt  }
0x74: {  	_ =	shalt  }
0x75: {  	_ =	shalt  }
0x76: {  	_ =	shalt  }
0x77: {  	_ =	shalt  }
0x78: {  	_ =	shalt  }
0x79: {  	_ =	shalt  }
0x7a: {  	_ =	shalt  }
0x7b: {  	_ =	shalt  }
0x7c: {  	_ =	shalt  }
0x7d: {  	_ =	shalt  }
0x7e: {  	_ =	shalt  }
0x7f: {  	_ =	shalt  }
0x80: {  	_ =	shalt  }
0x81: {  	_ =	shalt  }
0x82: {  	_ =	shalt  }
0x83: {  	_ =	shalt  }
0x84: {  	_ =	shalt  }
0x85: {  	_ =	shalt  }
0x86: {  	_ =	shalt  }
0x87: {  	_ =	shalt  }
.Lfunc_end0:
.L_simem_size_0:
called_computation.1_lowered:
.L_overlay_start_0:
0x88: {  	s2 =	sld [smem:$0x3FD9]  }
0x89: {  	s3 =	sld [smem:$0x3FFE];
	_ =	sdelay $0x1  }
0x8a: {  	s1 =	srdreg.scid  }
0x8b: {  	s0 =	sand.u32 $0x1, s1  }
0x8c: {  	s17 =	sshll.u32 s0, $0xA;
	s2 =	sadd.s32 s3, s2  }
0x8d: {  	s2 =	sadd.s32 s2, s17  }
0x8e: {  	[smem:$0x3FBB] =	sst s2  }
0x8f: {  	_ = 	snop  }
0x90: {  	s2 =	sld [smem:$0x3FD0];
	(tm) =	ssettm $0x1  }
0x91: {  	s18 =	sld [smem:$0x3FFB];
	_ =	sdelay $0x3  }
0x92: {  	_ =	strace s18  }
0x93: {  	s3 =	sld [smem:$0x3FFC];
	_ =	sdelay $0x3  }
0x94: {  	_ =	strace s3  }
0x95: {  	s3 =	sld [smem:$0x3FFD];
	_ =	sdelay $0x3  }
0x96: {  	_ =	strace s3  }
0x97: {  	_ =	strace $0x8FFFFFFF  }
0x98: {  	s19 =	sld [smem:$0x3FDB];
	_ =	sdelay $0x1  }
0x99: {  	s4 =	simm.s32 $_scs_section_size  }
0x9a: {  	s5 =	simm.s32 $_size__tile_overlayer_lowered;
	s6 =	simm.s32 $_tile_overlayer_lowered  }
0x9b: {  	s22 =	simm.s32 $0x1BFF;
	s21 =	sshll.u32 s6, $0x1;
	s3 =	sadd.s32 s4, s19  }
0x9c: {  	s7 =	simm.s32 $0x0;
	s20 =	sshll.u32 s5, $0x1;
	s5 =	sadd.s32 s21, s3  }
0x9d: {  	[timem:s7], [sflag:s22] =	dma.local [hbm:s5], s20  }
0x9e: {  	_ =	swait.ge [sflag:s22], s20  }
0x9f: {  	s4 =	ssub.s32 $0x0, s20;
	[sflag:s22] =	ssyncset.done $0x0  }
0xa0: {  	[sflag:s22] =	ssyncadd.s32 s4;
	_ =	sdelay $0x1  }
0xa1: {  	s23 =	simm.s32 $0x1B8B  }
0xa2: {  	_ =	swait.ge [sflag:s23], $0x1  }
0xa3: {  	[sflag:s23] =	ssyncset.done $0x0  }
0xa4: {  	s25 =	simm.s32 $0x1B8E;
	s24 =	sld [smem:$0x3FFE];
	[sflag:s23] =	ssyncadd.s32 $0xFFFFFFFF  }
0xa5: {  	s26 =	simm.s32 $execute0_lowered;
	[smem:$0x3FD2] =	sst s25  }
0xa6: {  	s5 =	sshll.u32 s26, $0x1;
	_ =	strace $0x80000046;
	[dreg:$0x1] =	wrdreg $0xFFFFFFFF  }
0xa7: {  	s28 =	simm.s32 $_size_execute0_lowered;
	s3 =	sadd.s32 s3, s5;
	[dreg:$0x0] =	wrdreg $0x0  }
0xa8: {  	s5 =	sshll.u32 s28, $0x1;
	[dreg:$0x2] =	wrdreg s3  }
0xa9: {  	[dreg:$0x3] =	wrdreg s5  }
0xaa: {  	[dreg:$0x4] =	wrdreg $0xC0  }
0xab: {  	_ =	task [dreg:s7], $0x5FFFF  }
0xac: {  	[dreg:$0x1] =	wrdreg $0xFFFFFFFF  }
0xad: {  	[dreg:$0x0] =	wrdreg $0x60  }
0xae: {  	[dreg:$0x2] =	wrdreg s24  }
0xaf: {  	[dreg:$0x3] =	wrdreg s2  }
0xb0: {  	[dreg:$0x4] =	wrdreg $0x0  }
0xb1: {  	[dreg:$0x5] =	wrdreg $0xA  }
0xb2: {  	_ =	task.clear_ibuf [dreg:s7], $0x6FFFF;
	_ =	strace $0x90000046  }
0xb3: {  	s29 =	simm.s32 $0xA;
	_ =	strace $0x80000048  }
0xb4: {  	_ =	swait.ge [sflag:s29], $0x1  }
0xb5: {  	[sflag:s29] =	ssyncadd.s32 $0xFFFFFFFF  }
0xb6: {  	_ =	strace $0x90000048  }
0xb7: {  	_ =	sfence  }
0xb8: {  	s30 =	sld [smem:$0x0];
	_ =	sdelay $0x2  }
0xb9: {  	s31 =	sshll.u32 s1, $0xD;
	s1 =	sshrl.u32 s1, $0x2  }
0xba: {  	s3 =	sand.u32 $0x4000, s31;
	s1 =	sadd.s32 s1, s30  }
0xbb: {  	s0 =	sor.u32 s3, s0;
	s1 =	sshll.u32 s1, $0x11  }
0xbc: {  	s0 =	sor.u32 s1, s0  }
0xbd: {  	s0 =	sadd.s32 $0x8F2B, s0  }
0xbe: {  	[sflag:s0] =	ssyncadd.remote.s32 $0x1  }
0xbf: {  	_ =	sfence.sel $0xFFFF  }
0xc0: {  	[dreg:$0x0] =	wrdreg $0xFFFFFFFF;
	(pc) =	sbr.abs _section_cstart, $3  }
0xc1: {  	[dreg:$0x1] =	wrdreg $0xFFFFFFFF  }
0xc2: {  	_ =	task.clear_ibuf [dreg:s7], $0x2FFFF;
	_ =	strace $0x9FFFFFFF  }
0xc3: {  	(tm) =	ssettm $0x7FFFFFFF  }
tec
execute0_lowered:
.L_overlay_start_1:
0x0: {  	(tag) =	ssettag $0x1  }
0x1: {  	s0 =	rddreg [dreg:$0x0]  }
0x2: {  	s1 =	rddreg [dreg:$0x1]  }
0x3: {  	s2 =	rddreg [dreg:$0x2]  }
0x4: {  	s4 =	simm.s32 $0x0;
	s3 =	srdreg.scid;
	s13 =	stileid.u32  }
0x5: {  	s30 =	simm.s32 $0x18A80;
	s31 =	simm.s32 $0x3;
	[smem:$0x7FF] =	sst s4  }
0x6: {  	s3 =	sand.u32 $0x1, s3;
	s7 =	smul.u32 $0x4E000, s13;
	s5 =	sadd.s32 $0x2C00, s0  }
0x7: {  	s6 =	sadd.s32 $0xCA00, s0;
	s0 =	sadd.s32 $0x33C00, s0;
	s21 =	smul.u32 $0x13800, s13  }
0x8: {  	s12 =	sshll.u32 s13, $0x1;
	s22 =	smul.u32 $0x4E20, s13;
	s7 =	sshrl.u32 s7, $0x2  }
0x9: {  	p0 =	sne.s32 s13, $0xF;
	s29 =	sadd.s32 $0x138000, s2;
	s7 =	sadd.s32 s7, s2  }
0xa: {  	s13 =	simm.s32 $0x1;
	_ =	strace $0x80000047;
	s10 =	sadd.s32 $0x1800, s7  }
0xb: {  	s8 =	ssub.s32 $0x2, s3;
	s14 =	sadd.s32 $0x3000, s7;
	[dreg:$0x4] =	wrdreg s10  }
0xc: {  	s19 =	smul.u32 $0x138800, s3;
	s15 =	sadd.s32 $0x4800, s7;
	[dreg:$0x5] =	wrdreg s14  }
0xd: {  	s9 =	sshrl.u32 s8, $0x1;
	s16 =	sadd.s32 $0x6000, s7;
	[dreg:$0x6] =	wrdreg s15  }
0xe: {  	s8 =	ssub.s32 s8, s9;
	s17 =	sadd.s32 $0x7800, s7;
	[dreg:$0x7] =	wrdreg s16  }
0xf: {  	s9 =	sor.u32 s3, s12;
	s18 =	sadd.s32 $0x9000, s7;
	[dreg:$0x8] =	wrdreg s17  }
0x10: {  	s3 =	smul.u32 $0x2710, s3;
	s11 =	sadd.s32 $0xA800, s7;
	[dreg:$0x9] =	wrdreg s18  }
0x11: {  	s24 =	sadd.s32 s21, s19;
	s20 =	sadd.s32 $0xC000, s7;
	[dreg:$0xa] =	wrdreg s11  }
0x12: {  	s9 =	smul.u32 $0x2710, s9;
	s12 =	sadd.s32 $0xD800, s7;
	[dreg:$0xb] =	wrdreg s20  }
0x13: {  	s28 =	sadd.s32 $0x12000, s7;
	[dreg:$0xc] =	wrdreg s12;
	s14 =	sadd.s32 $0xF000, s7  }
0x14: {  	s10 =	sshrl.u32 s19, $0x3;
	s3 =	sadd.s32 s3, s22;
	s22 =	smax.u32 s8, $0x1  }
0x15: {  	s8 =	simm.s32 $0x50;
	s11 =	simm.s32 $0x16200;
	s12 =	simm.s32 $0x16280  }
0x16: {  	s15 =	simm.s32 $0x0;
	s9 =	sshrl.u32 s9, $0x3;
	[dreg:$0xd] =	wrdreg s14  }
0x17: {  	s10 =	sadd.s32 s0, s10;
	s26 =	sadd.s32 $0x50, s3;
	s23 =	sadd.s32 s5, s9  }
0x18: {  	s14 =	simm.s32 $0x2;
	s9 =	sadd.s32 s1, s9;
	[dreg:$0xe] =	wrdreg s23  }
0x19: {  	s25 =	sadd.s32 $0x27000, s10;
	s10 =	simm.s32 $0x16180;
	[dreg:$0xf] =	wrdreg s9  }
0x1a: {  	s9 =	sshrl.u32 s24, $0x3;
	[dreg:$0x11] =	wrdreg s25;
	s23 =	sadd.s32 $0xA0, s3  }
0x1b: {  	s3 =	simm.s32 $0x13900;
	s0 =	sadd.s32 s0, s9;
	s9 =	simm.s32 $0x13980  }
0x1c: {  	[dreg:$0x10] =	wrdreg s0;
	s0 =	sshrl.u32 s26, $0x3;
	s26 =	sadd.s32 $0x10800, s7  }
0x1d: {  	v0 =	vimm.f32 $0.0e+00;
	s24 =	sadd.s32 s0, s1;
	s25 =	sadd.s32 s0, s5;
	s0 =	simm.s32 $0x13880  }
.LBB2_1:
0x1e: {  	s16 =	sand.u32 $0x7E00, s4  }
0x1f: {  	s17 =	sand.u32 $0x70, s4;
	s18 =	sshrl.u32 s16, $0x2  }
0x20: {  	s16 =	simm.s32 $0x40;
	s18 =	sor.u32 s17, s18;
	s17 =	simm.s32 $0x0  }
.LBB2_2:
0x21: {  	p1 =	sne.s32 s16, $0x5FC0  }
0x22: {  	[tilespmem:s18+$0x18A80] =	vst v0;
	s17 =	sadd.s32 $0x10, s17;
	s18 =	smov.u32 s16;
	s16 =	sadd.s32 $0x40, s16  }
.Ltmp0:
0x23: {  	(pc) =	sbr.rel @p1 .LBB2_2-.Ltmp0, $4  }
0x24: {  	_ = 	snop  }
0x25: {  	s18 =	sand.u32 $0x7E00, s18  }
0x26: {  	s19 =	sand.u32 $0x70, s17;
	s18 =	sshrl.u32 s18, $0x2  }
0x27: {  	s18 =	sor.u32 s19, s18  }
0x28: {  	[tilespmem:s18+$0x18A80] =	vst v0  }
0x29: {  	[spmem:s7] =	stream.linear.scatter [tilespmem:s30], [sflag:$0x3], $0x1800, $0x38;
	[tilespmem:$0x1A280] =	vst v63  }
0x2a: {  	_ =	swait.ge [sflag:s31], $0x1800  }
0x2b: {  	[sflag:s31] =	ssyncset.done $0x0  }
0x2c: {  	s16 =	rddreg [dreg:$0x4];
	[sflag:s31] =	ssyncadd.s32 $0xFFFFE800  }
0x2d: {  	[spmem:s16] =	stream.linear.scatter [tilespmem:s30], [sflag:$0x3], $0x1800, $0x38;
	[tilespmem:$0x1A280] =	vst v63  }
0x2e: {  	_ =	swait.ge [sflag:s31], $0x1800  }
0x2f: {  	[sflag:s31] =	ssyncset.done $0x0  }
0x30: {  	s21 =	rddreg [dreg:$0x5];
	[sflag:s31] =	ssyncadd.s32 $0xFFFFE800  }
0x31: {  	[spmem:s21] =	stream.linear.scatter [tilespmem:s30], [sflag:$0x3], $0x1800, $0x38;
	[tilespmem:$0x1A280] =	vst v63  }
0x32: {  	_ =	swait.ge [sflag:s31], $0x1800  }
0x33: {  	[sflag:s31] =	ssyncset.done $0x0  }
0x34: {  	s17 =	rddreg [dreg:$0x6];
	[sflag:s31] =	ssyncadd.s32 $0xFFFFE800  }
0x35: {  	[spmem:s17] =	stream.linear.scatter [tilespmem:s30], [sflag:$0x3], $0x1800, $0x38;
	[tilespmem:$0x1A280] =	vst v63  }
0x36: {  	_ =	swait.ge [sflag:s31], $0x1800  }
0x37: {  	[sflag:s31] =	ssyncset.done $0x0  }
0x38: {  	s18 =	rddreg [dreg:$0x7];
	[sflag:s31] =	ssyncadd.s32 $0xFFFFE800  }
0x39: {  	[spmem:s18] =	stream.linear.scatter [tilespmem:s30], [sflag:$0x3], $0x1800, $0x38;
	[tilespmem:$0x1A280] =	vst v63  }
0x3a: {  	_ =	swait.ge [sflag:s31], $0x1800  }
0x3b: {  	[sflag:s31] =	ssyncset.done $0x0  }
0x3c: {  	s19 =	rddreg [dreg:$0x8];
	[sflag:s31] =	ssyncadd.s32 $0xFFFFE800  }
0x3d: {  	[spmem:s19] =	stream.linear.scatter [tilespmem:s30], [sflag:$0x3], $0x1800, $0x38;
	[tilespmem:$0x1A280] =	vst v63  }
0x3e: {  	_ =	swait.ge [sflag:s31], $0x1800  }
0x3f: {  	[sflag:s31] =	ssyncset.done $0x0  }
0x40: {  	s20 =	rddreg [dreg:$0x9];
	[sflag:s31] =	ssyncadd.s32 $0xFFFFE800  }
0x41: {  	[spmem:s20] =	stream.linear.scatter [tilespmem:s30], [sflag:$0x3], $0x1800, $0x38;
	[tilespmem:$0x1A280] =	vst v63  }
0x42: {  	_ =	swait.ge [sflag:s31], $0x1800  }
0x43: {  	[sflag:s31] =	ssyncset.done $0x0  }
0x44: {  	s21 =	rddreg [dreg:$0xa];
	[sflag:s31] =	ssyncadd.s32 $0xFFFFE800  }
0x45: {  	[spmem:s21] =	stream.linear.scatter [tilespmem:s30], [sflag:$0x3], $0x1800, $0x38;
	[tilespmem:$0x1A280] =	vst v63  }
0x46: {  	_ =	swait.ge [sflag:s31], $0x1800  }
0x47: {  	[sflag:s31] =	ssyncset.done $0x0  }
0x48: {  	s17 =	rddreg [dreg:$0xb];
	[sflag:s31] =	ssyncadd.s32 $0xFFFFE800  }
0x49: {  	[spmem:s17] =	stream.linear.scatter [tilespmem:s30], [sflag:$0x3], $0x1800, $0x38;
	[tilespmem:$0x1A280] =	vst v63  }
0x4a: {  	_ =	swait.ge [sflag:s31], $0x1800  }
0x4b: {  	[sflag:s31] =	ssyncset.done $0x0  }
0x4c: {  	s18 =	rddreg [dreg:$0xc];
	[sflag:s31] =	ssyncadd.s32 $0xFFFFE800  }
0x4d: {  	[spmem:s18] =	stream.linear.scatter [tilespmem:s30], [sflag:$0x3], $0x1800, $0x38;
	[tilespmem:$0x1A280] =	vst v63  }
0x4e: {  	_ =	swait.ge [sflag:s31], $0x1800  }
0x4f: {  	[sflag:s31] =	ssyncset.done $0x0  }
0x50: {  	s19 =	rddreg [dreg:$0xd];
	[sflag:s31] =	ssyncadd.s32 $0xFFFFE800  }
0x51: {  	[spmem:s19] =	stream.linear.scatter [tilespmem:s30], [sflag:$0x3], $0x1800, $0x38;
	[tilespmem:$0x1A280] =	vst v63  }
0x52: {  	_ =	swait.ge [sflag:s31], $0x1800  }
0x53: {  	[sflag:s31] =	ssyncset.done $0x0  }
0x54: {  	[sflag:s31] =	ssyncadd.s32 $0xFFFFE800  }
0x55: {  	[spmem:s26] =	stream.linear.scatter [tilespmem:s30], [sflag:$0x3], $0x1800, $0x38;
	[tilespmem:$0x1A280] =	vst v63  }
0x56: {  	_ =	swait.ge [sflag:s31], $0x1800  }
0x57: {  	[sflag:s31] =	ssyncset.done $0x0  }
0x58: {  	[sflag:s31] =	ssyncadd.s32 $0xFFFFE800  }
0x59: {  	[spmem:s28] =	stream.linear.scatter [tilespmem:s30], [sflag:$0x3], $0x1800, $0x38;
	[tilespmem:$0x1A280] =	vst v63  }
0x5a: {  	_ =	swait.ge [sflag:s31], $0x1800  }
0x5b: {  	[sflag:s31] =	ssyncset.done $0x0  }
0x5c: {  	s16 =	simm.s32 @!p0 $0x18A80;
	[sflag:s31] =	ssyncadd.s32 $0xFFFFE800  }
0x5d: {  	[spmem:s29] =	stream.linear.scatter @!p0 [tilespmem:s16], [sflag:$0x3], $0x800, $0x38;
	[tilespmem:$0x1A280] =	vst v63  }
0x5e: {  	s16 =	simm.s32 @!p0 $0x3  }
0x5f: {  	_ =	swait.ge @!p0 [sflag:s16], $0x800  }
0x60: {  	[sflag:s16] =	ssyncset.done @!p0 $0x0  }
0x61: {  	[sflag:s16] =	ssyncadd.s32 @!p0 $0xFFFFF800  }
0x62: {  	[bflag:$0x0] =	sbarrier.arrive $0xFFFF  }
0x63: {  	s20 =	simm.s32 $0x0;
	s17 =	rddreg [dreg:$0xe]  }
0x64: {  	[tilespmem:s0], [sflag:$0x3] =	stream.linear.gather [hbm4b:s17+s20], $0x50, $0x38;
	[tilespmem:$0x1A280] =	vst v63  }
0x65: {  	_ =	swait.ge [sflag:s31], $0x50  }
0x66: {  	[sflag:s31] =	ssyncset.done $0x0  }
0x67: {  	s21 =	rddreg [dreg:$0xf];
	[sflag:s31] =	ssyncadd.s32 $0xFFFFFFB0  }
0x68: {  	[tilespmem:s3], [sflag:$0x3] =	stream.linear.gather [hbm4b:s21+s20], $0x50, $0x38;
	[tilespmem:$0x1A280] =	vst v63  }
0x69: {  	_ =	swait.ge [sflag:s31], $0x50  }
0x6a: {  	[sflag:s31] =	ssyncset.done $0x0  }
0x6b: {  	[sflag:s31] =	ssyncadd.s32 $0xFFFFFFB0  }
0x6c: {  	[tilespmem:s9], [sflag:$0x1] =	stream.indirect.gather [hbm4b:s6+s8], $0x80, s0, s8, $0xb8;
	[tilespmem:$0x1A280] =	vst v63  }
0x6d: {  	s18 =	sadd.s32 $0x0, s25  }
0x6e: {  	[tilespmem:s10], [sflag:$0x3] =	stream.linear.gather [hbm4b:s18+s4], $0x50, $0x38;
	[tilespmem:$0x1A280] =	vst v63  }
0x6f: {  	_ =	swait.ge [sflag:s31], $0x50  }
0x70: {  	[sflag:s31] =	ssyncset.done $0x0  }
0x71: {  	s19 =	sadd.s32 $0x0, s24;
	[sflag:s31] =	ssyncadd.s32 $0xFFFFFFB0  }
0x72: {  	[tilespmem:s11], [sflag:$0x3] =	stream.linear.gather [hbm4b:s19+s4], $0x50, $0x38;
	[tilespmem:$0x1A280] =	vst v63  }
0x73: {  	_ =	swait.ge [sflag:s31], $0x50  }
0x74: {  	[sflag:s31] =	ssyncset.done $0x0  }
0x75: {  	[sflag:s31] =	ssyncadd.s32 $0xFFFFFFB0  }
0x76: {  	[tilespmem:s12], [sflag:$0x2] =	stream.indirect.gather [hbm4b:s6+s8], $0x80, s10, s8, $0xb8;
	[tilespmem:$0x1A280] =	vst v63  }
0x77: {  	_ =	swait.ge [sflag:s13], $0x2800  }
0x78: {  	[sflag:s13] =	ssyncset.done $0x0  }
0x79: {  	[sflag:s13] =	ssyncadd.s32 $0xFFFFD800  }
0x7a: {  	[spmem:s2] =	stream.indirect.scatter.add.f32 [tilespmem:s9], [sflag:$0x3], $0x80, s3, s8, $0xb8;
	[tilespmem:$0x1A280] =	vst v63  }
0x7b: {  	_ =	swait.ge [sflag:s31], $0x2800  }
0x7c: {  	s20 =	sshrl.u32 s23, $0x3;
	[sflag:s31] =	ssyncset.done $0x0  }
0x7d: {  	s21 =	sadd.s32 s5, s20;
	[sflag:s31] =	ssyncadd.s32 $0xFFFFD800  }
0x7e: {  	[tilespmem:s0], [sflag:$0x3] =	stream.linear.gather [hbm4b:s21+s4], $0x50, $0x38;
	[tilespmem:$0x1A280] =	vst v63  }
0x7f: {  	_ =	swait.ge [sflag:s31], $0x50  }
0x80: {  	[sflag:s31] =	ssyncset.done $0x0  }
0x81: {  	s16 =	sadd.s32 s1, s20;
	[sflag:s31] =	ssyncadd.s32 $0xFFFFFFB0  }
0x82: {  	[tilespmem:s3], [sflag:$0x3] =	stream.linear.gather [hbm4b:s16+s4], $0x50, $0x38;
	[tilespmem:$0x1A280] =	vst v63  }
0x83: {  	_ =	swait.ge [sflag:s31], $0x50  }
0x84: {  	[sflag:s31] =	ssyncset.done $0x0  }
0x85: {  	[sflag:s31] =	ssyncadd.s32 $0xFFFFFFB0  }
0x86: {  	[tilespmem:s9], [sflag:$0x1] =	stream.indirect.gather [hbm4b:s6+s8], $0x80, s0, s8, $0xb8;
	[tilespmem:$0x1A280] =	vst v63  }
0x87: {  	_ =	swait.ge [sflag:s14], $0x2800  }
0x88: {  	[sflag:s14] =	ssyncset.done $0x0  }
0x89: {  	[sflag:s14] =	ssyncadd.s32 $0xFFFFD800  }
0x8a: {  	[spmem:s2] =	stream.indirect.scatter.add.f32 [tilespmem:s12], [sflag:$0x3], $0x80, s11, s8, $0xb8;
	[tilespmem:$0x1A280] =	vst v63  }
0x8b: {  	s17 =	simm.s32 $0x14;
	_ =	swait.ge [sflag:s31], $0x2800  }
0x8c: {  	s18 =	simm.s32 $0x28;
	s16 =	sadd.s32 $0xA0, s23;
	[sflag:s31] =	ssyncset.done $0x0  }
.LBB2_4:
0x8d: {  	s20 =	sadd.s32 s17, s25  }
0x8e: {  	[sflag:s31] =	ssyncadd.s32 $0xFFFFD800;
	s21 =	smov.u32 s18;
	s19 =	sadd.s32 $0x14, s18  }
0x8f: {  	[tilespmem:s10], [sflag:$0x3] =	stream.linear.gather [hbm4b:s20+s4], $0x50, $0x38;
	[tilespmem:$0x1A280] =	vst v63  }
0x90: {  	p1 =	sne.s32 s18, $0x4C4;
	_ =	swait.ge [sflag:s31], $0x50  }
0x91: {  	[sflag:s31] =	ssyncset.done $0x0  }
0x92: {  	s18 =	sadd.s32 s17, s24;
	s17 =	smov.u32 s21;
	[sflag:s31] =	ssyncadd.s32 $0xFFFFFFB0  }
0x93: {  	[tilespmem:s11], [sflag:$0x3] =	stream.linear.gather [hbm4b:s18+s4], $0x50, $0x38;
	[tilespmem:$0x1A280] =	vst v63  }
0x94: {  	_ =	swait.ge [sflag:s31], $0x50  }
0x95: {  	[sflag:s31] =	ssyncset.done $0x0  }
0x96: {  	[sflag:s31] =	ssyncadd.s32 $0xFFFFFFB0  }
0x97: {  	[tilespmem:s12], [sflag:$0x2] =	stream.indirect.gather [hbm4b:s6+s8], $0x80, s10, s8, $0xb8;
	[tilespmem:$0x1A280] =	vst v63  }
0x98: {  	_ =	swait.ge [sflag:s13], $0x2800  }
0x99: {  	[sflag:s13] =	ssyncset.done $0x0  }
0x9a: {  	[sflag:s13] =	ssyncadd.s32 $0xFFFFD800  }
0x9b: {  	[spmem:s2] =	stream.indirect.scatter.add.f32 [tilespmem:s9], [sflag:$0x3], $0x80, s3, s8, $0xb8;
	[tilespmem:$0x1A280] =	vst v63  }
0x9c: {  	_ =	swait.ge [sflag:s31], $0x2800  }
0x9d: {  	s18 =	sshrl.u32 s16, $0x3;
	[sflag:s31] =	ssyncset.done $0x0  }
0x9e: {  	s20 =	sadd.s32 s5, s18;
	[sflag:s31] =	ssyncadd.s32 $0xFFFFD800  }
0x9f: {  	[tilespmem:s0], [sflag:$0x3] =	stream.linear.gather [hbm4b:s20+s4], $0x50, $0x38;
	[tilespmem:$0x1A280] =	vst v63  }
0xa0: {  	_ =	swait.ge [sflag:s31], $0x50  }
0xa1: {  	[sflag:s31] =	ssyncset.done $0x0  }
0xa2: {  	s18 =	sadd.s32 s1, s18;
	[sflag:s31] =	ssyncadd.s32 $0xFFFFFFB0  }
0xa3: {  	[tilespmem:s3], [sflag:$0x3] =	stream.linear.gather [hbm4b:s18+s4], $0x50, $0x38;
	[tilespmem:$0x1A280] =	vst v63  }
0xa4: {  	_ =	swait.ge [sflag:s31], $0x50  }
0xa5: {  	[sflag:s31] =	ssyncset.done $0x0  }
0xa6: {  	[sflag:s31] =	ssyncadd.s32 $0xFFFFFFB0  }
0xa7: {  	[tilespmem:s9], [sflag:$0x1] =	stream.indirect.gather [hbm4b:s6+s8], $0x80, s0, s8, $0xb8;
	[tilespmem:$0x1A280] =	vst v63  }
0xa8: {  	_ =	swait.ge [sflag:s14], $0x2800  }
.Ltmp1:
0xa9: {  	[sflag:s14] =	ssyncset.done $0x0;
	(pc) =	sbr.rel @p1 .LBB2_4-.Ltmp1, $4  }
0xaa: {  	[sflag:s14] =	ssyncadd.s32 $0xFFFFD800  }
0xab: {  	[spmem:s2] =	stream.indirect.scatter.add.f32 [tilespmem:s12], [sflag:$0x3], $0x80, s11, s8, $0xb8;
	[tilespmem:$0x1A280] =	vst v63  }
0xac: {  	_ =	swait.ge [sflag:s31], $0x2800  }
0xad: {  	s16 =	sadd.s32 $0xA0, s16;
	s18 =	smov.u32 s19;
	[sflag:s31] =	ssyncset.done $0x0  }
0xae: {  	s18 =	sadd.s32 s17, s25;
	[sflag:s31] =	ssyncadd.s32 $0xFFFFD800  }
0xaf: {  	[tilespmem:s10], [sflag:$0x3] =	stream.linear.gather [hbm4b:s18+s4], $0x50, $0x38;
	[tilespmem:$0x1A280] =	vst v63  }
0xb0: {  	_ =	swait.ge [sflag:s31], $0x50  }
0xb1: {  	[sflag:s31] =	ssyncset.done $0x0  }
0xb2: {  	s21 =	sadd.s32 s17, s24;
	[sflag:s31] =	ssyncadd.s32 $0xFFFFFFB0  }
0xb3: {  	[tilespmem:s11], [sflag:$0x3] =	stream.linear.gather [hbm4b:s21+s4], $0x50, $0x38;
	[tilespmem:$0x1A280] =	vst v63  }
0xb4: {  	_ =	swait.ge [sflag:s31], $0x50  }
0xb5: {  	[sflag:s31] =	ssyncset.done $0x0  }
0xb6: {  	[sflag:s31] =	ssyncadd.s32 $0xFFFFFFB0  }
0xb7: {  	[tilespmem:s12], [sflag:$0x2] =	stream.indirect.gather [hbm4b:s6+s8], $0x80, s10, s8, $0xb8;
	[tilespmem:$0x1A280] =	vst v63  }
0xb8: {  	_ =	swait.ge [sflag:s13], $0x2800  }
0xb9: {  	[sflag:s13] =	ssyncset.done $0x0  }
0xba: {  	[sflag:s13] =	ssyncadd.s32 $0xFFFFD800  }
0xbb: {  	[spmem:s2] =	stream.indirect.scatter.add.f32 [tilespmem:s9], [sflag:$0x3], $0x80, s3, s8, $0xb8;
	[tilespmem:$0x1A280] =	vst v63  }
0xbc: {  	_ =	swait.ge [sflag:s31], $0x2800  }
0xbd: {  	s16 =	sshrl.u32 s16, $0x3;
	[sflag:s31] =	ssyncset.done $0x0  }
0xbe: {  	s18 =	sadd.s32 s5, s16;
	[sflag:s31] =	ssyncadd.s32 $0xFFFFD800  }
0xbf: {  	[tilespmem:s0], [sflag:$0x3] =	stream.linear.gather [hbm4b:s18+s4], $0x50, $0x38;
	[tilespmem:$0x1A280] =	vst v63  }
0xc0: {  	_ =	swait.ge [sflag:s31], $0x50  }
0xc1: {  	[sflag:s31] =	ssyncset.done $0x0  }
0xc2: {  	s16 =	sadd.s32 s1, s16;
	[sflag:s31] =	ssyncadd.s32 $0xFFFFFFB0  }
0xc3: {  	[tilespmem:s3], [sflag:$0x3] =	stream.linear.gather [hbm4b:s16+s4], $0x50, $0x38;
	[tilespmem:$0x1A280] =	vst v63  }
0xc4: {  	_ =	swait.ge [sflag:s31], $0x50  }
0xc5: {  	[sflag:s31] =	ssyncset.done $0x0  }
0xc6: {  	[sflag:s31] =	ssyncadd.s32 $0xFFFFFFB0  }
0xc7: {  	[tilespmem:s9], [sflag:$0x1] =	stream.indirect.gather [hbm4b:s6+s8], $0x80, s0, s8, $0xb8;
	[tilespmem:$0x1A280] =	vst v63  }
0xc8: {  	_ =	swait.ge [sflag:s14], $0x2800  }
0xc9: {  	[sflag:s14] =	ssyncset.done $0x0  }
0xca: {  	[sflag:s14] =	ssyncadd.s32 $0xFFFFD800  }
0xcb: {  	[spmem:s2] =	stream.indirect.scatter.add.f32 [tilespmem:s12], [sflag:$0x3], $0x80, s11, s8, $0xb8;
	[tilespmem:$0x1A280] =	vst v63  }
0xcc: {  	_ =	swait.ge [sflag:s31], $0x2800  }
0xcd: {  	[sflag:s31] =	ssyncset.done $0x0  }
0xce: {  	[sflag:s31] =	ssyncadd.s32 $0xFFFFD800  }
0xcf: {  	_ =	swait.ge [sflag:s13], $0x2800  }
0xd0: {  	[sflag:s13] =	ssyncset.done $0x0  }
0xd1: {  	[sflag:s13] =	ssyncadd.s32 $0xFFFFD800  }
0xd2: {  	[spmem:s2] =	stream.indirect.scatter.add.f32 [tilespmem:s9], [sflag:$0x3], $0x80, s3, s8, $0xb8;
	[tilespmem:$0x1A280] =	vst v63  }
0xd3: {  	_ =	swait.ge [sflag:s31], $0x2800  }
0xd4: {  	[sflag:s31] =	ssyncset.done $0x0  }
0xd5: {  	s19 =	stileid.u32;
	[sflag:s31] =	ssyncadd.s32 $0xFFFFD800  }
0xd6: {  	s16 =	sshll.u32 s19, $0x6;
	[bflag:$0x0] =	sbarrier.arrive $0xFFFF  }
0xd7: {  	s20 =	sshrl.u32 s7, $0x3;
	s16 =	sor.u32 $0x1C03, s16;
	s21 =	rddreg [dreg:$0x10]  }
0xd8: {  	[hbm:s21], [sflag:s16] =	dma.local [spmem:s20], $0x2700  }
0xd9: {  	_ =	swait.ge [sflag:s31], $0x2700  }
0xda: {  	s17 =	sshrl.u32 @!p0 s29, $0x3;
	s15 =	sadd.s32 $0x1, s15;
	[sflag:s31] =	ssyncset.done $0x0  }
0xdb: {  	p1 =	sne.s32 s15, s22;
	s18 =	rddreg [dreg:$0x11];
	[sflag:s31] =	ssyncadd.s32 $0xFFFFD900  }
0xdc: {  	[hbm:s18], [sflag:s16] =	dma.local @!p0 [spmem:s17], $0x100  }
.Ltmp2:
0xdd: {  	_ = 	snop;
	(pc) =	sbr.rel @p1 .LBB2_1-.Ltmp2, $4  }
0xde: {  	s16 =	simm.s32 @!p0 $0x3  }
0xdf: {  	_ =	swait.ge @!p0 [sflag:s16], $0x100  }
0xe0: {  	[sflag:s16] =	ssyncset.done @!p0 $0x0  }
0xe1: {  	[sflag:s16] =	ssyncadd.s32 @!p0 $0xFFFFFF00  }
0xe2: {  	_ =	sfence.sel $0x180000  }
0xe3: {  	[bflag:$0x0] =	sbarrier.arrive $0xFFFF  }
0xe4: {  	_ =	strace $0x90000047  }
0xe5: {  	s0 =	stileid.u32;
	[bflag:$0x2] =	sbarrier.arrive $0xFFFF  }
0xe6: {  	p0 =	sne.s32 s0, $0x0;
	s0 =	rddreg [dreg:$0x3]  }
0xe7: {  	s0 =	sadd.s32 @!p0 $0x100000, s0  }
0xe8: {  	[sflag:s0] =	ssyncadd.tile.s32 @!p0 $0x1;
	_ =	shalt  }
.Lfunc_end2:
_tile_overlayer_lowered:
.L_overlay_start_2:
0xe9: {  	(tag) =	ssettag $0x2  }
0xea: {  	s0 =	rddreg [dreg:$0x0];
	s2 =	stileid.u32  }
0xeb: {  	s1 =	rddreg [dreg:$0x1];
	p0 =	sne.s32 s2, $0x0  }
0xec: {  	s3 =	rddreg [dreg:$0x2];
	[bflag:$0x3] =	sbarrier.arrive $0xFFFF;
	s2 =	simm.s32 @!p0 $0x1C03  }
0xed: {  	[timem:s3], [sflag:s2] =	dma.local @!p0 [hbm:s0], s1  }
0xee: {  	s0 =	simm.s32 @!p0 $0x3  }
0xef: {  	_ =	swait.ge @!p0 [sflag:s0], s1  }
0xf0: {  	s1 =	ssub.s32 @!p0 $0x0, s1;
	[sflag:s0] =	ssyncset.done @!p0 $0x0  }
0xf1: {  	[sflag:s0] =	ssyncadd.s32 @!p0 s1  }
0xf2: {  	[bflag:$0x3] =	sbarrier.arrive $0xFFFF  }
0xf3: {  	_ =	shalt  }

// kernel: kernel.16.cloned.1.call-start
scs
__scs_entry_jumppad:
0x0: {  	(pc) =	sbr.rel $0x88, $3  }
0x1: {  	(tag) =	ssettag $0x0;
	lr =	simm.s32 $0x1  }
0x2: {  	[smem:$0x3F94] =	sst lr;
	_ =	strace $0xD0000000  }
0x3: {  	_ = 	snop  }
0x4: {  	_ = 	snop  }
0x5: {  	_ = 	snop  }
0x6: {  	_ = 	snop  }
0x7: {  	_ = 	snop  }
__scs_overlays_trampoline_lowered:
0x8: {  	[smem:$0x3FA3] =	sst s0  }
0x9: {  	[smem:$0x3FA4] =	sst s1  }
0xa: {  	[smem:$0x3FA5] =	sst s2  }
0xb: {  	[smem:$0x3FA6] =	sst s3  }
0xc: {  	[smem:$0x3FA7] =	sst s4  }
0xd: {  	[smem:$0x3FA8] =	sst s5  }
0xe: {  	[smem:$0x3FA9] =	sst s6  }
0xf: {  	[smem:$0x3FAA] =	sst s7  }
0x10: {  	[smem:$0x3FAB] =	sst s8  }
0x11: {  	[smem:$0x3FAC] =	sst s9;
	s0 =	simm.s32 @!p0 $0x0  }
0x12: {  	s1 =	sld [smem:$0x3F92];
	s0 =	simm.s32 @p0 $0x1  }
0x13: {  	[smem:$0x3FAD] =	sst s0;
	s0 =	simm.s32 @!p1 $0x0  }
0x14: {  	s2 =	sld [smem:$0x3F91];
	s0 =	simm.s32 @p1 $0x1  }
0x15: {  	[smem:$0x3FAE] =	sst s0;
	s0 =	simm.s32 @!p2 $0x0  }
0x16: {  	s3 =	sld [smem:$0x3FDB];
	s0 =	simm.s32 @p2 $0x1  }
0x17: {  	s4 =	simm.s32 $0x1BF5;
	[smem:$0x3FB0] =	sst s0  }
0x18: {  	s0 =	sld [smem:$0x3F93];
	_ =	swait.ge [sflag:s4], $0x0  }
0x19: {  	s7 =	sld [smem:$0x3F94]  }
0x1a: {  	s8 =	sadd.s32 $0xFFFFE003, lr  }
0x1b: {  	s9 =	sadd.s32 $0xFFFFFEF7, lr;
	s5 =	simm.s32 $0xFFFFFFFF;
	p2 =	slt.u32 s8, $0xFFFFF086  }
0x1c: {  	p1 =	slt.u32 s9, $0xF7A;
	s5 =	simm.s32 @!p2 $0x0  }
0x1d: {  	s5 =	simm.s32 @p1 $0x1;
	p0 =	seq.s32 s7, s2  }
0x1e: {  	s7 =	smul.u32 @!p0 $0xF7A, s2;
	p2 =	seq.s32 @!p0 s5, $0x0  }
0x1f: {  	s9 =	smul.u32 $0xF7A, s1;
	s8 =	simm.s32 @!p0 $0x1BF5;
	p2 =	por !p2, p0  }
0x20: {  	[sflag:s8] =	ssyncset.s32 @!p0 $0xFFFFF086;
	s6 =	sadd.s32 @!p0 s3, s7;
	s7 =	simm.s32 @!p0 $0x108  }
0x21: {  	s3 =	sadd.s32 s3, s9;
	s6 =	sadd.s32 @!p0 $0x88, s6;
	s7 =	simm.s32 @p2 $0x1082  }
0x22: {  	[simem:s7], [sflag:s8] =	dma.local @!p0 [hbm:s6], $0xF7A  }
0x23: {  	s9 =	sor.u32 $0xD0000000, s2;
	s6 =	simm.s32 $0x108;
	_ =	swait.ge @!p0 [sflag:s8], $0x0  }
0x24: {  	s3 =	sadd.s32 $0x88, s3;
	s6 =	simm.s32 @!p1 $0x1082;
	[sflag:s4] =	ssyncset.s32 $0xFFFFF086  }
0x25: {  	[simem:s6], [sflag:s4] =	dma.local [hbm:s3], $0xF7A  }
0x26: {  	[smem:$0x3F94] =	sst s1;
	(tag) =	ssettag s2;
	_ =	strace s9  }
0x27: {  	s1 =	sld [smem:$0x3FA4]  }
0x28: {  	s2 =	sld [smem:$0x3FA5]  }
0x29: {  	s4 =	sld [smem:$0x3FA7]  }
0x2a: {  	p0 =	seq.s32 s5, $0x0;
	s5 =	sld [smem:$0x3FA8]  }
0x2b: {  	s6 =	sld [smem:$0x3FA9]  }
0x2c: {  	s7 =	sld [smem:$0x3FAA]  }
0x2d: {  	s3 =	simm.s32 $0x108;
	s8 =	sld [smem:$0x3FAB]  }
0x2e: {  	s3 =	simm.s32 @!p0 $0x1082;
	s9 =	sld [smem:$0x3FAC]  }
0x2f: {  	lr =	sadd.s32 s0, s3;
	s0 =	sld [smem:$0x3FA3]  }
0x30: {  	s3 =	sld [smem:$0x3FA6]  }
0x31: {  	[smem:$0x3FAF] =	sst s10  }
0x32: {  	s10 =	sld [smem:$0x3FAD];
	_ =	sdelay $0x3  }
0x33: {  	p0 =	seq.s32 s10, $0x1;
	s10 =	sld [smem:$0x3FAF];
	_ =	sdelay $0x3  }
0x34: {  	[smem:$0x3FAF] =	sst s10  }
0x35: {  	s10 =	sld [smem:$0x3FAE];
	_ =	sdelay $0x3  }
0x36: {  	p1 =	seq.s32 s10, $0x1;
	s10 =	sld [smem:$0x3FAF];
	_ =	sdelay $0x3  }
0x37: {  	[smem:$0x3FAF] =	sst s10  }
0x38: {  	s10 =	sld [smem:$0x3FB0]  }
0x39: {  	_ = 	snop;
	(pc) =	sbr.ind lr, $3  }
0x3a: {  	_ = 	snop  }
0x3b: {  	_ = 	snop  }
0x3c: {  	p2 =	seq.s32 s10, $0x1;
	s10 =	sld [smem:$0x3FAF]  }
0x3d: {  	_ =	shalt  }
0x3e: {  	_ =	shalt  }
0x3f: {  	_ =	shalt  }
0x40: {  	_ =	shalt  }
0x41: {  	_ =	shalt  }
0x42: {  	_ =	shalt  }
0x43: {  	_ =	shalt  }
0x44: {  	_ =	shalt  }
0x45: {  	_ =	shalt  }
0x46: {  	_ =	shalt  }
0x47: {  	_ =	shalt  }
0x48: {  	_ =	shalt  }
0x49: {  	_ =	shalt  }
0x4a: {  	_ =	shalt  }
0x4b: {  	_ =	shalt  }
0x4c: {  	_ =	shalt  }
0x4d: {  	_ =	shalt  }
0x4e: {  	_ =	shalt  }
0x4f: {  	_ =	shalt  }
0x50: {  	_ =	shalt  }
0x51: {  	_ =	shalt  }
0x52: {  	_ =	shalt  }
0x53: {  	_ =	shalt  }
0x54: {  	_ =	shalt  }
0x55: {  	_ =	shalt  }
0x56: {  	_ =	shalt  }
0x57: {  	_ =	shalt  }
0x58: {  	_ =	shalt  }
0x59: {  	_ =	shalt  }
0x5a: {  	_ =	shalt  }
0x5b: {  	_ =	shalt  }
0x5c: {  	_ =	shalt  }
0x5d: {  	_ =	shalt  }
0x5e: {  	_ =	shalt  }
0x5f: {  	_ =	shalt  }
0x60: {  	_ =	shalt  }
0x61: {  	_ =	shalt  }
0x62: {  	_ =	shalt  }
0x63: {  	_ =	shalt  }
0x64: {  	_ =	shalt  }
0x65: {  	_ =	shalt  }
0x66: {  	_ =	shalt  }
0x67: {  	_ =	shalt  }
0x68: {  	_ =	shalt  }
0x69: {  	_ =	shalt  }
0x6a: {  	_ =	shalt  }
0x6b: {  	_ =	shalt  }
0x6c: {  	_ =	shalt  }
0x6d: {  	_ =	shalt  }
0x6e: {  	_ =	shalt  }
0x6f: {  	_ =	shalt  }
0x70: {  	_ =	shalt  }
0x71: {  	_ =	shalt  }
0x72: {  	_ =	shalt  }
0x73: {  	_ =	shalt  }
0x74: {  	_ =	shalt  }
0x75: {  	_ =	shalt  }
0x76: {  	_ =	shalt  }
0x77: {  	_ =	shalt  }
0x78: {  	_ =	shalt  }
0x79: {  	_ =	shalt  }
0x7a: {  	_ =	shalt  }
0x7b: {  	_ =	shalt  }
0x7c: {  	_ =	shalt  }
0x7d: {  	_ =	shalt  }
0x7e: {  	_ =	shalt  }
0x7f: {  	_ =	shalt  }
0x80: {  	_ =	shalt  }
0x81: {  	_ =	shalt  }
0x82: {  	_ =	shalt  }
0x83: {  	_ =	shalt  }
0x84: {  	_ =	shalt  }
0x85: {  	_ =	shalt  }
0x86: {  	_ =	shalt  }
0x87: {  	_ =	shalt  }
.Lfunc_end0:
.L_simem_size_0:
called_computation.2_lowered:
.L_overlay_start_0:
0x88: {  	s2 =	sld [smem:$0x3FD9]  }
0x89: {  	s3 =	sld [smem:$0x3FFE];
	_ =	sdelay $0x1  }
0x8a: {  	s1 =	srdreg.scid  }
0x8b: {  	s0 =	sand.u32 $0x1, s1  }
0x8c: {  	s17 =	sshll.u32 s0, $0xA;
	s2 =	sadd.s32 s3, s2  }
0x8d: {  	s2 =	sadd.s32 s2, s17  }
0x8e: {  	[smem:$0x3FBB] =	sst s2  }
0x8f: {  	_ = 	snop  }
0x90: {  	s2 =	sld [smem:$0x3FD0];
	(tm) =	ssettm $0x1  }
0x91: {  	s18 =	sld [smem:$0x3FFB];
	_ =	sdelay $0x3  }
0x92: {  	_ =	strace s18  }
0x93: {  	s3 =	sld [smem:$0x3FFC];
	_ =	sdelay $0x3  }
0x94: {  	_ =	strace s3  }
0x95: {  	s3 =	sld [smem:$0x3FFD];
	_ =	sdelay $0x3  }
0x96: {  	_ =	strace s3  }
0x97: {  	_ =	strace $0x8FFFFFFF  }
0x98: {  	s19 =	sld [smem:$0x3FDB];
	_ =	sdelay $0x1  }
0x99: {  	s4 =	simm.s32 $_scs_section_size  }
0x9a: {  	s5 =	simm.s32 $_size__tile_overlayer_lowered;
	s6 =	simm.s32 $_tile_overlayer_lowered  }
0x9b: {  	s22 =	simm.s32 $0x1BFF;
	s21 =	sshll.u32 s6, $0x1;
	s3 =	sadd.s32 s4, s19  }
0x9c: {  	s7 =	simm.s32 $0x0;
	s20 =	sshll.u32 s5, $0x1;
	s5 =	sadd.s32 s21, s3  }
0x9d: {  	[timem:s7], [sflag:s22] =	dma.local [hbm:s5], s20  }
0x9e: {  	_ =	swait.ge [sflag:s22], s20  }
0x9f: {  	s4 =	ssub.s32 $0x0, s20;
	[sflag:s22] =	ssyncset.done $0x0  }
0xa0: {  	[sflag:s22] =	ssyncadd.s32 s4;
	_ =	sdelay $0x1  }
0xa1: {  	s23 =	simm.s32 $0x1B8B  }
0xa2: {  	_ =	swait.ge [sflag:s23], $0x1  }
0xa3: {  	[sflag:s23] =	ssyncset.done $0x0  }
0xa4: {  	s25 =	simm.s32 $0x1B8E;
	s24 =	sld [smem:$0x3FFE];
	[sflag:s23] =	ssyncadd.s32 $0xFFFFFFFF  }
0xa5: {  	s26 =	simm.s32 $execute0_lowered;
	[smem:$0x3FD2] =	sst s25  }
0xa6: {  	s5 =	sshll.u32 s26, $0x1;
	_ =	strace $0x8000004C;
	[dreg:$0x1] =	wrdreg $0xFFFFFFFF  }
0xa7: {  	s28 =	simm.s32 $_size_execute0_lowered;
	s3 =	sadd.s32 s3, s5;
	[dreg:$0x0] =	wrdreg $0x0  }
0xa8: {  	s5 =	sshll.u32 s28, $0x1;
	[dreg:$0x2] =	wrdreg s3  }
0xa9: {  	[dreg:$0x3] =	wrdreg s5  }
0xaa: {  	[dreg:$0x4] =	wrdreg $0xC0  }
0xab: {  	_ =	task [dreg:s7], $0x5FFFF  }
0xac: {  	[dreg:$0x1] =	wrdreg $0xFFFFFFFF  }
0xad: {  	[dreg:$0x0] =	wrdreg $0x60  }
0xae: {  	[dreg:$0x2] =	wrdreg s24  }
0xaf: {  	[dreg:$0x3] =	wrdreg s2  }
0xb0: {  	[dreg:$0x4] =	wrdreg $0x0  }
0xb1: {  	[dreg:$0x5] =	wrdreg $0x9  }
0xb2: {  	_ =	task.clear_ibuf [dreg:s7], $0x6FFFF;
	_ =	strace $0x9000004C  }
0xb3: {  	s29 =	simm.s32 $0x9;
	_ =	strace $0x8000004E  }
0xb4: {  	_ =	swait.ge [sflag:s29], $0x1  }
0xb5: {  	[sflag:s29] =	ssyncadd.s32 $0xFFFFFFFF  }
0xb6: {  	_ =	strace $0x9000004E  }
0xb7: {  	_ =	sfence  }
0xb8: {  	s30 =	sld [smem:$0x0];
	_ =	sdelay $0x2  }
0xb9: {  	s31 =	sshll.u32 s1, $0xD;
	s1 =	sshrl.u32 s1, $0x2  }
0xba: {  	s3 =	sand.u32 $0x4000, s31;
	s1 =	sadd.s32 s1, s30  }
0xbb: {  	s0 =	sor.u32 s3, s0;
	s1 =	sshll.u32 s1, $0x11  }
0xbc: {  	s0 =	sor.u32 s1, s0  }
0xbd: {  	s0 =	sadd.s32 $0x8F2B, s0  }
0xbe: {  	[sflag:s0] =	ssyncadd.remote.s32 $0x1  }
0xbf: {  	_ =	sfence.sel $0xFFFF  }
0xc0: {  	[dreg:$0x0] =	wrdreg $0xFFFFFFFF;
	(pc) =	sbr.abs _section_cstart, $3  }
0xc1: {  	[dreg:$0x1] =	wrdreg $0xFFFFFFFF  }
0xc2: {  	_ =	task.clear_ibuf [dreg:s7], $0x2FFFF;
	_ =	strace $0x9FFFFFFF  }
0xc3: {  	(tm) =	ssettm $0x7FFFFFFF  }
tec
execute0_lowered:
.L_overlay_start_1:
0x0: {  	(tag) =	ssettag $0x1  }
0x1: {  	s0 =	rddreg [dreg:$0x0]  }
0x2: {  	s1 =	rddreg [dreg:$0x1]  }
0x3: {  	s2 =	rddreg [dreg:$0x2]  }
0x4: {  	s4 =	simm.s32 $0x0;
	s3 =	srdreg.scid;
	s13 =	stileid.u32  }
0x5: {  	s30 =	simm.s32 $0x18A80;
	s31 =	simm.s32 $0x3;
	[smem:$0x7FF] =	sst s4  }
0x6: {  	s3 =	sand.u32 $0x1, s3;
	s7 =	smul.u32 $0x4E000, s13;
	s5 =	sadd.s32 $0x2C00, s0  }
0x7: {  	s6 =	sadd.s32 $0xCA00, s0;
	s0 =	sadd.s32 $0x33C00, s0;
	s21 =	smul.u32 $0x13800, s13  }
0x8: {  	s12 =	sshll.u32 s13, $0x1;
	s22 =	smul.u32 $0x4E20, s13;
	s7 =	sshrl.u32 s7, $0x2  }
0x9: {  	p0 =	sne.s32 s13, $0xF;
	s29 =	sadd.s32 $0x138000, s2;
	s7 =	sadd.s32 s7, s2  }
0xa: {  	s13 =	simm.s32 $0x1;
	_ =	strace $0x8000004D;
	s10 =	sadd.s32 $0x1800, s7  }
0xb: {  	s8 =	ssub.s32 $0x2, s3;
	s14 =	sadd.s32 $0x3000, s7;
	[dreg:$0x4] =	wrdreg s10  }
0xc: {  	s19 =	smul.u32 $0x138800, s3;
	s15 =	sadd.s32 $0x4800, s7;
	[dreg:$0x5] =	wrdreg s14  }
0xd: {  	s9 =	sshrl.u32 s8, $0x1;
	s16 =	sadd.s32 $0x6000, s7;
	[dreg:$0x6] =	wrdreg s15  }
0xe: {  	s8 =	ssub.s32 s8, s9;
	s17 =	sadd.s32 $0x7800, s7;
	[dreg:$0x7] =	wrdreg s16  }
0xf: {  	s9 =	sor.u32 s3, s12;
	s18 =	sadd.s32 $0x9000, s7;
	[dreg:$0x8] =	wrdreg s17  }
0x10: {  	s3 =	smul.u32 $0x2710, s3;
	s11 =	sadd.s32 $0xA800, s7;
	[dreg:$0x9] =	wrdreg s18  }
0x11: {  	s24 =	sadd.s32 s21, s19;
	s20 =	sadd.s32 $0xC000, s7;
	[dreg:$0xa] =	wrdreg s11  }
0x12: {  	s9 =	smul.u32 $0x2710, s9;
	s12 =	sadd.s32 $0xD800, s7;
	[dreg:$0xb] =	wrdreg s20  }
0x13: {  	s28 =	sadd.s32 $0x12000, s7;
	[dreg:$0xc] =	wrdreg s12;
	s14 =	sadd.s32 $0xF000, s7  }
0x14: {  	s10 =	sshrl.u32 s19, $0x3;
	s3 =	sadd.s32 s3, s22;
	s22 =	smax.u32 s8, $0x1  }
0x15: {  	s8 =	simm.s32 $0x50;
	s11 =	simm.s32 $0x16200;
	s12 =	simm.s32 $0x16280  }
0x16: {  	s15 =	simm.s32 $0x0;
	s9 =	sshrl.u32 s9, $0x3;
	[dreg:$0xd] =	wrdreg s14  }
0x17: {  	s10 =	sadd.s32 s0, s10;
	s26 =	sadd.s32 $0x50, s3;
	s23 =	sadd.s32 s5, s9  }
0x18: {  	s14 =	simm.s32 $0x2;
	s9 =	sadd.s32 s1, s9;
	[dreg:$0xe] =	wrdreg s23  }
0x19: {  	s25 =	sadd.s32 $0x27000, s10;
	s10 =	simm.s32 $0x16180;
	[dreg:$0xf] =	wrdreg s9  }
0x1a: {  	s9 =	sshrl.u32 s24, $0x3;
	[dreg:$0x11] =	wrdreg s25;
	s23 =	sadd.s32 $0xA0, s3  }
0x1b: {  	s3 =	simm.s32 $0x13900;
	s0 =	sadd.s32 s0, s9;
	s9 =	simm.s32 $0x13980  }
0x1c: {  	[dreg:$0x10] =	wrdreg s0;
	s0 =	sshrl.u32 s26, $0x3;
	s26 =	sadd.s32 $0x10800, s7  }
0x1d: {  	v0 =	vimm.f32 $0.0e+00;
	s24 =	sadd.s32 s0, s1;
	s25 =	sadd.s32 s0, s5;
	s0 =	simm.s32 $0x13880  }
.LBB2_1:
0x1e: {  	s16 =	sand.u32 $0x7E00, s4  }
0x1f: {  	s17 =	sand.u32 $0x70, s4;
	s18 =	sshrl.u32 s16, $0x2  }
0x20: {  	s16 =	simm.s32 $0x40;
	s18 =	sor.u32 s17, s18;
	s17 =	simm.s32 $0x0  }
.LBB2_2:
0x21: {  	p1 =	sne.s32 s16, $0x5FC0  }
0x22: {  	[tilespmem:s18+$0x18A80] =	vst v0;
	s17 =	sadd.s32 $0x10, s17;
	s18 =	smov.u32 s16;
	s16 =	sadd.s32 $0x40, s16  }
.Ltmp0:
0x23: {  	(pc) =	sbr.rel @p1 .LBB2_2-.Ltmp0, $4  }
0x24: {  	_ = 	snop  }
0x25: {  	s18 =	sand.u32 $0x7E00, s18  }
0x26: {  	s19 =	sand.u32 $0x70, s17;
	s18 =	sshrl.u32 s18, $0x2  }
0x27: {  	s18 =	sor.u32 s19, s18  }
0x28: {  	[tilespmem:s18+$0x18A80] =	vst v0  }
0x29: {  	[spmem:s7] =	stream.linear.scatter [tilespmem:s30], [sflag:$0x3], $0x1800, $0x38;
	[tilespmem:$0x1A280] =	vst v63  }
0x2a: {  	_ =	swait.ge [sflag:s31], $0x1800  }
0x2b: {  	[sflag:s31] =	ssyncset.done $0x0  }
0x2c: {  	s16 =	rddreg [dreg:$0x4];
	[sflag:s31] =	ssyncadd.s32 $0xFFFFE800  }
0x2d: {  	[spmem:s16] =	stream.linear.scatter [tilespmem:s30], [sflag:$0x3], $0x1800, $0x38;
	[tilespmem:$0x1A280] =	vst v63  }
0x2e: {  	_ =	swait.ge [sflag:s31], $0x1800  }
0x2f: {  	[sflag:s31] =	ssyncset.done $0x0  }
0x30: {  	s21 =	rddreg [dreg:$0x5];
	[sflag:s31] =	ssyncadd.s32 $0xFFFFE800  }
0x31: {  	[spmem:s21] =	stream.linear.scatter [tilespmem:s30], [sflag:$0x3], $0x1800, $0x38;
	[tilespmem:$0x1A280] =	vst v63  }
0x32: {  	_ =	swait.ge [sflag:s31], $0x1800  }
0x33: {  	[sflag:s31] =	ssyncset.done $0x0  }
0x34: {  	s17 =	rddreg [dreg:$0x6];
	[sflag:s31] =	ssyncadd.s32 $0xFFFFE800  }
0x35: {  	[spmem:s17] =	stream.linear.scatter [tilespmem:s30], [sflag:$0x3], $0x1800, $0x38;
	[tilespmem:$0x1A280] =	vst v63  }
0x36: {  	_ =	swait.ge [sflag:s31], $0x1800  }
0x37: {  	[sflag:s31] =	ssyncset.done $0x0  }
0x38: {  	s18 =	rddreg [dreg:$0x7];
	[sflag:s31] =	ssyncadd.s32 $0xFFFFE800  }
0x39: {  	[spmem:s18] =	stream.linear.scatter [tilespmem:s30], [sflag:$0x3], $0x1800, $0x38;
	[tilespmem:$0x1A280] =	vst v63  }
0x3a: {  	_ =	swait.ge [sflag:s31], $0x1800  }
0x3b: {  	[sflag:s31] =	ssyncset.done $0x0  }
0x3c: {  	s19 =	rddreg [dreg:$0x8];
	[sflag:s31] =	ssyncadd.s32 $0xFFFFE800  }
0x3d: {  	[spmem:s19] =	stream.linear.scatter [tilespmem:s30], [sflag:$0x3], $0x1800, $0x38;
	[tilespmem:$0x1A280] =	vst v63  }
0x3e: {  	_ =	swait.ge [sflag:s31], $0x1800  }
0x3f: {  	[sflag:s31] =	ssyncset.done $0x0  }
0x40: {  	s20 =	rddreg [dreg:$0x9];
	[sflag:s31] =	ssyncadd.s32 $0xFFFFE800  }
0x41: {  	[spmem:s20] =	stream.linear.scatter [tilespmem:s30], [sflag:$0x3], $0x1800, $0x38;
	[tilespmem:$0x1A280] =	vst v63  }
0x42: {  	_ =	swait.ge [sflag:s31], $0x1800  }
0x43: {  	[sflag:s31] =	ssyncset.done $0x0  }
0x44: {  	s21 =	rddreg [dreg:$0xa];
	[sflag:s31] =	ssyncadd.s32 $0xFFFFE800  }
0x45: {  	[spmem:s21] =	stream.linear.scatter [tilespmem:s30], [sflag:$0x3], $0x1800, $0x38;
	[tilespmem:$0x1A280] =	vst v63  }
0x46: {  	_ =	swait.ge [sflag:s31], $0x1800  }
0x47: {  	[sflag:s31] =	ssyncset.done $0x0  }
0x48: {  	s17 =	rddreg [dreg:$0xb];
	[sflag:s31] =	ssyncadd.s32 $0xFFFFE800  }
0x49: {  	[spmem:s17] =	stream.linear.scatter [tilespmem:s30], [sflag:$0x3], $0x1800, $0x38;
	[tilespmem:$0x1A280] =	vst v63  }
0x4a: {  	_ =	swait.ge [sflag:s31], $0x1800  }
0x4b: {  	[sflag:s31] =	ssyncset.done $0x0  }
0x4c: {  	s18 =	rddreg [dreg:$0xc];
	[sflag:s31] =	ssyncadd.s32 $0xFFFFE800  }
0x4d: {  	[spmem:s18] =	stream.linear.scatter [tilespmem:s30], [sflag:$0x3], $0x1800, $0x38;
	[tilespmem:$0x1A280] =	vst v63  }
0x4e: {  	_ =	swait.ge [sflag:s31], $0x1800  }
0x4f: {  	[sflag:s31] =	ssyncset.done $0x0  }
0x50: {  	s19 =	rddreg [dreg:$0xd];
	[sflag:s31] =	ssyncadd.s32 $0xFFFFE800  }
0x51: {  	[spmem:s19] =	stream.linear.scatter [tilespmem:s30], [sflag:$0x3], $0x1800, $0x38;
	[tilespmem:$0x1A280] =	vst v63  }
0x52: {  	_ =	swait.ge [sflag:s31], $0x1800  }
0x53: {  	[sflag:s31] =	ssyncset.done $0x0  }
0x54: {  	[sflag:s31] =	ssyncadd.s32 $0xFFFFE800  }
0x55: {  	[spmem:s26] =	stream.linear.scatter [tilespmem:s30], [sflag:$0x3], $0x1800, $0x38;
	[tilespmem:$0x1A280] =	vst v63  }
0x56: {  	_ =	swait.ge [sflag:s31], $0x1800  }
0x57: {  	[sflag:s31] =	ssyncset.done $0x0  }
0x58: {  	[sflag:s31] =	ssyncadd.s32 $0xFFFFE800  }
0x59: {  	[spmem:s28] =	stream.linear.scatter [tilespmem:s30], [sflag:$0x3], $0x1800, $0x38;
	[tilespmem:$0x1A280] =	vst v63  }
0x5a: {  	_ =	swait.ge [sflag:s31], $0x1800  }
0x5b: {  	[sflag:s31] =	ssyncset.done $0x0  }
0x5c: {  	s16 =	simm.s32 @!p0 $0x18A80;
	[sflag:s31] =	ssyncadd.s32 $0xFFFFE800  }
0x5d: {  	[spmem:s29] =	stream.linear.scatter @!p0 [tilespmem:s16], [sflag:$0x3], $0x800, $0x38;
	[tilespmem:$0x1A280] =	vst v63  }
0x5e: {  	s16 =	simm.s32 @!p0 $0x3  }
0x5f: {  	_ =	swait.ge @!p0 [sflag:s16], $0x800  }
0x60: {  	[sflag:s16] =	ssyncset.done @!p0 $0x0  }
0x61: {  	[sflag:s16] =	ssyncadd.s32 @!p0 $0xFFFFF800  }
0x62: {  	[bflag:$0x0] =	sbarrier.arrive $0xFFFF  }
0x63: {  	s20 =	simm.s32 $0x0;
	s17 =	rddreg [dreg:$0xe]  }
0x64: {  	[tilespmem:s0], [sflag:$0x3] =	stream.linear.gather [hbm4b:s17+s20], $0x50, $0x38;
	[tilespmem:$0x1A280] =	vst v63  }
0x65: {  	_ =	swait.ge [sflag:s31], $0x50  }
0x66: {  	[sflag:s31] =	ssyncset.done $0x0  }
0x67: {  	s21 =	rddreg [dreg:$0xf];
	[sflag:s31] =	ssyncadd.s32 $0xFFFFFFB0  }
0x68: {  	[tilespmem:s3], [sflag:$0x3] =	stream.linear.gather [hbm4b:s21+s20], $0x50, $0x38;
	[tilespmem:$0x1A280] =	vst v63  }
0x69: {  	_ =	swait.ge [sflag:s31], $0x50  }
0x6a: {  	[sflag:s31] =	ssyncset.done $0x0  }
0x6b: {  	[sflag:s31] =	ssyncadd.s32 $0xFFFFFFB0  }
0x6c: {  	[tilespmem:s9], [sflag:$0x1] =	stream.indirect.gather [hbm4b:s6+s8], $0x80, s0, s8, $0xb8;
	[tilespmem:$0x1A280] =	vst v63  }
0x6d: {  	s18 =	sadd.s32 $0x0, s25  }
0x6e: {  	[tilespmem:s10], [sflag:$0x3] =	stream.linear.gather [hbm4b:s18+s4], $0x50, $0x38;
	[tilespmem:$0x1A280] =	vst v63  }
0x6f: {  	_ =	swait.ge [sflag:s31], $0x50  }
0x70: {  	[sflag:s31] =	ssyncset.done $0x0  }
0x71: {  	s19 =	sadd.s32 $0x0, s24;
	[sflag:s31] =	ssyncadd.s32 $0xFFFFFFB0  }
0x72: {  	[tilespmem:s11], [sflag:$0x3] =	stream.linear.gather [hbm4b:s19+s4], $0x50, $0x38;
	[tilespmem:$0x1A280] =	vst v63  }
0x73: {  	_ =	swait.ge [sflag:s31], $0x50  }
0x74: {  	[sflag:s31] =	ssyncset.done $0x0  }
0x75: {  	[sflag:s31] =	ssyncadd.s32 $0xFFFFFFB0  }
0x76: {  	[tilespmem:s12], [sflag:$0x2] =	stream.indirect.gather [hbm4b:s6+s8], $0x80, s10, s8, $0xb8;
	[tilespmem:$0x1A280] =	vst v63  }
0x77: {  	_ =	swait.ge [sflag:s13], $0x2800  }
0x78: {  	[sflag:s13] =	ssyncset.done $0x0  }
0x79: {  	[sflag:s13] =	ssyncadd.s32 $0xFFFFD800  }
0x7a: {  	[spmem:s2] =	stream.indirect.scatter.add.f32 [tilespmem:s9], [sflag:$0x3], $0x80, s3, s8, $0xb8;
	[tilespmem:$0x1A280] =	vst v63  }
0x7b: {  	_ =	swait.ge [sflag:s31], $0x2800  }
0x7c: {  	s20 =	sshrl.u32 s23, $0x3;
	[sflag:s31] =	ssyncset.done $0x0  }
0x7d: {  	s21 =	sadd.s32 s5, s20;
	[sflag:s31] =	ssyncadd.s32 $0xFFFFD800  }
0x7e: {  	[tilespmem:s0], [sflag:$0x3] =	stream.linear.gather [hbm4b:s21+s4], $0x50, $0x38;
	[tilespmem:$0x1A280] =	vst v63  }
0x7f: {  	_ =	swait.ge [sflag:s31], $0x50  }
0x80: {  	[sflag:s31] =	ssyncset.done $0x0  }
0x81: {  	s16 =	sadd.s32 s1, s20;
	[sflag:s31] =	ssyncadd.s32 $0xFFFFFFB0  }
0x82: {  	[tilespmem:s3], [sflag:$0x3] =	stream.linear.gather [hbm4b:s16+s4], $0x50, $0x38;
	[tilespmem:$0x1A280] =	vst v63  }
0x83: {  	_ =	swait.ge [sflag:s31], $0x50  }
0x84: {  	[sflag:s31] =	ssyncset.done $0x0  }
0x85: {  	[sflag:s31] =	ssyncadd.s32 $0xFFFFFFB0  }
0x86: {  	[tilespmem:s9], [sflag:$0x1] =	stream.indirect.gather [hbm4b:s6+s8], $0x80, s0, s8, $0xb8;
	[tilespmem:$0x1A280] =	vst v63  }
0x87: {  	_ =	swait.ge [sflag:s14], $0x2800  }
0x88: {  	[sflag:s14] =	ssyncset.done $0x0  }
0x89: {  	[sflag:s14] =	ssyncadd.s32 $0xFFFFD800  }
0x8a: {  	[spmem:s2] =	stream.indirect.scatter.add.f32 [tilespmem:s12], [sflag:$0x3], $0x80, s11, s8, $0xb8;
	[tilespmem:$0x1A280] =	vst v63  }
0x8b: {  	s17 =	simm.s32 $0x14;
	_ =	swait.ge [sflag:s31], $0x2800  }
0x8c: {  	s18 =	simm.s32 $0x28;
	s16 =	sadd.s32 $0xA0, s23;
	[sflag:s31] =	ssyncset.done $0x0  }
.LBB2_4:
0x8d: {  	s20 =	sadd.s32 s17, s25  }
0x8e: {  	[sflag:s31] =	ssyncadd.s32 $0xFFFFD800;
	s21 =	smov.u32 s18;
	s19 =	sadd.s32 $0x14, s18  }
0x8f: {  	[tilespmem:s10], [sflag:$0x3] =	stream.linear.gather [hbm4b:s20+s4], $0x50, $0x38;
	[tilespmem:$0x1A280] =	vst v63  }
0x90: {  	p1 =	sne.s32 s18, $0x4C4;
	_ =	swait.ge [sflag:s31], $0x50  }
0x91: {  	[sflag:s31] =	ssyncset.done $0x0  }
0x92: {  	s18 =	sadd.s32 s17, s24;
	s17 =	smov.u32 s21;
	[sflag:s31] =	ssyncadd.s32 $0xFFFFFFB0  }
0x93: {  	[tilespmem:s11], [sflag:$0x3] =	stream.linear.gather [hbm4b:s18+s4], $0x50, $0x38;
	[tilespmem:$0x1A280] =	vst v63  }
0x94: {  	_ =	swait.ge [sflag:s31], $0x50  }
0x95: {  	[sflag:s31] =	ssyncset.done $0x0  }
0x96: {  	[sflag:s31] =	ssyncadd.s32 $0xFFFFFFB0  }
0x97: {  	[tilespmem:s12], [sflag:$0x2] =	stream.indirect.gather [hbm4b:s6+s8], $0x80, s10, s8, $0xb8;
	[tilespmem:$0x1A280] =	vst v63  }
0x98: {  	_ =	swait.ge [sflag:s13], $0x2800  }
0x99: {  	[sflag:s13] =	ssyncset.done $0x0  }
0x9a: {  	[sflag:s13] =	ssyncadd.s32 $0xFFFFD800  }
0x9b: {  	[spmem:s2] =	stream.indirect.scatter.add.f32 [tilespmem:s9], [sflag:$0x3], $0x80, s3, s8, $0xb8;
	[tilespmem:$0x1A280] =	vst v63  }
0x9c: {  	_ =	swait.ge [sflag:s31], $0x2800  }
0x9d: {  	s18 =	sshrl.u32 s16, $0x3;
	[sflag:s31] =	ssyncset.done $0x0  }
0x9e: {  	s20 =	sadd.s32 s5, s18;
	[sflag:s31] =	ssyncadd.s32 $0xFFFFD800  }
0x9f: {  	[tilespmem:s0], [sflag:$0x3] =	stream.linear.gather [hbm4b:s20+s4], $0x50, $0x38;
	[tilespmem:$0x1A280] =	vst v63  }
0xa0: {  	_ =	swait.ge [sflag:s31], $0x50  }
0xa1: {  	[sflag:s31] =	ssyncset.done $0x0  }
0xa2: {  	s18 =	sadd.s32 s1, s18;
	[sflag:s31] =	ssyncadd.s32 $0xFFFFFFB0  }
0xa3: {  	[tilespmem:s3], [sflag:$0x3] =	stream.linear.gather [hbm4b:s18+s4], $0x50, $0x38;
	[tilespmem:$0x1A280] =	vst v63  }
0xa4: {  	_ =	swait.ge [sflag:s31], $0x50  }
0xa5: {  	[sflag:s31] =	ssyncset.done $0x0  }
0xa6: {  	[sflag:s31] =	ssyncadd.s32 $0xFFFFFFB0  }
0xa7: {  	[tilespmem:s9], [sflag:$0x1] =	stream.indirect.gather [hbm4b:s6+s8], $0x80, s0, s8, $0xb8;
	[tilespmem:$0x1A280] =	vst v63  }
0xa8: {  	_ =	swait.ge [sflag:s14], $0x2800  }
.Ltmp1:
0xa9: {  	[sflag:s14] =	ssyncset.done $0x0;
	(pc) =	sbr.rel @p1 .LBB2_4-.Ltmp1, $4  }
0xaa: {  	[sflag:s14] =	ssyncadd.s32 $0xFFFFD800  }
0xab: {  	[spmem:s2] =	stream.indirect.scatter.add.f32 [tilespmem:s12], [sflag:$0x3], $0x80, s11, s8, $0xb8;
	[tilespmem:$0x1A280] =	vst v63  }
0xac: {  	_ =	swait.ge [sflag:s31], $0x2800  }
0xad: {  	s16 =	sadd.s32 $0xA0, s16;
	s18 =	smov.u32 s19;
	[sflag:s31] =	ssyncset.done $0x0  }
0xae: {  	s18 =	sadd.s32 s17, s25;
	[sflag:s31] =	ssyncadd.s32 $0xFFFFD800  }
0xaf: {  	[tilespmem:s10], [sflag:$0x3] =	stream.linear.gather [hbm4b:s18+s4], $0x50, $0x38;
	[tilespmem:$0x1A280] =	vst v63  }
0xb0: {  	_ =	swait.ge [sflag:s31], $0x50  }
0xb1: {  	[sflag:s31] =	ssyncset.done $0x0  }
0xb2: {  	s21 =	sadd.s32 s17, s24;
	[sflag:s31] =	ssyncadd.s32 $0xFFFFFFB0  }
0xb3: {  	[tilespmem:s11], [sflag:$0x3] =	stream.linear.gather [hbm4b:s21+s4], $0x50, $0x38;
	[tilespmem:$0x1A280] =	vst v63  }
0xb4: {  	_ =	swait.ge [sflag:s31], $0x50  }
0xb5: {  	[sflag:s31] =	ssyncset.done $0x0  }
0xb6: {  	[sflag:s31] =	ssyncadd.s32 $0xFFFFFFB0  }
0xb7: {  	[tilespmem:s12], [sflag:$0x2] =	stream.indirect.gather [hbm4b:s6+s8], $0x80, s10, s8, $0xb8;
	[tilespmem:$0x1A280] =	vst v63  }
0xb8: {  	_ =	swait.ge [sflag:s13], $0x2800  }
0xb9: {  	[sflag:s13] =	ssyncset.done $0x0  }
0xba: {  	[sflag:s13] =	ssyncadd.s32 $0xFFFFD800  }
0xbb: {  	[spmem:s2] =	stream.indirect.scatter.add.f32 [tilespmem:s9], [sflag:$0x3], $0x80, s3, s8, $0xb8;
	[tilespmem:$0x1A280] =	vst v63  }
0xbc: {  	_ =	swait.ge [sflag:s31], $0x2800  }
0xbd: {  	s16 =	sshrl.u32 s16, $0x3;
	[sflag:s31] =	ssyncset.done $0x0  }
0xbe: {  	s18 =	sadd.s32 s5, s16;
	[sflag:s31] =	ssyncadd.s32 $0xFFFFD800  }
0xbf: {  	[tilespmem:s0], [sflag:$0x3] =	stream.linear.gather [hbm4b:s18+s4], $0x50, $0x38;
	[tilespmem:$0x1A280] =	vst v63  }
0xc0: {  	_ =	swait.ge [sflag:s31], $0x50  }
0xc1: {  	[sflag:s31] =	ssyncset.done $0x0  }
0xc2: {  	s16 =	sadd.s32 s1, s16;
	[sflag:s31] =	ssyncadd.s32 $0xFFFFFFB0  }
0xc3: {  	[tilespmem:s3], [sflag:$0x3] =	stream.linear.gather [hbm4b:s16+s4], $0x50, $0x38;
	[tilespmem:$0x1A280] =	vst v63  }
0xc4: {  	_ =	swait.ge [sflag:s31], $0x50  }
0xc5: {  	[sflag:s31] =	ssyncset.done $0x0  }
0xc6: {  	[sflag:s31] =	ssyncadd.s32 $0xFFFFFFB0  }
0xc7: {  	[tilespmem:s9], [sflag:$0x1] =	stream.indirect.gather [hbm4b:s6+s8], $0x80, s0, s8, $0xb8;
	[tilespmem:$0x1A280] =	vst v63  }
0xc8: {  	_ =	swait.ge [sflag:s14], $0x2800  }
0xc9: {  	[sflag:s14] =	ssyncset.done $0x0  }
0xca: {  	[sflag:s14] =	ssyncadd.s32 $0xFFFFD800  }
0xcb: {  	[spmem:s2] =	stream.indirect.scatter.add.f32 [tilespmem:s12], [sflag:$0x3], $0x80, s11, s8, $0xb8;
	[tilespmem:$0x1A280] =	vst v63  }
0xcc: {  	_ =	swait.ge [sflag:s31], $0x2800  }
0xcd: {  	[sflag:s31] =	ssyncset.done $0x0  }
0xce: {  	[sflag:s31] =	ssyncadd.s32 $0xFFFFD800  }
0xcf: {  	_ =	swait.ge [sflag:s13], $0x2800  }
0xd0: {  	[sflag:s13] =	ssyncset.done $0x0  }
0xd1: {  	[sflag:s13] =	ssyncadd.s32 $0xFFFFD800  }
0xd2: {  	[spmem:s2] =	stream.indirect.scatter.add.f32 [tilespmem:s9], [sflag:$0x3], $0x80, s3, s8, $0xb8;
	[tilespmem:$0x1A280] =	vst v63  }
0xd3: {  	_ =	swait.ge [sflag:s31], $0x2800  }
0xd4: {  	[sflag:s31] =	ssyncset.done $0x0  }
0xd5: {  	s19 =	stileid.u32;
	[sflag:s31] =	ssyncadd.s32 $0xFFFFD800  }
0xd6: {  	s16 =	sshll.u32 s19, $0x6;
	[bflag:$0x0] =	sbarrier.arrive $0xFFFF  }
0xd7: {  	s20 =	sshrl.u32 s7, $0x3;
	s16 =	sor.u32 $0x1C03, s16;
	s21 =	rddreg [dreg:$0x10]  }
0xd8: {  	[hbm:s21], [sflag:s16] =	dma.local [spmem:s20], $0x2700  }
0xd9: {  	_ =	swait.ge [sflag:s31], $0x2700  }
0xda: {  	s17 =	sshrl.u32 @!p0 s29, $0x3;
	s15 =	sadd.s32 $0x1, s15;
	[sflag:s31] =	ssyncset.done $0x0  }
0xdb: {  	p1 =	sne.s32 s15, s22;
	s18 =	rddreg [dreg:$0x11];
	[sflag:s31] =	ssyncadd.s32 $0xFFFFD900  }
0xdc: {  	[hbm:s18], [sflag:s16] =	dma.local @!p0 [spmem:s17], $0x100  }
.Ltmp2:
0xdd: {  	_ = 	snop;
	(pc) =	sbr.rel @p1 .LBB2_1-.Ltmp2, $4  }
0xde: {  	s16 =	simm.s32 @!p0 $0x3  }
0xdf: {  	_ =	swait.ge @!p0 [sflag:s16], $0x100  }
0xe0: {  	[sflag:s16] =	ssyncset.done @!p0 $0x0  }
0xe1: {  	[sflag:s16] =	ssyncadd.s32 @!p0 $0xFFFFFF00  }
0xe2: {  	_ =	sfence.sel $0x180000  }
0xe3: {  	[bflag:$0x0] =	sbarrier.arrive $0xFFFF  }
0xe4: {  	_ =	strace $0x9000004D  }
0xe5: {  	s0 =	stileid.u32;
	[bflag:$0x2] =	sbarrier.arrive $0xFFFF  }
0xe6: {  	p0 =	sne.s32 s0, $0x0;
	s0 =	rddreg [dreg:$0x3]  }
0xe7: {  	s0 =	sadd.s32 @!p0 $0x100000, s0  }
0xe8: {  	[sflag:s0] =	ssyncadd.tile.s32 @!p0 $0x1;
	_ =	shalt  }
.Lfunc_end2:
_tile_overlayer_lowered:
.L_overlay_start_2:
0xe9: {  	(tag) =	ssettag $0x2  }
0xea: {  	s0 =	rddreg [dreg:$0x0];
	s2 =	stileid.u32  }
0xeb: {  	s1 =	rddreg [dreg:$0x1];
	p0 =	sne.s32 s2, $0x0  }
0xec: {  	s3 =	rddreg [dreg:$0x2];
	[bflag:$0x3] =	sbarrier.arrive $0xFFFF;
	s2 =	simm.s32 @!p0 $0x1C03  }
0xed: {  	[timem:s3], [sflag:s2] =	dma.local @!p0 [hbm:s0], s1  }
0xee: {  	s0 =	simm.s32 @!p0 $0x3  }
0xef: {  	_ =	swait.ge @!p0 [sflag:s0], s1  }
0xf0: {  	s1 =	ssub.s32 @!p0 $0x0, s1;
	[sflag:s0] =	ssyncset.done @!p0 $0x0  }
0xf1: {  	[sflag:s0] =	ssyncadd.s32 @!p0 s1  }
0xf2: {  	[bflag:$0x3] =	sbarrier.arrive $0xFFFF  }
0xf3: {  	_ =	shalt  }

// kernel: kernel.19.cloned.1.call-start
scs
__scs_entry_jumppad:
0x0: {  	(pc) =	sbr.rel $0x88, $3  }
0x1: {  	(tag) =	ssettag $0x0;
	lr =	simm.s32 $0x1  }
0x2: {  	[smem:$0x3F94] =	sst lr;
	_ =	strace $0xD0000000  }
0x3: {  	_ = 	snop  }
0x4: {  	_ = 	snop  }
0x5: {  	_ = 	snop  }
0x6: {  	_ = 	snop  }
0x7: {  	_ = 	snop  }
__scs_overlays_trampoline_lowered:
0x8: {  	[smem:$0x3FA3] =	sst s0  }
0x9: {  	[smem:$0x3FA4] =	sst s1  }
0xa: {  	[smem:$0x3FA5] =	sst s2  }
0xb: {  	[smem:$0x3FA6] =	sst s3  }
0xc: {  	[smem:$0x3FA7] =	sst s4  }
0xd: {  	[smem:$0x3FA8] =	sst s5  }
0xe: {  	[smem:$0x3FA9] =	sst s6  }
0xf: {  	[smem:$0x3FAA] =	sst s7  }
0x10: {  	[smem:$0x3FAB] =	sst s8  }
0x11: {  	[smem:$0x3FAC] =	sst s9;
	s0 =	simm.s32 @!p0 $0x0  }
0x12: {  	s1 =	sld [smem:$0x3F92];
	s0 =	simm.s32 @p0 $0x1  }
0x13: {  	[smem:$0x3FAD] =	sst s0;
	s0 =	simm.s32 @!p1 $0x0  }
0x14: {  	s2 =	sld [smem:$0x3F91];
	s0 =	simm.s32 @p1 $0x1  }
0x15: {  	[smem:$0x3FAE] =	sst s0;
	s0 =	simm.s32 @!p2 $0x0  }
0x16: {  	s3 =	sld [smem:$0x3FDB];
	s0 =	simm.s32 @p2 $0x1  }
0x17: {  	s4 =	simm.s32 $0x1BF5;
	[smem:$0x3FB0] =	sst s0  }
0x18: {  	s0 =	sld [smem:$0x3F93];
	_ =	swait.ge [sflag:s4], $0x0  }
0x19: {  	s7 =	sld [smem:$0x3F94]  }
0x1a: {  	s8 =	sadd.s32 $0xFFFFE003, lr  }
0x1b: {  	s9 =	sadd.s32 $0xFFFFFEF7, lr;
	s5 =	simm.s32 $0xFFFFFFFF;
	p2 =	slt.u32 s8, $0xFFFFF086  }
0x1c: {  	p1 =	slt.u32 s9, $0xF7A;
	s5 =	simm.s32 @!p2 $0x0  }
0x1d: {  	s5 =	simm.s32 @p1 $0x1;
	p0 =	seq.s32 s7, s2  }
0x1e: {  	s7 =	smul.u32 @!p0 $0xF7A, s2;
	p2 =	seq.s32 @!p0 s5, $0x0  }
0x1f: {  	s9 =	smul.u32 $0xF7A, s1;
	s8 =	simm.s32 @!p0 $0x1BF5;
	p2 =	por !p2, p0  }
0x20: {  	[sflag:s8] =	ssyncset.s32 @!p0 $0xFFFFF086;
	s6 =	sadd.s32 @!p0 s3, s7;
	s7 =	simm.s32 @!p0 $0x108  }
0x21: {  	s3 =	sadd.s32 s3, s9;
	s6 =	sadd.s32 @!p0 $0x88, s6;
	s7 =	simm.s32 @p2 $0x1082  }
0x22: {  	[simem:s7], [sflag:s8] =	dma.local @!p0 [hbm:s6], $0xF7A  }
0x23: {  	s9 =	sor.u32 $0xD0000000, s2;
	s6 =	simm.s32 $0x108;
	_ =	swait.ge @!p0 [sflag:s8], $0x0  }
0x24: {  	s3 =	sadd.s32 $0x88, s3;
	s6 =	simm.s32 @!p1 $0x1082;
	[sflag:s4] =	ssyncset.s32 $0xFFFFF086  }
0x25: {  	[simem:s6], [sflag:s4] =	dma.local [hbm:s3], $0xF7A  }
0x26: {  	[smem:$0x3F94] =	sst s1;
	(tag) =	ssettag s2;
	_ =	strace s9  }
0x27: {  	s1 =	sld [smem:$0x3FA4]  }
0x28: {  	s2 =	sld [smem:$0x3FA5]  }
0x29: {  	s4 =	sld [smem:$0x3FA7]  }
0x2a: {  	p0 =	seq.s32 s5, $0x0;
	s5 =	sld [smem:$0x3FA8]  }
0x2b: {  	s6 =	sld [smem:$0x3FA9]  }
0x2c: {  	s7 =	sld [smem:$0x3FAA]  }
0x2d: {  	s3 =	simm.s32 $0x108;
	s8 =	sld [smem:$0x3FAB]  }
0x2e: {  	s3 =	simm.s32 @!p0 $0x1082;
	s9 =	sld [smem:$0x3FAC]  }
0x2f: {  	lr =	sadd.s32 s0, s3;
	s0 =	sld [smem:$0x3FA3]  }
0x30: {  	s3 =	sld [smem:$0x3FA6]  }
0x31: {  	[smem:$0x3FAF] =	sst s10  }
0x32: {  	s10 =	sld [smem:$0x3FAD];
	_ =	sdelay $0x3  }
0x33: {  	p0 =	seq.s32 s10, $0x1;
	s10 =	sld [smem:$0x3FAF];
	_ =	sdelay $0x3  }
0x34: {  	[smem:$0x3FAF] =	sst s10  }
0x35: {  	s10 =	sld [smem:$0x3FAE];
	_ =	sdelay $0x3  }
0x36: {  	p1 =	seq.s32 s10, $0x1;
	s10 =	sld [smem:$0x3FAF];
	_ =	sdelay $0x3  }
0x37: {  	[smem:$0x3FAF] =	sst s10  }
0x38: {  	s10 =	sld [smem:$0x3FB0]  }
0x39: {  	_ = 	snop;
	(pc) =	sbr.ind lr, $3  }
0x3a: {  	_ = 	snop  }
0x3b: {  	_ = 	snop  }
0x3c: {  	p2 =	seq.s32 s10, $0x1;
	s10 =	sld [smem:$0x3FAF]  }
0x3d: {  	_ =	shalt  }
0x3e: {  	_ =	shalt  }
0x3f: {  	_ =	shalt  }
0x40: {  	_ =	shalt  }
0x41: {  	_ =	shalt  }
0x42: {  	_ =	shalt  }
0x43: {  	_ =	shalt  }
0x44: {  	_ =	shalt  }
0x45: {  	_ =	shalt  }
0x46: {  	_ =	shalt  }
0x47: {  	_ =	shalt  }
0x48: {  	_ =	shalt  }
0x49: {  	_ =	shalt  }
0x4a: {  	_ =	shalt  }
0x4b: {  	_ =	shalt  }
0x4c: {  	_ =	shalt  }
0x4d: {  	_ =	shalt  }
0x4e: {  	_ =	shalt  }
0x4f: {  	_ =	shalt  }
0x50: {  	_ =	shalt  }
0x51: {  	_ =	shalt  }
0x52: {  	_ =	shalt  }
0x53: {  	_ =	shalt  }
0x54: {  	_ =	shalt  }
0x55: {  	_ =	shalt  }
0x56: {  	_ =	shalt  }
0x57: {  	_ =	shalt  }
0x58: {  	_ =	shalt  }
0x59: {  	_ =	shalt  }
0x5a: {  	_ =	shalt  }
0x5b: {  	_ =	shalt  }
0x5c: {  	_ =	shalt  }
0x5d: {  	_ =	shalt  }
0x5e: {  	_ =	shalt  }
0x5f: {  	_ =	shalt  }
0x60: {  	_ =	shalt  }
0x61: {  	_ =	shalt  }
0x62: {  	_ =	shalt  }
0x63: {  	_ =	shalt  }
0x64: {  	_ =	shalt  }
0x65: {  	_ =	shalt  }
0x66: {  	_ =	shalt  }
0x67: {  	_ =	shalt  }
0x68: {  	_ =	shalt  }
0x69: {  	_ =	shalt  }
0x6a: {  	_ =	shalt  }
0x6b: {  	_ =	shalt  }
0x6c: {  	_ =	shalt  }
0x6d: {  	_ =	shalt  }
0x6e: {  	_ =	shalt  }
0x6f: {  	_ =	shalt  }
0x70: {  	_ =	shalt  }
0x71: {  	_ =	shalt  }
0x72: {  	_ =	shalt  }
0x73: {  	_ =	shalt  }
0x74: {  	_ =	shalt  }
0x75: {  	_ =	shalt  }
0x76: {  	_ =	shalt  }
0x77: {  	_ =	shalt  }
0x78: {  	_ =	shalt  }
0x79: {  	_ =	shalt  }
0x7a: {  	_ =	shalt  }
0x7b: {  	_ =	shalt  }
0x7c: {  	_ =	shalt  }
0x7d: {  	_ =	shalt  }
0x7e: {  	_ =	shalt  }
0x7f: {  	_ =	shalt  }
0x80: {  	_ =	shalt  }
0x81: {  	_ =	shalt  }
0x82: {  	_ =	shalt  }
0x83: {  	_ =	shalt  }
0x84: {  	_ =	shalt  }
0x85: {  	_ =	shalt  }
0x86: {  	_ =	shalt  }
0x87: {  	_ =	shalt  }
.Lfunc_end0:
.L_simem_size_0:
called_computation.3_lowered:
.L_overlay_start_0:
0x88: {  	s2 =	sld [smem:$0x3FD9]  }
0x89: {  	s3 =	sld [smem:$0x3FFE];
	_ =	sdelay $0x1  }
0x8a: {  	s1 =	srdreg.scid  }
0x8b: {  	s0 =	sand.u32 $0x1, s1  }
0x8c: {  	s17 =	sshll.u32 s0, $0xA;
	s2 =	sadd.s32 s3, s2  }
0x8d: {  	s2 =	sadd.s32 s2, s17  }
0x8e: {  	[smem:$0x3FBB] =	sst s2  }
0x8f: {  	_ = 	snop  }
0x90: {  	s2 =	sld [smem:$0x3FD0];
	(tm) =	ssettm $0x1  }
0x91: {  	s18 =	sld [smem:$0x3FFB];
	_ =	sdelay $0x3  }
0x92: {  	_ =	strace s18  }
0x93: {  	s3 =	sld [smem:$0x3FFC];
	_ =	sdelay $0x3  }
0x94: {  	_ =	strace s3  }
0x95: {  	s3 =	sld [smem:$0x3FFD];
	_ =	sdelay $0x3  }
0x96: {  	_ =	strace s3  }
0x97: {  	_ =	strace $0x8FFFFFFF  }
0x98: {  	s19 =	sld [smem:$0x3FDB];
	_ =	sdelay $0x1  }
0x99: {  	s4 =	simm.s32 $_scs_section_size  }
0x9a: {  	s5 =	simm.s32 $_size__tile_overlayer_lowered;
	s6 =	simm.s32 $_tile_overlayer_lowered  }
0x9b: {  	s22 =	simm.s32 $0x1BFF;
	s21 =	sshll.u32 s6, $0x1;
	s3 =	sadd.s32 s4, s19  }
0x9c: {  	s7 =	simm.s32 $0x0;
	s20 =	sshll.u32 s5, $0x1;
	s5 =	sadd.s32 s21, s3  }
0x9d: {  	[timem:s7], [sflag:s22] =	dma.local [hbm:s5], s20  }
0x9e: {  	_ =	swait.ge [sflag:s22], s20  }
0x9f: {  	s4 =	ssub.s32 $0x0, s20;
	[sflag:s22] =	ssyncset.done $0x0  }
0xa0: {  	[sflag:s22] =	ssyncadd.s32 s4;
	_ =	sdelay $0x1  }
0xa1: {  	s23 =	simm.s32 $0x1B8B  }
0xa2: {  	_ =	swait.ge [sflag:s23], $0x1  }
0xa3: {  	[sflag:s23] =	ssyncset.done $0x0  }
0xa4: {  	s25 =	simm.s32 $0x1B8E;
	s24 =	sld [smem:$0x3FFE];
	[sflag:s23] =	ssyncadd.s32 $0xFFFFFFFF  }
0xa5: {  	s26 =	simm.s32 $execute0_lowered;
	[smem:$0x3FD2] =	sst s25  }
0xa6: {  	s5 =	sshll.u32 s26, $0x1;
	_ =	strace $0x8000004F;
	[dreg:$0x1] =	wrdreg $0xFFFFFFFF  }
0xa7: {  	s28 =	simm.s32 $_size_execute0_lowered;
	s3 =	sadd.s32 s3, s5;
	[dreg:$0x0] =	wrdreg $0x0  }
0xa8: {  	s5 =	sshll.u32 s28, $0x1;
	[dreg:$0x2] =	wrdreg s3  }
0xa9: {  	[dreg:$0x3] =	wrdreg s5  }
0xaa: {  	[dreg:$0x4] =	wrdreg $0xC0  }
0xab: {  	_ =	task [dreg:s7], $0x5FFFF  }
0xac: {  	[dreg:$0x1] =	wrdreg $0xFFFFFFFF  }
0xad: {  	[dreg:$0x0] =	wrdreg $0x60  }
0xae: {  	[dreg:$0x2] =	wrdreg s24  }
0xaf: {  	[dreg:$0x3] =	wrdreg s2  }
0xb0: {  	[dreg:$0x4] =	wrdreg $0x0  }
0xb1: {  	[dreg:$0x5] =	wrdreg $0x9  }
0xb2: {  	_ =	task.clear_ibuf [dreg:s7], $0x6FFFF;
	_ =	strace $0x9000004F  }
0xb3: {  	s29 =	simm.s32 $0x9;
	_ =	strace $0x80000051  }
0xb4: {  	_ =	swait.ge [sflag:s29], $0x1  }
0xb5: {  	[sflag:s29] =	ssyncadd.s32 $0xFFFFFFFF  }
0xb6: {  	_ =	strace $0x90000051  }
0xb7: {  	_ =	sfence  }
0xb8: {  	s30 =	sld [smem:$0x0];
	_ =	sdelay $0x2  }
0xb9: {  	s31 =	sshll.u32 s1, $0xD;
	s1 =	sshrl.u32 s1, $0x2  }
0xba: {  	s3 =	sand.u32 $0x4000, s31;
	s1 =	sadd.s32 s1, s30  }
0xbb: {  	s0 =	sor.u32 s3, s0;
	s1 =	sshll.u32 s1, $0x11  }
0xbc: {  	s0 =	sor.u32 s1, s0  }
0xbd: {  	s0 =	sadd.s32 $0x8F2B, s0  }
0xbe: {  	[sflag:s0] =	ssyncadd.remote.s32 $0x1  }
0xbf: {  	_ =	sfence.sel $0xFFFF  }
0xc0: {  	[dreg:$0x0] =	wrdreg $0xFFFFFFFF;
	(pc) =	sbr.abs _section_cstart, $3  }
0xc1: {  	[dreg:$0x1] =	wrdreg $0xFFFFFFFF  }
0xc2: {  	_ =	task.clear_ibuf [dreg:s7], $0x2FFFF;
	_ =	strace $0x9FFFFFFF  }
0xc3: {  	(tm) =	ssettm $0x7FFFFFFF  }
tec
execute0_lowered:
.L_overlay_start_1:
0x0: {  	(tag) =	ssettag $0x1  }
0x1: {  	s0 =	rddreg [dreg:$0x0]  }
0x2: {  	s1 =	rddreg [dreg:$0x1]  }
0x3: {  	s2 =	rddreg [dreg:$0x2]  }
0x4: {  	s4 =	simm.s32 $0x0;
	s3 =	srdreg.scid;
	s13 =	stileid.u32  }
0x5: {  	s30 =	simm.s32 $0x18A80;
	s31 =	simm.s32 $0x3;
	[smem:$0x7FF] =	sst s4  }
0x6: {  	s3 =	sand.u32 $0x1, s3;
	s7 =	smul.u32 $0x4E000, s13;
	s5 =	sadd.s32 $0x2C00, s0  }
0x7: {  	s6 =	sadd.s32 $0xCA00, s0;
	s0 =	sadd.s32 $0x33C00, s0;
	s21 =	smul.u32 $0x13800, s13  }
0x8: {  	s12 =	sshll.u32 s13, $0x1;
	s22 =	smul.u32 $0x4E20, s13;
	s7 =	sshrl.u32 s7, $0x2  }
0x9: {  	p0 =	sne.s32 s13, $0xF;
	s29 =	sadd.s32 $0x138000, s2;
	s7 =	sadd.s32 s7, s2  }
0xa: {  	s13 =	simm.s32 $0x1;
	_ =	strace $0x80000050;
	s10 =	sadd.s32 $0x1800, s7  }
0xb: {  	s8 =	ssub.s32 $0x2, s3;
	s14 =	sadd.s32 $0x3000, s7;
	[dreg:$0x4] =	wrdreg s10  }
0xc: {  	s19 =	smul.u32 $0x138800, s3;
	s15 =	sadd.s32 $0x4800, s7;
	[dreg:$0x5] =	wrdreg s14  }
0xd: {  	s9 =	sshrl.u32 s8, $0x1;
	s16 =	sadd.s32 $0x6000, s7;
	[dreg:$0x6] =	wrdreg s15  }
0xe: {  	s8 =	ssub.s32 s8, s9;
	s17 =	sadd.s32 $0x7800, s7;
	[dreg:$0x7] =	wrdreg s16  }
0xf: {  	s9 =	sor.u32 s3, s12;
	s18 =	sadd.s32 $0x9000, s7;
	[dreg:$0x8] =	wrdreg s17  }
0x10: {  	s3 =	smul.u32 $0x2710, s3;
	s11 =	sadd.s32 $0xA800, s7;
	[dreg:$0x9] =	wrdreg s18  }
0x11: {  	s24 =	sadd.s32 s21, s19;
	s20 =	sadd.s32 $0xC000, s7;
	[dreg:$0xa] =	wrdreg s11  }
0x12: {  	s9 =	smul.u32 $0x2710, s9;
	s12 =	sadd.s32 $0xD800, s7;
	[dreg:$0xb] =	wrdreg s20  }
0x13: {  	s28 =	sadd.s32 $0x12000, s7;
	[dreg:$0xc] =	wrdreg s12;
	s14 =	sadd.s32 $0xF000, s7  }
0x14: {  	s10 =	sshrl.u32 s19, $0x3;
	s3 =	sadd.s32 s3, s22;
	s22 =	smax.u32 s8, $0x1  }
0x15: {  	s8 =	simm.s32 $0x50;
	s11 =	simm.s32 $0x16200;
	s12 =	simm.s32 $0x16280  }
0x16: {  	s15 =	simm.s32 $0x0;
	s9 =	sshrl.u32 s9, $0x3;
	[dreg:$0xd] =	wrdreg s14  }
0x17: {  	s10 =	sadd.s32 s0, s10;
	s26 =	sadd.s32 $0x50, s3;
	s23 =	sadd.s32 s5, s9  }
0x18: {  	s14 =	simm.s32 $0x2;
	s9 =	sadd.s32 s1, s9;
	[dreg:$0xe] =	wrdreg s23  }
0x19: {  	s25 =	sadd.s32 $0x27000, s10;
	s10 =	simm.s32 $0x16180;
	[dreg:$0xf] =	wrdreg s9  }
0x1a: {  	s9 =	sshrl.u32 s24, $0x3;
	[dreg:$0x11] =	wrdreg s25;
	s23 =	sadd.s32 $0xA0, s3  }
0x1b: {  	s3 =	simm.s32 $0x13900;
	s0 =	sadd.s32 s0, s9;
	s9 =	simm.s32 $0x13980  }
0x1c: {  	[dreg:$0x10] =	wrdreg s0;
	s0 =	sshrl.u32 s26, $0x3;
	s26 =	sadd.s32 $0x10800, s7  }
0x1d: {  	v0 =	vimm.f32 $0.0e+00;
	s24 =	sadd.s32 s0, s1;
	s25 =	sadd.s32 s0, s5;
	s0 =	simm.s32 $0x13880  }
.LBB2_1:
0x1e: {  	s16 =	sand.u32 $0x7E00, s4  }
0x1f: {  	s17 =	sand.u32 $0x70, s4;
	s18 =	sshrl.u32 s16, $0x2  }
0x20: {  	s16 =	simm.s32 $0x40;
	s18 =	sor.u32 s17, s18;
	s17 =	simm.s32 $0x0  }
.LBB2_2:
0x21: {  	p1 =	sne.s32 s16, $0x5FC0  }
0x22: {  	[tilespmem:s18+$0x18A80] =	vst v0;
	s17 =	sadd.s32 $0x10, s17;
	s18 =	smov.u32 s16;
	s16 =	sadd.s32 $0x40, s16  }
.Ltmp0:
0x23: {  	(pc) =	sbr.rel @p1 .LBB2_2-.Ltmp0, $4  }
0x24: {  	_ = 	snop  }
0x25: {  	s18 =	sand.u32 $0x7E00, s18  }
0x26: {  	s19 =	sand.u32 $0x70, s17;
	s18 =	sshrl.u32 s18, $0x2  }
0x27: {  	s18 =	sor.u32 s19, s18  }
0x28: {  	[tilespmem:s18+$0x18A80] =	vst v0  }
0x29: {  	[spmem:s7] =	stream.linear.scatter [tilespmem:s30], [sflag:$0x3], $0x1800, $0x38;
	[tilespmem:$0x1A280] =	vst v63  }
0x2a: {  	_ =	swait.ge [sflag:s31], $0x1800  }
0x2b: {  	[sflag:s31] =	ssyncset.done $0x0  }
0x2c: {  	s16 =	rddreg [dreg:$0x4];
	[sflag:s31] =	ssyncadd.s32 $0xFFFFE800  }
0x2d: {  	[spmem:s16] =	stream.linear.scatter [tilespmem:s30], [sflag:$0x3], $0x1800, $0x38;
	[tilespmem:$0x1A280] =	vst v63  }
0x2e: {  	_ =	swait.ge [sflag:s31], $0x1800  }
0x2f: {  	[sflag:s31] =	ssyncset.done $0x0  }
0x30: {  	s21 =	rddreg [dreg:$0x5];
	[sflag:s31] =	ssyncadd.s32 $0xFFFFE800  }
0x31: {  	[spmem:s21] =	stream.linear.scatter [tilespmem:s30], [sflag:$0x3], $0x1800, $0x38;
	[tilespmem:$0x1A280] =	vst v63  }
0x32: {  	_ =	swait.ge [sflag:s31], $0x1800  }
0x33: {  	[sflag:s31] =	ssyncset.done $0x0  }
0x34: {  	s17 =	rddreg [dreg:$0x6];
	[sflag:s31] =	ssyncadd.s32 $0xFFFFE800  }
0x35: {  	[spmem:s17] =	stream.linear.scatter [tilespmem:s30], [sflag:$0x3], $0x1800, $0x38;
	[tilespmem:$0x1A280] =	vst v63  }
0x36: {  	_ =	swait.ge [sflag:s31], $0x1800  }
0x37: {  	[sflag:s31] =	ssyncset.done $0x0  }
0x38: {  	s18 =	rddreg [dreg:$0x7];
	[sflag:s31] =	ssyncadd.s32 $0xFFFFE800  }
0x39: {  	[spmem:s18] =	stream.linear.scatter [tilespmem:s30], [sflag:$0x3], $0x1800, $0x38;
	[tilespmem:$0x1A280] =	vst v63  }
0x3a: {  	_ =	swait.ge [sflag:s31], $0x1800  }
0x3b: {  	[sflag:s31] =	ssyncset.done $0x0  }
0x3c: {  	s19 =	rddreg [dreg:$0x8];
	[sflag:s31] =	ssyncadd.s32 $0xFFFFE800  }
0x3d: {  	[spmem:s19] =	stream.linear.scatter [tilespmem:s30], [sflag:$0x3], $0x1800, $0x38;
	[tilespmem:$0x1A280] =	vst v63  }
0x3e: {  	_ =	swait.ge [sflag:s31], $0x1800  }
0x3f: {  	[sflag:s31] =	ssyncset.done $0x0  }
0x40: {  	s20 =	rddreg [dreg:$0x9];
	[sflag:s31] =	ssyncadd.s32 $0xFFFFE800  }
0x41: {  	[spmem:s20] =	stream.linear.scatter [tilespmem:s30], [sflag:$0x3], $0x1800, $0x38;
	[tilespmem:$0x1A280] =	vst v63  }
0x42: {  	_ =	swait.ge [sflag:s31], $0x1800  }
0x43: {  	[sflag:s31] =	ssyncset.done $0x0  }
0x44: {  	s21 =	rddreg [dreg:$0xa];
	[sflag:s31] =	ssyncadd.s32 $0xFFFFE800  }
0x45: {  	[spmem:s21] =	stream.linear.scatter [tilespmem:s30], [sflag:$0x3], $0x1800, $0x38;
	[tilespmem:$0x1A280] =	vst v63  }
0x46: {  	_ =	swait.ge [sflag:s31], $0x1800  }
0x47: {  	[sflag:s31] =	ssyncset.done $0x0  }
0x48: {  	s17 =	rddreg [dreg:$0xb];
	[sflag:s31] =	ssyncadd.s32 $0xFFFFE800  }
0x49: {  	[spmem:s17] =	stream.linear.scatter [tilespmem:s30], [sflag:$0x3], $0x1800, $0x38;
	[tilespmem:$0x1A280] =	vst v63  }
0x4a: {  	_ =	swait.ge [sflag:s31], $0x1800  }
0x4b: {  	[sflag:s31] =	ssyncset.done $0x0  }
0x4c: {  	s18 =	rddreg [dreg:$0xc];
	[sflag:s31] =	ssyncadd.s32 $0xFFFFE800  }
0x4d: {  	[spmem:s18] =	stream.linear.scatter [tilespmem:s30], [sflag:$0x3], $0x1800, $0x38;
	[tilespmem:$0x1A280] =	vst v63  }
0x4e: {  	_ =	swait.ge [sflag:s31], $0x1800  }
0x4f: {  	[sflag:s31] =	ssyncset.done $0x0  }
0x50: {  	s19 =	rddreg [dreg:$0xd];
	[sflag:s31] =	ssyncadd.s32 $0xFFFFE800  }
0x51: {  	[spmem:s19] =	stream.linear.scatter [tilespmem:s30], [sflag:$0x3], $0x1800, $0x38;
	[tilespmem:$0x1A280] =	vst v63  }
0x52: {  	_ =	swait.ge [sflag:s31], $0x1800  }
0x53: {  	[sflag:s31] =	ssyncset.done $0x0  }
0x54: {  	[sflag:s31] =	ssyncadd.s32 $0xFFFFE800  }
0x55: {  	[spmem:s26] =	stream.linear.scatter [tilespmem:s30], [sflag:$0x3], $0x1800, $0x38;
	[tilespmem:$0x1A280] =	vst v63  }
0x56: {  	_ =	swait.ge [sflag:s31], $0x1800  }
0x57: {  	[sflag:s31] =	ssyncset.done $0x0  }
0x58: {  	[sflag:s31] =	ssyncadd.s32 $0xFFFFE800  }
0x59: {  	[spmem:s28] =	stream.linear.scatter [tilespmem:s30], [sflag:$0x3], $0x1800, $0x38;
	[tilespmem:$0x1A280] =	vst v63  }
0x5a: {  	_ =	swait.ge [sflag:s31], $0x1800  }
0x5b: {  	[sflag:s31] =	ssyncset.done $0x0  }
0x5c: {  	s16 =	simm.s32 @!p0 $0x18A80;
	[sflag:s31] =	ssyncadd.s32 $0xFFFFE800  }
0x5d: {  	[spmem:s29] =	stream.linear.scatter @!p0 [tilespmem:s16], [sflag:$0x3], $0x800, $0x38;
	[tilespmem:$0x1A280] =	vst v63  }
0x5e: {  	s16 =	simm.s32 @!p0 $0x3  }
0x5f: {  	_ =	swait.ge @!p0 [sflag:s16], $0x800  }
0x60: {  	[sflag:s16] =	ssyncset.done @!p0 $0x0  }
0x61: {  	[sflag:s16] =	ssyncadd.s32 @!p0 $0xFFFFF800  }
0x62: {  	[bflag:$0x0] =	sbarrier.arrive $0xFFFF  }
0x63: {  	s20 =	simm.s32 $0x0;
	s17 =	rddreg [dreg:$0xe]  }
0x64: {  	[tilespmem:s0], [sflag:$0x3] =	stream.linear.gather [hbm4b:s17+s20], $0x50, $0x38;
	[tilespmem:$0x1A280] =	vst v63  }
0x65: {  	_ =	swait.ge [sflag:s31], $0x50  }
0x66: {  	[sflag:s31] =	ssyncset.done $0x0  }
0x67: {  	s21 =	rddreg [dreg:$0xf];
	[sflag:s31] =	ssyncadd.s32 $0xFFFFFFB0  }
0x68: {  	[tilespmem:s3], [sflag:$0x3] =	stream.linear.gather [hbm4b:s21+s20], $0x50, $0x38;
	[tilespmem:$0x1A280] =	vst v63  }
0x69: {  	_ =	swait.ge [sflag:s31], $0x50  }
0x6a: {  	[sflag:s31] =	ssyncset.done $0x0  }
0x6b: {  	[sflag:s31] =	ssyncadd.s32 $0xFFFFFFB0  }
0x6c: {  	[tilespmem:s9], [sflag:$0x1] =	stream.indirect.gather [hbm4b:s6+s8], $0x80, s0, s8, $0xb8;
	[tilespmem:$0x1A280] =	vst v63  }
0x6d: {  	s18 =	sadd.s32 $0x0, s25  }
0x6e: {  	[tilespmem:s10], [sflag:$0x3] =	stream.linear.gather [hbm4b:s18+s4], $0x50, $0x38;
	[tilespmem:$0x1A280] =	vst v63  }
0x6f: {  	_ =	swait.ge [sflag:s31], $0x50  }
0x70: {  	[sflag:s31] =	ssyncset.done $0x0  }
0x71: {  	s19 =	sadd.s32 $0x0, s24;
	[sflag:s31] =	ssyncadd.s32 $0xFFFFFFB0  }
0x72: {  	[tilespmem:s11], [sflag:$0x3] =	stream.linear.gather [hbm4b:s19+s4], $0x50, $0x38;
	[tilespmem:$0x1A280] =	vst v63  }
0x73: {  	_ =	swait.ge [sflag:s31], $0x50  }
0x74: {  	[sflag:s31] =	ssyncset.done $0x0  }
0x75: {  	[sflag:s31] =	ssyncadd.s32 $0xFFFFFFB0  }
0x76: {  	[tilespmem:s12], [sflag:$0x2] =	stream.indirect.gather [hbm4b:s6+s8], $0x80, s10, s8, $0xb8;
	[tilespmem:$0x1A280] =	vst v63  }
0x77: {  	_ =	swait.ge [sflag:s13], $0x2800  }
0x78: {  	[sflag:s13] =	ssyncset.done $0x0  }
0x79: {  	[sflag:s13] =	ssyncadd.s32 $0xFFFFD800  }
0x7a: {  	[spmem:s2] =	stream.indirect.scatter.add.f32 [tilespmem:s9], [sflag:$0x3], $0x80, s3, s8, $0xb8;
	[tilespmem:$0x1A280] =	vst v63  }
0x7b: {  	_ =	swait.ge [sflag:s31], $0x2800  }
0x7c: {  	s20 =	sshrl.u32 s23, $0x3;
	[sflag:s31] =	ssyncset.done $0x0  }
0x7d: {  	s21 =	sadd.s32 s5, s20;
	[sflag:s31] =	ssyncadd.s32 $0xFFFFD800  }
0x7e: {  	[tilespmem:s0], [sflag:$0x3] =	stream.linear.gather [hbm4b:s21+s4], $0x50, $0x38;
	[tilespmem:$0x1A280] =	vst v63  }
0x7f: {  	_ =	swait.ge [sflag:s31], $0x50  }
0x80: {  	[sflag:s31] =	ssyncset.done $0x0  }
0x81: {  	s16 =	sadd.s32 s1, s20;
	[sflag:s31] =	ssyncadd.s32 $0xFFFFFFB0  }
0x82: {  	[tilespmem:s3], [sflag:$0x3] =	stream.linear.gather [hbm4b:s16+s4], $0x50, $0x38;
	[tilespmem:$0x1A280] =	vst v63  }
0x83: {  	_ =	swait.ge [sflag:s31], $0x50  }
0x84: {  	[sflag:s31] =	ssyncset.done $0x0  }
0x85: {  	[sflag:s31] =	ssyncadd.s32 $0xFFFFFFB0  }
0x86: {  	[tilespmem:s9], [sflag:$0x1] =	stream.indirect.gather [hbm4b:s6+s8], $0x80, s0, s8, $0xb8;
	[tilespmem:$0x1A280] =	vst v63  }
0x87: {  	_ =	swait.ge [sflag:s14], $0x2800  }
0x88: {  	[sflag:s14] =	ssyncset.done $0x0  }
0x89: {  	[sflag:s14] =	ssyncadd.s32 $0xFFFFD800  }
0x8a: {  	[spmem:s2] =	stream.indirect.scatter.add.f32 [tilespmem:s12], [sflag:$0x3], $0x80, s11, s8, $0xb8;
	[tilespmem:$0x1A280] =	vst v63  }
0x8b: {  	s17 =	simm.s32 $0x14;
	_ =	swait.ge [sflag:s31], $0x2800  }
0x8c: {  	s18 =	simm.s32 $0x28;
	s16 =	sadd.s32 $0xA0, s23;
	[sflag:s31] =	ssyncset.done $0x0  }
.LBB2_4:
0x8d: {  	s20 =	sadd.s32 s17, s25  }
0x8e: {  	[sflag:s31] =	ssyncadd.s32 $0xFFFFD800;
	s21 =	smov.u32 s18;
	s19 =	sadd.s32 $0x14, s18  }
0x8f: {  	[tilespmem:s10], [sflag:$0x3] =	stream.linear.gather [hbm4b:s20+s4], $0x50, $0x38;
	[tilespmem:$0x1A280] =	vst v63  }
0x90: {  	p1 =	sne.s32 s18, $0x4C4;
	_ =	swait.ge [sflag:s31], $0x50  }
0x91: {  	[sflag:s31] =	ssyncset.done $0x0  }
0x92: {  	s18 =	sadd.s32 s17, s24;
	s17 =	smov.u32 s21;
	[sflag:s31] =	ssyncadd.s32 $0xFFFFFFB0  }
0x93: {  	[tilespmem:s11], [sflag:$0x3] =	stream.linear.gather [hbm4b:s18+s4], $0x50, $0x38;
	[tilespmem:$0x1A280] =	vst v63  }
0x94: {  	_ =	swait.ge [sflag:s31], $0x50  }
0x95: {  	[sflag:s31] =	ssyncset.done $0x0  }
0x96: {  	[sflag:s31] =	ssyncadd.s32 $0xFFFFFFB0  }
0x97: {  	[tilespmem:s12], [sflag:$0x2] =	stream.indirect.gather [hbm4b:s6+s8], $0x80, s10, s8, $0xb8;
	[tilespmem:$0x1A280] =	vst v63  }
0x98: {  	_ =	swait.ge [sflag:s13], $0x2800  }
0x99: {  	[sflag:s13] =	ssyncset.done $0x0  }
0x9a: {  	[sflag:s13] =	ssyncadd.s32 $0xFFFFD800  }
0x9b: {  	[spmem:s2] =	stream.indirect.scatter.add.f32 [tilespmem:s9], [sflag:$0x3], $0x80, s3, s8, $0xb8;
	[tilespmem:$0x1A280] =	vst v63  }
0x9c: {  	_ =	swait.ge [sflag:s31], $0x2800  }
0x9d: {  	s18 =	sshrl.u32 s16, $0x3;
	[sflag:s31] =	ssyncset.done $0x0  }
0x9e: {  	s20 =	sadd.s32 s5, s18;
	[sflag:s31] =	ssyncadd.s32 $0xFFFFD800  }
0x9f: {  	[tilespmem:s0], [sflag:$0x3] =	stream.linear.gather [hbm4b:s20+s4], $0x50, $0x38;
	[tilespmem:$0x1A280] =	vst v63  }
0xa0: {  	_ =	swait.ge [sflag:s31], $0x50  }
0xa1: {  	[sflag:s31] =	ssyncset.done $0x0  }
0xa2: {  	s18 =	sadd.s32 s1, s18;
	[sflag:s31] =	ssyncadd.s32 $0xFFFFFFB0  }
0xa3: {  	[tilespmem:s3], [sflag:$0x3] =	stream.linear.gather [hbm4b:s18+s4], $0x50, $0x38;
	[tilespmem:$0x1A280] =	vst v63  }
0xa4: {  	_ =	swait.ge [sflag:s31], $0x50  }
0xa5: {  	[sflag:s31] =	ssyncset.done $0x0  }
0xa6: {  	[sflag:s31] =	ssyncadd.s32 $0xFFFFFFB0  }
0xa7: {  	[tilespmem:s9], [sflag:$0x1] =	stream.indirect.gather [hbm4b:s6+s8], $0x80, s0, s8, $0xb8;
	[tilespmem:$0x1A280] =	vst v63  }
0xa8: {  	_ =	swait.ge [sflag:s14], $0x2800  }
.Ltmp1:
0xa9: {  	[sflag:s14] =	ssyncset.done $0x0;
	(pc) =	sbr.rel @p1 .LBB2_4-.Ltmp1, $4  }
0xaa: {  	[sflag:s14] =	ssyncadd.s32 $0xFFFFD800  }
0xab: {  	[spmem:s2] =	stream.indirect.scatter.add.f32 [tilespmem:s12], [sflag:$0x3], $0x80, s11, s8, $0xb8;
	[tilespmem:$0x1A280] =	vst v63  }
0xac: {  	_ =	swait.ge [sflag:s31], $0x2800  }
0xad: {  	s16 =	sadd.s32 $0xA0, s16;
	s18 =	smov.u32 s19;
	[sflag:s31] =	ssyncset.done $0x0  }
0xae: {  	s18 =	sadd.s32 s17, s25;
	[sflag:s31] =	ssyncadd.s32 $0xFFFFD800  }
0xaf: {  	[tilespmem:s10], [sflag:$0x3] =	stream.linear.gather [hbm4b:s18+s4], $0x50, $0x38;
	[tilespmem:$0x1A280] =	vst v63  }
0xb0: {  	_ =	swait.ge [sflag:s31], $0x50  }
0xb1: {  	[sflag:s31] =	ssyncset.done $0x0  }
0xb2: {  	s21 =	sadd.s32 s17, s24;
	[sflag:s31] =	ssyncadd.s32 $0xFFFFFFB0  }
0xb3: {  	[tilespmem:s11], [sflag:$0x3] =	stream.linear.gather [hbm4b:s21+s4], $0x50, $0x38;
	[tilespmem:$0x1A280] =	vst v63  }
0xb4: {  	_ =	swait.ge [sflag:s31], $0x50  }
0xb5: {  	[sflag:s31] =	ssyncset.done $0x0  }
0xb6: {  	[sflag:s31] =	ssyncadd.s32 $0xFFFFFFB0  }
0xb7: {  	[tilespmem:s12], [sflag:$0x2] =	stream.indirect.gather [hbm4b:s6+s8], $0x80, s10, s8, $0xb8;
	[tilespmem:$0x1A280] =	vst v63  }
0xb8: {  	_ =	swait.ge [sflag:s13], $0x2800  }
0xb9: {  	[sflag:s13] =	ssyncset.done $0x0  }
0xba: {  	[sflag:s13] =	ssyncadd.s32 $0xFFFFD800  }
0xbb: {  	[spmem:s2] =	stream.indirect.scatter.add.f32 [tilespmem:s9], [sflag:$0x3], $0x80, s3, s8, $0xb8;
	[tilespmem:$0x1A280] =	vst v63  }
0xbc: {  	_ =	swait.ge [sflag:s31], $0x2800  }
0xbd: {  	s16 =	sshrl.u32 s16, $0x3;
	[sflag:s31] =	ssyncset.done $0x0  }
0xbe: {  	s18 =	sadd.s32 s5, s16;
	[sflag:s31] =	ssyncadd.s32 $0xFFFFD800  }
0xbf: {  	[tilespmem:s0], [sflag:$0x3] =	stream.linear.gather [hbm4b:s18+s4], $0x50, $0x38;
	[tilespmem:$0x1A280] =	vst v63  }
0xc0: {  	_ =	swait.ge [sflag:s31], $0x50  }
0xc1: {  	[sflag:s31] =	ssyncset.done $0x0  }
0xc2: {  	s16 =	sadd.s32 s1, s16;
	[sflag:s31] =	ssyncadd.s32 $0xFFFFFFB0  }
0xc3: {  	[tilespmem:s3], [sflag:$0x3] =	stream.linear.gather [hbm4b:s16+s4], $0x50, $0x38;
	[tilespmem:$0x1A280] =	vst v63  }
0xc4: {  	_ =	swait.ge [sflag:s31], $0x50  }
0xc5: {  	[sflag:s31] =	ssyncset.done $0x0  }
0xc6: {  	[sflag:s31] =	ssyncadd.s32 $0xFFFFFFB0  }
0xc7: {  	[tilespmem:s9], [sflag:$0x1] =	stream.indirect.gather [hbm4b:s6+s8], $0x80, s0, s8, $0xb8;
	[tilespmem:$0x1A280] =	vst v63  }
0xc8: {  	_ =	swait.ge [sflag:s14], $0x2800  }
0xc9: {  	[sflag:s14] =	ssyncset.done $0x0  }
0xca: {  	[sflag:s14] =	ssyncadd.s32 $0xFFFFD800  }
0xcb: {  	[spmem:s2] =	stream.indirect.scatter.add.f32 [tilespmem:s12], [sflag:$0x3], $0x80, s11, s8, $0xb8;
	[tilespmem:$0x1A280] =	vst v63  }
0xcc: {  	_ =	swait.ge [sflag:s31], $0x2800  }
0xcd: {  	[sflag:s31] =	ssyncset.done $0x0  }
0xce: {  	[sflag:s31] =	ssyncadd.s32 $0xFFFFD800  }
0xcf: {  	_ =	swait.ge [sflag:s13], $0x2800  }
0xd0: {  	[sflag:s13] =	ssyncset.done $0x0  }
0xd1: {  	[sflag:s13] =	ssyncadd.s32 $0xFFFFD800  }
0xd2: {  	[spmem:s2] =	stream.indirect.scatter.add.f32 [tilespmem:s9], [sflag:$0x3], $0x80, s3, s8, $0xb8;
	[tilespmem:$0x1A280] =	vst v63  }
0xd3: {  	_ =	swait.ge [sflag:s31], $0x2800  }
0xd4: {  	[sflag:s31] =	ssyncset.done $0x0  }
0xd5: {  	s19 =	stileid.u32;
	[sflag:s31] =	ssyncadd.s32 $0xFFFFD800  }
0xd6: {  	s16 =	sshll.u32 s19, $0x6;
	[bflag:$0x0] =	sbarrier.arrive $0xFFFF  }
0xd7: {  	s20 =	sshrl.u32 s7, $0x3;
	s16 =	sor.u32 $0x1C03, s16;
	s21 =	rddreg [dreg:$0x10]  }
0xd8: {  	[hbm:s21], [sflag:s16] =	dma.local [spmem:s20], $0x2700  }
0xd9: {  	_ =	swait.ge [sflag:s31], $0x2700  }
0xda: {  	s17 =	sshrl.u32 @!p0 s29, $0x3;
	s15 =	sadd.s32 $0x1, s15;
	[sflag:s31] =	ssyncset.done $0x0  }
0xdb: {  	p1 =	sne.s32 s15, s22;
	s18 =	rddreg [dreg:$0x11];
	[sflag:s31] =	ssyncadd.s32 $0xFFFFD900  }
0xdc: {  	[hbm:s18], [sflag:s16] =	dma.local @!p0 [spmem:s17], $0x100  }
.Ltmp2:
0xdd: {  	_ = 	snop;
	(pc) =	sbr.rel @p1 .LBB2_1-.Ltmp2, $4  }
0xde: {  	s16 =	simm.s32 @!p0 $0x3  }
0xdf: {  	_ =	swait.ge @!p0 [sflag:s16], $0x100  }
0xe0: {  	[sflag:s16] =	ssyncset.done @!p0 $0x0  }
0xe1: {  	[sflag:s16] =	ssyncadd.s32 @!p0 $0xFFFFFF00  }
0xe2: {  	_ =	sfence.sel $0x180000  }
0xe3: {  	[bflag:$0x0] =	sbarrier.arrive $0xFFFF  }
0xe4: {  	_ =	strace $0x90000050  }
0xe5: {  	s0 =	stileid.u32;
	[bflag:$0x2] =	sbarrier.arrive $0xFFFF  }
0xe6: {  	p0 =	sne.s32 s0, $0x0;
	s0 =	rddreg [dreg:$0x3]  }
0xe7: {  	s0 =	sadd.s32 @!p0 $0x100000, s0  }
0xe8: {  	[sflag:s0] =	ssyncadd.tile.s32 @!p0 $0x1;
	_ =	shalt  }
.Lfunc_end2:
_tile_overlayer_lowered:
.L_overlay_start_2:
0xe9: {  	(tag) =	ssettag $0x2  }
0xea: {  	s0 =	rddreg [dreg:$0x0];
	s2 =	stileid.u32  }
0xeb: {  	s1 =	rddreg [dreg:$0x1];
	p0 =	sne.s32 s2, $0x0  }
0xec: {  	s3 =	rddreg [dreg:$0x2];
	[bflag:$0x3] =	sbarrier.arrive $0xFFFF;
	s2 =	simm.s32 @!p0 $0x1C03  }
0xed: {  	[timem:s3], [sflag:s2] =	dma.local @!p0 [hbm:s0], s1  }
0xee: {  	s0 =	simm.s32 @!p0 $0x3  }
0xef: {  	_ =	swait.ge @!p0 [sflag:s0], s1  }
0xf0: {  	s1 =	ssub.s32 @!p0 $0x0, s1;
	[sflag:s0] =	ssyncset.done @!p0 $0x0  }
0xf1: {  	[sflag:s0] =	ssyncadd.s32 @!p0 s1  }
0xf2: {  	[bflag:$0x3] =	sbarrier.arrive $0xFFFF  }
0xf3: {  	_ =	shalt  }

</sc_bundles>
